<compile_context>
chip_gen: v7x
topology: tpu7x:2x2x1
jax: 0.10.2.dev20260603
libtpu: 0.0.44.dev20260713+nightly
codegen_flags: <defaults>
</compile_context>

<pallas_src>
import functools

import jax
import jax.numpy as jnp
from jax import lax
from jax.experimental import pallas as pl
from jax.experimental.pallas import tpu as pltpu
from jax.experimental.pallas import tpu_sc as plsc

N = 16384
COLS = 64
HCOLS = COLS // 2
NC = 2
NS = 16
K = 768
NBUF = 3
ROWS_PER_TILE = N // NS


def _spmm2_kernel(nnz):
    e_tile = ((nnz + NS - 1) // NS + 7) // 8 * 8
    n_chunks = (e_tile + K - 1) // K
    m14 = n_chunks * K - e_tile
    m15 = (15 * e_tile + (n_chunks - 1) * K) - (nnz - K)
    assert n_chunks % NBUF == 0
    assert (n_chunks - 1) * K < e_tile <= n_chunks * K
    assert 15 * e_tile + (n_chunks - 1) * K < nnz
    assert 0 <= m14 and 0 <= m15 < K
    mesh = plsc.VectorSubcoreMesh(
        core_axis_name="c", subcore_axis_name="s",
        num_cores=NC, num_subcores=NS)

    @functools.partial(
        pl.kernel,
        out_type=(
            jax.ShapeDtypeStruct((N, COLS), jnp.float32),
            jax.ShapeDtypeStruct((NC * N, HCOLS), jnp.float32),
        ),
        mesh=mesh,
        compiler_params=pltpu.CompilerParams(use_tc_tiling_on_sc=False),
        scratch_types=(
            [pltpu.VMEM_SHARED((N, HCOLS), jnp.float32)]
            + [pltpu.VMEM((K,), jnp.int32)] * NBUF
            + [pltpu.VMEM((K,), jnp.int32)] * NBUF
            + [pltpu.VMEM((K,), jnp.float32)] * NBUF
            + [pltpu.VMEM((K, HCOLS), jnp.float32)] * NBUF
            + [pltpu.SemaphoreType.DMA] * (3 * NBUF)
        ),
    )
    def k(xh, coli, rowi, wts, colt, rowt, wt, zrows, out, x1h, acc, *bufs):
        cb = bufs[0:NBUF]
        rb = bufs[NBUF:2 * NBUF]
        wv = bufs[2 * NBUF:3 * NBUF]
        gv = bufs[3 * NBUF:4 * NBUF]
        isem = bufs[4 * NBUF:5 * NBUF]
        gsem = bufs[5 * NBUF:6 * NBUF]
        ssem = bufs[6 * NBUF:7 * NBUF]
        h = lax.axis_index("c")
        sid = lax.axis_index("s")
        row_base = sid * ROWS_PER_TILE
        e_base = sid * e_tile

        def chunk_start(c):
            return e_base + jnp.minimum(c * K, e_tile - K)

        def col_copy(c, j):
            return pltpu.make_async_copy(
                coli.at[pl.ds(chunk_start(c), K)], cb[j], isem[j])

        def row_copy(c, j):
            return pltpu.make_async_copy(
                rowi.at[pl.ds(chunk_start(c), K)], rb[j], isem[j])

        def w_copy(c, j):
            return pltpu.make_async_copy(
                wts.at[pl.ds(chunk_start(c), K)], wv[j], isem[j])

        def start_idx(c, j):
            side = (c == n_chunks - 1) & (sid == NS - 1)

            @pl.when(side)
            def _():
                pltpu.make_async_copy(colt, cb[j], isem[j]).start()
                pltpu.make_async_copy(rowt, rb[j], isem[j]).start()
                pltpu.make_async_copy(wt, wv[j], isem[j]).start()

            @pl.when(jnp.logical_not(side))
            def _():
                col_copy(c, j).start()
                row_copy(c, j).start()
                w_copy(c, j).start()

        def wait_idx(c, j):
            pltpu.make_async_copy(colt, cb[j], isem[j]).wait()
            pltpu.make_async_copy(rowt, rb[j], isem[j]).wait()
            pltpu.make_async_copy(wt, wv[j], isem[j]).wait()

        def col_offset(j, hoff):
            def off_body(g, _):
                base = g * 64
                for r in range(4):
                    s = pl.ds(base + r * 16, 16)
                    cb[j][s] = cb[j][s] + hoff
                return 0

            lax.fori_loop(0, K // 64, off_body, 0, unroll=False)

        def gather_copy(src_hbm, j):
            return pltpu.make_async_copy(src_hbm.at[cb[j]], gv[j], gsem[j])

        def scatter_copy(j):
            return pltpu.make_async_copy(gv[j], acc.at[rb[j]], ssem[j])

        def scale(j, m):
            lane = lax.iota(jnp.int32, 16)

            def scale_body(g, _):
                base = g * 16
                w16 = wv[j][pl.ds(base, 16)]
                w16 = jnp.where(lane + base >= m, w16, 0.0)
                for r in range(16):
                    i = base + r
                    w = w16[r]
                    gv[j][i, pl.ds(0, 16)] = gv[j][i, pl.ds(0, 16)] * w
                    gv[j][i, pl.ds(16, 16)] = gv[j][i, pl.ds(16, 16)] * w
                return 0

            lax.fori_loop(0, K // 16, scale_body, 0, unroll=False)

        def edge_loop(src_hbm):
            hoff = h * N
            start_idx(0, 0)
            start_idx(1, 1)
            wait_idx(0, 0)
            col_offset(0, hoff)
            gather_copy(src_hbm, 0).start()

            def outer_body(t, _):
                for j in range(NBUF):
                    c = NBUF * t + j
                    jn = (j + 1) % NBUF
                    jp = (j + 2) % NBUF
                    @pl.when(c + 1 < n_chunks)
                    def _():
                        wait_idx(c + 1, jn)
                        col_offset(jn, hoff)
                        gather_copy(src_hbm, jn).start()
                    gather_copy(src_hbm, j).wait()
                    m = jnp.where(
                        c == n_chunks - 1,
                        jnp.where(sid == NS - 1, m15, m14), 0)
                    scale(j, m)
                    scatter_copy(j).start(add=True)
                    @pl.when((c + 2 < n_chunks) & (c >= 1))
                    def _():
                        scatter_copy(jp).wait()
                    @pl.when(c + 2 < n_chunks)
                    def _():
                        start_idx(c + 2, jp)
                return 0

            lax.fori_loop(0, n_chunks // NBUF, outer_body, 0, unroll=False)
            for j in range(NBUF):
                scatter_copy(j).wait()

        pltpu.sync_copy(zrows, acc.at[pl.ds(row_base, ROWS_PER_TILE)])
        plsc.subcore_barrier()
        edge_loop(xh)
        plsc.subcore_barrier()
        pltpu.sync_copy(
            acc.at[pl.ds(row_base, ROWS_PER_TILE)],
            x1h.at[pl.ds(h * N + row_base, ROWS_PER_TILE)])
        pltpu.sync_copy(zrows, acc.at[pl.ds(row_base, ROWS_PER_TILE)])
        plsc.subcore_barrier()
        edge_loop(x1h)
        plsc.subcore_barrier()
        pltpu.sync_copy(
            acc.at[pl.ds(row_base, ROWS_PER_TILE)],
            out.at[pl.ds(row_base, ROWS_PER_TILE), pl.ds(h * HCOLS, HCOLS)])

    return k


def kernel(x, indices, weights):
    nnz = weights.shape[0]
    row = indices[0]
    col = indices[1]
    colt = lax.slice(col, (nnz - K,), (nnz,))
    rowt = lax.slice(row, (nnz - K,), (nnz,))
    wt = lax.slice(weights, (nnz - K,), (nnz,))
    xh = jnp.concatenate([x[:, :HCOLS], x[:, HCOLS:]], axis=0)
    zrows = jnp.zeros((ROWS_PER_TILE, HCOLS), jnp.float32)

    out, _ = _spmm2_kernel(nnz)(
        xh, col, row, weights, colt, rowt, wt, zrows)
    return out

# --- scband reference (transcript-rebuilt; emitter-appended) ---
"""Pipeline reference for scband-adult-connectome-26474178412844 (READ-ONLY COPY).

The authoritative reference and input builder live on the scoring server;
editing this copy changes nothing except your own understanding.
"""

import jax, jax.numpy as jnp
import numpy as np

N = 16384
NNZ = 2684354
COLS = 64
LAYER_NUMBER = 2


def setup_inputs(seed: int = 0) -> dict:
    key = jax.random.key(seed)
    k1, k2, k3, k4 = jax.random.split(key, 4)
    x = jax.random.normal(k1, (N, COLS), dtype=jnp.float32)
    row = jax.random.randint(k2, (NNZ,), 0, N, dtype=jnp.int32)
    col = jax.random.randint(k3, (NNZ,), 0, N, dtype=jnp.int32)
    indices = jnp.stack([row, col], axis=0)
    # adjacency data is nonnegative counts; log_transform_weights=True -> log1p(data)
    raw = jax.random.uniform(k4, (NNZ,), dtype=jnp.float32, minval=0.0, maxval=10.0)
    weights = jnp.log1p(raw)
    return {"x": x, "indices": indices, "weights": weights}


def reference(x, indices, weights):
    # Faithful translation of SparseMatrixMul.apply(indices, weights, shape, layer_number, x):
    # applies the shared sparse COO matrix (weights at (row, col)) layer_number times.
    row = indices[0]
    col = indices[1]
    out = x
    for _ in range(LAYER_NUMBER):
        gathered = out[col] * weights[:, None]          # gather by col (SparseCore gather)
        out = jax.ops.segment_sum(gathered, row, num_segments=N)  # scatter-add by row
    return out

if __name__ == "__main__":
    import jax
    _d = setup_inputs()
    print(jax.jit(kernel)(*tuple(_d.values())))

</pallas_src>

<mosaic_0001>
#map = affine_map<(d0, d1) -> (0, 0)>
#map1 = affine_map<(d0, d1) -> (0)>
module attributes {stable_mosaic.version = 14 : i64} {
  func.func @k(%arg0: i32, %arg1: i32, %arg2: memref<32768x32xf32, #tpu.memory_space<hbm>>, %arg3: memref<2684354xi32, #tpu.memory_space<hbm>>, %arg4: memref<2684354xi32, #tpu.memory_space<hbm>>, %arg5: memref<2684354xf32, #tpu.memory_space<hbm>>, %arg6: memref<768xi32, #tpu.memory_space<hbm>>, %arg7: memref<768xi32, #tpu.memory_space<hbm>>, %arg8: memref<768xf32, #tpu.memory_space<hbm>>, %arg9: memref<1024x32xf32, #tpu.memory_space<hbm>>, %arg10: memref<16384x64xf32, #tpu.memory_space<hbm>>, %arg11: memref<32768x32xf32, #tpu.memory_space<hbm>>, %arg12: memref<16384x32xf32, #tpu.memory_space<vmem_shared>>, %arg13: memref<768xi32, #tpu.memory_space<vmem>>, %arg14: memref<768xi32, #tpu.memory_space<vmem>>, %arg15: memref<768xi32, #tpu.memory_space<vmem>>, %arg16: memref<768xi32, #tpu.memory_space<vmem>>, %arg17: memref<768xi32, #tpu.memory_space<vmem>>, %arg18: memref<768xi32, #tpu.memory_space<vmem>>, %arg19: memref<768xf32, #tpu.memory_space<vmem>>, %arg20: memref<768xf32, #tpu.memory_space<vmem>>, %arg21: memref<768xf32, #tpu.memory_space<vmem>>, %arg22: memref<768x32xf32, #tpu.memory_space<vmem>>, %arg23: memref<768x32xf32, #tpu.memory_space<vmem>>, %arg24: memref<768x32xf32, #tpu.memory_space<vmem>>, %arg25: memref<!tpu.dma_semaphore, #tpu.memory_space<semaphore_mem>>, %arg26: memref<!tpu.dma_semaphore, #tpu.memory_space<semaphore_mem>>, %arg27: memref<!tpu.dma_semaphore, #tpu.memory_space<semaphore_mem>>, %arg28: memref<!tpu.dma_semaphore, #tpu.memory_space<semaphore_mem>>, %arg29: memref<!tpu.dma_semaphore, #tpu.memory_space<semaphore_mem>>, %arg30: memref<!tpu.dma_semaphore, #tpu.memory_space<semaphore_mem>>, %arg31: memref<!tpu.dma_semaphore, #tpu.memory_space<semaphore_mem>>, %arg32: memref<!tpu.dma_semaphore, #tpu.memory_space<semaphore_mem>>, %arg33: memref<!tpu.dma_semaphore, #tpu.memory_space<semaphore_mem>>) attributes {dimension_semantics = [#tpu.dimension_semantics<core_parallel>, #tpu.dimension_semantics<subcore_parallel>], iteration_bounds = array<i64: 2, 16>, scalar_prefetch = 0 : i64, scratch_operands = 22 : i64, tpu.core_type = #tpu.core_type<sc_vector_subcore>, window_params = [{transform_indices = #map}, {transform_indices = #map1}, {transform_indices = #map1}, {transform_indices = #map1}, {transform_indices = #map1}, {transform_indices = #map1}, {transform_indices = #map1}, {transform_indices = #map}, {transform_indices = #map}, {transform_indices = #map}]} {
    %mul3A = arith.constant 1024 : i32
    %mul3A_0 = arith.muli %arg1, %mul3A : i32
    %mul3A_1 = arith.constant 167776 : i32
    %mul3A_2 = arith.muli %arg1, %mul3A_1 : i32
    "tpu.region"() ({
      %run_scoped3A = tpu.sem_alloc : memref<!tpu.dma_semaphore, #tpu.memory_space<semaphore_mem>>
      %dma_start3A_106 = arith.constant 0 : i32
      %dma_start3A_107 = tpu.memref_slice %arg12[%mul3A_0, %dma_start3A_106] : memref<16384x32xf32, #tpu.memory_space<vmem_shared>> -> memref<1024x32xf32, #tpu.memory_space<vmem_shared>>
      tpu.enqueue_dma source(%arg9 : memref<1024x32xf32, #tpu.memory_space<hbm>>) target(%dma_start3A_107 : memref<1024x32xf32, #tpu.memory_space<vmem_shared>>) target_semaphore(%run_scoped3A : memref<!tpu.dma_semaphore, #tpu.memory_space<semaphore_mem>>)
      %dma_wait3A_108 = arith.constant 0 : i32
      %dma_wait3A_109 = tpu.memref_slice %arg12[%mul3A_0, %dma_wait3A_108] : memref<16384x32xf32, #tpu.memory_space<vmem_shared>> -> memref<1024x32xf32, #tpu.memory_space<vmem_shared>>
      tpu.wait_dma2 semaphore(%run_scoped3A : memref<!tpu.dma_semaphore, #tpu.memory_space<semaphore_mem>>) src(%arg9 : memref<1024x32xf32, #tpu.memory_space<hbm>>) dst(%dma_wait3A_109 : memref<1024x32xf32, #tpu.memory_space<vmem_shared>>)
      tpu.yield
    }) : () -> ()
    %barrier3A = arith.constant 0 : index
    tpu.barrier barrier_id(%barrier3A)
    %mul3A_3 = arith.constant 16384 : i32
    %mul3A_4 = arith.muli %arg0, %mul3A_3 : i32
    %eq3A = arith.constant 15 : i32
    %eq3A_5 = arith.cmpi eq, %arg1, %eq3A : i32
    %and3A = arith.constant false
    %and3A_6 = arith.andi %and3A, %eq3A_5 : i1
    %convert_element_type3A = arith.extui %and3A_6 : i1 to i32
    %cond3A = arith.constant 0 : i32
    %cond3A_7 = arith.cmpi ne, %convert_element_type3A, %cond3A : i32
    scf.if %cond3A_7 {
      tpu.enqueue_dma source(%arg6 : memref<768xi32, #tpu.memory_space<hbm>>) target(%arg13 : memref<768xi32, #tpu.memory_space<vmem>>) target_semaphore(%arg25 : memref<!tpu.dma_semaphore, #tpu.memory_space<semaphore_mem>>)
      tpu.enqueue_dma source(%arg7 : memref<768xi32, #tpu.memory_space<hbm>>) target(%arg16 : memref<768xi32, #tpu.memory_space<vmem>>) target_semaphore(%arg25 : memref<!tpu.dma_semaphore, #tpu.memory_space<semaphore_mem>>)
      tpu.enqueue_dma source(%arg8 : memref<768xf32, #tpu.memory_space<hbm>>) target(%arg19 : memref<768xf32, #tpu.memory_space<vmem>>) target_semaphore(%arg25 : memref<!tpu.dma_semaphore, #tpu.memory_space<semaphore_mem>>)
    } else {
    }
    %not3A = arith.constant true
    %not3A_8 = arith.xori %and3A_6, %not3A : i1
    %convert_element_type3A_9 = arith.extui %not3A_8 : i1 to i32
    %cond3A_10 = arith.constant 0 : i32
    %cond3A_11 = arith.cmpi ne, %convert_element_type3A_9, %cond3A_10 : i32
    scf.if %cond3A_11 {
      %min3A = arith.constant 0 : i32
      %min3A_106 = arith.constant 167008 : i32
      %min3A_107 = arith.minsi %min3A, %min3A_106 : i32
      %add3A_108 = arith.addi %mul3A_2, %min3A_107 : i32
      %dma_start3A_109 = tpu.memref_slice %arg3[%add3A_108] : memref<2684354xi32, #tpu.memory_space<hbm>> -> memref<768xi32, #tpu.memory_space<hbm>>
      %dma_start3A_110 = tpu.memref_slice %arg3[%add3A_108] : memref<2684354xi32, #tpu.memory_space<hbm>> -> memref<768xi32, #tpu.memory_space<hbm>>
      tpu.enqueue_dma source(%dma_start3A_110 : memref<768xi32, #tpu.memory_space<hbm>>) target(%arg13 : memref<768xi32, #tpu.memory_space<vmem>>) target_semaphore(%arg25 : memref<!tpu.dma_semaphore, #tpu.memory_space<semaphore_mem>>)
      %min3A_111 = arith.constant 0 : i32
      %min3A_112 = arith.constant 167008 : i32
      %min3A_113 = arith.minsi %min3A_111, %min3A_112 : i32
      %add3A_114 = arith.addi %mul3A_2, %min3A_113 : i32
      %dma_start3A_115 = tpu.memref_slice %arg4[%add3A_114] : memref<2684354xi32, #tpu.memory_space<hbm>> -> memref<768xi32, #tpu.memory_space<hbm>>
      %dma_start3A_116 = tpu.memref_slice %arg4[%add3A_114] : memref<2684354xi32, #tpu.memory_space<hbm>> -> memref<768xi32, #tpu.memory_space<hbm>>
      tpu.enqueue_dma source(%dma_start3A_116 : memref<768xi32, #tpu.memory_space<hbm>>) target(%arg16 : memref<768xi32, #tpu.memory_space<vmem>>) target_semaphore(%arg25 : memref<!tpu.dma_semaphore, #tpu.memory_space<semaphore_mem>>)
      %min3A_117 = arith.constant 0 : i32
      %min3A_118 = arith.constant 167008 : i32
      %min3A_119 = arith.minsi %min3A_117, %min3A_118 : i32
      %add3A_120 = arith.addi %mul3A_2, %min3A_119 : i32
      %dma_start3A_121 = tpu.memref_slice %arg5[%add3A_120] : memref<2684354xf32, #tpu.memory_space<hbm>> -> memref<768xf32, #tpu.memory_space<hbm>>
      %dma_start3A_122 = tpu.memref_slice %arg5[%add3A_120] : memref<2684354xf32, #tpu.memory_space<hbm>> -> memref<768xf32, #tpu.memory_space<hbm>>
      tpu.enqueue_dma source(%dma_start3A_122 : memref<768xf32, #tpu.memory_space<hbm>>) target(%arg19 : memref<768xf32, #tpu.memory_space<vmem>>) target_semaphore(%arg25 : memref<!tpu.dma_semaphore, #tpu.memory_space<semaphore_mem>>)
    } else {
    }
    %eq3A_12 = arith.constant 15 : i32
    %eq3A_13 = arith.cmpi eq, %arg1, %eq3A_12 : i32
    %and3A_14 = arith.constant false
    %and3A_15 = arith.andi %and3A_14, %eq3A_13 : i1
    %convert_element_type3A_16 = arith.extui %and3A_15 : i1 to i32
    %cond3A_17 = arith.constant 0 : i32
    %cond3A_18 = arith.cmpi ne, %convert_element_type3A_16, %cond3A_17 : i32
    scf.if %cond3A_18 {
      tpu.enqueue_dma source(%arg6 : memref<768xi32, #tpu.memory_space<hbm>>) target(%arg14 : memref<768xi32, #tpu.memory_space<vmem>>) target_semaphore(%arg26 : memref<!tpu.dma_semaphore, #tpu.memory_space<semaphore_mem>>)
      tpu.enqueue_dma source(%arg7 : memref<768xi32, #tpu.memory_space<hbm>>) target(%arg17 : memref<768xi32, #tpu.memory_space<vmem>>) target_semaphore(%arg26 : memref<!tpu.dma_semaphore, #tpu.memory_space<semaphore_mem>>)
      tpu.enqueue_dma source(%arg8 : memref<768xf32, #tpu.memory_space<hbm>>) target(%arg20 : memref<768xf32, #tpu.memory_space<vmem>>) target_semaphore(%arg26 : memref<!tpu.dma_semaphore, #tpu.memory_space<semaphore_mem>>)
    } else {
    }
    %not3A_19 = arith.constant true
    %not3A_20 = arith.xori %and3A_15, %not3A_19 : i1
    %convert_element_type3A_21 = arith.extui %not3A_20 : i1 to i32
    %cond3A_22 = arith.constant 0 : i32
    %cond3A_23 = arith.cmpi ne, %convert_element_type3A_21, %cond3A_22 : i32
    scf.if %cond3A_23 {
      %min3A = arith.constant 768 : i32
      %min3A_106 = arith.constant 167008 : i32
      %min3A_107 = arith.minsi %min3A, %min3A_106 : i32
      %add3A_108 = arith.addi %mul3A_2, %min3A_107 : i32
      %dma_start3A_109 = tpu.memref_slice %arg3[%add3A_108] : memref<2684354xi32, #tpu.memory_space<hbm>> -> memref<768xi32, #tpu.memory_space<hbm>>
      %dma_start3A_110 = tpu.memref_slice %arg3[%add3A_108] : memref<2684354xi32, #tpu.memory_space<hbm>> -> memref<768xi32, #tpu.memory_space<hbm>>
      tpu.enqueue_dma source(%dma_start3A_110 : memref<768xi32, #tpu.memory_space<hbm>>) target(%arg14 : memref<768xi32, #tpu.memory_space<vmem>>) target_semaphore(%arg26 : memref<!tpu.dma_semaphore, #tpu.memory_space<semaphore_mem>>)
      %min3A_111 = arith.constant 768 : i32
      %min3A_112 = arith.constant 167008 : i32
      %min3A_113 = arith.minsi %min3A_111, %min3A_112 : i32
      %add3A_114 = arith.addi %mul3A_2, %min3A_113 : i32
      %dma_start3A_115 = tpu.memref_slice %arg4[%add3A_114] : memref<2684354xi32, #tpu.memory_space<hbm>> -> memref<768xi32, #tpu.memory_space<hbm>>
      %dma_start3A_116 = tpu.memref_slice %arg4[%add3A_114] : memref<2684354xi32, #tpu.memory_space<hbm>> -> memref<768xi32, #tpu.memory_space<hbm>>
      tpu.enqueue_dma source(%dma_start3A_116 : memref<768xi32, #tpu.memory_space<hbm>>) target(%arg17 : memref<768xi32, #tpu.memory_space<vmem>>) target_semaphore(%arg26 : memref<!tpu.dma_semaphore, #tpu.memory_space<semaphore_mem>>)
      %min3A_117 = arith.constant 768 : i32
      %min3A_118 = arith.constant 167008 : i32
      %min3A_119 = arith.minsi %min3A_117, %min3A_118 : i32
      %add3A_120 = arith.addi %mul3A_2, %min3A_119 : i32
      %dma_start3A_121 = tpu.memref_slice %arg5[%add3A_120] : memref<2684354xf32, #tpu.memory_space<hbm>> -> memref<768xf32, #tpu.memory_space<hbm>>
      %dma_start3A_122 = tpu.memref_slice %arg5[%add3A_120] : memref<2684354xf32, #tpu.memory_space<hbm>> -> memref<768xf32, #tpu.memory_space<hbm>>
      tpu.enqueue_dma source(%dma_start3A_122 : memref<768xf32, #tpu.memory_space<hbm>>) target(%arg20 : memref<768xf32, #tpu.memory_space<vmem>>) target_semaphore(%arg26 : memref<!tpu.dma_semaphore, #tpu.memory_space<semaphore_mem>>)
    } else {
    }
    tpu.wait_dma2 semaphore(%arg25 : memref<!tpu.dma_semaphore, #tpu.memory_space<semaphore_mem>>) src(%arg6 : memref<768xi32, #tpu.memory_space<hbm>>) dst(%arg13 : memref<768xi32, #tpu.memory_space<vmem>>)
    tpu.wait_dma2 semaphore(%arg25 : memref<!tpu.dma_semaphore, #tpu.memory_space<semaphore_mem>>) src(%arg7 : memref<768xi32, #tpu.memory_space<hbm>>) dst(%arg16 : memref<768xi32, #tpu.memory_space<vmem>>)
    tpu.wait_dma2 semaphore(%arg25 : memref<!tpu.dma_semaphore, #tpu.memory_space<semaphore_mem>>) src(%arg8 : memref<768xf32, #tpu.memory_space<hbm>>) dst(%arg19 : memref<768xf32, #tpu.memory_space<vmem>>)
    %scan3A = arith.constant 0 : i32
    %scan3A_24 = arith.constant 0 : i32
    %scan3A_25 = arith.constant 12 : i32
    %scan3A_26 = arith.addi %scan3A_24, %scan3A_25 : i32
    %scan3A_27 = arith.constant 1 : i32
    %scan3A_28 = scf.for %scan3A_106 = %scan3A_24 to %scan3A_26 step %scan3A_27 iter_args(%scan3A_107 = %scan3A) -> (i32)  : i32 {
      %mul3A_108 = arith.constant 64 : i32
      %mul3A_109 = arith.muli %scan3A_106, %mul3A_108 : i32
      %add3A_110 = arith.constant 0 : i32
      %add3A_111 = arith.addi %mul3A_109, %add3A_110 : i32
      %get3A = arith.index_cast %add3A_111 : i32 to index
      %get3A_112 = tpu.vector_load %arg13[%get3A] {strides = array<i32>} : memref<768xi32, #tpu.memory_space<vmem>>, vector<16xi32>,
      %get3A_113 = vector.shape_cast %get3A_112 : vector<16xi32> to vector<16xi32>
      %add3A_114 = vector.broadcast %mul3A_4 : i32 to vector<16xi32>
      %add3A_115 = arith.addi %get3A_113, %add3A_114 : vector<16xi32>
      %swap3A = arith.index_cast %add3A_111 : i32 to index
      %swap3A_116 = tpu.vector_load %arg13[%swap3A] {strides = array<i32>} : memref<768xi32, #tpu.memory_space<vmem>>, vector<16xi32>,
      %swap3A_117 = vector.shape_cast %swap3A_116 : vector<16xi32> to vector<16xi32>
      %swap3A_118 = vector.shape_cast %add3A_115 : vector<16xi32> to vector<16xi32>
      tpu.vector_store %arg13[%swap3A], %swap3A_118 {strides = array<i32>} : memref<768xi32, #tpu.memory_space<vmem>>, vector<16xi32>,
      %add3A_119 = arith.constant 16 : i32
      %add3A_120 = arith.addi %mul3A_109, %add3A_119 : i32
      %get3A_121 = arith.index_cast %add3A_120 : i32 to index
      %get3A_122 = tpu.vector_load %arg13[%get3A_121] {strides = array<i32>} : memref<768xi32, #tpu.memory_space<vmem>>, vector<16xi32>,
      %get3A_123 = vector.shape_cast %get3A_122 : vector<16xi32> to vector<16xi32>
      %add3A_124 = vector.broadcast %mul3A_4 : i32 to vector<16xi32>
      %add3A_125 = arith.addi %get3A_123, %add3A_124 : vector<16xi32>
      %swap3A_126 = arith.index_cast %add3A_120 : i32 to index
      %swap3A_127 = tpu.vector_load %arg13[%swap3A_126] {strides = array<i32>} : memref<768xi32, #tpu.memory_space<vmem>>, vector<16xi32>,
      %swap3A_128 = vector.shape_cast %swap3A_127 : vector<16xi32> to vector<16xi32>
      %swap3A_129 = vector.shape_cast %add3A_125 : vector<16xi32> to vector<16xi32>
      tpu.vector_store %arg13[%swap3A_126], %swap3A_129 {strides = array<i32>} : memref<768xi32, #tpu.memory_space<vmem>>, vector<16xi32>,
      %add3A_130 = arith.constant 32 : i32
      %add3A_131 = arith.addi %mul3A_109, %add3A_130 : i32
      %get3A_132 = arith.index_cast %add3A_131 : i32 to index
      %get3A_133 = tpu.vector_load %arg13[%get3A_132] {strides = array<i32>} : memref<768xi32, #tpu.memory_space<vmem>>, vector<16xi32>,
      %get3A_134 = vector.shape_cast %get3A_133 : vector<16xi32> to vector<16xi32>
      %add3A_135 = vector.broadcast %mul3A_4 : i32 to vector<16xi32>
      %add3A_136 = arith.addi %get3A_134, %add3A_135 : vector<16xi32>
      %swap3A_137 = arith.index_cast %add3A_131 : i32 to index
      %swap3A_138 = tpu.vector_load %arg13[%swap3A_137] {strides = array<i32>} : memref<768xi32, #tpu.memory_space<vmem>>, vector<16xi32>,
      %swap3A_139 = vector.shape_cast %swap3A_138 : vector<16xi32> to vector<16xi32>
      %swap3A_140 = vector.shape_cast %add3A_136 : vector<16xi32> to vector<16xi32>
      tpu.vector_store %arg13[%swap3A_137], %swap3A_140 {strides = array<i32>} : memref<768xi32, #tpu.memory_space<vmem>>, vector<16xi32>,
      %add3A_141 = arith.constant 48 : i32
      %add3A_142 = arith.addi %mul3A_109, %add3A_141 : i32
      %get3A_143 = arith.index_cast %add3A_142 : i32 to index
      %get3A_144 = tpu.vector_load %arg13[%get3A_143] {strides = array<i32>} : memref<768xi32, #tpu.memory_space<vmem>>, vector<16xi32>,
      %get3A_145 = vector.shape_cast %get3A_144 : vector<16xi32> to vector<16xi32>
      %add3A_146 = vector.broadcast %mul3A_4 : i32 to vector<16xi32>
      %add3A_147 = arith.addi %get3A_145, %add3A_146 : vector<16xi32>
      %swap3A_148 = arith.index_cast %add3A_142 : i32 to index
      %swap3A_149 = tpu.vector_load %arg13[%swap3A_148] {strides = array<i32>} : memref<768xi32, #tpu.memory_space<vmem>>, vector<16xi32>,
      %swap3A_150 = vector.shape_cast %swap3A_149 : vector<16xi32> to vector<16xi32>
      %swap3A_151 = vector.shape_cast %add3A_147 : vector<16xi32> to vector<16xi32>
      tpu.vector_store %arg13[%swap3A_148], %swap3A_151 {strides = array<i32>} : memref<768xi32, #tpu.memory_space<vmem>>, vector<16xi32>,
      %scan3A_152 = arith.constant 0 : i32
      scf.yield %scan3A_152 : i32
    }
    %scan3A_29 = arith.constant 12 : i32
    %dma_start3A = arith.constant 0 : i32
    %dma_start3A_30 = arith.constant 0 : i32
    %dma_start3A_31 = tpu.memref_slice %arg2[%dma_start3A, %dma_start3A_30] : memref<32768x32xf32, #tpu.memory_space<hbm>> -> memref<32768x32xf32, #tpu.memory_space<hbm>>
    tpu.enqueue_indirect_dma source(%dma_start3A_31 : memref<32768x32xf32, #tpu.memory_space<hbm>>) target(%arg22 : memref<768x32xf32, #tpu.memory_space<vmem>>) offsets(%arg13 : memref<768xi32, #tpu.memory_space<vmem>>) semaphore(%arg28 : memref<!tpu.dma_semaphore, #tpu.memory_space<semaphore_mem>>)
    %scan3A_32 = arith.constant 0 : i32
    %scan3A_33 = arith.constant 0 : i32
    %scan3A_34 = arith.constant 73 : i32
    %scan3A_35 = arith.addi %scan3A_33, %scan3A_34 : i32
    %scan3A_36 = arith.constant 1 : i32
    %scan3A_37 = scf.for %scan3A_106 = %scan3A_33 to %scan3A_35 step %scan3A_36 iter_args(%scan3A_107 = %scan3A_32) -> (i32)  : i32 {
      %mul3A_108 = arith.constant 3 : i32
      %mul3A_109 = arith.muli %mul3A_108, %scan3A_106 : i32
      %add3A_110 = arith.constant 0 : i32
      %add3A_111 = arith.addi %mul3A_109, %add3A_110 : i32
      %add3A_112 = arith.constant 1 : i32
      %add3A_113 = arith.addi %add3A_111, %add3A_112 : i32
      %lt3A = arith.constant 219 : i32
      %lt3A_114 = arith.cmpi slt, %add3A_113, %lt3A : i32
      %convert_element_type3A_115 = arith.extui %lt3A_114 : i1 to i32
      %cond3A_116 = arith.constant 0 : i32
      %cond3A_117 = arith.cmpi ne, %convert_element_type3A_115, %cond3A_116 : i32
      scf.if %cond3A_117 {
        %add3A_257 = arith.constant 1 : i32
        %add3A_258 = arith.addi %add3A_111, %add3A_257 : i32
        tpu.wait_dma2 semaphore(%arg26 : memref<!tpu.dma_semaphore, #tpu.memory_space<semaphore_mem>>) src(%arg6 : memref<768xi32, #tpu.memory_space<hbm>>) dst(%arg14 : memref<768xi32, #tpu.memory_space<vmem>>)
        tpu.wait_dma2 semaphore(%arg26 : memref<!tpu.dma_semaphore, #tpu.memory_space<semaphore_mem>>) src(%arg7 : memref<768xi32, #tpu.memory_space<hbm>>) dst(%arg17 : memref<768xi32, #tpu.memory_space<vmem>>)
        tpu.wait_dma2 semaphore(%arg26 : memref<!tpu.dma_semaphore, #tpu.memory_space<semaphore_mem>>) src(%arg8 : memref<768xf32, #tpu.memory_space<hbm>>) dst(%arg20 : memref<768xf32, #tpu.memory_space<vmem>>)
        %scan3A_259 = arith.constant 0 : i32
        %scan3A_260 = arith.constant 0 : i32
        %scan3A_261 = arith.constant 12 : i32
        %scan3A_262 = arith.addi %scan3A_260, %scan3A_261 : i32
        %scan3A_263 = arith.constant 1 : i32
        %scan3A_264 = scf.for %scan3A_269 = %scan3A_260 to %scan3A_262 step %scan3A_263 iter_args(%scan3A_270 = %scan3A_259) -> (i32)  : i32 {
          %mul3A_271 = arith.constant 64 : i32
          %mul3A_272 = arith.muli %scan3A_269, %mul3A_271 : i32
          %add3A_273 = arith.constant 0 : i32
          %add3A_274 = arith.addi %mul3A_272, %add3A_273 : i32
          %get3A = arith.index_cast %add3A_274 : i32 to index
          %get3A_275 = tpu.vector_load %arg14[%get3A] {strides = array<i32>} : memref<768xi32, #tpu.memory_space<vmem>>, vector<16xi32>,
          %get3A_276 = vector.shape_cast %get3A_275 : vector<16xi32> to vector<16xi32>
          %add3A_277 = vector.broadcast %mul3A_4 : i32 to vector<16xi32>
          %add3A_278 = arith.addi %get3A_276, %add3A_277 : vector<16xi32>
          %swap3A = arith.index_cast %add3A_274 : i32 to index
          %swap3A_279 = tpu.vector_load %arg14[%swap3A] {strides = array<i32>} : memref<768xi32, #tpu.memory_space<vmem>>, vector<16xi32>,
          %swap3A_280 = vector.shape_cast %swap3A_279 : vector<16xi32> to vector<16xi32>
          %swap3A_281 = vector.shape_cast %add3A_278 : vector<16xi32> to vector<16xi32>
          tpu.vector_store %arg14[%swap3A], %swap3A_281 {strides = array<i32>} : memref<768xi32, #tpu.memory_space<vmem>>, vector<16xi32>,
          %add3A_282 = arith.constant 16 : i32
          %add3A_283 = arith.addi %mul3A_272, %add3A_282 : i32
          %get3A_284 = arith.index_cast %add3A_283 : i32 to index
          %get3A_285 = tpu.vector_load %arg14[%get3A_284] {strides = array<i32>} : memref<768xi32, #tpu.memory_space<vmem>>, vector<16xi32>,
          %get3A_286 = vector.shape_cast %get3A_285 : vector<16xi32> to vector<16xi32>
          %add3A_287 = vector.broadcast %mul3A_4 : i32 to vector<16xi32>
          %add3A_288 = arith.addi %get3A_286, %add3A_287 : vector<16xi32>
          %swap3A_289 = arith.index_cast %add3A_283 : i32 to index
          %swap3A_290 = tpu.vector_load %arg14[%swap3A_289] {strides = array<i32>} : memref<768xi32, #tpu.memory_space<vmem>>, vector<16xi32>,
          %swap3A_291 = vector.shape_cast %swap3A_290 : vector<16xi32> to vector<16xi32>
          %swap3A_292 = vector.shape_cast %add3A_288 : vector<16xi32> to vector<16xi32>
          tpu.vector_store %arg14[%swap3A_289], %swap3A_292 {strides = array<i32>} : memref<768xi32, #tpu.memory_space<vmem>>, vector<16xi32>,
          %add3A_293 = arith.constant 32 : i32
          %add3A_294 = arith.addi %mul3A_272, %add3A_293 : i32
          %get3A_295 = arith.index_cast %add3A_294 : i32 to index
          %get3A_296 = tpu.vector_load %arg14[%get3A_295] {strides = array<i32>} : memref<768xi32, #tpu.memory_space<vmem>>, vector<16xi32>,
          %get3A_297 = vector.shape_cast %get3A_296 : vector<16xi32> to vector<16xi32>
          %add3A_298 = vector.broadcast %mul3A_4 : i32 to vector<16xi32>
          %add3A_299 = arith.addi %get3A_297, %add3A_298 : vector<16xi32>
          %swap3A_300 = arith.index_cast %add3A_294 : i32 to index
          %swap3A_301 = tpu.vector_load %arg14[%swap3A_300] {strides = array<i32>} : memref<768xi32, #tpu.memory_space<vmem>>, vector<16xi32>,
          %swap3A_302 = vector.shape_cast %swap3A_301 : vector<16xi32> to vector<16xi32>
          %swap3A_303 = vector.shape_cast %add3A_299 : vector<16xi32> to vector<16xi32>
          tpu.vector_store %arg14[%swap3A_300], %swap3A_303 {strides = array<i32>} : memref<768xi32, #tpu.memory_space<vmem>>, vector<16xi32>,
          %add3A_304 = arith.constant 48 : i32
          %add3A_305 = arith.addi %mul3A_272, %add3A_304 : i32
          %get3A_306 = arith.index_cast %add3A_305 : i32 to index
          %get3A_307 = tpu.vector_load %arg14[%get3A_306] {strides = array<i32>} : memref<768xi32, #tpu.memory_space<vmem>>, vector<16xi32>,
          %get3A_308 = vector.shape_cast %get3A_307 : vector<16xi32> to vector<16xi32>
          %add3A_309 = vector.broadcast %mul3A_4 : i32 to vector<16xi32>
          %add3A_310 = arith.addi %get3A_308, %add3A_309 : vector<16xi32>
          %swap3A_311 = arith.index_cast %add3A_305 : i32 to index
          %swap3A_312 = tpu.vector_load %arg14[%swap3A_311] {strides = array<i32>} : memref<768xi32, #tpu.memory_space<vmem>>, vector<16xi32>,
          %swap3A_313 = vector.shape_cast %swap3A_312 : vector<16xi32> to vector<16xi32>
          %swap3A_314 = vector.shape_cast %add3A_310 : vector<16xi32> to vector<16xi32>
          tpu.vector_store %arg14[%swap3A_311], %swap3A_314 {strides = array<i32>} : memref<768xi32, #tpu.memory_space<vmem>>, vector<16xi32>,
          %scan3A_315 = arith.constant 0 : i32
          scf.yield %scan3A_315 : i32
        }
        %scan3A_265 = arith.constant 12 : i32
        %dma_start3A_266 = arith.constant 0 : i32
        %dma_start3A_267 = arith.constant 0 : i32
        %dma_start3A_268 = tpu.memref_slice %arg2[%dma_start3A_266, %dma_start3A_267] : memref<32768x32xf32, #tpu.memory_space<hbm>> -> memref<32768x32xf32, #tpu.memory_space<hbm>>
        tpu.enqueue_indirect_dma source(%dma_start3A_268 : memref<32768x32xf32, #tpu.memory_space<hbm>>) target(%arg23 : memref<768x32xf32, #tpu.memory_space<vmem>>) offsets(%arg14 : memref<768xi32, #tpu.memory_space<vmem>>) semaphore(%arg29 : memref<!tpu.dma_semaphore, #tpu.memory_space<semaphore_mem>>)
      } else {
      }
      %dma_wait3A_118 = arith.constant 0 : i32
      %dma_wait3A_119 = arith.constant 0 : i32
      %dma_wait3A_120 = tpu.memref_slice %arg2[%dma_wait3A_118, %dma_wait3A_119] : memref<32768x32xf32, #tpu.memory_space<hbm>> -> memref<32768x32xf32, #tpu.memory_space<hbm>>
      tpu.wait_indirect_dma semaphore(%arg28 : memref<!tpu.dma_semaphore, #tpu.memory_space<semaphore_mem>>) src(%dma_wait3A_120 : memref<32768x32xf32, #tpu.memory_space<hbm>>) dst(%arg22 : memref<768x32xf32, #tpu.memory_space<vmem>>)
      %eq3A_121 = arith.constant 218 : i32
      %eq3A_122 = arith.cmpi eq, %add3A_111, %eq3A_121 : i32
      %eq3A_123 = arith.constant 15 : i32
      %eq3A_124 = arith.cmpi eq, %arg1, %eq3A_123 : i32
      %jit3A = arith.constant 478 : i32
      %jit3A_125 = arith.constant 416 : i32
      %select_n3A = arith.select %eq3A_124, %jit3A, %jit3A_125 : i32
      %jit3A_126 = arith.constant 0 : i32
      %select_n3A_127 = arith.select %eq3A_122, %select_n3A, %jit3A_126 : i32
      %iota3A = tpu.iota {dimensions = array<i32: 0>} : vector<16xi32>
      %scan3A_128 = arith.constant 0 : i32
      %scan3A_129 = arith.constant 0 : i32
      %scan3A_130 = arith.constant 48 : i32
      %scan3A_131 = arith.addi %scan3A_129, %scan3A_130 : i32
      %scan3A_132 = arith.constant 1 : i32
      %scan3A_133 = scf.for %scan3A_257 = %scan3A_129 to %scan3A_131 step %scan3A_132 iter_args(%scan3A_258 = %scan3A_128) -> (i32)  : i32 {
        %mul3A_259 = arith.constant 16 : i32
        %mul3A_260 = arith.muli %scan3A_257, %mul3A_259 : i32
        %get3A = arith.index_cast %mul3A_260 : i32 to index
        %get3A_261 = tpu.vector_load %arg19[%get3A] {strides = array<i32>} : memref<768xf32, #tpu.memory_space<vmem>>, vector<16xf32>,
        %get3A_262 = vector.shape_cast %get3A_261 : vector<16xf32> to vector<16xf32>
        %add3A_263 = vector.broadcast %mul3A_260 : i32 to vector<16xi32>
        %add3A_264 = arith.addi %iota3A, %add3A_263 : vector<16xi32>
        %ge3A_265 = vector.broadcast %select_n3A_127 : i32 to vector<16xi32>
        %ge3A_266 = arith.cmpi sge, %add3A_264, %ge3A_265 : vector<16xi32>
        %jit3A_267 = arith.constant 0.000000e+00 : f32
        %broadcast_in_dim3A = vector.broadcast %jit3A_267 : f32 to vector<16xf32>
        %select_n3A_268 = arith.select %ge3A_266, %get3A_262, %broadcast_in_dim3A : vector<16xi1>, vector<16xf32>
        %add3A_269 = arith.constant 0 : i32
        %add3A_270 = arith.addi %mul3A_260, %add3A_269 : i32
        %slice3A = vector.extract_strided_slice %select_n3A_268 {offsets = [0], sizes = [1], strides = [1]} : vector<16xf32> to vector<1xf32>
        %squeeze3A = vector.extract %slice3A[0] : f32 from vector<1xf32>
        %get3A_271 = arith.index_cast %add3A_270 : i32 to index
        %get3A_272 = arith.constant 0 : index
        %get3A_273 = tpu.vector_load %arg22[%get3A_271, %get3A_272] {strides = array<i32>} : memref<768x32xf32, #tpu.memory_space<vmem>>, vector<1x16xf32>,
        %get3A_274 = vector.shape_cast %get3A_273 : vector<1x16xf32> to vector<16xf32>
        %mul3A_275 = vector.broadcast %squeeze3A : f32 to vector<16xf32>
        %mul3A_276 = arith.mulf %get3A_274, %mul3A_275 : vector<16xf32>
        %swap3A = arith.index_cast %add3A_270 : i32 to index
        %swap3A_277 = arith.constant 0 : index
        %swap3A_278 = tpu.vector_load %arg22[%swap3A, %swap3A_277] {strides = array<i32>} : memref<768x32xf32, #tpu.memory_space<vmem>>, vector<1x16xf32>,
        %swap3A_279 = vector.shape_cast %swap3A_278 : vector<1x16xf32> to vector<16xf32>
        %swap3A_280 = vector.shape_cast %mul3A_276 : vector<16xf32> to vector<1x16xf32>
        tpu.vector_store %arg22[%swap3A, %swap3A_277], %swap3A_280 {strides = array<i32>} : memref<768x32xf32, #tpu.memory_space<vmem>>, vector<1x16xf32>,
        %get3A_281 = arith.index_cast %add3A_270 : i32 to index
        %get3A_282 = arith.constant 16 : index
        %get3A_283 = tpu.vector_load %arg22[%get3A_281, %get3A_282] {strides = array<i32>} : memref<768x32xf32, #tpu.memory_space<vmem>>, vector<1x16xf32>,
        %get3A_284 = vector.shape_cast %get3A_283 : vector<1x16xf32> to vector<16xf32>
        %mul3A_285 = vector.broadcast %squeeze3A : f32 to vector<16xf32>
        %mul3A_286 = arith.mulf %get3A_284, %mul3A_285 : vector<16xf32>
        %swap3A_287 = arith.index_cast %add3A_270 : i32 to index
        %swap3A_288 = arith.constant 16 : index
        %swap3A_289 = tpu.vector_load %arg22[%swap3A_287, %swap3A_288] {strides = array<i32>} : memref<768x32xf32, #tpu.memory_space<vmem>>, vector<1x16xf32>,
        %swap3A_290 = vector.shape_cast %swap3A_289 : vector<1x16xf32> to vector<16xf32>
        %swap3A_291 = vector.shape_cast %mul3A_286 : vector<16xf32> to vector<1x16xf32>
        tpu.vector_store %arg22[%swap3A_287, %swap3A_288], %swap3A_291 {strides = array<i32>} : memref<768x32xf32, #tpu.memory_space<vmem>>, vector<1x16xf32>,
        %add3A_292 = arith.constant 1 : i32
        %add3A_293 = arith.addi %mul3A_260, %add3A_292 : i32
        %slice3A_294 = vector.extract_strided_slice %select_n3A_268 {offsets = [1], sizes = [1], strides = [1]} : vector<16xf32> to vector<1xf32>
        %squeeze3A_295 = vector.extract %slice3A_294[0] : f32 from vector<1xf32>
        %get3A_296 = arith.index_cast %add3A_293 : i32 to index
        %get3A_297 = arith.constant 0 : index
        %get3A_298 = tpu.vector_load %arg22[%get3A_296, %get3A_297] {strides = array<i32>} : memref<768x32xf32, #tpu.memory_space<vmem>>, vector<1x16xf32>,
        %get3A_299 = vector.shape_cast %get3A_298 : vector<1x16xf32> to vector<16xf32>
        %mul3A_300 = vector.broadcast %squeeze3A_295 : f32 to vector<16xf32>
        %mul3A_301 = arith.mulf %get3A_299, %mul3A_300 : vector<16xf32>
        %swap3A_302 = arith.index_cast %add3A_293 : i32 to index
        %swap3A_303 = arith.constant 0 : index
        %swap3A_304 = tpu.vector_load %arg22[%swap3A_302, %swap3A_303] {strides = array<i32>} : memref<768x32xf32, #tpu.memory_space<vmem>>, vector<1x16xf32>,
        %swap3A_305 = vector.shape_cast %swap3A_304 : vector<1x16xf32> to vector<16xf32>
        %swap3A_306 = vector.shape_cast %mul3A_301 : vector<16xf32> to vector<1x16xf32>
        tpu.vector_store %arg22[%swap3A_302, %swap3A_303], %swap3A_306 {strides = array<i32>} : memref<768x32xf32, #tpu.memory_space<vmem>>, vector<1x16xf32>,
        %get3A_307 = arith.index_cast %add3A_293 : i32 to index
        %get3A_308 = arith.constant 16 : index
        %get3A_309 = tpu.vector_load %arg22[%get3A_307, %get3A_308] {strides = array<i32>} : memref<768x32xf32, #tpu.memory_space<vmem>>, vector<1x16xf32>,
        %get3A_310 = vector.shape_cast %get3A_309 : vector<1x16xf32> to vector<16xf32>
        %mul3A_311 = vector.broadcast %squeeze3A_295 : f32 to vector<16xf32>
        %mul3A_312 = arith.mulf %get3A_310, %mul3A_311 : vector<16xf32>
        %swap3A_313 = arith.index_cast %add3A_293 : i32 to index
        %swap3A_314 = arith.constant 16 : index
        %swap3A_315 = tpu.vector_load %arg22[%swap3A_313, %swap3A_314] {strides = array<i32>} : memref<768x32xf32, #tpu.memory_space<vmem>>, vector<1x16xf32>,
        %swap3A_316 = vector.shape_cast %swap3A_315 : vector<1x16xf32> to vector<16xf32>
        %swap3A_317 = vector.shape_cast %mul3A_312 : vector<16xf32> to vector<1x16xf32>
        tpu.vector_store %arg22[%swap3A_313, %swap3A_314], %swap3A_317 {strides = array<i32>} : memref<768x32xf32, #tpu.memory_space<vmem>>, vector<1x16xf32>,
        %add3A_318 = arith.constant 2 : i32
        %add3A_319 = arith.addi %mul3A_260, %add3A_318 : i32
        %slice3A_320 = vector.extract_strided_slice %select_n3A_268 {offsets = [2], sizes = [1], strides = [1]} : vector<16xf32> to vector<1xf32>
        %squeeze3A_321 = vector.extract %slice3A_320[0] : f32 from vector<1xf32>
        %get3A_322 = arith.index_cast %add3A_319 : i32 to index
        %get3A_323 = arith.constant 0 : index
        %get3A_324 = tpu.vector_load %arg22[%get3A_322, %get3A_323] {strides = array<i32>} : memref<768x32xf32, #tpu.memory_space<vmem>>, vector<1x16xf32>,
        %get3A_325 = vector.shape_cast %get3A_324 : vector<1x16xf32> to vector<16xf32>
        %mul3A_326 = vector.broadcast %squeeze3A_321 : f32 to vector<16xf32>
        %mul3A_327 = arith.mulf %get3A_325, %mul3A_326 : vector<16xf32>
        %swap3A_328 = arith.index_cast %add3A_319 : i32 to index
        %swap3A_329 = arith.constant 0 : index
        %swap3A_330 = tpu.vector_load %arg22[%swap3A_328, %swap3A_329] {strides = array<i32>} : memref<768x32xf32, #tpu.memory_space<vmem>>, vector<1x16xf32>,
        %swap3A_331 = vector.shape_cast %swap3A_330 : vector<1x16xf32> to vector<16xf32>
        %swap3A_332 = vector.shape_cast %mul3A_327 : vector<16xf32> to vector<1x16xf32>
        tpu.vector_store %arg22[%swap3A_328, %swap3A_329], %swap3A_332 {strides = array<i32>} : memref<768x32xf32, #tpu.memory_space<vmem>>, vector<1x16xf32>,
        %get3A_333 = arith.index_cast %add3A_319 : i32 to index
        %get3A_334 = arith.constant 16 : index
        %get3A_335 = tpu.vector_load %arg22[%get3A_333, %get3A_334] {strides = array<i32>} : memref<768x32xf32, #tpu.memory_space<vmem>>, vector<1x16xf32>,
        %get3A_336 = vector.shape_cast %get3A_335 : vector<1x16xf32> to vector<16xf32>
        %mul3A_337 = vector.broadcast %squeeze3A_321 : f32 to vector<16xf32>
        %mul3A_338 = arith.mulf %get3A_336, %mul3A_337 : vector<16xf32>
        %swap3A_339 = arith.index_cast %add3A_319 : i32 to index
        %swap3A_340 = arith.constant 16 : index
        %swap3A_341 = tpu.vector_load %arg22[%swap3A_339, %swap3A_340] {strides = array<i32>} : memref<768x32xf32, #tpu.memory_space<vmem>>, vector<1x16xf32>,
        %swap3A_342 = vector.shape_cast %swap3A_341 : vector<1x16xf32> to vector<16xf32>
        %swap3A_343 = vector.shape_cast %mul3A_338 : vector<16xf32> to vector<1x16xf32>
        tpu.vector_store %arg22[%swap3A_339, %swap3A_340], %swap3A_343 {strides = array<i32>} : memref<768x32xf32, #tpu.memory_space<vmem>>, vector<1x16xf32>,
        %add3A_344 = arith.constant 3 : i32
        %add3A_345 = arith.addi %mul3A_260, %add3A_344 : i32
        %slice3A_346 = vector.extract_strided_slice %select_n3A_268 {offsets = [3], sizes = [1], strides = [1]} : vector<16xf32> to vector<1xf32>
        %squeeze3A_347 = vector.extract %slice3A_346[0] : f32 from vector<1xf32>
        %get3A_348 = arith.index_cast %add3A_345 : i32 to index
        %get3A_349 = arith.constant 0 : index
        %get3A_350 = tpu.vector_load %arg22[%get3A_348, %get3A_349] {strides = array<i32>} : memref<768x32xf32, #tpu.memory_space<vmem>>, vector<1x16xf32>,
        %get3A_351 = vector.shape_cast %get3A_350 : vector<1x16xf32> to vector<16xf32>
        %mul3A_352 = vector.broadcast %squeeze3A_347 : f32 to vector<16xf32>
        %mul3A_353 = arith.mulf %get3A_351, %mul3A_352 : vector<16xf32>
        %swap3A_354 = arith.index_cast %add3A_345 : i32 to index
        %swap3A_355 = arith.constant 0 : index
        %swap3A_356 = tpu.vector_load %arg22[%swap3A_354, %swap3A_355] {strides = array<i32>} : memref<768x32xf32, #tpu.memory_space<vmem>>, vector<1x16xf32>,
        %swap3A_357 = vector.shape_cast %swap3A_356 : vector<1x16xf32> to vector<16xf32>
        %swap3A_358 = vector.shape_cast %mul3A_353 : vector<16xf32> to vector<1x16xf32>
        tpu.vector_store %arg22[%swap3A_354, %swap3A_355], %swap3A_358 {strides = array<i32>} : memref<768x32xf32, #tpu.memory_space<vmem>>, vector<1x16xf32>,
        %get3A_359 = arith.index_cast %add3A_345 : i32 to index
        %get3A_360 = arith.constant 16 : index
        %get3A_361 = tpu.vector_load %arg22[%get3A_359, %get3A_360] {strides = array<i32>} : memref<768x32xf32, #tpu.memory_space<vmem>>, vector<1x16xf32>,
        %get3A_362 = vector.shape_cast %get3A_361 : vector<1x16xf32> to vector<16xf32>
        %mul3A_363 = vector.broadcast %squeeze3A_347 : f32 to vector<16xf32>
        %mul3A_364 = arith.mulf %get3A_362, %mul3A_363 : vector<16xf32>
        %swap3A_365 = arith.index_cast %add3A_345 : i32 to index
        %swap3A_366 = arith.constant 16 : index
        %swap3A_367 = tpu.vector_load %arg22[%swap3A_365, %swap3A_366] {strides = array<i32>} : memref<768x32xf32, #tpu.memory_space<vmem>>, vector<1x16xf32>,
        %swap3A_368 = vector.shape_cast %swap3A_367 : vector<1x16xf32> to vector<16xf32>
        %swap3A_369 = vector.shape_cast %mul3A_364 : vector<16xf32> to vector<1x16xf32>
        tpu.vector_store %arg22[%swap3A_365, %swap3A_366], %swap3A_369 {strides = array<i32>} : memref<768x32xf32, #tpu.memory_space<vmem>>, vector<1x16xf32>,
        %add3A_370 = arith.constant 4 : i32
        %add3A_371 = arith.addi %mul3A_260, %add3A_370 : i32
        %slice3A_372 = vector.extract_strided_slice %select_n3A_268 {offsets = [4], sizes = [1], strides = [1]} : vector<16xf32> to vector<1xf32>
        %squeeze3A_373 = vector.extract %slice3A_372[0] : f32 from vector<1xf32>
        %get3A_374 = arith.index_cast %add3A_371 : i32 to index
        %get3A_375 = arith.constant 0 : index
        %get3A_376 = tpu.vector_load %arg22[%get3A_374, %get3A_375] {strides = array<i32>} : memref<768x32xf32, #tpu.memory_space<vmem>>, vector<1x16xf32>,
        %get3A_377 = vector.shape_cast %get3A_376 : vector<1x16xf32> to vector<16xf32>
        %mul3A_378 = vector.broadcast %squeeze3A_373 : f32 to vector<16xf32>
        %mul3A_379 = arith.mulf %get3A_377, %mul3A_378 : vector<16xf32>
        %swap3A_380 = arith.index_cast %add3A_371 : i32 to index
        %swap3A_381 = arith.constant 0 : index
        %swap3A_382 = tpu.vector_load %arg22[%swap3A_380, %swap3A_381] {strides = array<i32>} : memref<768x32xf32, #tpu.memory_space<vmem>>, vector<1x16xf32>,
        %swap3A_383 = vector.shape_cast %swap3A_382 : vector<1x16xf32> to vector<16xf32>
        %swap3A_384 = vector.shape_cast %mul3A_379 : vector<16xf32> to vector<1x16xf32>
        tpu.vector_store %arg22[%swap3A_380, %swap3A_381], %swap3A_384 {strides = array<i32>} : memref<768x32xf32, #tpu.memory_space<vmem>>, vector<1x16xf32>,
        %get3A_385 = arith.index_cast %add3A_371 : i32 to index
        %get3A_386 = arith.constant 16 : index
        %get3A_387 = tpu.vector_load %arg22[%get3A_385, %get3A_386] {strides = array<i32>} : memref<768x32xf32, #tpu.memory_space<vmem>>, vector<1x16xf32>,
        %get3A_388 = vector.shape_cast %get3A_387 : vector<1x16xf32> to vector<16xf32>
        %mul3A_389 = vector.broadcast %squeeze3A_373 : f32 to vector<16xf32>
        %mul3A_390 = arith.mulf %get3A_388, %mul3A_389 : vector<16xf32>
        %swap3A_391 = arith.index_cast %add3A_371 : i32 to index
        %swap3A_392 = arith.constant 16 : index
        %swap3A_393 = tpu.vector_load %arg22[%swap3A_391, %swap3A_392] {strides = array<i32>} : memref<768x32xf32, #tpu.memory_space<vmem>>, vector<1x16xf32>,
        %swap3A_394 = vector.shape_cast %swap3A_393 : vector<1x16xf32> to vector<16xf32>
        %swap3A_395 = vector.shape_cast %mul3A_390 : vector<16xf32> to vector<1x16xf32>
        tpu.vector_store %arg22[%swap3A_391, %swap3A_392], %swap3A_395 {strides = array<i32>} : memref<768x32xf32, #tpu.memory_space<vmem>>, vector<1x16xf32>,
        %add3A_396 = arith.constant 5 : i32
        %add3A_397 = arith.addi %mul3A_260, %add3A_396 : i32
        %slice3A_398 = vector.extract_strided_slice %select_n3A_268 {offsets = [5], sizes = [1], strides = [1]} : vector<16xf32> to vector<1xf32>
        %squeeze3A_399 = vector.extract %slice3A_398[0] : f32 from vector<1xf32>
        %get3A_400 = arith.index_cast %add3A_397 : i32 to index
        %get3A_401 = arith.constant 0 : index
        %get3A_402 = tpu.vector_load %arg22[%get3A_400, %get3A_401] {strides = array<i32>} : memref<768x32xf32, #tpu.memory_space<vmem>>, vector<1x16xf32>,
        %get3A_403 = vector.shape_cast %get3A_402 : vector<1x16xf32> to vector<16xf32>
        %mul3A_404 = vector.broadcast %squeeze3A_399 : f32 to vector<16xf32>
        %mul3A_405 = arith.mulf %get3A_403, %mul3A_404 : vector<16xf32>
        %swap3A_406 = arith.index_cast %add3A_397 : i32 to index
        %swap3A_407 = arith.constant 0 : index
        %swap3A_408 = tpu.vector_load %arg22[%swap3A_406, %swap3A_407] {strides = array<i32>} : memref<768x32xf32, #tpu.memory_space<vmem>>, vector<1x16xf32>,
        %swap3A_409 = vector.shape_cast %swap3A_408 : vector<1x16xf32> to vector<16xf32>
        %swap3A_410 = vector.shape_cast %mul3A_405 : vector<16xf32> to vector<1x16xf32>
        tpu.vector_store %arg22[%swap3A_406, %swap3A_407], %swap3A_410 {strides = array<i32>} : memref<768x32xf32, #tpu.memory_space<vmem>>, vector<1x16xf32>,
        %get3A_411 = arith.index_cast %add3A_397 : i32 to index
        %get3A_412 = arith.constant 16 : index
        %get3A_413 = tpu.vector_load %arg22[%get3A_411, %get3A_412] {strides = array<i32>} : memref<768x32xf32, #tpu.memory_space<vmem>>, vector<1x16xf32>,
        %get3A_414 = vector.shape_cast %get3A_413 : vector<1x16xf32> to vector<16xf32>
        %mul3A_415 = vector.broadcast %squeeze3A_399 : f32 to vector<16xf32>
        %mul3A_416 = arith.mulf %get3A_414, %mul3A_415 : vector<16xf32>
        %swap3A_417 = arith.index_cast %add3A_397 : i32 to index
        %swap3A_418 = arith.constant 16 : index
        %swap3A_419 = tpu.vector_load %arg22[%swap3A_417, %swap3A_418] {strides = array<i32>} : memref<768x32xf32, #tpu.memory_space<vmem>>, vector<1x16xf32>,
        %swap3A_420 = vector.shape_cast %swap3A_419 : vector<1x16xf32> to vector<16xf32>
        %swap3A_421 = vector.shape_cast %mul3A_416 : vector<16xf32> to vector<1x16xf32>
        tpu.vector_store %arg22[%swap3A_417, %swap3A_418], %swap3A_421 {strides = array<i32>} : memref<768x32xf32, #tpu.memory_space<vmem>>, vector<1x16xf32>,
        %add3A_422 = arith.constant 6 : i32
        %add3A_423 = arith.addi %mul3A_260, %add3A_422 : i32
        %slice3A_424 = vector.extract_strided_slice %select_n3A_268 {offsets = [6], sizes = [1], strides = [1]} : vector<16xf32> to vector<1xf32>
        %squeeze3A_425 = vector.extract %slice3A_424[0] : f32 from vector<1xf32>
        %get3A_426 = arith.index_cast %add3A_423 : i32 to index
        %get3A_427 = arith.constant 0 : index
        %get3A_428 = tpu.vector_load %arg22[%get3A_426, %get3A_427] {strides = array<i32>} : memref<768x32xf32, #tpu.memory_space<vmem>>, vector<1x16xf32>,
        %get3A_429 = vector.shape_cast %get3A_428 : vector<1x16xf32> to vector<16xf32>
        %mul3A_430 = vector.broadcast %squeeze3A_425 : f32 to vector<16xf32>
        %mul3A_431 = arith.mulf %get3A_429, %mul3A_430 : vector<16xf32>
        %swap3A_432 = arith.index_cast %add3A_423 : i32 to index
        %swap3A_433 = arith.constant 0 : index
        %swap3A_434 = tpu.vector_load %arg22[%swap3A_432, %swap3A_433] {strides = array<i32>} : memref<768x32xf32, #tpu.memory_space<vmem>>, vector<1x16xf32>,
        %swap3A_435 = vector.shape_cast %swap3A_434 : vector<1x16xf32> to vector<16xf32>
        %swap3A_436 = vector.shape_cast %mul3A_431 : vector<16xf32> to vector<1x16xf32>
        tpu.vector_store %arg22[%swap3A_432, %swap3A_433], %swap3A_436 {strides = array<i32>} : memref<768x32xf32, #tpu.memory_space<vmem>>, vector<1x16xf32>,
        %get3A_437 = arith.index_cast %add3A_423 : i32 to index
        %get3A_438 = arith.constant 16 : index
        %get3A_439 = tpu.vector_load %arg22[%get3A_437, %get3A_438] {strides = array<i32>} : memref<768x32xf32, #tpu.memory_space<vmem>>, vector<1x16xf32>,
        %get3A_440 = vector.shape_cast %get3A_439 : vector<1x16xf32> to vector<16xf32>
        %mul3A_441 = vector.broadcast %squeeze3A_425 : f32 to vector<16xf32>
        %mul3A_442 = arith.mulf %get3A_440, %mul3A_441 : vector<16xf32>
        %swap3A_443 = arith.index_cast %add3A_423 : i32 to index
        %swap3A_444 = arith.constant 16 : index
        %swap3A_445 = tpu.vector_load %arg22[%swap3A_443, %swap3A_444] {strides = array<i32>} : memref<768x32xf32, #tpu.memory_space<vmem>>, vector<1x16xf32>,
        %swap3A_446 = vector.shape_cast %swap3A_445 : vector<1x16xf32> to vector<16xf32>
        %swap3A_447 = vector.shape_cast %mul3A_442 : vector<16xf32> to vector<1x16xf32>
        tpu.vector_store %arg22[%swap3A_443, %swap3A_444], %swap3A_447 {strides = array<i32>} : memref<768x32xf32, #tpu.memory_space<vmem>>, vector<1x16xf32>,
        %add3A_448 = arith.constant 7 : i32
        %add3A_449 = arith.addi %mul3A_260, %add3A_448 : i32
        %slice3A_450 = vector.extract_strided_slice %select_n3A_268 {offsets = [7], sizes = [1], strides = [1]} : vector<16xf32> to vector<1xf32>
        %squeeze3A_451 = vector.extract %slice3A_450[0] : f32 from vector<1xf32>
        %get3A_452 = arith.index_cast %add3A_449 : i32 to index
        %get3A_453 = arith.constant 0 : index
        %get3A_454 = tpu.vector_load %arg22[%get3A_452, %get3A_453] {strides = array<i32>} : memref<768x32xf32, #tpu.memory_space<vmem>>, vector<1x16xf32>,
        %get3A_455 = vector.shape_cast %get3A_454 : vector<1x16xf32> to vector<16xf32>
        %mul3A_456 = vector.broadcast %squeeze3A_451 : f32 to vector<16xf32>
        %mul3A_457 = arith.mulf %get3A_455, %mul3A_456 : vector<16xf32>
        %swap3A_458 = arith.index_cast %add3A_449 : i32 to index
        %swap3A_459 = arith.constant 0 : index
        %swap3A_460 = tpu.vector_load %arg22[%swap3A_458, %swap3A_459] {strides = array<i32>} : memref<768x32xf32, #tpu.memory_space<vmem>>, vector<1x16xf32>,
        %swap3A_461 = vector.shape_cast %swap3A_460 : vector<1x16xf32> to vector<16xf32>
        %swap3A_462 = vector.shape_cast %mul3A_457 : vector<16xf32> to vector<1x16xf32>
        tpu.vector_store %arg22[%swap3A_458, %swap3A_459], %swap3A_462 {strides = array<i32>} : memref<768x32xf32, #tpu.memory_space<vmem>>, vector<1x16xf32>,
        %get3A_463 = arith.index_cast %add3A_449 : i32 to index
        %get3A_464 = arith.constant 16 : index
        %get3A_465 = tpu.vector_load %arg22[%get3A_463, %get3A_464] {strides = array<i32>} : memref<768x32xf32, #tpu.memory_space<vmem>>, vector<1x16xf32>,
        %get3A_466 = vector.shape_cast %get3A_465 : vector<1x16xf32> to vector<16xf32>
        %mul3A_467 = vector.broadcast %squeeze3A_451 : f32 to vector<16xf32>
        %mul3A_468 = arith.mulf %get3A_466, %mul3A_467 : vector<16xf32>
        %swap3A_469 = arith.index_cast %add3A_449 : i32 to index
        %swap3A_470 = arith.constant 16 : index
        %swap3A_471 = tpu.vector_load %arg22[%swap3A_469, %swap3A_470] {strides = array<i32>} : memref<768x32xf32, #tpu.memory_space<vmem>>, vector<1x16xf32>,
        %swap3A_472 = vector.shape_cast %swap3A_471 : vector<1x16xf32> to vector<16xf32>
        %swap3A_473 = vector.shape_cast %mul3A_468 : vector<16xf32> to vector<1x16xf32>
        tpu.vector_store %arg22[%swap3A_469, %swap3A_470], %swap3A_473 {strides = array<i32>} : memref<768x32xf32, #tpu.memory_space<vmem>>, vector<1x16xf32>,
        %add3A_474 = arith.constant 8 : i32
        %add3A_475 = arith.addi %mul3A_260, %add3A_474 : i32
        %slice3A_476 = vector.extract_strided_slice %select_n3A_268 {offsets = [8], sizes = [1], strides = [1]} : vector<16xf32> to vector<1xf32>
        %squeeze3A_477 = vector.extract %slice3A_476[0] : f32 from vector<1xf32>
        %get3A_478 = arith.index_cast %add3A_475 : i32 to index
        %get3A_479 = arith.constant 0 : index
        %get3A_480 = tpu.vector_load %arg22[%get3A_478, %get3A_479] {strides = array<i32>} : memref<768x32xf32, #tpu.memory_space<vmem>>, vector<1x16xf32>,
        %get3A_481 = vector.shape_cast %get3A_480 : vector<1x16xf32> to vector<16xf32>
        %mul3A_482 = vector.broadcast %squeeze3A_477 : f32 to vector<16xf32>
        %mul3A_483 = arith.mulf %get3A_481, %mul3A_482 : vector<16xf32>
        %swap3A_484 = arith.index_cast %add3A_475 : i32 to index
        %swap3A_485 = arith.constant 0 : index
        %swap3A_486 = tpu.vector_load %arg22[%swap3A_484, %swap3A_485] {strides = array<i32>} : memref<768x32xf32, #tpu.memory_space<vmem>>, vector<1x16xf32>,
        %swap3A_487 = vector.shape_cast %swap3A_486 : vector<1x16xf32> to vector<16xf32>
        %swap3A_488 = vector.shape_cast %mul3A_483 : vector<16xf32> to vector<1x16xf32>
        tpu.vector_store %arg22[%swap3A_484, %swap3A_485], %swap3A_488 {strides = array<i32>} : memref<768x32xf32, #tpu.memory_space<vmem>>, vector<1x16xf32>,
        %get3A_489 = arith.index_cast %add3A_475 : i32 to index
        %get3A_490 = arith.constant 16 : index
        %get3A_491 = tpu.vector_load %arg22[%get3A_489, %get3A_490] {strides = array<i32>} : memref<768x32xf32, #tpu.memory_space<vmem>>, vector<1x16xf32>,
        %get3A_492 = vector.shape_cast %get3A_491 : vector<1x16xf32> to vector<16xf32>
        %mul3A_493 = vector.broadcast %squeeze3A_477 : f32 to vector<16xf32>
        %mul3A_494 = arith.mulf %get3A_492, %mul3A_493 : vector<16xf32>
        %swap3A_495 = arith.index_cast %add3A_475 : i32 to index
        %swap3A_496 = arith.constant 16 : index
        %swap3A_497 = tpu.vector_load %arg22[%swap3A_495, %swap3A_496] {strides = array<i32>} : memref<768x32xf32, #tpu.memory_space<vmem>>, vector<1x16xf32>,
        %swap3A_498 = vector.shape_cast %swap3A_497 : vector<1x16xf32> to vector<16xf32>
        %swap3A_499 = vector.shape_cast %mul3A_494 : vector<16xf32> to vector<1x16xf32>
        tpu.vector_store %arg22[%swap3A_495, %swap3A_496], %swap3A_499 {strides = array<i32>} : memref<768x32xf32, #tpu.memory_space<vmem>>, vector<1x16xf32>,
        %add3A_500 = arith.constant 9 : i32
        %add3A_501 = arith.addi %mul3A_260, %add3A_500 : i32
        %slice3A_502 = vector.extract_strided_slice %select_n3A_268 {offsets = [9], sizes = [1], strides = [1]} : vector<16xf32> to vector<1xf32>
        %squeeze3A_503 = vector.extract %slice3A_502[0] : f32 from vector<1xf32>
        %get3A_504 = arith.index_cast %add3A_501 : i32 to index
        %get3A_505 = arith.constant 0 : index
        %get3A_506 = tpu.vector_load %arg22[%get3A_504, %get3A_505] {strides = array<i32>} : memref<768x32xf32, #tpu.memory_space<vmem>>, vector<1x16xf32>,
        %get3A_507 = vector.shape_cast %get3A_506 : vector<1x16xf32> to vector<16xf32>
        %mul3A_508 = vector.broadcast %squeeze3A_503 : f32 to vector<16xf32>
        %mul3A_509 = arith.mulf %get3A_507, %mul3A_508 : vector<16xf32>
        %swap3A_510 = arith.index_cast %add3A_501 : i32 to index
        %swap3A_511 = arith.constant 0 : index
        %swap3A_512 = tpu.vector_load %arg22[%swap3A_510, %swap3A_511] {strides = array<i32>} : memref<768x32xf32, #tpu.memory_space<vmem>>, vector<1x16xf32>,
        %swap3A_513 = vector.shape_cast %swap3A_512 : vector<1x16xf32> to vector<16xf32>
        %swap3A_514 = vector.shape_cast %mul3A_509 : vector<16xf32> to vector<1x16xf32>
        tpu.vector_store %arg22[%swap3A_510, %swap3A_511], %swap3A_514 {strides = array<i32>} : memref<768x32xf32, #tpu.memory_space<vmem>>, vector<1x16xf32>,
        %get3A_515 = arith.index_cast %add3A_501 : i32 to index
        %get3A_516 = arith.constant 16 : index
        %get3A_517 = tpu.vector_load %arg22[%get3A_515, %get3A_516] {strides = array<i32>} : memref<768x32xf32, #tpu.memory_space<vmem>>, vector<1x16xf32>,
        %get3A_518 = vector.shape_cast %get3A_517 : vector<1x16xf32> to vector<16xf32>
        %mul3A_519 = vector.broadcast %squeeze3A_503 : f32 to vector<16xf32>
        %mul3A_520 = arith.mulf %get3A_518, %mul3A_519 : vector<16xf32>
        %swap3A_521 = arith.index_cast %add3A_501 : i32 to index
        %swap3A_522 = arith.constant 16 : index
        %swap3A_523 = tpu.vector_load %arg22[%swap3A_521, %swap3A_522] {strides = array<i32>} : memref<768x32xf32, #tpu.memory_space<vmem>>, vector<1x16xf32>,
        %swap3A_524 = vector.shape_cast %swap3A_523 : vector<1x16xf32> to vector<16xf32>
        %swap3A_525 = vector.shape_cast %mul3A_520 : vector<16xf32> to vector<1x16xf32>
        tpu.vector_store %arg22[%swap3A_521, %swap3A_522], %swap3A_525 {strides = array<i32>} : memref<768x32xf32, #tpu.memory_space<vmem>>, vector<1x16xf32>,
        %add3A_526 = arith.constant 10 : i32
        %add3A_527 = arith.addi %mul3A_260, %add3A_526 : i32
        %slice3A_528 = vector.extract_strided_slice %select_n3A_268 {offsets = [10], sizes = [1], strides = [1]} : vector<16xf32> to vector<1xf32>
        %squeeze3A_529 = vector.extract %slice3A_528[0] : f32 from vector<1xf32>
        %get3A_530 = arith.index_cast %add3A_527 : i32 to index
        %get3A_531 = arith.constant 0 : index
        %get3A_532 = tpu.vector_load %arg22[%get3A_530, %get3A_531] {strides = array<i32>} : memref<768x32xf32, #tpu.memory_space<vmem>>, vector<1x16xf32>,
        %get3A_533 = vector.shape_cast %get3A_532 : vector<1x16xf32> to vector<16xf32>
        %mul3A_534 = vector.broadcast %squeeze3A_529 : f32 to vector<16xf32>
        %mul3A_535 = arith.mulf %get3A_533, %mul3A_534 : vector<16xf32>
        %swap3A_536 = arith.index_cast %add3A_527 : i32 to index
        %swap3A_537 = arith.constant 0 : index
        %swap3A_538 = tpu.vector_load %arg22[%swap3A_536, %swap3A_537] {strides = array<i32>} : memref<768x32xf32, #tpu.memory_space<vmem>>, vector<1x16xf32>,
        %swap3A_539 = vector.shape_cast %swap3A_538 : vector<1x16xf32> to vector<16xf32>
        %swap3A_540 = vector.shape_cast %mul3A_535 : vector<16xf32> to vector<1x16xf32>
        tpu.vector_store %arg22[%swap3A_536, %swap3A_537], %swap3A_540 {strides = array<i32>} : memref<768x32xf32, #tpu.memory_space<vmem>>, vector<1x16xf32>,
        %get3A_541 = arith.index_cast %add3A_527 : i32 to index
        %get3A_542 = arith.constant 16 : index
        %get3A_543 = tpu.vector_load %arg22[%get3A_541, %get3A_542] {strides = array<i32>} : memref<768x32xf32, #tpu.memory_space<vmem>>, vector<1x16xf32>,
        %get3A_544 = vector.shape_cast %get3A_543 : vector<1x16xf32> to vector<16xf32>
        %mul3A_545 = vector.broadcast %squeeze3A_529 : f32 to vector<16xf32>
        %mul3A_546 = arith.mulf %get3A_544, %mul3A_545 : vector<16xf32>
        %swap3A_547 = arith.index_cast %add3A_527 : i32 to index
        %swap3A_548 = arith.constant 16 : index
        %swap3A_549 = tpu.vector_load %arg22[%swap3A_547, %swap3A_548] {strides = array<i32>} : memref<768x32xf32, #tpu.memory_space<vmem>>, vector<1x16xf32>,
        %swap3A_550 = vector.shape_cast %swap3A_549 : vector<1x16xf32> to vector<16xf32>
        %swap3A_551 = vector.shape_cast %mul3A_546 : vector<16xf32> to vector<1x16xf32>
        tpu.vector_store %arg22[%swap3A_547, %swap3A_548], %swap3A_551 {strides = array<i32>} : memref<768x32xf32, #tpu.memory_space<vmem>>, vector<1x16xf32>,
        %add3A_552 = arith.constant 11 : i32
        %add3A_553 = arith.addi %mul3A_260, %add3A_552 : i32
        %slice3A_554 = vector.extract_strided_slice %select_n3A_268 {offsets = [11], sizes = [1], strides = [1]} : vector<16xf32> to vector<1xf32>
        %squeeze3A_555 = vector.extract %slice3A_554[0] : f32 from vector<1xf32>
        %get3A_556 = arith.index_cast %add3A_553 : i32 to index
        %get3A_557 = arith.constant 0 : index
        %get3A_558 = tpu.vector_load %arg22[%get3A_556, %get3A_557] {strides = array<i32>} : memref<768x32xf32, #tpu.memory_space<vmem>>, vector<1x16xf32>,
        %get3A_559 = vector.shape_cast %get3A_558 : vector<1x16xf32> to vector<16xf32>
        %mul3A_560 = vector.broadcast %squeeze3A_555 : f32 to vector<16xf32>
        %mul3A_561 = arith.mulf %get3A_559, %mul3A_560 : vector<16xf32>
        %swap3A_562 = arith.index_cast %add3A_553 : i32 to index
        %swap3A_563 = arith.constant 0 : index
        %swap3A_564 = tpu.vector_load %arg22[%swap3A_562, %swap3A_563] {strides = array<i32>} : memref<768x32xf32, #tpu.memory_space<vmem>>, vector<1x16xf32>,
        %swap3A_565 = vector.shape_cast %swap3A_564 : vector<1x16xf32> to vector<16xf32>
        %swap3A_566 = vector.shape_cast %mul3A_561 : vector<16xf32> to vector<1x16xf32>
        tpu.vector_store %arg22[%swap3A_562, %swap3A_563], %swap3A_566 {strides = array<i32>} : memref<768x32xf32, #tpu.memory_space<vmem>>, vector<1x16xf32>,
        %get3A_567 = arith.index_cast %add3A_553 : i32 to index
        %get3A_568 = arith.constant 16 : index
        %get3A_569 = tpu.vector_load %arg22[%get3A_567, %get3A_568] {strides = array<i32>} : memref<768x32xf32, #tpu.memory_space<vmem>>, vector<1x16xf32>,
        %get3A_570 = vector.shape_cast %get3A_569 : vector<1x16xf32> to vector<16xf32>
        %mul3A_571 = vector.broadcast %squeeze3A_555 : f32 to vector<16xf32>
        %mul3A_572 = arith.mulf %get3A_570, %mul3A_571 : vector<16xf32>
        %swap3A_573 = arith.index_cast %add3A_553 : i32 to index
        %swap3A_574 = arith.constant 16 : index
        %swap3A_575 = tpu.vector_load %arg22[%swap3A_573, %swap3A_574] {strides = array<i32>} : memref<768x32xf32, #tpu.memory_space<vmem>>, vector<1x16xf32>,
        %swap3A_576 = vector.shape_cast %swap3A_575 : vector<1x16xf32> to vector<16xf32>
        %swap3A_577 = vector.shape_cast %mul3A_572 : vector<16xf32> to vector<1x16xf32>
        tpu.vector_store %arg22[%swap3A_573, %swap3A_574], %swap3A_577 {strides = array<i32>} : memref<768x32xf32, #tpu.memory_space<vmem>>, vector<1x16xf32>,
        %add3A_578 = arith.constant 12 : i32
        %add3A_579 = arith.addi %mul3A_260, %add3A_578 : i32
        %slice3A_580 = vector.extract_strided_slice %select_n3A_268 {offsets = [12], sizes = [1], strides = [1]} : vector<16xf32> to vector<1xf32>
        %squeeze3A_581 = vector.extract %slice3A_580[0] : f32 from vector<1xf32>
        %get3A_582 = arith.index_cast %add3A_579 : i32 to index
        %get3A_583 = arith.constant 0 : index
        %get3A_584 = tpu.vector_load %arg22[%get3A_582, %get3A_583] {strides = array<i32>} : memref<768x32xf32, #tpu.memory_space<vmem>>, vector<1x16xf32>,
        %get3A_585 = vector.shape_cast %get3A_584 : vector<1x16xf32> to vector<16xf32>
        %mul3A_586 = vector.broadcast %squeeze3A_581 : f32 to vector<16xf32>
        %mul3A_587 = arith.mulf %get3A_585, %mul3A_586 : vector<16xf32>
        %swap3A_588 = arith.index_cast %add3A_579 : i32 to index
        %swap3A_589 = arith.constant 0 : index
        %swap3A_590 = tpu.vector_load %arg22[%swap3A_588, %swap3A_589] {strides = array<i32>} : memref<768x32xf32, #tpu.memory_space<vmem>>, vector<1x16xf32>,
        %swap3A_591 = vector.shape_cast %swap3A_590 : vector<1x16xf32> to vector<16xf32>
        %swap3A_592 = vector.shape_cast %mul3A_587 : vector<16xf32> to vector<1x16xf32>
        tpu.vector_store %arg22[%swap3A_588, %swap3A_589], %swap3A_592 {strides = array<i32>} : memref<768x32xf32, #tpu.memory_space<vmem>>, vector<1x16xf32>,
        %get3A_593 = arith.index_cast %add3A_579 : i32 to index
        %get3A_594 = arith.constant 16 : index
        %get3A_595 = tpu.vector_load %arg22[%get3A_593, %get3A_594] {strides = array<i32>} : memref<768x32xf32, #tpu.memory_space<vmem>>, vector<1x16xf32>,
        %get3A_596 = vector.shape_cast %get3A_595 : vector<1x16xf32> to vector<16xf32>
        %mul3A_597 = vector.broadcast %squeeze3A_581 : f32 to vector<16xf32>
        %mul3A_598 = arith.mulf %get3A_596, %mul3A_597 : vector<16xf32>
        %swap3A_599 = arith.index_cast %add3A_579 : i32 to index
        %swap3A_600 = arith.constant 16 : index
        %swap3A_601 = tpu.vector_load %arg22[%swap3A_599, %swap3A_600] {strides = array<i32>} : memref<768x32xf32, #tpu.memory_space<vmem>>, vector<1x16xf32>,
        %swap3A_602 = vector.shape_cast %swap3A_601 : vector<1x16xf32> to vector<16xf32>
        %swap3A_603 = vector.shape_cast %mul3A_598 : vector<16xf32> to vector<1x16xf32>
        tpu.vector_store %arg22[%swap3A_599, %swap3A_600], %swap3A_603 {strides = array<i32>} : memref<768x32xf32, #tpu.memory_space<vmem>>, vector<1x16xf32>,
        %add3A_604 = arith.constant 13 : i32
        %add3A_605 = arith.addi %mul3A_260, %add3A_604 : i32
        %slice3A_606 = vector.extract_strided_slice %select_n3A_268 {offsets = [13], sizes = [1], strides = [1]} : vector<16xf32> to vector<1xf32>
        %squeeze3A_607 = vector.extract %slice3A_606[0] : f32 from vector<1xf32>
        %get3A_608 = arith.index_cast %add3A_605 : i32 to index
        %get3A_609 = arith.constant 0 : index
        %get3A_610 = tpu.vector_load %arg22[%get3A_608, %get3A_609] {strides = array<i32>} : memref<768x32xf32, #tpu.memory_space<vmem>>, vector<1x16xf32>,
        %get3A_611 = vector.shape_cast %get3A_610 : vector<1x16xf32> to vector<16xf32>
        %mul3A_612 = vector.broadcast %squeeze3A_607 : f32 to vector<16xf32>
        %mul3A_613 = arith.mulf %get3A_611, %mul3A_612 : vector<16xf32>
        %swap3A_614 = arith.index_cast %add3A_605 : i32 to index
        %swap3A_615 = arith.constant 0 : index
        %swap3A_616 = tpu.vector_load %arg22[%swap3A_614, %swap3A_615] {strides = array<i32>} : memref<768x32xf32, #tpu.memory_space<vmem>>, vector<1x16xf32>,
        %swap3A_617 = vector.shape_cast %swap3A_616 : vector<1x16xf32> to vector<16xf32>
        %swap3A_618 = vector.shape_cast %mul3A_613 : vector<16xf32> to vector<1x16xf32>
        tpu.vector_store %arg22[%swap3A_614, %swap3A_615], %swap3A_618 {strides = array<i32>} : memref<768x32xf32, #tpu.memory_space<vmem>>, vector<1x16xf32>,
        %get3A_619 = arith.index_cast %add3A_605 : i32 to index
        %get3A_620 = arith.constant 16 : index
        %get3A_621 = tpu.vector_load %arg22[%get3A_619, %get3A_620] {strides = array<i32>} : memref<768x32xf32, #tpu.memory_space<vmem>>, vector<1x16xf32>,
        %get3A_622 = vector.shape_cast %get3A_621 : vector<1x16xf32> to vector<16xf32>
        %mul3A_623 = vector.broadcast %squeeze3A_607 : f32 to vector<16xf32>
        %mul3A_624 = arith.mulf %get3A_622, %mul3A_623 : vector<16xf32>
        %swap3A_625 = arith.index_cast %add3A_605 : i32 to index
        %swap3A_626 = arith.constant 16 : index
        %swap3A_627 = tpu.vector_load %arg22[%swap3A_625, %swap3A_626] {strides = array<i32>} : memref<768x32xf32, #tpu.memory_space<vmem>>, vector<1x16xf32>,
        %swap3A_628 = vector.shape_cast %swap3A_627 : vector<1x16xf32> to vector<16xf32>
        %swap3A_629 = vector.shape_cast %mul3A_624 : vector<16xf32> to vector<1x16xf32>
        tpu.vector_store %arg22[%swap3A_625, %swap3A_626], %swap3A_629 {strides = array<i32>} : memref<768x32xf32, #tpu.memory_space<vmem>>, vector<1x16xf32>,
        %add3A_630 = arith.constant 14 : i32
        %add3A_631 = arith.addi %mul3A_260, %add3A_630 : i32
        %slice3A_632 = vector.extract_strided_slice %select_n3A_268 {offsets = [14], sizes = [1], strides = [1]} : vector<16xf32> to vector<1xf32>
        %squeeze3A_633 = vector.extract %slice3A_632[0] : f32 from vector<1xf32>
        %get3A_634 = arith.index_cast %add3A_631 : i32 to index
        %get3A_635 = arith.constant 0 : index
        %get3A_636 = tpu.vector_load %arg22[%get3A_634, %get3A_635] {strides = array<i32>} : memref<768x32xf32, #tpu.memory_space<vmem>>, vector<1x16xf32>,
        %get3A_637 = vector.shape_cast %get3A_636 : vector<1x16xf32> to vector<16xf32>
        %mul3A_638 = vector.broadcast %squeeze3A_633 : f32 to vector<16xf32>
        %mul3A_639 = arith.mulf %get3A_637, %mul3A_638 : vector<16xf32>
        %swap3A_640 = arith.index_cast %add3A_631 : i32 to index
        %swap3A_641 = arith.constant 0 : index
        %swap3A_642 = tpu.vector_load %arg22[%swap3A_640, %swap3A_641] {strides = array<i32>} : memref<768x32xf32, #tpu.memory_space<vmem>>, vector<1x16xf32>,
        %swap3A_643 = vector.shape_cast %swap3A_642 : vector<1x16xf32> to vector<16xf32>
        %swap3A_644 = vector.shape_cast %mul3A_639 : vector<16xf32> to vector<1x16xf32>
        tpu.vector_store %arg22[%swap3A_640, %swap3A_641], %swap3A_644 {strides = array<i32>} : memref<768x32xf32, #tpu.memory_space<vmem>>, vector<1x16xf32>,
        %get3A_645 = arith.index_cast %add3A_631 : i32 to index
        %get3A_646 = arith.constant 16 : index
        %get3A_647 = tpu.vector_load %arg22[%get3A_645, %get3A_646] {strides = array<i32>} : memref<768x32xf32, #tpu.memory_space<vmem>>, vector<1x16xf32>,
        %get3A_648 = vector.shape_cast %get3A_647 : vector<1x16xf32> to vector<16xf32>
        %mul3A_649 = vector.broadcast %squeeze3A_633 : f32 to vector<16xf32>
        %mul3A_650 = arith.mulf %get3A_648, %mul3A_649 : vector<16xf32>
        %swap3A_651 = arith.index_cast %add3A_631 : i32 to index
        %swap3A_652 = arith.constant 16 : index
        %swap3A_653 = tpu.vector_load %arg22[%swap3A_651, %swap3A_652] {strides = array<i32>} : memref<768x32xf32, #tpu.memory_space<vmem>>, vector<1x16xf32>,
        %swap3A_654 = vector.shape_cast %swap3A_653 : vector<1x16xf32> to vector<16xf32>
        %swap3A_655 = vector.shape_cast %mul3A_650 : vector<16xf32> to vector<1x16xf32>
        tpu.vector_store %arg22[%swap3A_651, %swap3A_652], %swap3A_655 {strides = array<i32>} : memref<768x32xf32, #tpu.memory_space<vmem>>, vector<1x16xf32>,
        %add3A_656 = arith.constant 15 : i32
        %add3A_657 = arith.addi %mul3A_260, %add3A_656 : i32
        %slice3A_658 = vector.extract_strided_slice %select_n3A_268 {offsets = [15], sizes = [1], strides = [1]} : vector<16xf32> to vector<1xf32>
        %squeeze3A_659 = vector.extract %slice3A_658[0] : f32 from vector<1xf32>
        %get3A_660 = arith.index_cast %add3A_657 : i32 to index
        %get3A_661 = arith.constant 0 : index
        %get3A_662 = tpu.vector_load %arg22[%get3A_660, %get3A_661] {strides = array<i32>} : memref<768x32xf32, #tpu.memory_space<vmem>>, vector<1x16xf32>,
        %get3A_663 = vector.shape_cast %get3A_662 : vector<1x16xf32> to vector<16xf32>
        %mul3A_664 = vector.broadcast %squeeze3A_659 : f32 to vector<16xf32>
        %mul3A_665 = arith.mulf %get3A_663, %mul3A_664 : vector<16xf32>
        %swap3A_666 = arith.index_cast %add3A_657 : i32 to index
        %swap3A_667 = arith.constant 0 : index
        %swap3A_668 = tpu.vector_load %arg22[%swap3A_666, %swap3A_667] {strides = array<i32>} : memref<768x32xf32, #tpu.memory_space<vmem>>, vector<1x16xf32>,
        %swap3A_669 = vector.shape_cast %swap3A_668 : vector<1x16xf32> to vector<16xf32>
        %swap3A_670 = vector.shape_cast %mul3A_665 : vector<16xf32> to vector<1x16xf32>
        tpu.vector_store %arg22[%swap3A_666, %swap3A_667], %swap3A_670 {strides = array<i32>} : memref<768x32xf32, #tpu.memory_space<vmem>>, vector<1x16xf32>,
        %get3A_671 = arith.index_cast %add3A_657 : i32 to index
        %get3A_672 = arith.constant 16 : index
        %get3A_673 = tpu.vector_load %arg22[%get3A_671, %get3A_672] {strides = array<i32>} : memref<768x32xf32, #tpu.memory_space<vmem>>, vector<1x16xf32>,
        %get3A_674 = vector.shape_cast %get3A_673 : vector<1x16xf32> to vector<16xf32>
        %mul3A_675 = vector.broadcast %squeeze3A_659 : f32 to vector<16xf32>
        %mul3A_676 = arith.mulf %get3A_674, %mul3A_675 : vector<16xf32>
        %swap3A_677 = arith.index_cast %add3A_657 : i32 to index
        %swap3A_678 = arith.constant 16 : index
        %swap3A_679 = tpu.vector_load %arg22[%swap3A_677, %swap3A_678] {strides = array<i32>} : memref<768x32xf32, #tpu.memory_space<vmem>>, vector<1x16xf32>,
        %swap3A_680 = vector.shape_cast %swap3A_679 : vector<1x16xf32> to vector<16xf32>
        %swap3A_681 = vector.shape_cast %mul3A_676 : vector<16xf32> to vector<1x16xf32>
        tpu.vector_store %arg22[%swap3A_677, %swap3A_678], %swap3A_681 {strides = array<i32>} : memref<768x32xf32, #tpu.memory_space<vmem>>, vector<1x16xf32>,
        %scan3A_682 = arith.constant 0 : i32
        scf.yield %scan3A_682 : i32
      }
      %scan3A_134 = arith.constant 48 : i32
      %dma_start3A_135 = arith.constant 0 : i32
      %dma_start3A_136 = arith.constant 0 : i32
      %dma_start3A_137 = tpu.memref_slice %arg12[%dma_start3A_135, %dma_start3A_136] : memref<16384x32xf32, #tpu.memory_space<vmem_shared>> -> memref<16384x32xf32, #tpu.memory_space<vmem_shared>>
      tpu.enqueue_indirect_dma source(%arg22 : memref<768x32xf32, #tpu.memory_space<vmem>>) target(%dma_start3A_137 : memref<16384x32xf32, #tpu.memory_space<vmem_shared>>) offsets(%arg16 : memref<768xi32, #tpu.memory_space<vmem>>) semaphore(%arg31 : memref<!tpu.dma_semaphore, #tpu.memory_space<semaphore_mem>>) {add = true}
      %add3A_138 = arith.constant 2 : i32
      %add3A_139 = arith.addi %add3A_111, %add3A_138 : i32
      %lt3A_140 = arith.constant 219 : i32
      %lt3A_141 = arith.cmpi slt, %add3A_139, %lt3A_140 : i32
      %ge3A = arith.constant 1 : i32
      %ge3A_142 = arith.cmpi sge, %add3A_111, %ge3A : i32
      %and3A_143 = arith.andi %lt3A_141, %ge3A_142 : i1
      %convert_element_type3A_144 = arith.extui %and3A_143 : i1 to i32
      %cond3A_145 = arith.constant 0 : i32
      %cond3A_146 = arith.cmpi ne, %convert_element_type3A_144, %cond3A_145 : i32
      scf.if %cond3A_146 {
        %dma_wait3A_257 = arith.constant 0 : i32
        %dma_wait3A_258 = arith.constant 0 : i32
        %dma_wait3A_259 = tpu.memref_slice %arg12[%dma_wait3A_257, %dma_wait3A_258] : memref<16384x32xf32, #tpu.memory_space<vmem_shared>> -> memref<16384x32xf32, #tpu.memory_space<vmem_shared>>
        tpu.wait_indirect_dma semaphore(%arg33 : memref<!tpu.dma_semaphore, #tpu.memory_space<semaphore_mem>>) src(%arg24 : memref<768x32xf32, #tpu.memory_space<vmem>>) dst(%dma_wait3A_259 : memref<16384x32xf32, #tpu.memory_space<vmem_shared>>)
      } else {
      }
      %add3A_147 = arith.constant 2 : i32
      %add3A_148 = arith.addi %add3A_111, %add3A_147 : i32
      %lt3A_149 = arith.constant 219 : i32
      %lt3A_150 = arith.cmpi slt, %add3A_148, %lt3A_149 : i32
      %convert_element_type3A_151 = arith.extui %lt3A_150 : i1 to i32
      %cond3A_152 = arith.constant 0 : i32
      %cond3A_153 = arith.cmpi ne, %convert_element_type3A_151, %cond3A_152 : i32
      scf.if %cond3A_153 {
        %add3A_257 = arith.constant 2 : i32
        %add3A_258 = arith.addi %add3A_111, %add3A_257 : i32
        %eq3A_259 = arith.constant 218 : i32
        %eq3A_260 = arith.cmpi eq, %add3A_258, %eq3A_259 : i32
        %eq3A_261 = arith.constant 15 : i32
        %eq3A_262 = arith.cmpi eq, %arg1, %eq3A_261 : i32
        %and3A_263 = arith.andi %eq3A_260, %eq3A_262 : i1
        %convert_element_type3A_264 = arith.extui %and3A_263 : i1 to i32
        %cond3A_265 = arith.constant 0 : i32
        %cond3A_266 = arith.cmpi ne, %convert_element_type3A_264, %cond3A_265 : i32
        scf.if %cond3A_266 {
          tpu.enqueue_dma source(%arg6 : memref<768xi32, #tpu.memory_space<hbm>>) target(%arg15 : memref<768xi32, #tpu.memory_space<vmem>>) target_semaphore(%arg27 : memref<!tpu.dma_semaphore, #tpu.memory_space<semaphore_mem>>)
          tpu.enqueue_dma source(%arg7 : memref<768xi32, #tpu.memory_space<hbm>>) target(%arg18 : memref<768xi32, #tpu.memory_space<vmem>>) target_semaphore(%arg27 : memref<!tpu.dma_semaphore, #tpu.memory_space<semaphore_mem>>)
          tpu.enqueue_dma source(%arg8 : memref<768xf32, #tpu.memory_space<hbm>>) target(%arg21 : memref<768xf32, #tpu.memory_space<vmem>>) target_semaphore(%arg27 : memref<!tpu.dma_semaphore, #tpu.memory_space<semaphore_mem>>)
        } else {
        }
        %not3A_267 = arith.constant true
        %not3A_268 = arith.xori %and3A_263, %not3A_267 : i1
        %convert_element_type3A_269 = arith.extui %not3A_268 : i1 to i32
        %cond3A_270 = arith.constant 0 : i32
        %cond3A_271 = arith.cmpi ne, %convert_element_type3A_269, %cond3A_270 : i32
        scf.if %cond3A_271 {
          %mul3A_272 = arith.constant 768 : i32
          %mul3A_273 = arith.muli %add3A_258, %mul3A_272 : i32
          %min3A = arith.constant 167008 : i32
          %min3A_274 = arith.minsi %mul3A_273, %min3A : i32
          %add3A_275 = arith.addi %mul3A_2, %min3A_274 : i32
          %dma_start3A_276 = tpu.memref_slice %arg3[%add3A_275] : memref<2684354xi32, #tpu.memory_space<hbm>> -> memref<768xi32, #tpu.memory_space<hbm>>
          %dma_start3A_277 = tpu.memref_slice %arg3[%add3A_275] : memref<2684354xi32, #tpu.memory_space<hbm>> -> memref<768xi32, #tpu.memory_space<hbm>>
          tpu.enqueue_dma source(%dma_start3A_277 : memref<768xi32, #tpu.memory_space<hbm>>) target(%arg15 : memref<768xi32, #tpu.memory_space<vmem>>) target_semaphore(%arg27 : memref<!tpu.dma_semaphore, #tpu.memory_space<semaphore_mem>>)
          %mul3A_278 = arith.constant 768 : i32
          %mul3A_279 = arith.muli %add3A_258, %mul3A_278 : i32
          %min3A_280 = arith.constant 167008 : i32
          %min3A_281 = arith.minsi %mul3A_279, %min3A_280 : i32
          %add3A_282 = arith.addi %mul3A_2, %min3A_281 : i32
          %dma_start3A_283 = tpu.memref_slice %arg4[%add3A_282] : memref<2684354xi32, #tpu.memory_space<hbm>> -> memref<768xi32, #tpu.memory_space<hbm>>
          %dma_start3A_284 = tpu.memref_slice %arg4[%add3A_282] : memref<2684354xi32, #tpu.memory_space<hbm>> -> memref<768xi32, #tpu.memory_space<hbm>>
          tpu.enqueue_dma source(%dma_start3A_284 : memref<768xi32, #tpu.memory_space<hbm>>) target(%arg18 : memref<768xi32, #tpu.memory_space<vmem>>) target_semaphore(%arg27 : memref<!tpu.dma_semaphore, #tpu.memory_space<semaphore_mem>>)
          %mul3A_285 = arith.constant 768 : i32
          %mul3A_286 = arith.muli %add3A_258, %mul3A_285 : i32
          %min3A_287 = arith.constant 167008 : i32
          %min3A_288 = arith.minsi %mul3A_286, %min3A_287 : i32
          %add3A_289 = arith.addi %mul3A_2, %min3A_288 : i32
          %dma_start3A_290 = tpu.memref_slice %arg5[%add3A_289] : memref<2684354xf32, #tpu.memory_space<hbm>> -> memref<768xf32, #tpu.memory_space<hbm>>
          %dma_start3A_291 = tpu.memref_slice %arg5[%add3A_289] : memref<2684354xf32, #tpu.memory_space<hbm>> -> memref<768xf32, #tpu.memory_space<hbm>>
          tpu.enqueue_dma source(%dma_start3A_291 : memref<768xf32, #tpu.memory_space<hbm>>) target(%arg21 : memref<768xf32, #tpu.memory_space<vmem>>) target_semaphore(%arg27 : memref<!tpu.dma_semaphore, #tpu.memory_space<semaphore_mem>>)
        } else {
        }
      } else {
      }
      %mul3A_154 = arith.constant 3 : i32
      %mul3A_155 = arith.muli %mul3A_154, %scan3A_106 : i32
      %add3A_156 = arith.constant 1 : i32
      %add3A_157 = arith.addi %mul3A_155, %add3A_156 : i32
      %add3A_158 = arith.constant 1 : i32
      %add3A_159 = arith.addi %add3A_157, %add3A_158 : i32
      %lt3A_160 = arith.constant 219 : i32
      %lt3A_161 = arith.cmpi slt, %add3A_159, %lt3A_160 : i32
      %convert_element_type3A_162 = arith.extui %lt3A_161 : i1 to i32
      %cond3A_163 = arith.constant 0 : i32
      %cond3A_164 = arith.cmpi ne, %convert_element_type3A_162, %cond3A_163 : i32
      scf.if %cond3A_164 {
        %add3A_257 = arith.constant 1 : i32
        %add3A_258 = arith.addi %add3A_157, %add3A_257 : i32
        tpu.wait_dma2 semaphore(%arg27 : memref<!tpu.dma_semaphore, #tpu.memory_space<semaphore_mem>>) src(%arg6 : memref<768xi32, #tpu.memory_space<hbm>>) dst(%arg15 : memref<768xi32, #tpu.memory_space<vmem>>)
        tpu.wait_dma2 semaphore(%arg27 : memref<!tpu.dma_semaphore, #tpu.memory_space<semaphore_mem>>) src(%arg7 : memref<768xi32, #tpu.memory_space<hbm>>) dst(%arg18 : memref<768xi32, #tpu.memory_space<vmem>>)
        tpu.wait_dma2 semaphore(%arg27 : memref<!tpu.dma_semaphore, #tpu.memory_space<semaphore_mem>>) src(%arg8 : memref<768xf32, #tpu.memory_space<hbm>>) dst(%arg21 : memref<768xf32, #tpu.memory_space<vmem>>)
        %scan3A_259 = arith.constant 0 : i32
        %scan3A_260 = arith.constant 0 : i32
        %scan3A_261 = arith.constant 12 : i32
        %scan3A_262 = arith.addi %scan3A_260, %scan3A_261 : i32
        %scan3A_263 = arith.constant 1 : i32
        %scan3A_264 = scf.for %scan3A_269 = %scan3A_260 to %scan3A_262 step %scan3A_263 iter_args(%scan3A_270 = %scan3A_259) -> (i32)  : i32 {
          %mul3A_271 = arith.constant 64 : i32
          %mul3A_272 = arith.muli %scan3A_269, %mul3A_271 : i32
          %add3A_273 = arith.constant 0 : i32
          %add3A_274 = arith.addi %mul3A_272, %add3A_273 : i32
          %get3A = arith.index_cast %add3A_274 : i32 to index
          %get3A_275 = tpu.vector_load %arg15[%get3A] {strides = array<i32>} : memref<768xi32, #tpu.memory_space<vmem>>, vector<16xi32>,
          %get3A_276 = vector.shape_cast %get3A_275 : vector<16xi32> to vector<16xi32>
          %add3A_277 = vector.broadcast %mul3A_4 : i32 to vector<16xi32>
          %add3A_278 = arith.addi %get3A_276, %add3A_277 : vector<16xi32>
          %swap3A = arith.index_cast %add3A_274 : i32 to index
          %swap3A_279 = tpu.vector_load %arg15[%swap3A] {strides = array<i32>} : memref<768xi32, #tpu.memory_space<vmem>>, vector<16xi32>,
          %swap3A_280 = vector.shape_cast %swap3A_279 : vector<16xi32> to vector<16xi32>
          %swap3A_281 = vector.shape_cast %add3A_278 : vector<16xi32> to vector<16xi32>
          tpu.vector_store %arg15[%swap3A], %swap3A_281 {strides = array<i32>} : memref<768xi32, #tpu.memory_space<vmem>>, vector<16xi32>,
          %add3A_282 = arith.constant 16 : i32
          %add3A_283 = arith.addi %mul3A_272, %add3A_282 : i32
          %get3A_284 = arith.index_cast %add3A_283 : i32 to index
          %get3A_285 = tpu.vector_load %arg15[%get3A_284] {strides = array<i32>} : memref<768xi32, #tpu.memory_space<vmem>>, vector<16xi32>,
          %get3A_286 = vector.shape_cast %get3A_285 : vector<16xi32> to vector<16xi32>
          %add3A_287 = vector.broadcast %mul3A_4 : i32 to vector<16xi32>
          %add3A_288 = arith.addi %get3A_286, %add3A_287 : vector<16xi32>
          %swap3A_289 = arith.index_cast %add3A_283 : i32 to index
          %swap3A_290 = tpu.vector_load %arg15[%swap3A_289] {strides = array<i32>} : memref<768xi32, #tpu.memory_space<vmem>>, vector<16xi32>,
          %swap3A_291 = vector.shape_cast %swap3A_290 : vector<16xi32> to vector<16xi32>
          %swap3A_292 = vector.shape_cast %add3A_288 : vector<16xi32> to vector<16xi32>
          tpu.vector_store %arg15[%swap3A_289], %swap3A_292 {strides = array<i32>} : memref<768xi32, #tpu.memory_space<vmem>>, vector<16xi32>,
          %add3A_293 = arith.constant 32 : i32
          %add3A_294 = arith.addi %mul3A_272, %add3A_293 : i32
          %get3A_295 = arith.index_cast %add3A_294 : i32 to index
          %get3A_296 = tpu.vector_load %arg15[%get3A_295] {strides = array<i32>} : memref<768xi32, #tpu.memory_space<vmem>>, vector<16xi32>,
          %get3A_297 = vector.shape_cast %get3A_296 : vector<16xi32> to vector<16xi32>
          %add3A_298 = vector.broadcast %mul3A_4 : i32 to vector<16xi32>
          %add3A_299 = arith.addi %get3A_297, %add3A_298 : vector<16xi32>
          %swap3A_300 = arith.index_cast %add3A_294 : i32 to index
          %swap3A_301 = tpu.vector_load %arg15[%swap3A_300] {strides = array<i32>} : memref<768xi32, #tpu.memory_space<vmem>>, vector<16xi32>,
          %swap3A_302 = vector.shape_cast %swap3A_301 : vector<16xi32> to vector<16xi32>
          %swap3A_303 = vector.shape_cast %add3A_299 : vector<16xi32> to vector<16xi32>
          tpu.vector_store %arg15[%swap3A_300], %swap3A_303 {strides = array<i32>} : memref<768xi32, #tpu.memory_space<vmem>>, vector<16xi32>,
          %add3A_304 = arith.constant 48 : i32
          %add3A_305 = arith.addi %mul3A_272, %add3A_304 : i32
          %get3A_306 = arith.index_cast %add3A_305 : i32 to index
          %get3A_307 = tpu.vector_load %arg15[%get3A_306] {strides = array<i32>} : memref<768xi32, #tpu.memory_space<vmem>>, vector<16xi32>,
          %get3A_308 = vector.shape_cast %get3A_307 : vector<16xi32> to vector<16xi32>
          %add3A_309 = vector.broadcast %mul3A_4 : i32 to vector<16xi32>
          %add3A_310 = arith.addi %get3A_308, %add3A_309 : vector<16xi32>
          %swap3A_311 = arith.index_cast %add3A_305 : i32 to index
          %swap3A_312 = tpu.vector_load %arg15[%swap3A_311] {strides = array<i32>} : memref<768xi32, #tpu.memory_space<vmem>>, vector<16xi32>,
          %swap3A_313 = vector.shape_cast %swap3A_312 : vector<16xi32> to vector<16xi32>
          %swap3A_314 = vector.shape_cast %add3A_310 : vector<16xi32> to vector<16xi32>
          tpu.vector_store %arg15[%swap3A_311], %swap3A_314 {strides = array<i32>} : memref<768xi32, #tpu.memory_space<vmem>>, vector<16xi32>,
          %scan3A_315 = arith.constant 0 : i32
          scf.yield %scan3A_315 : i32
        }
        %scan3A_265 = arith.constant 12 : i32
        %dma_start3A_266 = arith.constant 0 : i32
        %dma_start3A_267 = arith.constant 0 : i32
        %dma_start3A_268 = tpu.memref_slice %arg2[%dma_start3A_266, %dma_start3A_267] : memref<32768x32xf32, #tpu.memory_space<hbm>> -> memref<32768x32xf32, #tpu.memory_space<hbm>>
        tpu.enqueue_indirect_dma source(%dma_start3A_268 : memref<32768x32xf32, #tpu.memory_space<hbm>>) target(%arg24 : memref<768x32xf32, #tpu.memory_space<vmem>>) offsets(%arg15 : memref<768xi32, #tpu.memory_space<vmem>>) semaphore(%arg30 : memref<!tpu.dma_semaphore, #tpu.memory_space<semaphore_mem>>)
      } else {
      }
      %dma_wait3A_165 = arith.constant 0 : i32
      %dma_wait3A_166 = arith.constant 0 : i32
      %dma_wait3A_167 = tpu.memref_slice %arg2[%dma_wait3A_165, %dma_wait3A_166] : memref<32768x32xf32, #tpu.memory_space<hbm>> -> memref<32768x32xf32, #tpu.memory_space<hbm>>
      tpu.wait_indirect_dma semaphore(%arg29 : memref<!tpu.dma_semaphore, #tpu.memory_space<semaphore_mem>>) src(%dma_wait3A_167 : memref<32768x32xf32, #tpu.memory_space<hbm>>) dst(%arg23 : memref<768x32xf32, #tpu.memory_space<vmem>>)
      %eq3A_168 = arith.constant 218 : i32
      %eq3A_169 = arith.cmpi eq, %add3A_157, %eq3A_168 : i32
      %eq3A_170 = arith.constant 15 : i32
      %eq3A_171 = arith.cmpi eq, %arg1, %eq3A_170 : i32
      %jit3A_172 = arith.constant 478 : i32
      %jit3A_173 = arith.constant 416 : i32
      %select_n3A_174 = arith.select %eq3A_171, %jit3A_172, %jit3A_173 : i32
      %jit3A_175 = arith.constant 0 : i32
      %select_n3A_176 = arith.select %eq3A_169, %select_n3A_174, %jit3A_175 : i32
      %iota3A_177 = tpu.iota {dimensions = array<i32: 0>} : vector<16xi32>
      %scan3A_178 = arith.constant 0 : i32
      %scan3A_179 = arith.constant 0 : i32
      %scan3A_180 = arith.constant 48 : i32
      %scan3A_181 = arith.addi %scan3A_179, %scan3A_180 : i32
      %scan3A_182 = arith.constant 1 : i32
      %scan3A_183 = scf.for %scan3A_257 = %scan3A_179 to %scan3A_181 step %scan3A_182 iter_args(%scan3A_258 = %scan3A_178) -> (i32)  : i32 {
        %mul3A_259 = arith.constant 16 : i32
        %mul3A_260 = arith.muli %scan3A_257, %mul3A_259 : i32
        %get3A = arith.index_cast %mul3A_260 : i32 to index
        %get3A_261 = tpu.vector_load %arg20[%get3A] {strides = array<i32>} : memref<768xf32, #tpu.memory_space<vmem>>, vector<16xf32>,
        %get3A_262 = vector.shape_cast %get3A_261 : vector<16xf32> to vector<16xf32>
        %add3A_263 = vector.broadcast %mul3A_260 : i32 to vector<16xi32>
        %add3A_264 = arith.addi %iota3A_177, %add3A_263 : vector<16xi32>
        %ge3A_265 = vector.broadcast %select_n3A_176 : i32 to vector<16xi32>
        %ge3A_266 = arith.cmpi sge, %add3A_264, %ge3A_265 : vector<16xi32>
        %jit3A_267 = arith.constant 0.000000e+00 : f32
        %broadcast_in_dim3A = vector.broadcast %jit3A_267 : f32 to vector<16xf32>
        %select_n3A_268 = arith.select %ge3A_266, %get3A_262, %broadcast_in_dim3A : vector<16xi1>, vector<16xf32>
        %add3A_269 = arith.constant 0 : i32
        %add3A_270 = arith.addi %mul3A_260, %add3A_269 : i32
        %slice3A = vector.extract_strided_slice %select_n3A_268 {offsets = [0], sizes = [1], strides = [1]} : vector<16xf32> to vector<1xf32>
        %squeeze3A = vector.extract %slice3A[0] : f32 from vector<1xf32>
        %get3A_271 = arith.index_cast %add3A_270 : i32 to index
        %get3A_272 = arith.constant 0 : index
        %get3A_273 = tpu.vector_load %arg23[%get3A_271, %get3A_272] {strides = array<i32>} : memref<768x32xf32, #tpu.memory_space<vmem>>, vector<1x16xf32>,
        %get3A_274 = vector.shape_cast %get3A_273 : vector<1x16xf32> to vector<16xf32>
        %mul3A_275 = vector.broadcast %squeeze3A : f32 to vector<16xf32>
        %mul3A_276 = arith.mulf %get3A_274, %mul3A_275 : vector<16xf32>
        %swap3A = arith.index_cast %add3A_270 : i32 to index
        %swap3A_277 = arith.constant 0 : index
        %swap3A_278 = tpu.vector_load %arg23[%swap3A, %swap3A_277] {strides = array<i32>} : memref<768x32xf32, #tpu.memory_space<vmem>>, vector<1x16xf32>,
        %swap3A_279 = vector.shape_cast %swap3A_278 : vector<1x16xf32> to vector<16xf32>
        %swap3A_280 = vector.shape_cast %mul3A_276 : vector<16xf32> to vector<1x16xf32>
        tpu.vector_store %arg23[%swap3A, %swap3A_277], %swap3A_280 {strides = array<i32>} : memref<768x32xf32, #tpu.memory_space<vmem>>, vector<1x16xf32>,
        %get3A_281 = arith.index_cast %add3A_270 : i32 to index
        %get3A_282 = arith.constant 16 : index
        %get3A_283 = tpu.vector_load %arg23[%get3A_281, %get3A_282] {strides = array<i32>} : memref<768x32xf32, #tpu.memory_space<vmem>>, vector<1x16xf32>,
        %get3A_284 = vector.shape_cast %get3A_283 : vector<1x16xf32> to vector<16xf32>
        %mul3A_285 = vector.broadcast %squeeze3A : f32 to vector<16xf32>
        %mul3A_286 = arith.mulf %get3A_284, %mul3A_285 : vector<16xf32>
        %swap3A_287 = arith.index_cast %add3A_270 : i32 to index
        %swap3A_288 = arith.constant 16 : index
        %swap3A_289 = tpu.vector_load %arg23[%swap3A_287, %swap3A_288] {strides = array<i32>} : memref<768x32xf32, #tpu.memory_space<vmem>>, vector<1x16xf32>,
        %swap3A_290 = vector.shape_cast %swap3A_289 : vector<1x16xf32> to vector<16xf32>
        %swap3A_291 = vector.shape_cast %mul3A_286 : vector<16xf32> to vector<1x16xf32>
        tpu.vector_store %arg23[%swap3A_287, %swap3A_288], %swap3A_291 {strides = array<i32>} : memref<768x32xf32, #tpu.memory_space<vmem>>, vector<1x16xf32>,
        %add3A_292 = arith.constant 1 : i32
        %add3A_293 = arith.addi %mul3A_260, %add3A_292 : i32
        %slice3A_294 = vector.extract_strided_slice %select_n3A_268 {offsets = [1], sizes = [1], strides = [1]} : vector<16xf32> to vector<1xf32>
        %squeeze3A_295 = vector.extract %slice3A_294[0] : f32 from vector<1xf32>
        %get3A_296 = arith.index_cast %add3A_293 : i32 to index
        %get3A_297 = arith.constant 0 : index
        %get3A_298 = tpu.vector_load %arg23[%get3A_296, %get3A_297] {strides = array<i32>} : memref<768x32xf32, #tpu.memory_space<vmem>>, vector<1x16xf32>,
        %get3A_299 = vector.shape_cast %get3A_298 : vector<1x16xf32> to vector<16xf32>
        %mul3A_300 = vector.broadcast %squeeze3A_295 : f32 to vector<16xf32>
        %mul3A_301 = arith.mulf %get3A_299, %mul3A_300 : vector<16xf32>
        %swap3A_302 = arith.index_cast %add3A_293 : i32 to index
        %swap3A_303 = arith.constant 0 : index
        %swap3A_304 = tpu.vector_load %arg23[%swap3A_302, %swap3A_303] {strides = array<i32>} : memref<768x32xf32, #tpu.memory_space<vmem>>, vector<1x16xf32>,
        %swap3A_305 = vector.shape_cast %swap3A_304 : vector<1x16xf32> to vector<16xf32>
        %swap3A_306 = vector.shape_cast %mul3A_301 : vector<16xf32> to vector<1x16xf32>
        tpu.vector_store %arg23[%swap3A_302, %swap3A_303], %swap3A_306 {strides = array<i32>} : memref<768x32xf32, #tpu.memory_space<vmem>>, vector<1x16xf32>,
        %get3A_307 = arith.index_cast %add3A_293 : i32 to index
        %get3A_308 = arith.constant 16 : index
        %get3A_309 = tpu.vector_load %arg23[%get3A_307, %get3A_308] {strides = array<i32>} : memref<768x32xf32, #tpu.memory_space<vmem>>, vector<1x16xf32>,
        %get3A_310 = vector.shape_cast %get3A_309 : vector<1x16xf32> to vector<16xf32>
        %mul3A_311 = vector.broadcast %squeeze3A_295 : f32 to vector<16xf32>
        %mul3A_312 = arith.mulf %get3A_310, %mul3A_311 : vector<16xf32>
        %swap3A_313 = arith.index_cast %add3A_293 : i32 to index
        %swap3A_314 = arith.constant 16 : index
        %swap3A_315 = tpu.vector_load %arg23[%swap3A_313, %swap3A_314] {strides = array<i32>} : memref<768x32xf32, #tpu.memory_space<vmem>>, vector<1x16xf32>,
        %swap3A_316 = vector.shape_cast %swap3A_315 : vector<1x16xf32> to vector<16xf32>
        %swap3A_317 = vector.shape_cast %mul3A_312 : vector<16xf32> to vector<1x16xf32>
        tpu.vector_store %arg23[%swap3A_313, %swap3A_314], %swap3A_317 {strides = array<i32>} : memref<768x32xf32, #tpu.memory_space<vmem>>, vector<1x16xf32>,
        %add3A_318 = arith.constant 2 : i32
        %add3A_319 = arith.addi %mul3A_260, %add3A_318 : i32
        %slice3A_320 = vector.extract_strided_slice %select_n3A_268 {offsets = [2], sizes = [1], strides = [1]} : vector<16xf32> to vector<1xf32>
        %squeeze3A_321 = vector.extract %slice3A_320[0] : f32 from vector<1xf32>
        %get3A_322 = arith.index_cast %add3A_319 : i32 to index
        %get3A_323 = arith.constant 0 : index
        %get3A_324 = tpu.vector_load %arg23[%get3A_322, %get3A_323] {strides = array<i32>} : memref<768x32xf32, #tpu.memory_space<vmem>>, vector<1x16xf32>,
        %get3A_325 = vector.shape_cast %get3A_324 : vector<1x16xf32> to vector<16xf32>
        %mul3A_326 = vector.broadcast %squeeze3A_321 : f32 to vector<16xf32>
        %mul3A_327 = arith.mulf %get3A_325, %mul3A_326 : vector<16xf32>
        %swap3A_328 = arith.index_cast %add3A_319 : i32 to index
        %swap3A_329 = arith.constant 0 : index
        %swap3A_330 = tpu.vector_load %arg23[%swap3A_328, %swap3A_329] {strides = array<i32>} : memref<768x32xf32, #tpu.memory_space<vmem>>, vector<1x16xf32>,
        %swap3A_331 = vector.shape_cast %swap3A_330 : vector<1x16xf32> to vector<16xf32>
        %swap3A_332 = vector.shape_cast %mul3A_327 : vector<16xf32> to vector<1x16xf32>
        tpu.vector_store %arg23[%swap3A_328, %swap3A_329], %swap3A_332 {strides = array<i32>} : memref<768x32xf32, #tpu.memory_space<vmem>>, vector<1x16xf32>,
        %get3A_333 = arith.index_cast %add3A_319 : i32 to index
        %get3A_334 = arith.constant 16 : index
        %get3A_335 = tpu.vector_load %arg23[%get3A_333, %get3A_334] {strides = array<i32>} : memref<768x32xf32, #tpu.memory_space<vmem>>, vector<1x16xf32>,
        %get3A_336 = vector.shape_cast %get3A_335 : vector<1x16xf32> to vector<16xf32>
        %mul3A_337 = vector.broadcast %squeeze3A_321 : f32 to vector<16xf32>
        %mul3A_338 = arith.mulf %get3A_336, %mul3A_337 : vector<16xf32>
        %swap3A_339 = arith.index_cast %add3A_319 : i32 to index
        %swap3A_340 = arith.constant 16 : index
        %swap3A_341 = tpu.vector_load %arg23[%swap3A_339, %swap3A_340] {strides = array<i32>} : memref<768x32xf32, #tpu.memory_space<vmem>>, vector<1x16xf32>,
        %swap3A_342 = vector.shape_cast %swap3A_341 : vector<1x16xf32> to vector<16xf32>
        %swap3A_343 = vector.shape_cast %mul3A_338 : vector<16xf32> to vector<1x16xf32>
        tpu.vector_store %arg23[%swap3A_339, %swap3A_340], %swap3A_343 {strides = array<i32>} : memref<768x32xf32, #tpu.memory_space<vmem>>, vector<1x16xf32>,
        %add3A_344 = arith.constant 3 : i32
        %add3A_345 = arith.addi %mul3A_260, %add3A_344 : i32
        %slice3A_346 = vector.extract_strided_slice %select_n3A_268 {offsets = [3], sizes = [1], strides = [1]} : vector<16xf32> to vector<1xf32>
        %squeeze3A_347 = vector.extract %slice3A_346[0] : f32 from vector<1xf32>
        %get3A_348 = arith.index_cast %add3A_345 : i32 to index
        %get3A_349 = arith.constant 0 : index
        %get3A_350 = tpu.vector_load %arg23[%get3A_348, %get3A_349] {strides = array<i32>} : memref<768x32xf32, #tpu.memory_space<vmem>>, vector<1x16xf32>,
        %get3A_351 = vector.shape_cast %get3A_350 : vector<1x16xf32> to vector<16xf32>
        %mul3A_352 = vector.broadcast %squeeze3A_347 : f32 to vector<16xf32>
        %mul3A_353 = arith.mulf %get3A_351, %mul3A_352 : vector<16xf32>
        %swap3A_354 = arith.index_cast %add3A_345 : i32 to index
        %swap3A_355 = arith.constant 0 : index
        %swap3A_356 = tpu.vector_load %arg23[%swap3A_354, %swap3A_355] {strides = array<i32>} : memref<768x32xf32, #tpu.memory_space<vmem>>, vector<1x16xf32>,
        %swap3A_357 = vector.shape_cast %swap3A_356 : vector<1x16xf32> to vector<16xf32>
        %swap3A_358 = vector.shape_cast %mul3A_353 : vector<16xf32> to vector<1x16xf32>
        tpu.vector_store %arg23[%swap3A_354, %swap3A_355], %swap3A_358 {strides = array<i32>} : memref<768x32xf32, #tpu.memory_space<vmem>>, vector<1x16xf32>,
        %get3A_359 = arith.index_cast %add3A_345 : i32 to index
        %get3A_360 = arith.constant 16 : index
        %get3A_361 = tpu.vector_load %arg23[%get3A_359, %get3A_360] {strides = array<i32>} : memref<768x32xf32, #tpu.memory_space<vmem>>, vector<1x16xf32>,
        %get3A_362 = vector.shape_cast %get3A_361 : vector<1x16xf32> to vector<16xf32>
        %mul3A_363 = vector.broadcast %squeeze3A_347 : f32 to vector<16xf32>
        %mul3A_364 = arith.mulf %get3A_362, %mul3A_363 : vector<16xf32>
        %swap3A_365 = arith.index_cast %add3A_345 : i32 to index
        %swap3A_366 = arith.constant 16 : index
        %swap3A_367 = tpu.vector_load %arg23[%swap3A_365, %swap3A_366] {strides = array<i32>} : memref<768x32xf32, #tpu.memory_space<vmem>>, vector<1x16xf32>,
        %swap3A_368 = vector.shape_cast %swap3A_367 : vector<1x16xf32> to vector<16xf32>
        %swap3A_369 = vector.shape_cast %mul3A_364 : vector<16xf32> to vector<1x16xf32>
        tpu.vector_store %arg23[%swap3A_365, %swap3A_366], %swap3A_369 {strides = array<i32>} : memref<768x32xf32, #tpu.memory_space<vmem>>, vector<1x16xf32>,
        %add3A_370 = arith.constant 4 : i32
        %add3A_371 = arith.addi %mul3A_260, %add3A_370 : i32
        %slice3A_372 = vector.extract_strided_slice %select_n3A_268 {offsets = [4], sizes = [1], strides = [1]} : vector<16xf32> to vector<1xf32>
        %squeeze3A_373 = vector.extract %slice3A_372[0] : f32 from vector<1xf32>
        %get3A_374 = arith.index_cast %add3A_371 : i32 to index
        %get3A_375 = arith.constant 0 : index
        %get3A_376 = tpu.vector_load %arg23[%get3A_374, %get3A_375] {strides = array<i32>} : memref<768x32xf32, #tpu.memory_space<vmem>>, vector<1x16xf32>,
        %get3A_377 = vector.shape_cast %get3A_376 : vector<1x16xf32> to vector<16xf32>
        %mul3A_378 = vector.broadcast %squeeze3A_373 : f32 to vector<16xf32>
        %mul3A_379 = arith.mulf %get3A_377, %mul3A_378 : vector<16xf32>
        %swap3A_380 = arith.index_cast %add3A_371 : i32 to index
        %swap3A_381 = arith.constant 0 : index
        %swap3A_382 = tpu.vector_load %arg23[%swap3A_380, %swap3A_381] {strides = array<i32>} : memref<768x32xf32, #tpu.memory_space<vmem>>, vector<1x16xf32>,
        %swap3A_383 = vector.shape_cast %swap3A_382 : vector<1x16xf32> to vector<16xf32>
        %swap3A_384 = vector.shape_cast %mul3A_379 : vector<16xf32> to vector<1x16xf32>
        tpu.vector_store %arg23[%swap3A_380, %swap3A_381], %swap3A_384 {strides = array<i32>} : memref<768x32xf32, #tpu.memory_space<vmem>>, vector<1x16xf32>,
        %get3A_385 = arith.index_cast %add3A_371 : i32 to index
        %get3A_386 = arith.constant 16 : index
        %get3A_387 = tpu.vector_load %arg23[%get3A_385, %get3A_386] {strides = array<i32>} : memref<768x32xf32, #tpu.memory_space<vmem>>, vector<1x16xf32>,
        %get3A_388 = vector.shape_cast %get3A_387 : vector<1x16xf32> to vector<16xf32>
        %mul3A_389 = vector.broadcast %squeeze3A_373 : f32 to vector<16xf32>
        %mul3A_390 = arith.mulf %get3A_388, %mul3A_389 : vector<16xf32>
        %swap3A_391 = arith.index_cast %add3A_371 : i32 to index
        %swap3A_392 = arith.constant 16 : index
        %swap3A_393 = tpu.vector_load %arg23[%swap3A_391, %swap3A_392] {strides = array<i32>} : memref<768x32xf32, #tpu.memory_space<vmem>>, vector<1x16xf32>,
        %swap3A_394 = vector.shape_cast %swap3A_393 : vector<1x16xf32> to vector<16xf32>
        %swap3A_395 = vector.shape_cast %mul3A_390 : vector<16xf32> to vector<1x16xf32>
        tpu.vector_store %arg23[%swap3A_391, %swap3A_392], %swap3A_395 {strides = array<i32>} : memref<768x32xf32, #tpu.memory_space<vmem>>, vector<1x16xf32>,
        %add3A_396 = arith.constant 5 : i32
        %add3A_397 = arith.addi %mul3A_260, %add3A_396 : i32
        %slice3A_398 = vector.extract_strided_slice %select_n3A_268 {offsets = [5], sizes = [1], strides = [1]} : vector<16xf32> to vector<1xf32>
        %squeeze3A_399 = vector.extract %slice3A_398[0] : f32 from vector<1xf32>
        %get3A_400 = arith.index_cast %add3A_397 : i32 to index
        %get3A_401 = arith.constant 0 : index
        %get3A_402 = tpu.vector_load %arg23[%get3A_400, %get3A_401] {strides = array<i32>} : memref<768x32xf32, #tpu.memory_space<vmem>>, vector<1x16xf32>,
        %get3A_403 = vector.shape_cast %get3A_402 : vector<1x16xf32> to vector<16xf32>
        %mul3A_404 = vector.broadcast %squeeze3A_399 : f32 to vector<16xf32>
        %mul3A_405 = arith.mulf %get3A_403, %mul3A_404 : vector<16xf32>
        %swap3A_406 = arith.index_cast %add3A_397 : i32 to index
        %swap3A_407 = arith.constant 0 : index
        %swap3A_408 = tpu.vector_load %arg23[%swap3A_406, %swap3A_407] {strides = array<i32>} : memref<768x32xf32, #tpu.memory_space<vmem>>, vector<1x16xf32>,
        %swap3A_409 = vector.shape_cast %swap3A_408 : vector<1x16xf32> to vector<16xf32>
        %swap3A_410 = vector.shape_cast %mul3A_405 : vector<16xf32> to vector<1x16xf32>
        tpu.vector_store %arg23[%swap3A_406, %swap3A_407], %swap3A_410 {strides = array<i32>} : memref<768x32xf32, #tpu.memory_space<vmem>>, vector<1x16xf32>,
        %get3A_411 = arith.index_cast %add3A_397 : i32 to index
        %get3A_412 = arith.constant 16 : index
        %get3A_413 = tpu.vector_load %arg23[%get3A_411, %get3A_412] {strides = array<i32>} : memref<768x32xf32, #tpu.memory_space<vmem>>, vector<1x16xf32>,
        %get3A_414 = vector.shape_cast %get3A_413 : vector<1x16xf32> to vector<16xf32>
        %mul3A_415 = vector.broadcast %squeeze3A_399 : f32 to vector<16xf32>
        %mul3A_416 = arith.mulf %get3A_414, %mul3A_415 : vector<16xf32>
        %swap3A_417 = arith.index_cast %add3A_397 : i32 to index
        %swap3A_418 = arith.constant 16 : index
        %swap3A_419 = tpu.vector_load %arg23[%swap3A_417, %swap3A_418] {strides = array<i32>} : memref<768x32xf32, #tpu.memory_space<vmem>>, vector<1x16xf32>,
        %swap3A_420 = vector.shape_cast %swap3A_419 : vector<1x16xf32> to vector<16xf32>
        %swap3A_421 = vector.shape_cast %mul3A_416 : vector<16xf32> to vector<1x16xf32>
        tpu.vector_store %arg23[%swap3A_417, %swap3A_418], %swap3A_421 {strides = array<i32>} : memref<768x32xf32, #tpu.memory_space<vmem>>, vector<1x16xf32>,
        %add3A_422 = arith.constant 6 : i32
        %add3A_423 = arith.addi %mul3A_260, %add3A_422 : i32
        %slice3A_424 = vector.extract_strided_slice %select_n3A_268 {offsets = [6], sizes = [1], strides = [1]} : vector<16xf32> to vector<1xf32>
        %squeeze3A_425 = vector.extract %slice3A_424[0] : f32 from vector<1xf32>
        %get3A_426 = arith.index_cast %add3A_423 : i32 to index
        %get3A_427 = arith.constant 0 : index
        %get3A_428 = tpu.vector_load %arg23[%get3A_426, %get3A_427] {strides = array<i32>} : memref<768x32xf32, #tpu.memory_space<vmem>>, vector<1x16xf32>,
        %get3A_429 = vector.shape_cast %get3A_428 : vector<1x16xf32> to vector<16xf32>
        %mul3A_430 = vector.broadcast %squeeze3A_425 : f32 to vector<16xf32>
        %mul3A_431 = arith.mulf %get3A_429, %mul3A_430 : vector<16xf32>
        %swap3A_432 = arith.index_cast %add3A_423 : i32 to index
        %swap3A_433 = arith.constant 0 : index
        %swap3A_434 = tpu.vector_load %arg23[%swap3A_432, %swap3A_433] {strides = array<i32>} : memref<768x32xf32, #tpu.memory_space<vmem>>, vector<1x16xf32>,
        %swap3A_435 = vector.shape_cast %swap3A_434 : vector<1x16xf32> to vector<16xf32>
        %swap3A_436 = vector.shape_cast %mul3A_431 : vector<16xf32> to vector<1x16xf32>
        tpu.vector_store %arg23[%swap3A_432, %swap3A_433], %swap3A_436 {strides = array<i32>} : memref<768x32xf32, #tpu.memory_space<vmem>>, vector<1x16xf32>,
        %get3A_437 = arith.index_cast %add3A_423 : i32 to index
        %get3A_438 = arith.constant 16 : index
        %get3A_439 = tpu.vector_load %arg23[%get3A_437, %get3A_438] {strides = array<i32>} : memref<768x32xf32, #tpu.memory_space<vmem>>, vector<1x16xf32>,
        %get3A_440 = vector.shape_cast %get3A_439 : vector<1x16xf32> to vector<16xf32>
        %mul3A_441 = vector.broadcast %squeeze3A_425 : f32 to vector<16xf32>
        %mul3A_442 = arith.mulf %get3A_440, %mul3A_441 : vector<16xf32>
        %swap3A_443 = arith.index_cast %add3A_423 : i32 to index
        %swap3A_444 = arith.constant 16 : index
        %swap3A_445 = tpu.vector_load %arg23[%swap3A_443, %swap3A_444] {strides = array<i32>} : memref<768x32xf32, #tpu.memory_space<vmem>>, vector<1x16xf32>,
        %swap3A_446 = vector.shape_cast %swap3A_445 : vector<1x16xf32> to vector<16xf32>
        %swap3A_447 = vector.shape_cast %mul3A_442 : vector<16xf32> to vector<1x16xf32>
        tpu.vector_store %arg23[%swap3A_443, %swap3A_444], %swap3A_447 {strides = array<i32>} : memref<768x32xf32, #tpu.memory_space<vmem>>, vector<1x16xf32>,
        %add3A_448 = arith.constant 7 : i32
        %add3A_449 = arith.addi %mul3A_260, %add3A_448 : i32
        %slice3A_450 = vector.extract_strided_slice %select_n3A_268 {offsets = [7], sizes = [1], strides = [1]} : vector<16xf32> to vector<1xf32>
        %squeeze3A_451 = vector.extract %slice3A_450[0] : f32 from vector<1xf32>
        %get3A_452 = arith.index_cast %add3A_449 : i32 to index
        %get3A_453 = arith.constant 0 : index
        %get3A_454 = tpu.vector_load %arg23[%get3A_452, %get3A_453] {strides = array<i32>} : memref<768x32xf32, #tpu.memory_space<vmem>>, vector<1x16xf32>,
        %get3A_455 = vector.shape_cast %get3A_454 : vector<1x16xf32> to vector<16xf32>
        %mul3A_456 = vector.broadcast %squeeze3A_451 : f32 to vector<16xf32>
        %mul3A_457 = arith.mulf %get3A_455, %mul3A_456 : vector<16xf32>
        %swap3A_458 = arith.index_cast %add3A_449 : i32 to index
        %swap3A_459 = arith.constant 0 : index
        %swap3A_460 = tpu.vector_load %arg23[%swap3A_458, %swap3A_459] {strides = array<i32>} : memref<768x32xf32, #tpu.memory_space<vmem>>, vector<1x16xf32>,
        %swap3A_461 = vector.shape_cast %swap3A_460 : vector<1x16xf32> to vector<16xf32>
        %swap3A_462 = vector.shape_cast %mul3A_457 : vector<16xf32> to vector<1x16xf32>
        tpu.vector_store %arg23[%swap3A_458, %swap3A_459], %swap3A_462 {strides = array<i32>} : memref<768x32xf32, #tpu.memory_space<vmem>>, vector<1x16xf32>,
        %get3A_463 = arith.index_cast %add3A_449 : i32 to index
        %get3A_464 = arith.constant 16 : index
        %get3A_465 = tpu.vector_load %arg23[%get3A_463, %get3A_464] {strides = array<i32>} : memref<768x32xf32, #tpu.memory_space<vmem>>, vector<1x16xf32>,
        %get3A_466 = vector.shape_cast %get3A_465 : vector<1x16xf32> to vector<16xf32>
        %mul3A_467 = vector.broadcast %squeeze3A_451 : f32 to vector<16xf32>
        %mul3A_468 = arith.mulf %get3A_466, %mul3A_467 : vector<16xf32>
        %swap3A_469 = arith.index_cast %add3A_449 : i32 to index
        %swap3A_470 = arith.constant 16 : index
        %swap3A_471 = tpu.vector_load %arg23[%swap3A_469, %swap3A_470] {strides = array<i32>} : memref<768x32xf32, #tpu.memory_space<vmem>>, vector<1x16xf32>,
        %swap3A_472 = vector.shape_cast %swap3A_471 : vector<1x16xf32> to vector<16xf32>
        %swap3A_473 = vector.shape_cast %mul3A_468 : vector<16xf32> to vector<1x16xf32>
        tpu.vector_store %arg23[%swap3A_469, %swap3A_470], %swap3A_473 {strides = array<i32>} : memref<768x32xf32, #tpu.memory_space<vmem>>, vector<1x16xf32>,
        %add3A_474 = arith.constant 8 : i32
        %add3A_475 = arith.addi %mul3A_260, %add3A_474 : i32
        %slice3A_476 = vector.extract_strided_slice %select_n3A_268 {offsets = [8], sizes = [1], strides = [1]} : vector<16xf32> to vector<1xf32>
        %squeeze3A_477 = vector.extract %slice3A_476[0] : f32 from vector<1xf32>
        %get3A_478 = arith.index_cast %add3A_475 : i32 to index
        %get3A_479 = arith.constant 0 : index
        %get3A_480 = tpu.vector_load %arg23[%get3A_478, %get3A_479] {strides = array<i32>} : memref<768x32xf32, #tpu.memory_space<vmem>>, vector<1x16xf32>,
        %get3A_481 = vector.shape_cast %get3A_480 : vector<1x16xf32> to vector<16xf32>
        %mul3A_482 = vector.broadcast %squeeze3A_477 : f32 to vector<16xf32>
        %mul3A_483 = arith.mulf %get3A_481, %mul3A_482 : vector<16xf32>
        %swap3A_484 = arith.index_cast %add3A_475 : i32 to index
        %swap3A_485 = arith.constant 0 : index
        %swap3A_486 = tpu.vector_load %arg23[%swap3A_484, %swap3A_485] {strides = array<i32>} : memref<768x32xf32, #tpu.memory_space<vmem>>, vector<1x16xf32>,
        %swap3A_487 = vector.shape_cast %swap3A_486 : vector<1x16xf32> to vector<16xf32>
        %swap3A_488 = vector.shape_cast %mul3A_483 : vector<16xf32> to vector<1x16xf32>
        tpu.vector_store %arg23[%swap3A_484, %swap3A_485], %swap3A_488 {strides = array<i32>} : memref<768x32xf32, #tpu.memory_space<vmem>>, vector<1x16xf32>,
        %get3A_489 = arith.index_cast %add3A_475 : i32 to index
        %get3A_490 = arith.constant 16 : index
        %get3A_491 = tpu.vector_load %arg23[%get3A_489, %get3A_490] {strides = array<i32>} : memref<768x32xf32, #tpu.memory_space<vmem>>, vector<1x16xf32>,
        %get3A_492 = vector.shape_cast %get3A_491 : vector<1x16xf32> to vector<16xf32>
        %mul3A_493 = vector.broadcast %squeeze3A_477 : f32 to vector<16xf32>
        %mul3A_494 = arith.mulf %get3A_492, %mul3A_493 : vector<16xf32>
        %swap3A_495 = arith.index_cast %add3A_475 : i32 to index
        %swap3A_496 = arith.constant 16 : index
        %swap3A_497 = tpu.vector_load %arg23[%swap3A_495, %swap3A_496] {strides = array<i32>} : memref<768x32xf32, #tpu.memory_space<vmem>>, vector<1x16xf32>,
        %swap3A_498 = vector.shape_cast %swap3A_497 : vector<1x16xf32> to vector<16xf32>
        %swap3A_499 = vector.shape_cast %mul3A_494 : vector<16xf32> to vector<1x16xf32>
        tpu.vector_store %arg23[%swap3A_495, %swap3A_496], %swap3A_499 {strides = array<i32>} : memref<768x32xf32, #tpu.memory_space<vmem>>, vector<1x16xf32>,
        %add3A_500 = arith.constant 9 : i32
        %add3A_501 = arith.addi %mul3A_260, %add3A_500 : i32
        %slice3A_502 = vector.extract_strided_slice %select_n3A_268 {offsets = [9], sizes = [1], strides = [1]} : vector<16xf32> to vector<1xf32>
        %squeeze3A_503 = vector.extract %slice3A_502[0] : f32 from vector<1xf32>
        %get3A_504 = arith.index_cast %add3A_501 : i32 to index
        %get3A_505 = arith.constant 0 : index
        %get3A_506 = tpu.vector_load %arg23[%get3A_504, %get3A_505] {strides = array<i32>} : memref<768x32xf32, #tpu.memory_space<vmem>>, vector<1x16xf32>,
        %get3A_507 = vector.shape_cast %get3A_506 : vector<1x16xf32> to vector<16xf32>
        %mul3A_508 = vector.broadcast %squeeze3A_503 : f32 to vector<16xf32>
        %mul3A_509 = arith.mulf %get3A_507, %mul3A_508 : vector<16xf32>
        %swap3A_510 = arith.index_cast %add3A_501 : i32 to index
        %swap3A_511 = arith.constant 0 : index
        %swap3A_512 = tpu.vector_load %arg23[%swap3A_510, %swap3A_511] {strides = array<i32>} : memref<768x32xf32, #tpu.memory_space<vmem>>, vector<1x16xf32>,
        %swap3A_513 = vector.shape_cast %swap3A_512 : vector<1x16xf32> to vector<16xf32>
        %swap3A_514 = vector.shape_cast %mul3A_509 : vector<16xf32> to vector<1x16xf32>
        tpu.vector_store %arg23[%swap3A_510, %swap3A_511], %swap3A_514 {strides = array<i32>} : memref<768x32xf32, #tpu.memory_space<vmem>>, vector<1x16xf32>,
        %get3A_515 = arith.index_cast %add3A_501 : i32 to index
        %get3A_516 = arith.constant 16 : index
        %get3A_517 = tpu.vector_load %arg23[%get3A_515, %get3A_516] {strides = array<i32>} : memref<768x32xf32, #tpu.memory_space<vmem>>, vector<1x16xf32>,
        %get3A_518 = vector.shape_cast %get3A_517 : vector<1x16xf32> to vector<16xf32>
        %mul3A_519 = vector.broadcast %squeeze3A_503 : f32 to vector<16xf32>
        %mul3A_520 = arith.mulf %get3A_518, %mul3A_519 : vector<16xf32>
        %swap3A_521 = arith.index_cast %add3A_501 : i32 to index
        %swap3A_522 = arith.constant 16 : index
        %swap3A_523 = tpu.vector_load %arg23[%swap3A_521, %swap3A_522] {strides = array<i32>} : memref<768x32xf32, #tpu.memory_space<vmem>>, vector<1x16xf32>,
        %swap3A_524 = vector.shape_cast %swap3A_523 : vector<1x16xf32> to vector<16xf32>
        %swap3A_525 = vector.shape_cast %mul3A_520 : vector<16xf32> to vector<1x16xf32>
        tpu.vector_store %arg23[%swap3A_521, %swap3A_522], %swap3A_525 {strides = array<i32>} : memref<768x32xf32, #tpu.memory_space<vmem>>, vector<1x16xf32>,
        %add3A_526 = arith.constant 10 : i32
        %add3A_527 = arith.addi %mul3A_260, %add3A_526 : i32
        %slice3A_528 = vector.extract_strided_slice %select_n3A_268 {offsets = [10], sizes = [1], strides = [1]} : vector<16xf32> to vector<1xf32>
        %squeeze3A_529 = vector.extract %slice3A_528[0] : f32 from vector<1xf32>
        %get3A_530 = arith.index_cast %add3A_527 : i32 to index
        %get3A_531 = arith.constant 0 : index
        %get3A_532 = tpu.vector_load %arg23[%get3A_530, %get3A_531] {strides = array<i32>} : memref<768x32xf32, #tpu.memory_space<vmem>>, vector<1x16xf32>,
        %get3A_533 = vector.shape_cast %get3A_532 : vector<1x16xf32> to vector<16xf32>
        %mul3A_534 = vector.broadcast %squeeze3A_529 : f32 to vector<16xf32>
        %mul3A_535 = arith.mulf %get3A_533, %mul3A_534 : vector<16xf32>
        %swap3A_536 = arith.index_cast %add3A_527 : i32 to index
        %swap3A_537 = arith.constant 0 : index
        %swap3A_538 = tpu.vector_load %arg23[%swap3A_536, %swap3A_537] {strides = array<i32>} : memref<768x32xf32, #tpu.memory_space<vmem>>, vector<1x16xf32>,
        %swap3A_539 = vector.shape_cast %swap3A_538 : vector<1x16xf32> to vector<16xf32>
        %swap3A_540 = vector.shape_cast %mul3A_535 : vector<16xf32> to vector<1x16xf32>
        tpu.vector_store %arg23[%swap3A_536, %swap3A_537], %swap3A_540 {strides = array<i32>} : memref<768x32xf32, #tpu.memory_space<vmem>>, vector<1x16xf32>,
        %get3A_541 = arith.index_cast %add3A_527 : i32 to index
        %get3A_542 = arith.constant 16 : index
        %get3A_543 = tpu.vector_load %arg23[%get3A_541, %get3A_542] {strides = array<i32>} : memref<768x32xf32, #tpu.memory_space<vmem>>, vector<1x16xf32>,
        %get3A_544 = vector.shape_cast %get3A_543 : vector<1x16xf32> to vector<16xf32>
        %mul3A_545 = vector.broadcast %squeeze3A_529 : f32 to vector<16xf32>
        %mul3A_546 = arith.mulf %get3A_544, %mul3A_545 : vector<16xf32>
        %swap3A_547 = arith.index_cast %add3A_527 : i32 to index
        %swap3A_548 = arith.constant 16 : index
        %swap3A_549 = tpu.vector_load %arg23[%swap3A_547, %swap3A_548] {strides = array<i32>} : memref<768x32xf32, #tpu.memory_space<vmem>>, vector<1x16xf32>,
        %swap3A_550 = vector.shape_cast %swap3A_549 : vector<1x16xf32> to vector<16xf32>
        %swap3A_551 = vector.shape_cast %mul3A_546 : vector<16xf32> to vector<1x16xf32>
        tpu.vector_store %arg23[%swap3A_547, %swap3A_548], %swap3A_551 {strides = array<i32>} : memref<768x32xf32, #tpu.memory_space<vmem>>, vector<1x16xf32>,
        %add3A_552 = arith.constant 11 : i32
        %add3A_553 = arith.addi %mul3A_260, %add3A_552 : i32
        %slice3A_554 = vector.extract_strided_slice %select_n3A_268 {offsets = [11], sizes = [1], strides = [1]} : vector<16xf32> to vector<1xf32>
        %squeeze3A_555 = vector.extract %slice3A_554[0] : f32 from vector<1xf32>
        %get3A_556 = arith.index_cast %add3A_553 : i32 to index
        %get3A_557 = arith.constant 0 : index
        %get3A_558 = tpu.vector_load %arg23[%get3A_556, %get3A_557] {strides = array<i32>} : memref<768x32xf32, #tpu.memory_space<vmem>>, vector<1x16xf32>,
        %get3A_559 = vector.shape_cast %get3A_558 : vector<1x16xf32> to vector<16xf32>
        %mul3A_560 = vector.broadcast %squeeze3A_555 : f32 to vector<16xf32>
        %mul3A_561 = arith.mulf %get3A_559, %mul3A_560 : vector<16xf32>
        %swap3A_562 = arith.index_cast %add3A_553 : i32 to index
        %swap3A_563 = arith.constant 0 : index
        %swap3A_564 = tpu.vector_load %arg23[%swap3A_562, %swap3A_563] {strides = array<i32>} : memref<768x32xf32, #tpu.memory_space<vmem>>, vector<1x16xf32>,
        %swap3A_565 = vector.shape_cast %swap3A_564 : vector<1x16xf32> to vector<16xf32>
        %swap3A_566 = vector.shape_cast %mul3A_561 : vector<16xf32> to vector<1x16xf32>
        tpu.vector_store %arg23[%swap3A_562, %swap3A_563], %swap3A_566 {strides = array<i32>} : memref<768x32xf32, #tpu.memory_space<vmem>>, vector<1x16xf32>,
        %get3A_567 = arith.index_cast %add3A_553 : i32 to index
        %get3A_568 = arith.constant 16 : index
        %get3A_569 = tpu.vector_load %arg23[%get3A_567, %get3A_568] {strides = array<i32>} : memref<768x32xf32, #tpu.memory_space<vmem>>, vector<1x16xf32>,
        %get3A_570 = vector.shape_cast %get3A_569 : vector<1x16xf32> to vector<16xf32>
        %mul3A_571 = vector.broadcast %squeeze3A_555 : f32 to vector<16xf32>
        %mul3A_572 = arith.mulf %get3A_570, %mul3A_571 : vector<16xf32>
        %swap3A_573 = arith.index_cast %add3A_553 : i32 to index
        %swap3A_574 = arith.constant 16 : index
        %swap3A_575 = tpu.vector_load %arg23[%swap3A_573, %swap3A_574] {strides = array<i32>} : memref<768x32xf32, #tpu.memory_space<vmem>>, vector<1x16xf32>,
        %swap3A_576 = vector.shape_cast %swap3A_575 : vector<1x16xf32> to vector<16xf32>
        %swap3A_577 = vector.shape_cast %mul3A_572 : vector<16xf32> to vector<1x16xf32>
        tpu.vector_store %arg23[%swap3A_573, %swap3A_574], %swap3A_577 {strides = array<i32>} : memref<768x32xf32, #tpu.memory_space<vmem>>, vector<1x16xf32>,
        %add3A_578 = arith.constant 12 : i32
        %add3A_579 = arith.addi %mul3A_260, %add3A_578 : i32
        %slice3A_580 = vector.extract_strided_slice %select_n3A_268 {offsets = [12], sizes = [1], strides = [1]} : vector<16xf32> to vector<1xf32>
        %squeeze3A_581 = vector.extract %slice3A_580[0] : f32 from vector<1xf32>
        %get3A_582 = arith.index_cast %add3A_579 : i32 to index
        %get3A_583 = arith.constant 0 : index
        %get3A_584 = tpu.vector_load %arg23[%get3A_582, %get3A_583] {strides = array<i32>} : memref<768x32xf32, #tpu.memory_space<vmem>>, vector<1x16xf32>,
        %get3A_585 = vector.shape_cast %get3A_584 : vector<1x16xf32> to vector<16xf32>
        %mul3A_586 = vector.broadcast %squeeze3A_581 : f32 to vector<16xf32>
        %mul3A_587 = arith.mulf %get3A_585, %mul3A_586 : vector<16xf32>
        %swap3A_588 = arith.index_cast %add3A_579 : i32 to index
        %swap3A_589 = arith.constant 0 : index
        %swap3A_590 = tpu.vector_load %arg23[%swap3A_588, %swap3A_589] {strides = array<i32>} : memref<768x32xf32, #tpu.memory_space<vmem>>, vector<1x16xf32>,
        %swap3A_591 = vector.shape_cast %swap3A_590 : vector<1x16xf32> to vector<16xf32>
        %swap3A_592 = vector.shape_cast %mul3A_587 : vector<16xf32> to vector<1x16xf32>
        tpu.vector_store %arg23[%swap3A_588, %swap3A_589], %swap3A_592 {strides = array<i32>} : memref<768x32xf32, #tpu.memory_space<vmem>>, vector<1x16xf32>,
        %get3A_593 = arith.index_cast %add3A_579 : i32 to index
        %get3A_594 = arith.constant 16 : index
        %get3A_595 = tpu.vector_load %arg23[%get3A_593, %get3A_594] {strides = array<i32>} : memref<768x32xf32, #tpu.memory_space<vmem>>, vector<1x16xf32>,
        %get3A_596 = vector.shape_cast %get3A_595 : vector<1x16xf32> to vector<16xf32>
        %mul3A_597 = vector.broadcast %squeeze3A_581 : f32 to vector<16xf32>
        %mul3A_598 = arith.mulf %get3A_596, %mul3A_597 : vector<16xf32>
        %swap3A_599 = arith.index_cast %add3A_579 : i32 to index
        %swap3A_600 = arith.constant 16 : index
        %swap3A_601 = tpu.vector_load %arg23[%swap3A_599, %swap3A_600] {strides = array<i32>} : memref<768x32xf32, #tpu.memory_space<vmem>>, vector<1x16xf32>,
        %swap3A_602 = vector.shape_cast %swap3A_601 : vector<1x16xf32> to vector<16xf32>
        %swap3A_603 = vector.shape_cast %mul3A_598 : vector<16xf32> to vector<1x16xf32>
        tpu.vector_store %arg23[%swap3A_599, %swap3A_600], %swap3A_603 {strides = array<i32>} : memref<768x32xf32, #tpu.memory_space<vmem>>, vector<1x16xf32>,
        %add3A_604 = arith.constant 13 : i32
        %add3A_605 = arith.addi %mul3A_260, %add3A_604 : i32
        %slice3A_606 = vector.extract_strided_slice %select_n3A_268 {offsets = [13], sizes = [1], strides = [1]} : vector<16xf32> to vector<1xf32>
        %squeeze3A_607 = vector.extract %slice3A_606[0] : f32 from vector<1xf32>
        %get3A_608 = arith.index_cast %add3A_605 : i32 to index
        %get3A_609 = arith.constant 0 : index
        %get3A_610 = tpu.vector_load %arg23[%get3A_608, %get3A_609] {strides = array<i32>} : memref<768x32xf32, #tpu.memory_space<vmem>>, vector<1x16xf32>,
        %get3A_611 = vector.shape_cast %get3A_610 : vector<1x16xf32> to vector<16xf32>
        %mul3A_612 = vector.broadcast %squeeze3A_607 : f32 to vector<16xf32>
        %mul3A_613 = arith.mulf %get3A_611, %mul3A_612 : vector<16xf32>
        %swap3A_614 = arith.index_cast %add3A_605 : i32 to index
        %swap3A_615 = arith.constant 0 : index
        %swap3A_616 = tpu.vector_load %arg23[%swap3A_614, %swap3A_615] {strides = array<i32>} : memref<768x32xf32, #tpu.memory_space<vmem>>, vector<1x16xf32>,
        %swap3A_617 = vector.shape_cast %swap3A_616 : vector<1x16xf32> to vector<16xf32>
        %swap3A_618 = vector.shape_cast %mul3A_613 : vector<16xf32> to vector<1x16xf32>
        tpu.vector_store %arg23[%swap3A_614, %swap3A_615], %swap3A_618 {strides = array<i32>} : memref<768x32xf32, #tpu.memory_space<vmem>>, vector<1x16xf32>,
        %get3A_619 = arith.index_cast %add3A_605 : i32 to index
        %get3A_620 = arith.constant 16 : index
        %get3A_621 = tpu.vector_load %arg23[%get3A_619, %get3A_620] {strides = array<i32>} : memref<768x32xf32, #tpu.memory_space<vmem>>, vector<1x16xf32>,
        %get3A_622 = vector.shape_cast %get3A_621 : vector<1x16xf32> to vector<16xf32>
        %mul3A_623 = vector.broadcast %squeeze3A_607 : f32 to vector<16xf32>
        %mul3A_624 = arith.mulf %get3A_622, %mul3A_623 : vector<16xf32>
        %swap3A_625 = arith.index_cast %add3A_605 : i32 to index
        %swap3A_626 = arith.constant 16 : index
        %swap3A_627 = tpu.vector_load %arg23[%swap3A_625, %swap3A_626] {strides = array<i32>} : memref<768x32xf32, #tpu.memory_space<vmem>>, vector<1x16xf32>,
        %swap3A_628 = vector.shape_cast %swap3A_627 : vector<1x16xf32> to vector<16xf32>
        %swap3A_629 = vector.shape_cast %mul3A_624 : vector<16xf32> to vector<1x16xf32>
        tpu.vector_store %arg23[%swap3A_625, %swap3A_626], %swap3A_629 {strides = array<i32>} : memref<768x32xf32, #tpu.memory_space<vmem>>, vector<1x16xf32>,
        %add3A_630 = arith.constant 14 : i32
        %add3A_631 = arith.addi %mul3A_260, %add3A_630 : i32
        %slice3A_632 = vector.extract_strided_slice %select_n3A_268 {offsets = [14], sizes = [1], strides = [1]} : vector<16xf32> to vector<1xf32>
        %squeeze3A_633 = vector.extract %slice3A_632[0] : f32 from vector<1xf32>
        %get3A_634 = arith.index_cast %add3A_631 : i32 to index
        %get3A_635 = arith.constant 0 : index
        %get3A_636 = tpu.vector_load %arg23[%get3A_634, %get3A_635] {strides = array<i32>} : memref<768x32xf32, #tpu.memory_space<vmem>>, vector<1x16xf32>,
        %get3A_637 = vector.shape_cast %get3A_636 : vector<1x16xf32> to vector<16xf32>
        %mul3A_638 = vector.broadcast %squeeze3A_633 : f32 to vector<16xf32>
        %mul3A_639 = arith.mulf %get3A_637, %mul3A_638 : vector<16xf32>
        %swap3A_640 = arith.index_cast %add3A_631 : i32 to index
        %swap3A_641 = arith.constant 0 : index
        %swap3A_642 = tpu.vector_load %arg23[%swap3A_640, %swap3A_641] {strides = array<i32>} : memref<768x32xf32, #tpu.memory_space<vmem>>, vector<1x16xf32>,
        %swap3A_643 = vector.shape_cast %swap3A_642 : vector<1x16xf32> to vector<16xf32>
        %swap3A_644 = vector.shape_cast %mul3A_639 : vector<16xf32> to vector<1x16xf32>
        tpu.vector_store %arg23[%swap3A_640, %swap3A_641], %swap3A_644 {strides = array<i32>} : memref<768x32xf32, #tpu.memory_space<vmem>>, vector<1x16xf32>,
        %get3A_645 = arith.index_cast %add3A_631 : i32 to index
        %get3A_646 = arith.constant 16 : index
        %get3A_647 = tpu.vector_load %arg23[%get3A_645, %get3A_646] {strides = array<i32>} : memref<768x32xf32, #tpu.memory_space<vmem>>, vector<1x16xf32>,
        %get3A_648 = vector.shape_cast %get3A_647 : vector<1x16xf32> to vector<16xf32>
        %mul3A_649 = vector.broadcast %squeeze3A_633 : f32 to vector<16xf32>
        %mul3A_650 = arith.mulf %get3A_648, %mul3A_649 : vector<16xf32>
        %swap3A_651 = arith.index_cast %add3A_631 : i32 to index
        %swap3A_652 = arith.constant 16 : index
        %swap3A_653 = tpu.vector_load %arg23[%swap3A_651, %swap3A_652] {strides = array<i32>} : memref<768x32xf32, #tpu.memory_space<vmem>>, vector<1x16xf32>,
        %swap3A_654 = vector.shape_cast %swap3A_653 : vector<1x16xf32> to vector<16xf32>
        %swap3A_655 = vector.shape_cast %mul3A_650 : vector<16xf32> to vector<1x16xf32>
        tpu.vector_store %arg23[%swap3A_651, %swap3A_652], %swap3A_655 {strides = array<i32>} : memref<768x32xf32, #tpu.memory_space<vmem>>, vector<1x16xf32>,
        %add3A_656 = arith.constant 15 : i32
        %add3A_657 = arith.addi %mul3A_260, %add3A_656 : i32
        %slice3A_658 = vector.extract_strided_slice %select_n3A_268 {offsets = [15], sizes = [1], strides = [1]} : vector<16xf32> to vector<1xf32>
        %squeeze3A_659 = vector.extract %slice3A_658[0] : f32 from vector<1xf32>
        %get3A_660 = arith.index_cast %add3A_657 : i32 to index
        %get3A_661 = arith.constant 0 : index
        %get3A_662 = tpu.vector_load %arg23[%get3A_660, %get3A_661] {strides = array<i32>} : memref<768x32xf32, #tpu.memory_space<vmem>>, vector<1x16xf32>,
        %get3A_663 = vector.shape_cast %get3A_662 : vector<1x16xf32> to vector<16xf32>
        %mul3A_664 = vector.broadcast %squeeze3A_659 : f32 to vector<16xf32>
        %mul3A_665 = arith.mulf %get3A_663, %mul3A_664 : vector<16xf32>
        %swap3A_666 = arith.index_cast %add3A_657 : i32 to index
        %swap3A_667 = arith.constant 0 : index
        %swap3A_668 = tpu.vector_load %arg23[%swap3A_666, %swap3A_667] {strides = array<i32>} : memref<768x32xf32, #tpu.memory_space<vmem>>, vector<1x16xf32>,
        %swap3A_669 = vector.shape_cast %swap3A_668 : vector<1x16xf32> to vector<16xf32>
        %swap3A_670 = vector.shape_cast %mul3A_665 : vector<16xf32> to vector<1x16xf32>
        tpu.vector_store %arg23[%swap3A_666, %swap3A_667], %swap3A_670 {strides = array<i32>} : memref<768x32xf32, #tpu.memory_space<vmem>>, vector<1x16xf32>,
        %get3A_671 = arith.index_cast %add3A_657 : i32 to index
        %get3A_672 = arith.constant 16 : index
        %get3A_673 = tpu.vector_load %arg23[%get3A_671, %get3A_672] {strides = array<i32>} : memref<768x32xf32, #tpu.memory_space<vmem>>, vector<1x16xf32>,
        %get3A_674 = vector.shape_cast %get3A_673 : vector<1x16xf32> to vector<16xf32>
        %mul3A_675 = vector.broadcast %squeeze3A_659 : f32 to vector<16xf32>
        %mul3A_676 = arith.mulf %get3A_674, %mul3A_675 : vector<16xf32>
        %swap3A_677 = arith.index_cast %add3A_657 : i32 to index
        %swap3A_678 = arith.constant 16 : index
        %swap3A_679 = tpu.vector_load %arg23[%swap3A_677, %swap3A_678] {strides = array<i32>} : memref<768x32xf32, #tpu.memory_space<vmem>>, vector<1x16xf32>,
        %swap3A_680 = vector.shape_cast %swap3A_679 : vector<1x16xf32> to vector<16xf32>
        %swap3A_681 = vector.shape_cast %mul3A_676 : vector<16xf32> to vector<1x16xf32>
        tpu.vector_store %arg23[%swap3A_677, %swap3A_678], %swap3A_681 {strides = array<i32>} : memref<768x32xf32, #tpu.memory_space<vmem>>, vector<1x16xf32>,
        %scan3A_682 = arith.constant 0 : i32
        scf.yield %scan3A_682 : i32
      }
      %scan3A_184 = arith.constant 48 : i32
      %dma_start3A_185 = arith.constant 0 : i32
      %dma_start3A_186 = arith.constant 0 : i32
      %dma_start3A_187 = tpu.memref_slice %arg12[%dma_start3A_185, %dma_start3A_186] : memref<16384x32xf32, #tpu.memory_space<vmem_shared>> -> memref<16384x32xf32, #tpu.memory_space<vmem_shared>>
      tpu.enqueue_indirect_dma source(%arg23 : memref<768x32xf32, #tpu.memory_space<vmem>>) target(%dma_start3A_187 : memref<16384x32xf32, #tpu.memory_space<vmem_shared>>) offsets(%arg17 : memref<768xi32, #tpu.memory_space<vmem>>) semaphore(%arg32 : memref<!tpu.dma_semaphore, #tpu.memory_space<semaphore_mem>>) {add = true}
      %add3A_188 = arith.constant 2 : i32
      %add3A_189 = arith.addi %add3A_157, %add3A_188 : i32
      %lt3A_190 = arith.constant 219 : i32
      %lt3A_191 = arith.cmpi slt, %add3A_189, %lt3A_190 : i32
      %ge3A_192 = arith.constant 1 : i32
      %ge3A_193 = arith.cmpi sge, %add3A_157, %ge3A_192 : i32
      %and3A_194 = arith.andi %lt3A_191, %ge3A_193 : i1
      %convert_element_type3A_195 = arith.extui %and3A_194 : i1 to i32
      %cond3A_196 = arith.constant 0 : i32
      %cond3A_197 = arith.cmpi ne, %convert_element_type3A_195, %cond3A_196 : i32
      scf.if %cond3A_197 {
        %dma_wait3A_257 = arith.constant 0 : i32
        %dma_wait3A_258 = arith.constant 0 : i32
        %dma_wait3A_259 = tpu.memref_slice %arg12[%dma_wait3A_257, %dma_wait3A_258] : memref<16384x32xf32, #tpu.memory_space<vmem_shared>> -> memref<16384x32xf32, #tpu.memory_space<vmem_shared>>
        tpu.wait_indirect_dma semaphore(%arg31 : memref<!tpu.dma_semaphore, #tpu.memory_space<semaphore_mem>>) src(%arg22 : memref<768x32xf32, #tpu.memory_space<vmem>>) dst(%dma_wait3A_259 : memref<16384x32xf32, #tpu.memory_space<vmem_shared>>)
      } else {
      }
      %add3A_198 = arith.constant 2 : i32
      %add3A_199 = arith.addi %add3A_157, %add3A_198 : i32
      %lt3A_200 = arith.constant 219 : i32
      %lt3A_201 = arith.cmpi slt, %add3A_199, %lt3A_200 : i32
      %convert_element_type3A_202 = arith.extui %lt3A_201 : i1 to i32
      %cond3A_203 = arith.constant 0 : i32
      %cond3A_204 = arith.cmpi ne, %convert_element_type3A_202, %cond3A_203 : i32
      scf.if %cond3A_204 {
        %add3A_257 = arith.constant 2 : i32
        %add3A_258 = arith.addi %add3A_157, %add3A_257 : i32
        %eq3A_259 = arith.constant 218 : i32
        %eq3A_260 = arith.cmpi eq, %add3A_258, %eq3A_259 : i32
        %eq3A_261 = arith.constant 15 : i32
        %eq3A_262 = arith.cmpi eq, %arg1, %eq3A_261 : i32
        %and3A_263 = arith.andi %eq3A_260, %eq3A_262 : i1
        %convert_element_type3A_264 = arith.extui %and3A_263 : i1 to i32
        %cond3A_265 = arith.constant 0 : i32
        %cond3A_266 = arith.cmpi ne, %convert_element_type3A_264, %cond3A_265 : i32
        scf.if %cond3A_266 {
          tpu.enqueue_dma source(%arg6 : memref<768xi32, #tpu.memory_space<hbm>>) target(%arg13 : memref<768xi32, #tpu.memory_space<vmem>>) target_semaphore(%arg25 : memref<!tpu.dma_semaphore, #tpu.memory_space<semaphore_mem>>)
          tpu.enqueue_dma source(%arg7 : memref<768xi32, #tpu.memory_space<hbm>>) target(%arg16 : memref<768xi32, #tpu.memory_space<vmem>>) target_semaphore(%arg25 : memref<!tpu.dma_semaphore, #tpu.memory_space<semaphore_mem>>)
          tpu.enqueue_dma source(%arg8 : memref<768xf32, #tpu.memory_space<hbm>>) target(%arg19 : memref<768xf32, #tpu.memory_space<vmem>>) target_semaphore(%arg25 : memref<!tpu.dma_semaphore, #tpu.memory_space<semaphore_mem>>)
        } else {
        }
        %not3A_267 = arith.constant true
        %not3A_268 = arith.xori %and3A_263, %not3A_267 : i1
        %convert_element_type3A_269 = arith.extui %not3A_268 : i1 to i32
        %cond3A_270 = arith.constant 0 : i32
        %cond3A_271 = arith.cmpi ne, %convert_element_type3A_269, %cond3A_270 : i32
        scf.if %cond3A_271 {
          %mul3A_272 = arith.constant 768 : i32
          %mul3A_273 = arith.muli %add3A_258, %mul3A_272 : i32
          %min3A = arith.constant 167008 : i32
          %min3A_274 = arith.minsi %mul3A_273, %min3A : i32
          %add3A_275 = arith.addi %mul3A_2, %min3A_274 : i32
          %dma_start3A_276 = tpu.memref_slice %arg3[%add3A_275] : memref<2684354xi32, #tpu.memory_space<hbm>> -> memref<768xi32, #tpu.memory_space<hbm>>
          %dma_start3A_277 = tpu.memref_slice %arg3[%add3A_275] : memref<2684354xi32, #tpu.memory_space<hbm>> -> memref<768xi32, #tpu.memory_space<hbm>>
          tpu.enqueue_dma source(%dma_start3A_277 : memref<768xi32, #tpu.memory_space<hbm>>) target(%arg13 : memref<768xi32, #tpu.memory_space<vmem>>) target_semaphore(%arg25 : memref<!tpu.dma_semaphore, #tpu.memory_space<semaphore_mem>>)
          %mul3A_278 = arith.constant 768 : i32
          %mul3A_279 = arith.muli %add3A_258, %mul3A_278 : i32
          %min3A_280 = arith.constant 167008 : i32
          %min3A_281 = arith.minsi %mul3A_279, %min3A_280 : i32
          %add3A_282 = arith.addi %mul3A_2, %min3A_281 : i32
          %dma_start3A_283 = tpu.memref_slice %arg4[%add3A_282] : memref<2684354xi32, #tpu.memory_space<hbm>> -> memref<768xi32, #tpu.memory_space<hbm>>
          %dma_start3A_284 = tpu.memref_slice %arg4[%add3A_282] : memref<2684354xi32, #tpu.memory_space<hbm>> -> memref<768xi32, #tpu.memory_space<hbm>>
          tpu.enqueue_dma source(%dma_start3A_284 : memref<768xi32, #tpu.memory_space<hbm>>) target(%arg16 : memref<768xi32, #tpu.memory_space<vmem>>) target_semaphore(%arg25 : memref<!tpu.dma_semaphore, #tpu.memory_space<semaphore_mem>>)
          %mul3A_285 = arith.constant 768 : i32
          %mul3A_286 = arith.muli %add3A_258, %mul3A_285 : i32
          %min3A_287 = arith.constant 167008 : i32
          %min3A_288 = arith.minsi %mul3A_286, %min3A_287 : i32
          %add3A_289 = arith.addi %mul3A_2, %min3A_288 : i32
          %dma_start3A_290 = tpu.memref_slice %arg5[%add3A_289] : memref<2684354xf32, #tpu.memory_space<hbm>> -> memref<768xf32, #tpu.memory_space<hbm>>
          %dma_start3A_291 = tpu.memref_slice %arg5[%add3A_289] : memref<2684354xf32, #tpu.memory_space<hbm>> -> memref<768xf32, #tpu.memory_space<hbm>>
          tpu.enqueue_dma source(%dma_start3A_291 : memref<768xf32, #tpu.memory_space<hbm>>) target(%arg19 : memref<768xf32, #tpu.memory_space<vmem>>) target_semaphore(%arg25 : memref<!tpu.dma_semaphore, #tpu.memory_space<semaphore_mem>>)
        } else {
        }
      } else {
      }
      %mul3A_205 = arith.constant 3 : i32
      %mul3A_206 = arith.muli %mul3A_205, %scan3A_106 : i32
      %add3A_207 = arith.constant 2 : i32
      %add3A_208 = arith.addi %mul3A_206, %add3A_207 : i32
      %add3A_209 = arith.constant 1 : i32
      %add3A_210 = arith.addi %add3A_208, %add3A_209 : i32
      %lt3A_211 = arith.constant 219 : i32
      %lt3A_212 = arith.cmpi slt, %add3A_210, %lt3A_211 : i32
      %convert_element_type3A_213 = arith.extui %lt3A_212 : i1 to i32
      %cond3A_214 = arith.constant 0 : i32
      %cond3A_215 = arith.cmpi ne, %convert_element_type3A_213, %cond3A_214 : i32
      scf.if %cond3A_215 {
        %add3A_257 = arith.constant 1 : i32
        %add3A_258 = arith.addi %add3A_208, %add3A_257 : i32
        tpu.wait_dma2 semaphore(%arg25 : memref<!tpu.dma_semaphore, #tpu.memory_space<semaphore_mem>>) src(%arg6 : memref<768xi32, #tpu.memory_space<hbm>>) dst(%arg13 : memref<768xi32, #tpu.memory_space<vmem>>)
        tpu.wait_dma2 semaphore(%arg25 : memref<!tpu.dma_semaphore, #tpu.memory_space<semaphore_mem>>) src(%arg7 : memref<768xi32, #tpu.memory_space<hbm>>) dst(%arg16 : memref<768xi32, #tpu.memory_space<vmem>>)
        tpu.wait_dma2 semaphore(%arg25 : memref<!tpu.dma_semaphore, #tpu.memory_space<semaphore_mem>>) src(%arg8 : memref<768xf32, #tpu.memory_space<hbm>>) dst(%arg19 : memref<768xf32, #tpu.memory_space<vmem>>)
        %scan3A_259 = arith.constant 0 : i32
        %scan3A_260 = arith.constant 0 : i32
        %scan3A_261 = arith.constant 12 : i32
        %scan3A_262 = arith.addi %scan3A_260, %scan3A_261 : i32
        %scan3A_263 = arith.constant 1 : i32
        %scan3A_264 = scf.for %scan3A_269 = %scan3A_260 to %scan3A_262 step %scan3A_263 iter_args(%scan3A_270 = %scan3A_259) -> (i32)  : i32 {
          %mul3A_271 = arith.constant 64 : i32
          %mul3A_272 = arith.muli %scan3A_269, %mul3A_271 : i32
          %add3A_273 = arith.constant 0 : i32
          %add3A_274 = arith.addi %mul3A_272, %add3A_273 : i32
          %get3A = arith.index_cast %add3A_274 : i32 to index
          %get3A_275 = tpu.vector_load %arg13[%get3A] {strides = array<i32>} : memref<768xi32, #tpu.memory_space<vmem>>, vector<16xi32>,
          %get3A_276 = vector.shape_cast %get3A_275 : vector<16xi32> to vector<16xi32>
          %add3A_277 = vector.broadcast %mul3A_4 : i32 to vector<16xi32>
          %add3A_278 = arith.addi %get3A_276, %add3A_277 : vector<16xi32>
          %swap3A = arith.index_cast %add3A_274 : i32 to index
          %swap3A_279 = tpu.vector_load %arg13[%swap3A] {strides = array<i32>} : memref<768xi32, #tpu.memory_space<vmem>>, vector<16xi32>,
          %swap3A_280 = vector.shape_cast %swap3A_279 : vector<16xi32> to vector<16xi32>
          %swap3A_281 = vector.shape_cast %add3A_278 : vector<16xi32> to vector<16xi32>
          tpu.vector_store %arg13[%swap3A], %swap3A_281 {strides = array<i32>} : memref<768xi32, #tpu.memory_space<vmem>>, vector<16xi32>,
          %add3A_282 = arith.constant 16 : i32
          %add3A_283 = arith.addi %mul3A_272, %add3A_282 : i32
          %get3A_284 = arith.index_cast %add3A_283 : i32 to index
          %get3A_285 = tpu.vector_load %arg13[%get3A_284] {strides = array<i32>} : memref<768xi32, #tpu.memory_space<vmem>>, vector<16xi32>,
          %get3A_286 = vector.shape_cast %get3A_285 : vector<16xi32> to vector<16xi32>
          %add3A_287 = vector.broadcast %mul3A_4 : i32 to vector<16xi32>
          %add3A_288 = arith.addi %get3A_286, %add3A_287 : vector<16xi32>
          %swap3A_289 = arith.index_cast %add3A_283 : i32 to index
          %swap3A_290 = tpu.vector_load %arg13[%swap3A_289] {strides = array<i32>} : memref<768xi32, #tpu.memory_space<vmem>>, vector<16xi32>,
          %swap3A_291 = vector.shape_cast %swap3A_290 : vector<16xi32> to vector<16xi32>
          %swap3A_292 = vector.shape_cast %add3A_288 : vector<16xi32> to vector<16xi32>
          tpu.vector_store %arg13[%swap3A_289], %swap3A_292 {strides = array<i32>} : memref<768xi32, #tpu.memory_space<vmem>>, vector<16xi32>,
          %add3A_293 = arith.constant 32 : i32
          %add3A_294 = arith.addi %mul3A_272, %add3A_293 : i32
          %get3A_295 = arith.index_cast %add3A_294 : i32 to index
          %get3A_296 = tpu.vector_load %arg13[%get3A_295] {strides = array<i32>} : memref<768xi32, #tpu.memory_space<vmem>>, vector<16xi32>,
          %get3A_297 = vector.shape_cast %get3A_296 : vector<16xi32> to vector<16xi32>
          %add3A_298 = vector.broadcast %mul3A_4 : i32 to vector<16xi32>
          %add3A_299 = arith.addi %get3A_297, %add3A_298 : vector<16xi32>
          %swap3A_300 = arith.index_cast %add3A_294 : i32 to index
          %swap3A_301 = tpu.vector_load %arg13[%swap3A_300] {strides = array<i32>} : memref<768xi32, #tpu.memory_space<vmem>>, vector<16xi32>,
          %swap3A_302 = vector.shape_cast %swap3A_301 : vector<16xi32> to vector<16xi32>
          %swap3A_303 = vector.shape_cast %add3A_299 : vector<16xi32> to vector<16xi32>
          tpu.vector_store %arg13[%swap3A_300], %swap3A_303 {strides = array<i32>} : memref<768xi32, #tpu.memory_space<vmem>>, vector<16xi32>,
          %add3A_304 = arith.constant 48 : i32
          %add3A_305 = arith.addi %mul3A_272, %add3A_304 : i32
          %get3A_306 = arith.index_cast %add3A_305 : i32 to index
          %get3A_307 = tpu.vector_load %arg13[%get3A_306] {strides = array<i32>} : memref<768xi32, #tpu.memory_space<vmem>>, vector<16xi32>,
          %get3A_308 = vector.shape_cast %get3A_307 : vector<16xi32> to vector<16xi32>
          %add3A_309 = vector.broadcast %mul3A_4 : i32 to vector<16xi32>
          %add3A_310 = arith.addi %get3A_308, %add3A_309 : vector<16xi32>
          %swap3A_311 = arith.index_cast %add3A_305 : i32 to index
          %swap3A_312 = tpu.vector_load %arg13[%swap3A_311] {strides = array<i32>} : memref<768xi32, #tpu.memory_space<vmem>>, vector<16xi32>,
          %swap3A_313 = vector.shape_cast %swap3A_312 : vector<16xi32> to vector<16xi32>
          %swap3A_314 = vector.shape_cast %add3A_310 : vector<16xi32> to vector<16xi32>
          tpu.vector_store %arg13[%swap3A_311], %swap3A_314 {strides = array<i32>} : memref<768xi32, #tpu.memory_space<vmem>>, vector<16xi32>,
          %scan3A_315 = arith.constant 0 : i32
          scf.yield %scan3A_315 : i32
        }
        %scan3A_265 = arith.constant 12 : i32
        %dma_start3A_266 = arith.constant 0 : i32
        %dma_start3A_267 = arith.constant 0 : i32
        %dma_start3A_268 = tpu.memref_slice %arg2[%dma_start3A_266, %dma_start3A_267] : memref<32768x32xf32, #tpu.memory_space<hbm>> -> memref<32768x32xf32, #tpu.memory_space<hbm>>
        tpu.enqueue_indirect_dma source(%dma_start3A_268 : memref<32768x32xf32, #tpu.memory_space<hbm>>) target(%arg22 : memref<768x32xf32, #tpu.memory_space<vmem>>) offsets(%arg13 : memref<768xi32, #tpu.memory_space<vmem>>) semaphore(%arg28 : memref<!tpu.dma_semaphore, #tpu.memory_space<semaphore_mem>>)
      } else {
      }
      %dma_wait3A_216 = arith.constant 0 : i32
      %dma_wait3A_217 = arith.constant 0 : i32
      %dma_wait3A_218 = tpu.memref_slice %arg2[%dma_wait3A_216, %dma_wait3A_217] : memref<32768x32xf32, #tpu.memory_space<hbm>> -> memref<32768x32xf32, #tpu.memory_space<hbm>>
      tpu.wait_indirect_dma semaphore(%arg30 : memref<!tpu.dma_semaphore, #tpu.memory_space<semaphore_mem>>) src(%dma_wait3A_218 : memref<32768x32xf32, #tpu.memory_space<hbm>>) dst(%arg24 : memref<768x32xf32, #tpu.memory_space<vmem>>)
      %eq3A_219 = arith.constant 218 : i32
      %eq3A_220 = arith.cmpi eq, %add3A_208, %eq3A_219 : i32
      %eq3A_221 = arith.constant 15 : i32
      %eq3A_222 = arith.cmpi eq, %arg1, %eq3A_221 : i32
      %jit3A_223 = arith.constant 478 : i32
      %jit3A_224 = arith.constant 416 : i32
      %select_n3A_225 = arith.select %eq3A_222, %jit3A_223, %jit3A_224 : i32
      %jit3A_226 = arith.constant 0 : i32
      %select_n3A_227 = arith.select %eq3A_220, %select_n3A_225, %jit3A_226 : i32
      %iota3A_228 = tpu.iota {dimensions = array<i32: 0>} : vector<16xi32>
      %scan3A_229 = arith.constant 0 : i32
      %scan3A_230 = arith.constant 0 : i32
      %scan3A_231 = arith.constant 48 : i32
      %scan3A_232 = arith.addi %scan3A_230, %scan3A_231 : i32
      %scan3A_233 = arith.constant 1 : i32
      %scan3A_234 = scf.for %scan3A_257 = %scan3A_230 to %scan3A_232 step %scan3A_233 iter_args(%scan3A_258 = %scan3A_229) -> (i32)  : i32 {
        %mul3A_259 = arith.constant 16 : i32
        %mul3A_260 = arith.muli %scan3A_257, %mul3A_259 : i32
        %get3A = arith.index_cast %mul3A_260 : i32 to index
        %get3A_261 = tpu.vector_load %arg21[%get3A] {strides = array<i32>} : memref<768xf32, #tpu.memory_space<vmem>>, vector<16xf32>,
        %get3A_262 = vector.shape_cast %get3A_261 : vector<16xf32> to vector<16xf32>
        %add3A_263 = vector.broadcast %mul3A_260 : i32 to vector<16xi32>
        %add3A_264 = arith.addi %iota3A_228, %add3A_263 : vector<16xi32>
        %ge3A_265 = vector.broadcast %select_n3A_227 : i32 to vector<16xi32>
        %ge3A_266 = arith.cmpi sge, %add3A_264, %ge3A_265 : vector<16xi32>
        %jit3A_267 = arith.constant 0.000000e+00 : f32
        %broadcast_in_dim3A = vector.broadcast %jit3A_267 : f32 to vector<16xf32>
        %select_n3A_268 = arith.select %ge3A_266, %get3A_262, %broadcast_in_dim3A : vector<16xi1>, vector<16xf32>
        %add3A_269 = arith.constant 0 : i32
        %add3A_270 = arith.addi %mul3A_260, %add3A_269 : i32
        %slice3A = vector.extract_strided_slice %select_n3A_268 {offsets = [0], sizes = [1], strides = [1]} : vector<16xf32> to vector<1xf32>
        %squeeze3A = vector.extract %slice3A[0] : f32 from vector<1xf32>
        %get3A_271 = arith.index_cast %add3A_270 : i32 to index
        %get3A_272 = arith.constant 0 : index
        %get3A_273 = tpu.vector_load %arg24[%get3A_271, %get3A_272] {strides = array<i32>} : memref<768x32xf32, #tpu.memory_space<vmem>>, vector<1x16xf32>,
        %get3A_274 = vector.shape_cast %get3A_273 : vector<1x16xf32> to vector<16xf32>
        %mul3A_275 = vector.broadcast %squeeze3A : f32 to vector<16xf32>
        %mul3A_276 = arith.mulf %get3A_274, %mul3A_275 : vector<16xf32>
        %swap3A = arith.index_cast %add3A_270 : i32 to index
        %swap3A_277 = arith.constant 0 : index
        %swap3A_278 = tpu.vector_load %arg24[%swap3A, %swap3A_277] {strides = array<i32>} : memref<768x32xf32, #tpu.memory_space<vmem>>, vector<1x16xf32>,
        %swap3A_279 = vector.shape_cast %swap3A_278 : vector<1x16xf32> to vector<16xf32>
        %swap3A_280 = vector.shape_cast %mul3A_276 : vector<16xf32> to vector<1x16xf32>
        tpu.vector_store %arg24[%swap3A, %swap3A_277], %swap3A_280 {strides = array<i32>} : memref<768x32xf32, #tpu.memory_space<vmem>>, vector<1x16xf32>,
        %get3A_281 = arith.index_cast %add3A_270 : i32 to index
        %get3A_282 = arith.constant 16 : index
        %get3A_283 = tpu.vector_load %arg24[%get3A_281, %get3A_282] {strides = array<i32>} : memref<768x32xf32, #tpu.memory_space<vmem>>, vector<1x16xf32>,
        %get3A_284 = vector.shape_cast %get3A_283 : vector<1x16xf32> to vector<16xf32>
        %mul3A_285 = vector.broadcast %squeeze3A : f32 to vector<16xf32>
        %mul3A_286 = arith.mulf %get3A_284, %mul3A_285 : vector<16xf32>
        %swap3A_287 = arith.index_cast %add3A_270 : i32 to index
        %swap3A_288 = arith.constant 16 : index
        %swap3A_289 = tpu.vector_load %arg24[%swap3A_287, %swap3A_288] {strides = array<i32>} : memref<768x32xf32, #tpu.memory_space<vmem>>, vector<1x16xf32>,
        %swap3A_290 = vector.shape_cast %swap3A_289 : vector<1x16xf32> to vector<16xf32>
        %swap3A_291 = vector.shape_cast %mul3A_286 : vector<16xf32> to vector<1x16xf32>
        tpu.vector_store %arg24[%swap3A_287, %swap3A_288], %swap3A_291 {strides = array<i32>} : memref<768x32xf32, #tpu.memory_space<vmem>>, vector<1x16xf32>,
        %add3A_292 = arith.constant 1 : i32
        %add3A_293 = arith.addi %mul3A_260, %add3A_292 : i32
        %slice3A_294 = vector.extract_strided_slice %select_n3A_268 {offsets = [1], sizes = [1], strides = [1]} : vector<16xf32> to vector<1xf32>
        %squeeze3A_295 = vector.extract %slice3A_294[0] : f32 from vector<1xf32>
        %get3A_296 = arith.index_cast %add3A_293 : i32 to index
        %get3A_297 = arith.constant 0 : index
        %get3A_298 = tpu.vector_load %arg24[%get3A_296, %get3A_297] {strides = array<i32>} : memref<768x32xf32, #tpu.memory_space<vmem>>, vector<1x16xf32>,
        %get3A_299 = vector.shape_cast %get3A_298 : vector<1x16xf32> to vector<16xf32>
        %mul3A_300 = vector.broadcast %squeeze3A_295 : f32 to vector<16xf32>
        %mul3A_301 = arith.mulf %get3A_299, %mul3A_300 : vector<16xf32>
        %swap3A_302 = arith.index_cast %add3A_293 : i32 to index
        %swap3A_303 = arith.constant 0 : index
        %swap3A_304 = tpu.vector_load %arg24[%swap3A_302, %swap3A_303] {strides = array<i32>} : memref<768x32xf32, #tpu.memory_space<vmem>>, vector<1x16xf32>,
        %swap3A_305 = vector.shape_cast %swap3A_304 : vector<1x16xf32> to vector<16xf32>
        %swap3A_306 = vector.shape_cast %mul3A_301 : vector<16xf32> to vector<1x16xf32>
        tpu.vector_store %arg24[%swap3A_302, %swap3A_303], %swap3A_306 {strides = array<i32>} : memref<768x32xf32, #tpu.memory_space<vmem>>, vector<1x16xf32>,
        %get3A_307 = arith.index_cast %add3A_293 : i32 to index
        %get3A_308 = arith.constant 16 : index
        %get3A_309 = tpu.vector_load %arg24[%get3A_307, %get3A_308] {strides = array<i32>} : memref<768x32xf32, #tpu.memory_space<vmem>>, vector<1x16xf32>,
        %get3A_310 = vector.shape_cast %get3A_309 : vector<1x16xf32> to vector<16xf32>
        %mul3A_311 = vector.broadcast %squeeze3A_295 : f32 to vector<16xf32>
        %mul3A_312 = arith.mulf %get3A_310, %mul3A_311 : vector<16xf32>
        %swap3A_313 = arith.index_cast %add3A_293 : i32 to index
        %swap3A_314 = arith.constant 16 : index
        %swap3A_315 = tpu.vector_load %arg24[%swap3A_313, %swap3A_314] {strides = array<i32>} : memref<768x32xf32, #tpu.memory_space<vmem>>, vector<1x16xf32>,
        %swap3A_316 = vector.shape_cast %swap3A_315 : vector<1x16xf32> to vector<16xf32>
        %swap3A_317 = vector.shape_cast %mul3A_312 : vector<16xf32> to vector<1x16xf32>
        tpu.vector_store %arg24[%swap3A_313, %swap3A_314], %swap3A_317 {strides = array<i32>} : memref<768x32xf32, #tpu.memory_space<vmem>>, vector<1x16xf32>,
        %add3A_318 = arith.constant 2 : i32
        %add3A_319 = arith.addi %mul3A_260, %add3A_318 : i32
        %slice3A_320 = vector.extract_strided_slice %select_n3A_268 {offsets = [2], sizes = [1], strides = [1]} : vector<16xf32> to vector<1xf32>
        %squeeze3A_321 = vector.extract %slice3A_320[0] : f32 from vector<1xf32>
        %get3A_322 = arith.index_cast %add3A_319 : i32 to index
        %get3A_323 = arith.constant 0 : index
        %get3A_324 = tpu.vector_load %arg24[%get3A_322, %get3A_323] {strides = array<i32>} : memref<768x32xf32, #tpu.memory_space<vmem>>, vector<1x16xf32>,
        %get3A_325 = vector.shape_cast %get3A_324 : vector<1x16xf32> to vector<16xf32>
        %mul3A_326 = vector.broadcast %squeeze3A_321 : f32 to vector<16xf32>
        %mul3A_327 = arith.mulf %get3A_325, %mul3A_326 : vector<16xf32>
        %swap3A_328 = arith.index_cast %add3A_319 : i32 to index
        %swap3A_329 = arith.constant 0 : index
        %swap3A_330 = tpu.vector_load %arg24[%swap3A_328, %swap3A_329] {strides = array<i32>} : memref<768x32xf32, #tpu.memory_space<vmem>>, vector<1x16xf32>,
        %swap3A_331 = vector.shape_cast %swap3A_330 : vector<1x16xf32> to vector<16xf32>
        %swap3A_332 = vector.shape_cast %mul3A_327 : vector<16xf32> to vector<1x16xf32>
        tpu.vector_store %arg24[%swap3A_328, %swap3A_329], %swap3A_332 {strides = array<i32>} : memref<768x32xf32, #tpu.memory_space<vmem>>, vector<1x16xf32>,
        %get3A_333 = arith.index_cast %add3A_319 : i32 to index
        %get3A_334 = arith.constant 16 : index
        %get3A_335 = tpu.vector_load %arg24[%get3A_333, %get3A_334] {strides = array<i32>} : memref<768x32xf32, #tpu.memory_space<vmem>>, vector<1x16xf32>,
        %get3A_336 = vector.shape_cast %get3A_335 : vector<1x16xf32> to vector<16xf32>
        %mul3A_337 = vector.broadcast %squeeze3A_321 : f32 to vector<16xf32>
        %mul3A_338 = arith.mulf %get3A_336, %mul3A_337 : vector<16xf32>
        %swap3A_339 = arith.index_cast %add3A_319 : i32 to index
        %swap3A_340 = arith.constant 16 : index
        %swap3A_341 = tpu.vector_load %arg24[%swap3A_339, %swap3A_340] {strides = array<i32>} : memref<768x32xf32, #tpu.memory_space<vmem>>, vector<1x16xf32>,
        %swap3A_342 = vector.shape_cast %swap3A_341 : vector<1x16xf32> to vector<16xf32>
        %swap3A_343 = vector.shape_cast %mul3A_338 : vector<16xf32> to vector<1x16xf32>
        tpu.vector_store %arg24[%swap3A_339, %swap3A_340], %swap3A_343 {strides = array<i32>} : memref<768x32xf32, #tpu.memory_space<vmem>>, vector<1x16xf32>,
        %add3A_344 = arith.constant 3 : i32
        %add3A_345 = arith.addi %mul3A_260, %add3A_344 : i32
        %slice3A_346 = vector.extract_strided_slice %select_n3A_268 {offsets = [3], sizes = [1], strides = [1]} : vector<16xf32> to vector<1xf32>
        %squeeze3A_347 = vector.extract %slice3A_346[0] : f32 from vector<1xf32>
        %get3A_348 = arith.index_cast %add3A_345 : i32 to index
        %get3A_349 = arith.constant 0 : index
        %get3A_350 = tpu.vector_load %arg24[%get3A_348, %get3A_349] {strides = array<i32>} : memref<768x32xf32, #tpu.memory_space<vmem>>, vector<1x16xf32>,
        %get3A_351 = vector.shape_cast %get3A_350 : vector<1x16xf32> to vector<16xf32>
        %mul3A_352 = vector.broadcast %squeeze3A_347 : f32 to vector<16xf32>
        %mul3A_353 = arith.mulf %get3A_351, %mul3A_352 : vector<16xf32>
        %swap3A_354 = arith.index_cast %add3A_345 : i32 to index
        %swap3A_355 = arith.constant 0 : index
        %swap3A_356 = tpu.vector_load %arg24[%swap3A_354, %swap3A_355] {strides = array<i32>} : memref<768x32xf32, #tpu.memory_space<vmem>>, vector<1x16xf32>,
        %swap3A_357 = vector.shape_cast %swap3A_356 : vector<1x16xf32> to vector<16xf32>
        %swap3A_358 = vector.shape_cast %mul3A_353 : vector<16xf32> to vector<1x16xf32>
        tpu.vector_store %arg24[%swap3A_354, %swap3A_355], %swap3A_358 {strides = array<i32>} : memref<768x32xf32, #tpu.memory_space<vmem>>, vector<1x16xf32>,
        %get3A_359 = arith.index_cast %add3A_345 : i32 to index
        %get3A_360 = arith.constant 16 : index
        %get3A_361 = tpu.vector_load %arg24[%get3A_359, %get3A_360] {strides = array<i32>} : memref<768x32xf32, #tpu.memory_space<vmem>>, vector<1x16xf32>,
        %get3A_362 = vector.shape_cast %get3A_361 : vector<1x16xf32> to vector<16xf32>
        %mul3A_363 = vector.broadcast %squeeze3A_347 : f32 to vector<16xf32>
        %mul3A_364 = arith.mulf %get3A_362, %mul3A_363 : vector<16xf32>
        %swap3A_365 = arith.index_cast %add3A_345 : i32 to index
        %swap3A_366 = arith.constant 16 : index
        %swap3A_367 = tpu.vector_load %arg24[%swap3A_365, %swap3A_366] {strides = array<i32>} : memref<768x32xf32, #tpu.memory_space<vmem>>, vector<1x16xf32>,
        %swap3A_368 = vector.shape_cast %swap3A_367 : vector<1x16xf32> to vector<16xf32>
        %swap3A_369 = vector.shape_cast %mul3A_364 : vector<16xf32> to vector<1x16xf32>
        tpu.vector_store %arg24[%swap3A_365, %swap3A_366], %swap3A_369 {strides = array<i32>} : memref<768x32xf32, #tpu.memory_space<vmem>>, vector<1x16xf32>,
        %add3A_370 = arith.constant 4 : i32
        %add3A_371 = arith.addi %mul3A_260, %add3A_370 : i32
        %slice3A_372 = vector.extract_strided_slice %select_n3A_268 {offsets = [4], sizes = [1], strides = [1]} : vector<16xf32> to vector<1xf32>
        %squeeze3A_373 = vector.extract %slice3A_372[0] : f32 from vector<1xf32>
        %get3A_374 = arith.index_cast %add3A_371 : i32 to index
        %get3A_375 = arith.constant 0 : index
        %get3A_376 = tpu.vector_load %arg24[%get3A_374, %get3A_375] {strides = array<i32>} : memref<768x32xf32, #tpu.memory_space<vmem>>, vector<1x16xf32>,
        %get3A_377 = vector.shape_cast %get3A_376 : vector<1x16xf32> to vector<16xf32>
        %mul3A_378 = vector.broadcast %squeeze3A_373 : f32 to vector<16xf32>
        %mul3A_379 = arith.mulf %get3A_377, %mul3A_378 : vector<16xf32>
        %swap3A_380 = arith.index_cast %add3A_371 : i32 to index
        %swap3A_381 = arith.constant 0 : index
        %swap3A_382 = tpu.vector_load %arg24[%swap3A_380, %swap3A_381] {strides = array<i32>} : memref<768x32xf32, #tpu.memory_space<vmem>>, vector<1x16xf32>,
        %swap3A_383 = vector.shape_cast %swap3A_382 : vector<1x16xf32> to vector<16xf32>
        %swap3A_384 = vector.shape_cast %mul3A_379 : vector<16xf32> to vector<1x16xf32>
        tpu.vector_store %arg24[%swap3A_380, %swap3A_381], %swap3A_384 {strides = array<i32>} : memref<768x32xf32, #tpu.memory_space<vmem>>, vector<1x16xf32>,
        %get3A_385 = arith.index_cast %add3A_371 : i32 to index
        %get3A_386 = arith.constant 16 : index
        %get3A_387 = tpu.vector_load %arg24[%get3A_385, %get3A_386] {strides = array<i32>} : memref<768x32xf32, #tpu.memory_space<vmem>>, vector<1x16xf32>,
        %get3A_388 = vector.shape_cast %get3A_387 : vector<1x16xf32> to vector<16xf32>
        %mul3A_389 = vector.broadcast %squeeze3A_373 : f32 to vector<16xf32>
        %mul3A_390 = arith.mulf %get3A_388, %mul3A_389 : vector<16xf32>
        %swap3A_391 = arith.index_cast %add3A_371 : i32 to index
        %swap3A_392 = arith.constant 16 : index
        %swap3A_393 = tpu.vector_load %arg24[%swap3A_391, %swap3A_392] {strides = array<i32>} : memref<768x32xf32, #tpu.memory_space<vmem>>, vector<1x16xf32>,
        %swap3A_394 = vector.shape_cast %swap3A_393 : vector<1x16xf32> to vector<16xf32>
        %swap3A_395 = vector.shape_cast %mul3A_390 : vector<16xf32> to vector<1x16xf32>
        tpu.vector_store %arg24[%swap3A_391, %swap3A_392], %swap3A_395 {strides = array<i32>} : memref<768x32xf32, #tpu.memory_space<vmem>>, vector<1x16xf32>,
        %add3A_396 = arith.constant 5 : i32
        %add3A_397 = arith.addi %mul3A_260, %add3A_396 : i32
        %slice3A_398 = vector.extract_strided_slice %select_n3A_268 {offsets = [5], sizes = [1], strides = [1]} : vector<16xf32> to vector<1xf32>
        %squeeze3A_399 = vector.extract %slice3A_398[0] : f32 from vector<1xf32>
        %get3A_400 = arith.index_cast %add3A_397 : i32 to index
        %get3A_401 = arith.constant 0 : index
        %get3A_402 = tpu.vector_load %arg24[%get3A_400, %get3A_401] {strides = array<i32>} : memref<768x32xf32, #tpu.memory_space<vmem>>, vector<1x16xf32>,
        %get3A_403 = vector.shape_cast %get3A_402 : vector<1x16xf32> to vector<16xf32>
        %mul3A_404 = vector.broadcast %squeeze3A_399 : f32 to vector<16xf32>
        %mul3A_405 = arith.mulf %get3A_403, %mul3A_404 : vector<16xf32>
        %swap3A_406 = arith.index_cast %add3A_397 : i32 to index
        %swap3A_407 = arith.constant 0 : index
        %swap3A_408 = tpu.vector_load %arg24[%swap3A_406, %swap3A_407] {strides = array<i32>} : memref<768x32xf32, #tpu.memory_space<vmem>>, vector<1x16xf32>,
        %swap3A_409 = vector.shape_cast %swap3A_408 : vector<1x16xf32> to vector<16xf32>
        %swap3A_410 = vector.shape_cast %mul3A_405 : vector<16xf32> to vector<1x16xf32>
        tpu.vector_store %arg24[%swap3A_406, %swap3A_407], %swap3A_410 {strides = array<i32>} : memref<768x32xf32, #tpu.memory_space<vmem>>, vector<1x16xf32>,
        %get3A_411 = arith.index_cast %add3A_397 : i32 to index
        %get3A_412 = arith.constant 16 : index
        %get3A_413 = tpu.vector_load %arg24[%get3A_411, %get3A_412] {strides = array<i32>} : memref<768x32xf32, #tpu.memory_space<vmem>>, vector<1x16xf32>,
        %get3A_414 = vector.shape_cast %get3A_413 : vector<1x16xf32> to vector<16xf32>
        %mul3A_415 = vector.broadcast %squeeze3A_399 : f32 to vector<16xf32>
        %mul3A_416 = arith.mulf %get3A_414, %mul3A_415 : vector<16xf32>
        %swap3A_417 = arith.index_cast %add3A_397 : i32 to index
        %swap3A_418 = arith.constant 16 : index
        %swap3A_419 = tpu.vector_load %arg24[%swap3A_417, %swap3A_418] {strides = array<i32>} : memref<768x32xf32, #tpu.memory_space<vmem>>, vector<1x16xf32>,
        %swap3A_420 = vector.shape_cast %swap3A_419 : vector<1x16xf32> to vector<16xf32>
        %swap3A_421 = vector.shape_cast %mul3A_416 : vector<16xf32> to vector<1x16xf32>
        tpu.vector_store %arg24[%swap3A_417, %swap3A_418], %swap3A_421 {strides = array<i32>} : memref<768x32xf32, #tpu.memory_space<vmem>>, vector<1x16xf32>,
        %add3A_422 = arith.constant 6 : i32
        %add3A_423 = arith.addi %mul3A_260, %add3A_422 : i32
        %slice3A_424 = vector.extract_strided_slice %select_n3A_268 {offsets = [6], sizes = [1], strides = [1]} : vector<16xf32> to vector<1xf32>
        %squeeze3A_425 = vector.extract %slice3A_424[0] : f32 from vector<1xf32>
        %get3A_426 = arith.index_cast %add3A_423 : i32 to index
        %get3A_427 = arith.constant 0 : index
        %get3A_428 = tpu.vector_load %arg24[%get3A_426, %get3A_427] {strides = array<i32>} : memref<768x32xf32, #tpu.memory_space<vmem>>, vector<1x16xf32>,
        %get3A_429 = vector.shape_cast %get3A_428 : vector<1x16xf32> to vector<16xf32>
        %mul3A_430 = vector.broadcast %squeeze3A_425 : f32 to vector<16xf32>
        %mul3A_431 = arith.mulf %get3A_429, %mul3A_430 : vector<16xf32>
        %swap3A_432 = arith.index_cast %add3A_423 : i32 to index
        %swap3A_433 = arith.constant 0 : index
        %swap3A_434 = tpu.vector_load %arg24[%swap3A_432, %swap3A_433] {strides = array<i32>} : memref<768x32xf32, #tpu.memory_space<vmem>>, vector<1x16xf32>,
        %swap3A_435 = vector.shape_cast %swap3A_434 : vector<1x16xf32> to vector<16xf32>
        %swap3A_436 = vector.shape_cast %mul3A_431 : vector<16xf32> to vector<1x16xf32>
        tpu.vector_store %arg24[%swap3A_432, %swap3A_433], %swap3A_436 {strides = array<i32>} : memref<768x32xf32, #tpu.memory_space<vmem>>, vector<1x16xf32>,
        %get3A_437 = arith.index_cast %add3A_423 : i32 to index
        %get3A_438 = arith.constant 16 : index
        %get3A_439 = tpu.vector_load %arg24[%get3A_437, %get3A_438] {strides = array<i32>} : memref<768x32xf32, #tpu.memory_space<vmem>>, vector<1x16xf32>,
        %get3A_440 = vector.shape_cast %get3A_439 : vector<1x16xf32> to vector<16xf32>
        %mul3A_441 = vector.broadcast %squeeze3A_425 : f32 to vector<16xf32>
        %mul3A_442 = arith.mulf %get3A_440, %mul3A_441 : vector<16xf32>
        %swap3A_443 = arith.index_cast %add3A_423 : i32 to index
        %swap3A_444 = arith.constant 16 : index
        %swap3A_445 = tpu.vector_load %arg24[%swap3A_443, %swap3A_444] {strides = array<i32>} : memref<768x32xf32, #tpu.memory_space<vmem>>, vector<1x16xf32>,
        %swap3A_446 = vector.shape_cast %swap3A_445 : vector<1x16xf32> to vector<16xf32>
        %swap3A_447 = vector.shape_cast %mul3A_442 : vector<16xf32> to vector<1x16xf32>
        tpu.vector_store %arg24[%swap3A_443, %swap3A_444], %swap3A_447 {strides = array<i32>} : memref<768x32xf32, #tpu.memory_space<vmem>>, vector<1x16xf32>,
        %add3A_448 = arith.constant 7 : i32
        %add3A_449 = arith.addi %mul3A_260, %add3A_448 : i32
        %slice3A_450 = vector.extract_strided_slice %select_n3A_268 {offsets = [7], sizes = [1], strides = [1]} : vector<16xf32> to vector<1xf32>
        %squeeze3A_451 = vector.extract %slice3A_450[0] : f32 from vector<1xf32>
        %get3A_452 = arith.index_cast %add3A_449 : i32 to index
        %get3A_453 = arith.constant 0 : index
        %get3A_454 = tpu.vector_load %arg24[%get3A_452, %get3A_453] {strides = array<i32>} : memref<768x32xf32, #tpu.memory_space<vmem>>, vector<1x16xf32>,
        %get3A_455 = vector.shape_cast %get3A_454 : vector<1x16xf32> to vector<16xf32>
        %mul3A_456 = vector.broadcast %squeeze3A_451 : f32 to vector<16xf32>
        %mul3A_457 = arith.mulf %get3A_455, %mul3A_456 : vector<16xf32>
        %swap3A_458 = arith.index_cast %add3A_449 : i32 to index
        %swap3A_459 = arith.constant 0 : index
        %swap3A_460 = tpu.vector_load %arg24[%swap3A_458, %swap3A_459] {strides = array<i32>} : memref<768x32xf32, #tpu.memory_space<vmem>>, vector<1x16xf32>,
        %swap3A_461 = vector.shape_cast %swap3A_460 : vector<1x16xf32> to vector<16xf32>
        %swap3A_462 = vector.shape_cast %mul3A_457 : vector<16xf32> to vector<1x16xf32>
        tpu.vector_store %arg24[%swap3A_458, %swap3A_459], %swap3A_462 {strides = array<i32>} : memref<768x32xf32, #tpu.memory_space<vmem>>, vector<1x16xf32>,
        %get3A_463 = arith.index_cast %add3A_449 : i32 to index
        %get3A_464 = arith.constant 16 : index
        %get3A_465 = tpu.vector_load %arg24[%get3A_463, %get3A_464] {strides = array<i32>} : memref<768x32xf32, #tpu.memory_space<vmem>>, vector<1x16xf32>,
        %get3A_466 = vector.shape_cast %get3A_465 : vector<1x16xf32> to vector<16xf32>
        %mul3A_467 = vector.broadcast %squeeze3A_451 : f32 to vector<16xf32>
        %mul3A_468 = arith.mulf %get3A_466, %mul3A_467 : vector<16xf32>
        %swap3A_469 = arith.index_cast %add3A_449 : i32 to index
        %swap3A_470 = arith.constant 16 : index
        %swap3A_471 = tpu.vector_load %arg24[%swap3A_469, %swap3A_470] {strides = array<i32>} : memref<768x32xf32, #tpu.memory_space<vmem>>, vector<1x16xf32>,
        %swap3A_472 = vector.shape_cast %swap3A_471 : vector<1x16xf32> to vector<16xf32>
        %swap3A_473 = vector.shape_cast %mul3A_468 : vector<16xf32> to vector<1x16xf32>
        tpu.vector_store %arg24[%swap3A_469, %swap3A_470], %swap3A_473 {strides = array<i32>} : memref<768x32xf32, #tpu.memory_space<vmem>>, vector<1x16xf32>,
        %add3A_474 = arith.constant 8 : i32
        %add3A_475 = arith.addi %mul3A_260, %add3A_474 : i32
        %slice3A_476 = vector.extract_strided_slice %select_n3A_268 {offsets = [8], sizes = [1], strides = [1]} : vector<16xf32> to vector<1xf32>
        %squeeze3A_477 = vector.extract %slice3A_476[0] : f32 from vector<1xf32>
        %get3A_478 = arith.index_cast %add3A_475 : i32 to index
        %get3A_479 = arith.constant 0 : index
        %get3A_480 = tpu.vector_load %arg24[%get3A_478, %get3A_479] {strides = array<i32>} : memref<768x32xf32, #tpu.memory_space<vmem>>, vector<1x16xf32>,
        %get3A_481 = vector.shape_cast %get3A_480 : vector<1x16xf32> to vector<16xf32>
        %mul3A_482 = vector.broadcast %squeeze3A_477 : f32 to vector<16xf32>
        %mul3A_483 = arith.mulf %get3A_481, %mul3A_482 : vector<16xf32>
        %swap3A_484 = arith.index_cast %add3A_475 : i32 to index
        %swap3A_485 = arith.constant 0 : index
        %swap3A_486 = tpu.vector_load %arg24[%swap3A_484, %swap3A_485] {strides = array<i32>} : memref<768x32xf32, #tpu.memory_space<vmem>>, vector<1x16xf32>,
        %swap3A_487 = vector.shape_cast %swap3A_486 : vector<1x16xf32> to vector<16xf32>
        %swap3A_488 = vector.shape_cast %mul3A_483 : vector<16xf32> to vector<1x16xf32>
        tpu.vector_store %arg24[%swap3A_484, %swap3A_485], %swap3A_488 {strides = array<i32>} : memref<768x32xf32, #tpu.memory_space<vmem>>, vector<1x16xf32>,
        %get3A_489 = arith.index_cast %add3A_475 : i32 to index
        %get3A_490 = arith.constant 16 : index
        %get3A_491 = tpu.vector_load %arg24[%get3A_489, %get3A_490] {strides = array<i32>} : memref<768x32xf32, #tpu.memory_space<vmem>>, vector<1x16xf32>,
        %get3A_492 = vector.shape_cast %get3A_491 : vector<1x16xf32> to vector<16xf32>
        %mul3A_493 = vector.broadcast %squeeze3A_477 : f32 to vector<16xf32>
        %mul3A_494 = arith.mulf %get3A_492, %mul3A_493 : vector<16xf32>
        %swap3A_495 = arith.index_cast %add3A_475 : i32 to index
        %swap3A_496 = arith.constant 16 : index
        %swap3A_497 = tpu.vector_load %arg24[%swap3A_495, %swap3A_496] {strides = array<i32>} : memref<768x32xf32, #tpu.memory_space<vmem>>, vector<1x16xf32>,
        %swap3A_498 = vector.shape_cast %swap3A_497 : vector<1x16xf32> to vector<16xf32>
        %swap3A_499 = vector.shape_cast %mul3A_494 : vector<16xf32> to vector<1x16xf32>
        tpu.vector_store %arg24[%swap3A_495, %swap3A_496], %swap3A_499 {strides = array<i32>} : memref<768x32xf32, #tpu.memory_space<vmem>>, vector<1x16xf32>,
        %add3A_500 = arith.constant 9 : i32
        %add3A_501 = arith.addi %mul3A_260, %add3A_500 : i32
        %slice3A_502 = vector.extract_strided_slice %select_n3A_268 {offsets = [9], sizes = [1], strides = [1]} : vector<16xf32> to vector<1xf32>
        %squeeze3A_503 = vector.extract %slice3A_502[0] : f32 from vector<1xf32>
        %get3A_504 = arith.index_cast %add3A_501 : i32 to index
        %get3A_505 = arith.constant 0 : index
        %get3A_506 = tpu.vector_load %arg24[%get3A_504, %get3A_505] {strides = array<i32>} : memref<768x32xf32, #tpu.memory_space<vmem>>, vector<1x16xf32>,
        %get3A_507 = vector.shape_cast %get3A_506 : vector<1x16xf32> to vector<16xf32>
        %mul3A_508 = vector.broadcast %squeeze3A_503 : f32 to vector<16xf32>
        %mul3A_509 = arith.mulf %get3A_507, %mul3A_508 : vector<16xf32>
        %swap3A_510 = arith.index_cast %add3A_501 : i32 to index
        %swap3A_511 = arith.constant 0 : index
        %swap3A_512 = tpu.vector_load %arg24[%swap3A_510, %swap3A_511] {strides = array<i32>} : memref<768x32xf32, #tpu.memory_space<vmem>>, vector<1x16xf32>,
        %swap3A_513 = vector.shape_cast %swap3A_512 : vector<1x16xf32> to vector<16xf32>
        %swap3A_514 = vector.shape_cast %mul3A_509 : vector<16xf32> to vector<1x16xf32>
        tpu.vector_store %arg24[%swap3A_510, %swap3A_511], %swap3A_514 {strides = array<i32>} : memref<768x32xf32, #tpu.memory_space<vmem>>, vector<1x16xf32>,
        %get3A_515 = arith.index_cast %add3A_501 : i32 to index
        %get3A_516 = arith.constant 16 : index
        %get3A_517 = tpu.vector_load %arg24[%get3A_515, %get3A_516] {strides = array<i32>} : memref<768x32xf32, #tpu.memory_space<vmem>>, vector<1x16xf32>,
        %get3A_518 = vector.shape_cast %get3A_517 : vector<1x16xf32> to vector<16xf32>
        %mul3A_519 = vector.broadcast %squeeze3A_503 : f32 to vector<16xf32>
        %mul3A_520 = arith.mulf %get3A_518, %mul3A_519 : vector<16xf32>
        %swap3A_521 = arith.index_cast %add3A_501 : i32 to index
        %swap3A_522 = arith.constant 16 : index
        %swap3A_523 = tpu.vector_load %arg24[%swap3A_521, %swap3A_522] {strides = array<i32>} : memref<768x32xf32, #tpu.memory_space<vmem>>, vector<1x16xf32>,
        %swap3A_524 = vector.shape_cast %swap3A_523 : vector<1x16xf32> to vector<16xf32>
        %swap3A_525 = vector.shape_cast %mul3A_520 : vector<16xf32> to vector<1x16xf32>
        tpu.vector_store %arg24[%swap3A_521, %swap3A_522], %swap3A_525 {strides = array<i32>} : memref<768x32xf32, #tpu.memory_space<vmem>>, vector<1x16xf32>,
        %add3A_526 = arith.constant 10 : i32
        %add3A_527 = arith.addi %mul3A_260, %add3A_526 : i32
        %slice3A_528 = vector.extract_strided_slice %select_n3A_268 {offsets = [10], sizes = [1], strides = [1]} : vector<16xf32> to vector<1xf32>
        %squeeze3A_529 = vector.extract %slice3A_528[0] : f32 from vector<1xf32>
        %get3A_530 = arith.index_cast %add3A_527 : i32 to index
        %get3A_531 = arith.constant 0 : index
        %get3A_532 = tpu.vector_load %arg24[%get3A_530, %get3A_531] {strides = array<i32>} : memref<768x32xf32, #tpu.memory_space<vmem>>, vector<1x16xf32>,
        %get3A_533 = vector.shape_cast %get3A_532 : vector<1x16xf32> to vector<16xf32>
        %mul3A_534 = vector.broadcast %squeeze3A_529 : f32 to vector<16xf32>
        %mul3A_535 = arith.mulf %get3A_533, %mul3A_534 : vector<16xf32>
        %swap3A_536 = arith.index_cast %add3A_527 : i32 to index
        %swap3A_537 = arith.constant 0 : index
        %swap3A_538 = tpu.vector_load %arg24[%swap3A_536, %swap3A_537] {strides = array<i32>} : memref<768x32xf32, #tpu.memory_space<vmem>>, vector<1x16xf32>,
        %swap3A_539 = vector.shape_cast %swap3A_538 : vector<1x16xf32> to vector<16xf32>
        %swap3A_540 = vector.shape_cast %mul3A_535 : vector<16xf32> to vector<1x16xf32>
        tpu.vector_store %arg24[%swap3A_536, %swap3A_537], %swap3A_540 {strides = array<i32>} : memref<768x32xf32, #tpu.memory_space<vmem>>, vector<1x16xf32>,
        %get3A_541 = arith.index_cast %add3A_527 : i32 to index
        %get3A_542 = arith.constant 16 : index
        %get3A_543 = tpu.vector_load %arg24[%get3A_541, %get3A_542] {strides = array<i32>} : memref<768x32xf32, #tpu.memory_space<vmem>>, vector<1x16xf32>,
        %get3A_544 = vector.shape_cast %get3A_543 : vector<1x16xf32> to vector<16xf32>
        %mul3A_545 = vector.broadcast %squeeze3A_529 : f32 to vector<16xf32>
        %mul3A_546 = arith.mulf %get3A_544, %mul3A_545 : vector<16xf32>
        %swap3A_547 = arith.index_cast %add3A_527 : i32 to index
        %swap3A_548 = arith.constant 16 : index
        %swap3A_549 = tpu.vector_load %arg24[%swap3A_547, %swap3A_548] {strides = array<i32>} : memref<768x32xf32, #tpu.memory_space<vmem>>, vector<1x16xf32>,
        %swap3A_550 = vector.shape_cast %swap3A_549 : vector<1x16xf32> to vector<16xf32>
        %swap3A_551 = vector.shape_cast %mul3A_546 : vector<16xf32> to vector<1x16xf32>
        tpu.vector_store %arg24[%swap3A_547, %swap3A_548], %swap3A_551 {strides = array<i32>} : memref<768x32xf32, #tpu.memory_space<vmem>>, vector<1x16xf32>,
        %add3A_552 = arith.constant 11 : i32
        %add3A_553 = arith.addi %mul3A_260, %add3A_552 : i32
        %slice3A_554 = vector.extract_strided_slice %select_n3A_268 {offsets = [11], sizes = [1], strides = [1]} : vector<16xf32> to vector<1xf32>
        %squeeze3A_555 = vector.extract %slice3A_554[0] : f32 from vector<1xf32>
        %get3A_556 = arith.index_cast %add3A_553 : i32 to index
        %get3A_557 = arith.constant 0 : index
        %get3A_558 = tpu.vector_load %arg24[%get3A_556, %get3A_557] {strides = array<i32>} : memref<768x32xf32, #tpu.memory_space<vmem>>, vector<1x16xf32>,
        %get3A_559 = vector.shape_cast %get3A_558 : vector<1x16xf32> to vector<16xf32>
        %mul3A_560 = vector.broadcast %squeeze3A_555 : f32 to vector<16xf32>
        %mul3A_561 = arith.mulf %get3A_559, %mul3A_560 : vector<16xf32>
        %swap3A_562 = arith.index_cast %add3A_553 : i32 to index
        %swap3A_563 = arith.constant 0 : index
        %swap3A_564 = tpu.vector_load %arg24[%swap3A_562, %swap3A_563] {strides = array<i32>} : memref<768x32xf32, #tpu.memory_space<vmem>>, vector<1x16xf32>,
        %swap3A_565 = vector.shape_cast %swap3A_564 : vector<1x16xf32> to vector<16xf32>
        %swap3A_566 = vector.shape_cast %mul3A_561 : vector<16xf32> to vector<1x16xf32>
        tpu.vector_store %arg24[%swap3A_562, %swap3A_563], %swap3A_566 {strides = array<i32>} : memref<768x32xf32, #tpu.memory_space<vmem>>, vector<1x16xf32>,
        %get3A_567 = arith.index_cast %add3A_553 : i32 to index
        %get3A_568 = arith.constant 16 : index
        %get3A_569 = tpu.vector_load %arg24[%get3A_567, %get3A_568] {strides = array<i32>} : memref<768x32xf32, #tpu.memory_space<vmem>>, vector<1x16xf32>,
        %get3A_570 = vector.shape_cast %get3A_569 : vector<1x16xf32> to vector<16xf32>
        %mul3A_571 = vector.broadcast %squeeze3A_555 : f32 to vector<16xf32>
        %mul3A_572 = arith.mulf %get3A_570, %mul3A_571 : vector<16xf32>
        %swap3A_573 = arith.index_cast %add3A_553 : i32 to index
        %swap3A_574 = arith.constant 16 : index
        %swap3A_575 = tpu.vector_load %arg24[%swap3A_573, %swap3A_574] {strides = array<i32>} : memref<768x32xf32, #tpu.memory_space<vmem>>, vector<1x16xf32>,
        %swap3A_576 = vector.shape_cast %swap3A_575 : vector<1x16xf32> to vector<16xf32>
        %swap3A_577 = vector.shape_cast %mul3A_572 : vector<16xf32> to vector<1x16xf32>
        tpu.vector_store %arg24[%swap3A_573, %swap3A_574], %swap3A_577 {strides = array<i32>} : memref<768x32xf32, #tpu.memory_space<vmem>>, vector<1x16xf32>,
        %add3A_578 = arith.constant 12 : i32
        %add3A_579 = arith.addi %mul3A_260, %add3A_578 : i32
        %slice3A_580 = vector.extract_strided_slice %select_n3A_268 {offsets = [12], sizes = [1], strides = [1]} : vector<16xf32> to vector<1xf32>
        %squeeze3A_581 = vector.extract %slice3A_580[0] : f32 from vector<1xf32>
        %get3A_582 = arith.index_cast %add3A_579 : i32 to index
        %get3A_583 = arith.constant 0 : index
        %get3A_584 = tpu.vector_load %arg24[%get3A_582, %get3A_583] {strides = array<i32>} : memref<768x32xf32, #tpu.memory_space<vmem>>, vector<1x16xf32>,
        %get3A_585 = vector.shape_cast %get3A_584 : vector<1x16xf32> to vector<16xf32>
        %mul3A_586 = vector.broadcast %squeeze3A_581 : f32 to vector<16xf32>
        %mul3A_587 = arith.mulf %get3A_585, %mul3A_586 : vector<16xf32>
        %swap3A_588 = arith.index_cast %add3A_579 : i32 to index
        %swap3A_589 = arith.constant 0 : index
        %swap3A_590 = tpu.vector_load %arg24[%swap3A_588, %swap3A_589] {strides = array<i32>} : memref<768x32xf32, #tpu.memory_space<vmem>>, vector<1x16xf32>,
        %swap3A_591 = vector.shape_cast %swap3A_590 : vector<1x16xf32> to vector<16xf32>
        %swap3A_592 = vector.shape_cast %mul3A_587 : vector<16xf32> to vector<1x16xf32>
        tpu.vector_store %arg24[%swap3A_588, %swap3A_589], %swap3A_592 {strides = array<i32>} : memref<768x32xf32, #tpu.memory_space<vmem>>, vector<1x16xf32>,
        %get3A_593 = arith.index_cast %add3A_579 : i32 to index
        %get3A_594 = arith.constant 16 : index
        %get3A_595 = tpu.vector_load %arg24[%get3A_593, %get3A_594] {strides = array<i32>} : memref<768x32xf32, #tpu.memory_space<vmem>>, vector<1x16xf32>,
        %get3A_596 = vector.shape_cast %get3A_595 : vector<1x16xf32> to vector<16xf32>
        %mul3A_597 = vector.broadcast %squeeze3A_581 : f32 to vector<16xf32>
        %mul3A_598 = arith.mulf %get3A_596, %mul3A_597 : vector<16xf32>
        %swap3A_599 = arith.index_cast %add3A_579 : i32 to index
        %swap3A_600 = arith.constant 16 : index
        %swap3A_601 = tpu.vector_load %arg24[%swap3A_599, %swap3A_600] {strides = array<i32>} : memref<768x32xf32, #tpu.memory_space<vmem>>, vector<1x16xf32>,
        %swap3A_602 = vector.shape_cast %swap3A_601 : vector<1x16xf32> to vector<16xf32>
        %swap3A_603 = vector.shape_cast %mul3A_598 : vector<16xf32> to vector<1x16xf32>
        tpu.vector_store %arg24[%swap3A_599, %swap3A_600], %swap3A_603 {strides = array<i32>} : memref<768x32xf32, #tpu.memory_space<vmem>>, vector<1x16xf32>,
        %add3A_604 = arith.constant 13 : i32
        %add3A_605 = arith.addi %mul3A_260, %add3A_604 : i32
        %slice3A_606 = vector.extract_strided_slice %select_n3A_268 {offsets = [13], sizes = [1], strides = [1]} : vector<16xf32> to vector<1xf32>
        %squeeze3A_607 = vector.extract %slice3A_606[0] : f32 from vector<1xf32>
        %get3A_608 = arith.index_cast %add3A_605 : i32 to index
        %get3A_609 = arith.constant 0 : index
        %get3A_610 = tpu.vector_load %arg24[%get3A_608, %get3A_609] {strides = array<i32>} : memref<768x32xf32, #tpu.memory_space<vmem>>, vector<1x16xf32>,
        %get3A_611 = vector.shape_cast %get3A_610 : vector<1x16xf32> to vector<16xf32>
        %mul3A_612 = vector.broadcast %squeeze3A_607 : f32 to vector<16xf32>
        %mul3A_613 = arith.mulf %get3A_611, %mul3A_612 : vector<16xf32>
        %swap3A_614 = arith.index_cast %add3A_605 : i32 to index
        %swap3A_615 = arith.constant 0 : index
        %swap3A_616 = tpu.vector_load %arg24[%swap3A_614, %swap3A_615] {strides = array<i32>} : memref<768x32xf32, #tpu.memory_space<vmem>>, vector<1x16xf32>,
        %swap3A_617 = vector.shape_cast %swap3A_616 : vector<1x16xf32> to vector<16xf32>
        %swap3A_618 = vector.shape_cast %mul3A_613 : vector<16xf32> to vector<1x16xf32>
        tpu.vector_store %arg24[%swap3A_614, %swap3A_615], %swap3A_618 {strides = array<i32>} : memref<768x32xf32, #tpu.memory_space<vmem>>, vector<1x16xf32>,
        %get3A_619 = arith.index_cast %add3A_605 : i32 to index
        %get3A_620 = arith.constant 16 : index
        %get3A_621 = tpu.vector_load %arg24[%get3A_619, %get3A_620] {strides = array<i32>} : memref<768x32xf32, #tpu.memory_space<vmem>>, vector<1x16xf32>,
        %get3A_622 = vector.shape_cast %get3A_621 : vector<1x16xf32> to vector<16xf32>
        %mul3A_623 = vector.broadcast %squeeze3A_607 : f32 to vector<16xf32>
        %mul3A_624 = arith.mulf %get3A_622, %mul3A_623 : vector<16xf32>
        %swap3A_625 = arith.index_cast %add3A_605 : i32 to index
        %swap3A_626 = arith.constant 16 : index
        %swap3A_627 = tpu.vector_load %arg24[%swap3A_625, %swap3A_626] {strides = array<i32>} : memref<768x32xf32, #tpu.memory_space<vmem>>, vector<1x16xf32>,
        %swap3A_628 = vector.shape_cast %swap3A_627 : vector<1x16xf32> to vector<16xf32>
        %swap3A_629 = vector.shape_cast %mul3A_624 : vector<16xf32> to vector<1x16xf32>
        tpu.vector_store %arg24[%swap3A_625, %swap3A_626], %swap3A_629 {strides = array<i32>} : memref<768x32xf32, #tpu.memory_space<vmem>>, vector<1x16xf32>,
        %add3A_630 = arith.constant 14 : i32
        %add3A_631 = arith.addi %mul3A_260, %add3A_630 : i32
        %slice3A_632 = vector.extract_strided_slice %select_n3A_268 {offsets = [14], sizes = [1], strides = [1]} : vector<16xf32> to vector<1xf32>
        %squeeze3A_633 = vector.extract %slice3A_632[0] : f32 from vector<1xf32>
        %get3A_634 = arith.index_cast %add3A_631 : i32 to index
        %get3A_635 = arith.constant 0 : index
        %get3A_636 = tpu.vector_load %arg24[%get3A_634, %get3A_635] {strides = array<i32>} : memref<768x32xf32, #tpu.memory_space<vmem>>, vector<1x16xf32>,
        %get3A_637 = vector.shape_cast %get3A_636 : vector<1x16xf32> to vector<16xf32>
        %mul3A_638 = vector.broadcast %squeeze3A_633 : f32 to vector<16xf32>
        %mul3A_639 = arith.mulf %get3A_637, %mul3A_638 : vector<16xf32>
        %swap3A_640 = arith.index_cast %add3A_631 : i32 to index
        %swap3A_641 = arith.constant 0 : index
        %swap3A_642 = tpu.vector_load %arg24[%swap3A_640, %swap3A_641] {strides = array<i32>} : memref<768x32xf32, #tpu.memory_space<vmem>>, vector<1x16xf32>,
        %swap3A_643 = vector.shape_cast %swap3A_642 : vector<1x16xf32> to vector<16xf32>
        %swap3A_644 = vector.shape_cast %mul3A_639 : vector<16xf32> to vector<1x16xf32>
        tpu.vector_store %arg24[%swap3A_640, %swap3A_641], %swap3A_644 {strides = array<i32>} : memref<768x32xf32, #tpu.memory_space<vmem>>, vector<1x16xf32>,
        %get3A_645 = arith.index_cast %add3A_631 : i32 to index
        %get3A_646 = arith.constant 16 : index
        %get3A_647 = tpu.vector_load %arg24[%get3A_645, %get3A_646] {strides = array<i32>} : memref<768x32xf32, #tpu.memory_space<vmem>>, vector<1x16xf32>,
        %get3A_648 = vector.shape_cast %get3A_647 : vector<1x16xf32> to vector<16xf32>
        %mul3A_649 = vector.broadcast %squeeze3A_633 : f32 to vector<16xf32>
        %mul3A_650 = arith.mulf %get3A_648, %mul3A_649 : vector<16xf32>
        %swap3A_651 = arith.index_cast %add3A_631 : i32 to index
        %swap3A_652 = arith.constant 16 : index
        %swap3A_653 = tpu.vector_load %arg24[%swap3A_651, %swap3A_652] {strides = array<i32>} : memref<768x32xf32, #tpu.memory_space<vmem>>, vector<1x16xf32>,
        %swap3A_654 = vector.shape_cast %swap3A_653 : vector<1x16xf32> to vector<16xf32>
        %swap3A_655 = vector.shape_cast %mul3A_650 : vector<16xf32> to vector<1x16xf32>
        tpu.vector_store %arg24[%swap3A_651, %swap3A_652], %swap3A_655 {strides = array<i32>} : memref<768x32xf32, #tpu.memory_space<vmem>>, vector<1x16xf32>,
        %add3A_656 = arith.constant 15 : i32
        %add3A_657 = arith.addi %mul3A_260, %add3A_656 : i32
        %slice3A_658 = vector.extract_strided_slice %select_n3A_268 {offsets = [15], sizes = [1], strides = [1]} : vector<16xf32> to vector<1xf32>
        %squeeze3A_659 = vector.extract %slice3A_658[0] : f32 from vector<1xf32>
        %get3A_660 = arith.index_cast %add3A_657 : i32 to index
        %get3A_661 = arith.constant 0 : index
        %get3A_662 = tpu.vector_load %arg24[%get3A_660, %get3A_661] {strides = array<i32>} : memref<768x32xf32, #tpu.memory_space<vmem>>, vector<1x16xf32>,
        %get3A_663 = vector.shape_cast %get3A_662 : vector<1x16xf32> to vector<16xf32>
        %mul3A_664 = vector.broadcast %squeeze3A_659 : f32 to vector<16xf32>
        %mul3A_665 = arith.mulf %get3A_663, %mul3A_664 : vector<16xf32>
        %swap3A_666 = arith.index_cast %add3A_657 : i32 to index
        %swap3A_667 = arith.constant 0 : index
        %swap3A_668 = tpu.vector_load %arg24[%swap3A_666, %swap3A_667] {strides = array<i32>} : memref<768x32xf32, #tpu.memory_space<vmem>>, vector<1x16xf32>,
        %swap3A_669 = vector.shape_cast %swap3A_668 : vector<1x16xf32> to vector<16xf32>
        %swap3A_670 = vector.shape_cast %mul3A_665 : vector<16xf32> to vector<1x16xf32>
        tpu.vector_store %arg24[%swap3A_666, %swap3A_667], %swap3A_670 {strides = array<i32>} : memref<768x32xf32, #tpu.memory_space<vmem>>, vector<1x16xf32>,
        %get3A_671 = arith.index_cast %add3A_657 : i32 to index
        %get3A_672 = arith.constant 16 : index
        %get3A_673 = tpu.vector_load %arg24[%get3A_671, %get3A_672] {strides = array<i32>} : memref<768x32xf32, #tpu.memory_space<vmem>>, vector<1x16xf32>,
        %get3A_674 = vector.shape_cast %get3A_673 : vector<1x16xf32> to vector<16xf32>
        %mul3A_675 = vector.broadcast %squeeze3A_659 : f32 to vector<16xf32>
        %mul3A_676 = arith.mulf %get3A_674, %mul3A_675 : vector<16xf32>
        %swap3A_677 = arith.index_cast %add3A_657 : i32 to index
        %swap3A_678 = arith.constant 16 : index
        %swap3A_679 = tpu.vector_load %arg24[%swap3A_677, %swap3A_678] {strides = array<i32>} : memref<768x32xf32, #tpu.memory_space<vmem>>, vector<1x16xf32>,
        %swap3A_680 = vector.shape_cast %swap3A_679 : vector<1x16xf32> to vector<16xf32>
        %swap3A_681 = vector.shape_cast %mul3A_676 : vector<16xf32> to vector<1x16xf32>
        tpu.vector_store %arg24[%swap3A_677, %swap3A_678], %swap3A_681 {strides = array<i32>} : memref<768x32xf32, #tpu.memory_space<vmem>>, vector<1x16xf32>,
        %scan3A_682 = arith.constant 0 : i32
        scf.yield %scan3A_682 : i32
      }
      %scan3A_235 = arith.constant 48 : i32
      %dma_start3A_236 = arith.constant 0 : i32
      %dma_start3A_237 = arith.constant 0 : i32
      %dma_start3A_238 = tpu.memref_slice %arg12[%dma_start3A_236, %dma_start3A_237] : memref<16384x32xf32, #tpu.memory_space<vmem_shared>> -> memref<16384x32xf32, #tpu.memory_space<vmem_shared>>
      tpu.enqueue_indirect_dma source(%arg24 : memref<768x32xf32, #tpu.memory_space<vmem>>) target(%dma_start3A_238 : memref<16384x32xf32, #tpu.memory_space<vmem_shared>>) offsets(%arg18 : memref<768xi32, #tpu.memory_space<vmem>>) semaphore(%arg33 : memref<!tpu.dma_semaphore, #tpu.memory_space<semaphore_mem>>) {add = true}
      %add3A_239 = arith.constant 2 : i32
      %add3A_240 = arith.addi %add3A_208, %add3A_239 : i32
      %lt3A_241 = arith.constant 219 : i32
      %lt3A_242 = arith.cmpi slt, %add3A_240, %lt3A_241 : i32
      %ge3A_243 = arith.constant 1 : i32
      %ge3A_244 = arith.cmpi sge, %add3A_208, %ge3A_243 : i32
      %and3A_245 = arith.andi %lt3A_242, %ge3A_244 : i1
      %convert_element_type3A_246 = arith.extui %and3A_245 : i1 to i32
      %cond3A_247 = arith.constant 0 : i32
      %cond3A_248 = arith.cmpi ne, %convert_element_type3A_246, %cond3A_247 : i32
      scf.if %cond3A_248 {
        %dma_wait3A_257 = arith.constant 0 : i32
        %dma_wait3A_258 = arith.constant 0 : i32
        %dma_wait3A_259 = tpu.memref_slice %arg12[%dma_wait3A_257, %dma_wait3A_258] : memref<16384x32xf32, #tpu.memory_space<vmem_shared>> -> memref<16384x32xf32, #tpu.memory_space<vmem_shared>>
        tpu.wait_indirect_dma semaphore(%arg32 : memref<!tpu.dma_semaphore, #tpu.memory_space<semaphore_mem>>) src(%arg23 : memref<768x32xf32, #tpu.memory_space<vmem>>) dst(%dma_wait3A_259 : memref<16384x32xf32, #tpu.memory_space<vmem_shared>>)
      } else {
      }
      %add3A_249 = arith.constant 2 : i32
      %add3A_250 = arith.addi %add3A_208, %add3A_249 : i32
      %lt3A_251 = arith.constant 219 : i32
      %lt3A_252 = arith.cmpi slt, %add3A_250, %lt3A_251 : i32
      %convert_element_type3A_253 = arith.extui %lt3A_252 : i1 to i32
      %cond3A_254 = arith.constant 0 : i32
      %cond3A_255 = arith.cmpi ne, %convert_element_type3A_253, %cond3A_254 : i32
      scf.if %cond3A_255 {
        %add3A_257 = arith.constant 2 : i32
        %add3A_258 = arith.addi %add3A_208, %add3A_257 : i32
        %eq3A_259 = arith.constant 218 : i32
        %eq3A_260 = arith.cmpi eq, %add3A_258, %eq3A_259 : i32
        %eq3A_261 = arith.constant 15 : i32
        %eq3A_262 = arith.cmpi eq, %arg1, %eq3A_261 : i32
        %and3A_263 = arith.andi %eq3A_260, %eq3A_262 : i1
        %convert_element_type3A_264 = arith.extui %and3A_263 : i1 to i32
        %cond3A_265 = arith.constant 0 : i32
        %cond3A_266 = arith.cmpi ne, %convert_element_type3A_264, %cond3A_265 : i32
        scf.if %cond3A_266 {
          tpu.enqueue_dma source(%arg6 : memref<768xi32, #tpu.memory_space<hbm>>) target(%arg14 : memref<768xi32, #tpu.memory_space<vmem>>) target_semaphore(%arg26 : memref<!tpu.dma_semaphore, #tpu.memory_space<semaphore_mem>>)
          tpu.enqueue_dma source(%arg7 : memref<768xi32, #tpu.memory_space<hbm>>) target(%arg17 : memref<768xi32, #tpu.memory_space<vmem>>) target_semaphore(%arg26 : memref<!tpu.dma_semaphore, #tpu.memory_space<semaphore_mem>>)
          tpu.enqueue_dma source(%arg8 : memref<768xf32, #tpu.memory_space<hbm>>) target(%arg20 : memref<768xf32, #tpu.memory_space<vmem>>) target_semaphore(%arg26 : memref<!tpu.dma_semaphore, #tpu.memory_space<semaphore_mem>>)
        } else {
        }
        %not3A_267 = arith.constant true
        %not3A_268 = arith.xori %and3A_263, %not3A_267 : i1
        %convert_element_type3A_269 = arith.extui %not3A_268 : i1 to i32
        %cond3A_270 = arith.constant 0 : i32
        %cond3A_271 = arith.cmpi ne, %convert_element_type3A_269, %cond3A_270 : i32
        scf.if %cond3A_271 {
          %mul3A_272 = arith.constant 768 : i32
          %mul3A_273 = arith.muli %add3A_258, %mul3A_272 : i32
          %min3A = arith.constant 167008 : i32
          %min3A_274 = arith.minsi %mul3A_273, %min3A : i32
          %add3A_275 = arith.addi %mul3A_2, %min3A_274 : i32
          %dma_start3A_276 = tpu.memref_slice %arg3[%add3A_275] : memref<2684354xi32, #tpu.memory_space<hbm>> -> memref<768xi32, #tpu.memory_space<hbm>>
          %dma_start3A_277 = tpu.memref_slice %arg3[%add3A_275] : memref<2684354xi32, #tpu.memory_space<hbm>> -> memref<768xi32, #tpu.memory_space<hbm>>
          tpu.enqueue_dma source(%dma_start3A_277 : memref<768xi32, #tpu.memory_space<hbm>>) target(%arg14 : memref<768xi32, #tpu.memory_space<vmem>>) target_semaphore(%arg26 : memref<!tpu.dma_semaphore, #tpu.memory_space<semaphore_mem>>)
          %mul3A_278 = arith.constant 768 : i32
          %mul3A_279 = arith.muli %add3A_258, %mul3A_278 : i32
          %min3A_280 = arith.constant 167008 : i32
          %min3A_281 = arith.minsi %mul3A_279, %min3A_280 : i32
          %add3A_282 = arith.addi %mul3A_2, %min3A_281 : i32
          %dma_start3A_283 = tpu.memref_slice %arg4[%add3A_282] : memref<2684354xi32, #tpu.memory_space<hbm>> -> memref<768xi32, #tpu.memory_space<hbm>>
          %dma_start3A_284 = tpu.memref_slice %arg4[%add3A_282] : memref<2684354xi32, #tpu.memory_space<hbm>> -> memref<768xi32, #tpu.memory_space<hbm>>
          tpu.enqueue_dma source(%dma_start3A_284 : memref<768xi32, #tpu.memory_space<hbm>>) target(%arg17 : memref<768xi32, #tpu.memory_space<vmem>>) target_semaphore(%arg26 : memref<!tpu.dma_semaphore, #tpu.memory_space<semaphore_mem>>)
          %mul3A_285 = arith.constant 768 : i32
          %mul3A_286 = arith.muli %add3A_258, %mul3A_285 : i32
          %min3A_287 = arith.constant 167008 : i32
          %min3A_288 = arith.minsi %mul3A_286, %min3A_287 : i32
          %add3A_289 = arith.addi %mul3A_2, %min3A_288 : i32
          %dma_start3A_290 = tpu.memref_slice %arg5[%add3A_289] : memref<2684354xf32, #tpu.memory_space<hbm>> -> memref<768xf32, #tpu.memory_space<hbm>>
          %dma_start3A_291 = tpu.memref_slice %arg5[%add3A_289] : memref<2684354xf32, #tpu.memory_space<hbm>> -> memref<768xf32, #tpu.memory_space<hbm>>
          tpu.enqueue_dma source(%dma_start3A_291 : memref<768xf32, #tpu.memory_space<hbm>>) target(%arg20 : memref<768xf32, #tpu.memory_space<vmem>>) target_semaphore(%arg26 : memref<!tpu.dma_semaphore, #tpu.memory_space<semaphore_mem>>)
        } else {
        }
      } else {
      }
      %scan3A_256 = arith.constant 0 : i32
      scf.yield %scan3A_256 : i32
    }
    %scan3A_38 = arith.constant 73 : i32
    %dma_wait3A = arith.constant 0 : i32
    %dma_wait3A_39 = arith.constant 0 : i32
    %dma_wait3A_40 = tpu.memref_slice %arg12[%dma_wait3A, %dma_wait3A_39] : memref<16384x32xf32, #tpu.memory_space<vmem_shared>> -> memref<16384x32xf32, #tpu.memory_space<vmem_shared>>
    tpu.wait_indirect_dma semaphore(%arg31 : memref<!tpu.dma_semaphore, #tpu.memory_space<semaphore_mem>>) src(%arg22 : memref<768x32xf32, #tpu.memory_space<vmem>>) dst(%dma_wait3A_40 : memref<16384x32xf32, #tpu.memory_space<vmem_shared>>)
    %dma_wait3A_41 = arith.constant 0 : i32
    %dma_wait3A_42 = arith.constant 0 : i32
    %dma_wait3A_43 = tpu.memref_slice %arg12[%dma_wait3A_41, %dma_wait3A_42] : memref<16384x32xf32, #tpu.memory_space<vmem_shared>> -> memref<16384x32xf32, #tpu.memory_space<vmem_shared>>
    tpu.wait_indirect_dma semaphore(%arg32 : memref<!tpu.dma_semaphore, #tpu.memory_space<semaphore_mem>>) src(%arg23 : memref<768x32xf32, #tpu.memory_space<vmem>>) dst(%dma_wait3A_43 : memref<16384x32xf32, #tpu.memory_space<vmem_shared>>)
    %dma_wait3A_44 = arith.constant 0 : i32
    %dma_wait3A_45 = arith.constant 0 : i32
    %dma_wait3A_46 = tpu.memref_slice %arg12[%dma_wait3A_44, %dma_wait3A_45] : memref<16384x32xf32, #tpu.memory_space<vmem_shared>> -> memref<16384x32xf32, #tpu.memory_space<vmem_shared>>
    tpu.wait_indirect_dma semaphore(%arg33 : memref<!tpu.dma_semaphore, #tpu.memory_space<semaphore_mem>>) src(%arg24 : memref<768x32xf32, #tpu.memory_space<vmem>>) dst(%dma_wait3A_46 : memref<16384x32xf32, #tpu.memory_space<vmem_shared>>)
    %barrier3A_47 = arith.constant 0 : index
    tpu.barrier barrier_id(%barrier3A_47)
    %mul3A_48 = arith.constant 16384 : i32
    %mul3A_49 = arith.muli %arg0, %mul3A_48 : i32
    %add3A = arith.addi %mul3A_49, %mul3A_0 : i32
    "tpu.region"() ({
      %run_scoped3A = tpu.sem_alloc : memref<!tpu.dma_semaphore, #tpu.memory_space<semaphore_mem>>
      %dma_start3A_106 = arith.constant 0 : i32
      %dma_start3A_107 = tpu.memref_slice %arg11[%add3A, %dma_start3A_106] : memref<32768x32xf32, #tpu.memory_space<hbm>> -> memref<1024x32xf32, #tpu.memory_space<hbm>>
      %dma_start3A_108 = arith.constant 0 : i32
      %dma_start3A_109 = tpu.memref_slice %arg12[%mul3A_0, %dma_start3A_108] : memref<16384x32xf32, #tpu.memory_space<vmem_shared>> -> memref<1024x32xf32, #tpu.memory_space<vmem_shared>>
      tpu.enqueue_dma source(%dma_start3A_109 : memref<1024x32xf32, #tpu.memory_space<vmem_shared>>) target(%dma_start3A_107 : memref<1024x32xf32, #tpu.memory_space<hbm>>) target_semaphore(%run_scoped3A : memref<!tpu.dma_semaphore, #tpu.memory_space<semaphore_mem>>)
      %dma_wait3A_110 = arith.constant 0 : i32
      %dma_wait3A_111 = tpu.memref_slice %arg11[%add3A, %dma_wait3A_110] : memref<32768x32xf32, #tpu.memory_space<hbm>> -> memref<1024x32xf32, #tpu.memory_space<hbm>>
      %dma_wait3A_112 = arith.constant 0 : i32
      %dma_wait3A_113 = tpu.memref_slice %arg12[%mul3A_0, %dma_wait3A_112] : memref<16384x32xf32, #tpu.memory_space<vmem_shared>> -> memref<1024x32xf32, #tpu.memory_space<vmem_shared>>
      tpu.wait_dma2 semaphore(%run_scoped3A : memref<!tpu.dma_semaphore, #tpu.memory_space<semaphore_mem>>) src(%dma_wait3A_113 : memref<1024x32xf32, #tpu.memory_space<vmem_shared>>) dst(%dma_wait3A_111 : memref<1024x32xf32, #tpu.memory_space<hbm>>)
      tpu.yield
    }) : () -> ()
    "tpu.region"() ({
      %run_scoped3A = tpu.sem_alloc : memref<!tpu.dma_semaphore, #tpu.memory_space<semaphore_mem>>
      %dma_start3A_106 = arith.constant 0 : i32
      %dma_start3A_107 = tpu.memref_slice %arg12[%mul3A_0, %dma_start3A_106] : memref<16384x32xf32, #tpu.memory_space<vmem_shared>> -> memref<1024x32xf32, #tpu.memory_space<vmem_shared>>
      tpu.enqueue_dma source(%arg9 : memref<1024x32xf32, #tpu.memory_space<hbm>>) target(%dma_start3A_107 : memref<1024x32xf32, #tpu.memory_space<vmem_shared>>) target_semaphore(%run_scoped3A : memref<!tpu.dma_semaphore, #tpu.memory_space<semaphore_mem>>)
      %dma_wait3A_108 = arith.constant 0 : i32
      %dma_wait3A_109 = tpu.memref_slice %arg12[%mul3A_0, %dma_wait3A_108] : memref<16384x32xf32, #tpu.memory_space<vmem_shared>> -> memref<1024x32xf32, #tpu.memory_space<vmem_shared>>
      tpu.wait_dma2 semaphore(%run_scoped3A : memref<!tpu.dma_semaphore, #tpu.memory_space<semaphore_mem>>) src(%arg9 : memref<1024x32xf32, #tpu.memory_space<hbm>>) dst(%dma_wait3A_109 : memref<1024x32xf32, #tpu.memory_space<vmem_shared>>)
      tpu.yield
    }) : () -> ()
    %barrier3A_50 = arith.constant 0 : index
    tpu.barrier barrier_id(%barrier3A_50)
    %mul3A_51 = arith.constant 16384 : i32
    %mul3A_52 = arith.muli %arg0, %mul3A_51 : i32
    %eq3A_53 = arith.constant 15 : i32
    %eq3A_54 = arith.cmpi eq, %arg1, %eq3A_53 : i32
    %and3A_55 = arith.constant false
    %and3A_56 = arith.andi %and3A_55, %eq3A_54 : i1
    %convert_element_type3A_57 = arith.extui %and3A_56 : i1 to i32
    %cond3A_58 = arith.constant 0 : i32
    %cond3A_59 = arith.cmpi ne, %convert_element_type3A_57, %cond3A_58 : i32
    scf.if %cond3A_59 {
      tpu.enqueue_dma source(%arg6 : memref<768xi32, #tpu.memory_space<hbm>>) target(%arg13 : memref<768xi32, #tpu.memory_space<vmem>>) target_semaphore(%arg25 : memref<!tpu.dma_semaphore, #tpu.memory_space<semaphore_mem>>)
      tpu.enqueue_dma source(%arg7 : memref<768xi32, #tpu.memory_space<hbm>>) target(%arg16 : memref<768xi32, #tpu.memory_space<vmem>>) target_semaphore(%arg25 : memref<!tpu.dma_semaphore, #tpu.memory_space<semaphore_mem>>)
      tpu.enqueue_dma source(%arg8 : memref<768xf32, #tpu.memory_space<hbm>>) target(%arg19 : memref<768xf32, #tpu.memory_space<vmem>>) target_semaphore(%arg25 : memref<!tpu.dma_semaphore, #tpu.memory_space<semaphore_mem>>)
    } else {
    }
    %not3A_60 = arith.constant true
    %not3A_61 = arith.xori %and3A_56, %not3A_60 : i1
    %convert_element_type3A_62 = arith.extui %not3A_61 : i1 to i32
    %cond3A_63 = arith.constant 0 : i32
    %cond3A_64 = arith.cmpi ne, %convert_element_type3A_62, %cond3A_63 : i32
    scf.if %cond3A_64 {
      %min3A = arith.constant 0 : i32
      %min3A_106 = arith.constant 167008 : i32
      %min3A_107 = arith.minsi %min3A, %min3A_106 : i32
      %add3A_108 = arith.addi %mul3A_2, %min3A_107 : i32
      %dma_start3A_109 = tpu.memref_slice %arg3[%add3A_108] : memref<2684354xi32, #tpu.memory_space<hbm>> -> memref<768xi32, #tpu.memory_space<hbm>>
      %dma_start3A_110 = tpu.memref_slice %arg3[%add3A_108] : memref<2684354xi32, #tpu.memory_space<hbm>> -> memref<768xi32, #tpu.memory_space<hbm>>
      tpu.enqueue_dma source(%dma_start3A_110 : memref<768xi32, #tpu.memory_space<hbm>>) target(%arg13 : memref<768xi32, #tpu.memory_space<vmem>>) target_semaphore(%arg25 : memref<!tpu.dma_semaphore, #tpu.memory_space<semaphore_mem>>)
      %min3A_111 = arith.constant 0 : i32
      %min3A_112 = arith.constant 167008 : i32
      %min3A_113 = arith.minsi %min3A_111, %min3A_112 : i32
      %add3A_114 = arith.addi %mul3A_2, %min3A_113 : i32
      %dma_start3A_115 = tpu.memref_slice %arg4[%add3A_114] : memref<2684354xi32, #tpu.memory_space<hbm>> -> memref<768xi32, #tpu.memory_space<hbm>>
      %dma_start3A_116 = tpu.memref_slice %arg4[%add3A_114] : memref<2684354xi32, #tpu.memory_space<hbm>> -> memref<768xi32, #tpu.memory_space<hbm>>
      tpu.enqueue_dma source(%dma_start3A_116 : memref<768xi32, #tpu.memory_space<hbm>>) target(%arg16 : memref<768xi32, #tpu.memory_space<vmem>>) target_semaphore(%arg25 : memref<!tpu.dma_semaphore, #tpu.memory_space<semaphore_mem>>)
      %min3A_117 = arith.constant 0 : i32
      %min3A_118 = arith.constant 167008 : i32
      %min3A_119 = arith.minsi %min3A_117, %min3A_118 : i32
      %add3A_120 = arith.addi %mul3A_2, %min3A_119 : i32
      %dma_start3A_121 = tpu.memref_slice %arg5[%add3A_120] : memref<2684354xf32, #tpu.memory_space<hbm>> -> memref<768xf32, #tpu.memory_space<hbm>>
      %dma_start3A_122 = tpu.memref_slice %arg5[%add3A_120] : memref<2684354xf32, #tpu.memory_space<hbm>> -> memref<768xf32, #tpu.memory_space<hbm>>
      tpu.enqueue_dma source(%dma_start3A_122 : memref<768xf32, #tpu.memory_space<hbm>>) target(%arg19 : memref<768xf32, #tpu.memory_space<vmem>>) target_semaphore(%arg25 : memref<!tpu.dma_semaphore, #tpu.memory_space<semaphore_mem>>)
    } else {
    }
    %eq3A_65 = arith.constant 15 : i32
    %eq3A_66 = arith.cmpi eq, %arg1, %eq3A_65 : i32
    %and3A_67 = arith.constant false
    %and3A_68 = arith.andi %and3A_67, %eq3A_66 : i1
    %convert_element_type3A_69 = arith.extui %and3A_68 : i1 to i32
    %cond3A_70 = arith.constant 0 : i32
    %cond3A_71 = arith.cmpi ne, %convert_element_type3A_69, %cond3A_70 : i32
    scf.if %cond3A_71 {
      tpu.enqueue_dma source(%arg6 : memref<768xi32, #tpu.memory_space<hbm>>) target(%arg14 : memref<768xi32, #tpu.memory_space<vmem>>) target_semaphore(%arg26 : memref<!tpu.dma_semaphore, #tpu.memory_space<semaphore_mem>>)
      tpu.enqueue_dma source(%arg7 : memref<768xi32, #tpu.memory_space<hbm>>) target(%arg17 : memref<768xi32, #tpu.memory_space<vmem>>) target_semaphore(%arg26 : memref<!tpu.dma_semaphore, #tpu.memory_space<semaphore_mem>>)
      tpu.enqueue_dma source(%arg8 : memref<768xf32, #tpu.memory_space<hbm>>) target(%arg20 : memref<768xf32, #tpu.memory_space<vmem>>) target_semaphore(%arg26 : memref<!tpu.dma_semaphore, #tpu.memory_space<semaphore_mem>>)
    } else {
    }
    %not3A_72 = arith.constant true
    %not3A_73 = arith.xori %and3A_68, %not3A_72 : i1
    %convert_element_type3A_74 = arith.extui %not3A_73 : i1 to i32
    %cond3A_75 = arith.constant 0 : i32
    %cond3A_76 = arith.cmpi ne, %convert_element_type3A_74, %cond3A_75 : i32
    scf.if %cond3A_76 {
      %min3A = arith.constant 768 : i32
      %min3A_106 = arith.constant 167008 : i32
      %min3A_107 = arith.minsi %min3A, %min3A_106 : i32
      %add3A_108 = arith.addi %mul3A_2, %min3A_107 : i32
      %dma_start3A_109 = tpu.memref_slice %arg3[%add3A_108] : memref<2684354xi32, #tpu.memory_space<hbm>> -> memref<768xi32, #tpu.memory_space<hbm>>
      %dma_start3A_110 = tpu.memref_slice %arg3[%add3A_108] : memref<2684354xi32, #tpu.memory_space<hbm>> -> memref<768xi32, #tpu.memory_space<hbm>>
      tpu.enqueue_dma source(%dma_start3A_110 : memref<768xi32, #tpu.memory_space<hbm>>) target(%arg14 : memref<768xi32, #tpu.memory_space<vmem>>) target_semaphore(%arg26 : memref<!tpu.dma_semaphore, #tpu.memory_space<semaphore_mem>>)
      %min3A_111 = arith.constant 768 : i32
      %min3A_112 = arith.constant 167008 : i32
      %min3A_113 = arith.minsi %min3A_111, %min3A_112 : i32
      %add3A_114 = arith.addi %mul3A_2, %min3A_113 : i32
      %dma_start3A_115 = tpu.memref_slice %arg4[%add3A_114] : memref<2684354xi32, #tpu.memory_space<hbm>> -> memref<768xi32, #tpu.memory_space<hbm>>
      %dma_start3A_116 = tpu.memref_slice %arg4[%add3A_114] : memref<2684354xi32, #tpu.memory_space<hbm>> -> memref<768xi32, #tpu.memory_space<hbm>>
      tpu.enqueue_dma source(%dma_start3A_116 : memref<768xi32, #tpu.memory_space<hbm>>) target(%arg17 : memref<768xi32, #tpu.memory_space<vmem>>) target_semaphore(%arg26 : memref<!tpu.dma_semaphore, #tpu.memory_space<semaphore_mem>>)
      %min3A_117 = arith.constant 768 : i32
      %min3A_118 = arith.constant 167008 : i32
      %min3A_119 = arith.minsi %min3A_117, %min3A_118 : i32
      %add3A_120 = arith.addi %mul3A_2, %min3A_119 : i32
      %dma_start3A_121 = tpu.memref_slice %arg5[%add3A_120] : memref<2684354xf32, #tpu.memory_space<hbm>> -> memref<768xf32, #tpu.memory_space<hbm>>
      %dma_start3A_122 = tpu.memref_slice %arg5[%add3A_120] : memref<2684354xf32, #tpu.memory_space<hbm>> -> memref<768xf32, #tpu.memory_space<hbm>>
      tpu.enqueue_dma source(%dma_start3A_122 : memref<768xf32, #tpu.memory_space<hbm>>) target(%arg20 : memref<768xf32, #tpu.memory_space<vmem>>) target_semaphore(%arg26 : memref<!tpu.dma_semaphore, #tpu.memory_space<semaphore_mem>>)
    } else {
    }
    tpu.wait_dma2 semaphore(%arg25 : memref<!tpu.dma_semaphore, #tpu.memory_space<semaphore_mem>>) src(%arg6 : memref<768xi32, #tpu.memory_space<hbm>>) dst(%arg13 : memref<768xi32, #tpu.memory_space<vmem>>)
    tpu.wait_dma2 semaphore(%arg25 : memref<!tpu.dma_semaphore, #tpu.memory_space<semaphore_mem>>) src(%arg7 : memref<768xi32, #tpu.memory_space<hbm>>) dst(%arg16 : memref<768xi32, #tpu.memory_space<vmem>>)
    tpu.wait_dma2 semaphore(%arg25 : memref<!tpu.dma_semaphore, #tpu.memory_space<semaphore_mem>>) src(%arg8 : memref<768xf32, #tpu.memory_space<hbm>>) dst(%arg19 : memref<768xf32, #tpu.memory_space<vmem>>)
    %scan3A_77 = arith.constant 0 : i32
    %scan3A_78 = arith.constant 0 : i32
    %scan3A_79 = arith.constant 12 : i32
    %scan3A_80 = arith.addi %scan3A_78, %scan3A_79 : i32
    %scan3A_81 = arith.constant 1 : i32
    %scan3A_82 = scf.for %scan3A_106 = %scan3A_78 to %scan3A_80 step %scan3A_81 iter_args(%scan3A_107 = %scan3A_77) -> (i32)  : i32 {
      %mul3A_108 = arith.constant 64 : i32
      %mul3A_109 = arith.muli %scan3A_106, %mul3A_108 : i32
      %add3A_110 = arith.constant 0 : i32
      %add3A_111 = arith.addi %mul3A_109, %add3A_110 : i32
      %get3A = arith.index_cast %add3A_111 : i32 to index
      %get3A_112 = tpu.vector_load %arg13[%get3A] {strides = array<i32>} : memref<768xi32, #tpu.memory_space<vmem>>, vector<16xi32>,
      %get3A_113 = vector.shape_cast %get3A_112 : vector<16xi32> to vector<16xi32>
      %add3A_114 = vector.broadcast %mul3A_52 : i32 to vector<16xi32>
      %add3A_115 = arith.addi %get3A_113, %add3A_114 : vector<16xi32>
      %swap3A = arith.index_cast %add3A_111 : i32 to index
      %swap3A_116 = tpu.vector_load %arg13[%swap3A] {strides = array<i32>} : memref<768xi32, #tpu.memory_space<vmem>>, vector<16xi32>,
      %swap3A_117 = vector.shape_cast %swap3A_116 : vector<16xi32> to vector<16xi32>
      %swap3A_118 = vector.shape_cast %add3A_115 : vector<16xi32> to vector<16xi32>
      tpu.vector_store %arg13[%swap3A], %swap3A_118 {strides = array<i32>} : memref<768xi32, #tpu.memory_space<vmem>>, vector<16xi32>,
      %add3A_119 = arith.constant 16 : i32
      %add3A_120 = arith.addi %mul3A_109, %add3A_119 : i32
      %get3A_121 = arith.index_cast %add3A_120 : i32 to index
      %get3A_122 = tpu.vector_load %arg13[%get3A_121] {strides = array<i32>} : memref<768xi32, #tpu.memory_space<vmem>>, vector<16xi32>,
      %get3A_123 = vector.shape_cast %get3A_122 : vector<16xi32> to vector<16xi32>
      %add3A_124 = vector.broadcast %mul3A_52 : i32 to vector<16xi32>
      %add3A_125 = arith.addi %get3A_123, %add3A_124 : vector<16xi32>
      %swap3A_126 = arith.index_cast %add3A_120 : i32 to index
      %swap3A_127 = tpu.vector_load %arg13[%swap3A_126] {strides = array<i32>} : memref<768xi32, #tpu.memory_space<vmem>>, vector<16xi32>,
      %swap3A_128 = vector.shape_cast %swap3A_127 : vector<16xi32> to vector<16xi32>
      %swap3A_129 = vector.shape_cast %add3A_125 : vector<16xi32> to vector<16xi32>
      tpu.vector_store %arg13[%swap3A_126], %swap3A_129 {strides = array<i32>} : memref<768xi32, #tpu.memory_space<vmem>>, vector<16xi32>,
      %add3A_130 = arith.constant 32 : i32
      %add3A_131 = arith.addi %mul3A_109, %add3A_130 : i32
      %get3A_132 = arith.index_cast %add3A_131 : i32 to index
      %get3A_133 = tpu.vector_load %arg13[%get3A_132] {strides = array<i32>} : memref<768xi32, #tpu.memory_space<vmem>>, vector<16xi32>,
      %get3A_134 = vector.shape_cast %get3A_133 : vector<16xi32> to vector<16xi32>
      %add3A_135 = vector.broadcast %mul3A_52 : i32 to vector<16xi32>
      %add3A_136 = arith.addi %get3A_134, %add3A_135 : vector<16xi32>
      %swap3A_137 = arith.index_cast %add3A_131 : i32 to index
      %swap3A_138 = tpu.vector_load %arg13[%swap3A_137] {strides = array<i32>} : memref<768xi32, #tpu.memory_space<vmem>>, vector<16xi32>,
      %swap3A_139 = vector.shape_cast %swap3A_138 : vector<16xi32> to vector<16xi32>
      %swap3A_140 = vector.shape_cast %add3A_136 : vector<16xi32> to vector<16xi32>
      tpu.vector_store %arg13[%swap3A_137], %swap3A_140 {strides = array<i32>} : memref<768xi32, #tpu.memory_space<vmem>>, vector<16xi32>,
      %add3A_141 = arith.constant 48 : i32
      %add3A_142 = arith.addi %mul3A_109, %add3A_141 : i32
      %get3A_143 = arith.index_cast %add3A_142 : i32 to index
      %get3A_144 = tpu.vector_load %arg13[%get3A_143] {strides = array<i32>} : memref<768xi32, #tpu.memory_space<vmem>>, vector<16xi32>,
      %get3A_145 = vector.shape_cast %get3A_144 : vector<16xi32> to vector<16xi32>
      %add3A_146 = vector.broadcast %mul3A_52 : i32 to vector<16xi32>
      %add3A_147 = arith.addi %get3A_145, %add3A_146 : vector<16xi32>
      %swap3A_148 = arith.index_cast %add3A_142 : i32 to index
      %swap3A_149 = tpu.vector_load %arg13[%swap3A_148] {strides = array<i32>} : memref<768xi32, #tpu.memory_space<vmem>>, vector<16xi32>,
      %swap3A_150 = vector.shape_cast %swap3A_149 : vector<16xi32> to vector<16xi32>
      %swap3A_151 = vector.shape_cast %add3A_147 : vector<16xi32> to vector<16xi32>
      tpu.vector_store %arg13[%swap3A_148], %swap3A_151 {strides = array<i32>} : memref<768xi32, #tpu.memory_space<vmem>>, vector<16xi32>,
      %scan3A_152 = arith.constant 0 : i32
      scf.yield %scan3A_152 : i32
    }
    %scan3A_83 = arith.constant 12 : i32
    %dma_start3A_84 = arith.constant 0 : i32
    %dma_start3A_85 = arith.constant 0 : i32
    %dma_start3A_86 = tpu.memref_slice %arg11[%dma_start3A_84, %dma_start3A_85] : memref<32768x32xf32, #tpu.memory_space<hbm>> -> memref<32768x32xf32, #tpu.memory_space<hbm>>
    tpu.enqueue_indirect_dma source(%dma_start3A_86 : memref<32768x32xf32, #tpu.memory_space<hbm>>) target(%arg22 : memref<768x32xf32, #tpu.memory_space<vmem>>) offsets(%arg13 : memref<768xi32, #tpu.memory_space<vmem>>) semaphore(%arg28 : memref<!tpu.dma_semaphore, #tpu.memory_space<semaphore_mem>>)
    %scan3A_87 = arith.constant 0 : i32
    %scan3A_88 = arith.constant 0 : i32
    %scan3A_89 = arith.constant 73 : i32
    %scan3A_90 = arith.addi %scan3A_88, %scan3A_89 : i32
    %scan3A_91 = arith.constant 1 : i32
    %scan3A_92 = scf.for %scan3A_106 = %scan3A_88 to %scan3A_90 step %scan3A_91 iter_args(%scan3A_107 = %scan3A_87) -> (i32)  : i32 {
      %mul3A_108 = arith.constant 3 : i32
      %mul3A_109 = arith.muli %mul3A_108, %scan3A_106 : i32
      %add3A_110 = arith.constant 0 : i32
      %add3A_111 = arith.addi %mul3A_109, %add3A_110 : i32
      %add3A_112 = arith.constant 1 : i32
      %add3A_113 = arith.addi %add3A_111, %add3A_112 : i32
      %lt3A = arith.constant 219 : i32
      %lt3A_114 = arith.cmpi slt, %add3A_113, %lt3A : i32
      %convert_element_type3A_115 = arith.extui %lt3A_114 : i1 to i32
      %cond3A_116 = arith.constant 0 : i32
      %cond3A_117 = arith.cmpi ne, %convert_element_type3A_115, %cond3A_116 : i32
      scf.if %cond3A_117 {
        %add3A_257 = arith.constant 1 : i32
        %add3A_258 = arith.addi %add3A_111, %add3A_257 : i32
        tpu.wait_dma2 semaphore(%arg26 : memref<!tpu.dma_semaphore, #tpu.memory_space<semaphore_mem>>) src(%arg6 : memref<768xi32, #tpu.memory_space<hbm>>) dst(%arg14 : memref<768xi32, #tpu.memory_space<vmem>>)
        tpu.wait_dma2 semaphore(%arg26 : memref<!tpu.dma_semaphore, #tpu.memory_space<semaphore_mem>>) src(%arg7 : memref<768xi32, #tpu.memory_space<hbm>>) dst(%arg17 : memref<768xi32, #tpu.memory_space<vmem>>)
        tpu.wait_dma2 semaphore(%arg26 : memref<!tpu.dma_semaphore, #tpu.memory_space<semaphore_mem>>) src(%arg8 : memref<768xf32, #tpu.memory_space<hbm>>) dst(%arg20 : memref<768xf32, #tpu.memory_space<vmem>>)
        %scan3A_259 = arith.constant 0 : i32
        %scan3A_260 = arith.constant 0 : i32
        %scan3A_261 = arith.constant 12 : i32
        %scan3A_262 = arith.addi %scan3A_260, %scan3A_261 : i32
        %scan3A_263 = arith.constant 1 : i32
        %scan3A_264 = scf.for %scan3A_269 = %scan3A_260 to %scan3A_262 step %scan3A_263 iter_args(%scan3A_270 = %scan3A_259) -> (i32)  : i32 {
          %mul3A_271 = arith.constant 64 : i32
          %mul3A_272 = arith.muli %scan3A_269, %mul3A_271 : i32
          %add3A_273 = arith.constant 0 : i32
          %add3A_274 = arith.addi %mul3A_272, %add3A_273 : i32
          %get3A = arith.index_cast %add3A_274 : i32 to index
          %get3A_275 = tpu.vector_load %arg14[%get3A] {strides = array<i32>} : memref<768xi32, #tpu.memory_space<vmem>>, vector<16xi32>,
          %get3A_276 = vector.shape_cast %get3A_275 : vector<16xi32> to vector<16xi32>
          %add3A_277 = vector.broadcast %mul3A_52 : i32 to vector<16xi32>
          %add3A_278 = arith.addi %get3A_276, %add3A_277 : vector<16xi32>
          %swap3A = arith.index_cast %add3A_274 : i32 to index
          %swap3A_279 = tpu.vector_load %arg14[%swap3A] {strides = array<i32>} : memref<768xi32, #tpu.memory_space<vmem>>, vector<16xi32>,
          %swap3A_280 = vector.shape_cast %swap3A_279 : vector<16xi32> to vector<16xi32>
          %swap3A_281 = vector.shape_cast %add3A_278 : vector<16xi32> to vector<16xi32>
          tpu.vector_store %arg14[%swap3A], %swap3A_281 {strides = array<i32>} : memref<768xi32, #tpu.memory_space<vmem>>, vector<16xi32>,
          %add3A_282 = arith.constant 16 : i32
          %add3A_283 = arith.addi %mul3A_272, %add3A_282 : i32
          %get3A_284 = arith.index_cast %add3A_283 : i32 to index
          %get3A_285 = tpu.vector_load %arg14[%get3A_284] {strides = array<i32>} : memref<768xi32, #tpu.memory_space<vmem>>, vector<16xi32>,
          %get3A_286 = vector.shape_cast %get3A_285 : vector<16xi32> to vector<16xi32>
          %add3A_287 = vector.broadcast %mul3A_52 : i32 to vector<16xi32>
          %add3A_288 = arith.addi %get3A_286, %add3A_287 : vector<16xi32>
          %swap3A_289 = arith.index_cast %add3A_283 : i32 to index
          %swap3A_290 = tpu.vector_load %arg14[%swap3A_289] {strides = array<i32>} : memref<768xi32, #tpu.memory_space<vmem>>, vector<16xi32>,
          %swap3A_291 = vector.shape_cast %swap3A_290 : vector<16xi32> to vector<16xi32>
          %swap3A_292 = vector.shape_cast %add3A_288 : vector<16xi32> to vector<16xi32>
          tpu.vector_store %arg14[%swap3A_289], %swap3A_292 {strides = array<i32>} : memref<768xi32, #tpu.memory_space<vmem>>, vector<16xi32>,
          %add3A_293 = arith.constant 32 : i32
          %add3A_294 = arith.addi %mul3A_272, %add3A_293 : i32
          %get3A_295 = arith.index_cast %add3A_294 : i32 to index
          %get3A_296 = tpu.vector_load %arg14[%get3A_295] {strides = array<i32>} : memref<768xi32, #tpu.memory_space<vmem>>, vector<16xi32>,
          %get3A_297 = vector.shape_cast %get3A_296 : vector<16xi32> to vector<16xi32>
          %add3A_298 = vector.broadcast %mul3A_52 : i32 to vector<16xi32>
          %add3A_299 = arith.addi %get3A_297, %add3A_298 : vector<16xi32>
          %swap3A_300 = arith.index_cast %add3A_294 : i32 to index
          %swap3A_301 = tpu.vector_load %arg14[%swap3A_300] {strides = array<i32>} : memref<768xi32, #tpu.memory_space<vmem>>, vector<16xi32>,
          %swap3A_302 = vector.shape_cast %swap3A_301 : vector<16xi32> to vector<16xi32>
          %swap3A_303 = vector.shape_cast %add3A_299 : vector<16xi32> to vector<16xi32>
          tpu.vector_store %arg14[%swap3A_300], %swap3A_303 {strides = array<i32>} : memref<768xi32, #tpu.memory_space<vmem>>, vector<16xi32>,
          %add3A_304 = arith.constant 48 : i32
          %add3A_305 = arith.addi %mul3A_272, %add3A_304 : i32
          %get3A_306 = arith.index_cast %add3A_305 : i32 to index
          %get3A_307 = tpu.vector_load %arg14[%get3A_306] {strides = array<i32>} : memref<768xi32, #tpu.memory_space<vmem>>, vector<16xi32>,
          %get3A_308 = vector.shape_cast %get3A_307 : vector<16xi32> to vector<16xi32>
          %add3A_309 = vector.broadcast %mul3A_52 : i32 to vector<16xi32>
          %add3A_310 = arith.addi %get3A_308, %add3A_309 : vector<16xi32>
          %swap3A_311 = arith.index_cast %add3A_305 : i32 to index
          %swap3A_312 = tpu.vector_load %arg14[%swap3A_311] {strides = array<i32>} : memref<768xi32, #tpu.memory_space<vmem>>, vector<16xi32>,
          %swap3A_313 = vector.shape_cast %swap3A_312 : vector<16xi32> to vector<16xi32>
          %swap3A_314 = vector.shape_cast %add3A_310 : vector<16xi32> to vector<16xi32>
          tpu.vector_store %arg14[%swap3A_311], %swap3A_314 {strides = array<i32>} : memref<768xi32, #tpu.memory_space<vmem>>, vector<16xi32>,
          %scan3A_315 = arith.constant 0 : i32
          scf.yield %scan3A_315 : i32
        }
        %scan3A_265 = arith.constant 12 : i32
        %dma_start3A_266 = arith.constant 0 : i32
        %dma_start3A_267 = arith.constant 0 : i32
        %dma_start3A_268 = tpu.memref_slice %arg11[%dma_start3A_266, %dma_start3A_267] : memref<32768x32xf32, #tpu.memory_space<hbm>> -> memref<32768x32xf32, #tpu.memory_space<hbm>>
        tpu.enqueue_indirect_dma source(%dma_start3A_268 : memref<32768x32xf32, #tpu.memory_space<hbm>>) target(%arg23 : memref<768x32xf32, #tpu.memory_space<vmem>>) offsets(%arg14 : memref<768xi32, #tpu.memory_space<vmem>>) semaphore(%arg29 : memref<!tpu.dma_semaphore, #tpu.memory_space<semaphore_mem>>)
      } else {
      }
      %dma_wait3A_118 = arith.constant 0 : i32
      %dma_wait3A_119 = arith.constant 0 : i32
      %dma_wait3A_120 = tpu.memref_slice %arg11[%dma_wait3A_118, %dma_wait3A_119] : memref<32768x32xf32, #tpu.memory_space<hbm>> -> memref<32768x32xf32, #tpu.memory_space<hbm>>
      tpu.wait_indirect_dma semaphore(%arg28 : memref<!tpu.dma_semaphore, #tpu.memory_space<semaphore_mem>>) src(%dma_wait3A_120 : memref<32768x32xf32, #tpu.memory_space<hbm>>) dst(%arg22 : memref<768x32xf32, #tpu.memory_space<vmem>>)
      %eq3A_121 = arith.constant 218 : i32
      %eq3A_122 = arith.cmpi eq, %add3A_111, %eq3A_121 : i32
      %eq3A_123 = arith.constant 15 : i32
      %eq3A_124 = arith.cmpi eq, %arg1, %eq3A_123 : i32
      %jit3A = arith.constant 478 : i32
      %jit3A_125 = arith.constant 416 : i32
      %select_n3A = arith.select %eq3A_124, %jit3A, %jit3A_125 : i32
      %jit3A_126 = arith.constant 0 : i32
      %select_n3A_127 = arith.select %eq3A_122, %select_n3A, %jit3A_126 : i32
      %iota3A = tpu.iota {dimensions = array<i32: 0>} : vector<16xi32>
      %scan3A_128 = arith.constant 0 : i32
      %scan3A_129 = arith.constant 0 : i32
      %scan3A_130 = arith.constant 48 : i32
      %scan3A_131 = arith.addi %scan3A_129, %scan3A_130 : i32
      %scan3A_132 = arith.constant 1 : i32
      %scan3A_133 = scf.for %scan3A_257 = %scan3A_129 to %scan3A_131 step %scan3A_132 iter_args(%scan3A_258 = %scan3A_128) -> (i32)  : i32 {
        %mul3A_259 = arith.constant 16 : i32
        %mul3A_260 = arith.muli %scan3A_257, %mul3A_259 : i32
        %get3A = arith.index_cast %mul3A_260 : i32 to index
        %get3A_261 = tpu.vector_load %arg19[%get3A] {strides = array<i32>} : memref<768xf32, #tpu.memory_space<vmem>>, vector<16xf32>,
        %get3A_262 = vector.shape_cast %get3A_261 : vector<16xf32> to vector<16xf32>
        %add3A_263 = vector.broadcast %mul3A_260 : i32 to vector<16xi32>
        %add3A_264 = arith.addi %iota3A, %add3A_263 : vector<16xi32>
        %ge3A_265 = vector.broadcast %select_n3A_127 : i32 to vector<16xi32>
        %ge3A_266 = arith.cmpi sge, %add3A_264, %ge3A_265 : vector<16xi32>
        %jit3A_267 = arith.constant 0.000000e+00 : f32
        %broadcast_in_dim3A = vector.broadcast %jit3A_267 : f32 to vector<16xf32>
        %select_n3A_268 = arith.select %ge3A_266, %get3A_262, %broadcast_in_dim3A : vector<16xi1>, vector<16xf32>
        %add3A_269 = arith.constant 0 : i32
        %add3A_270 = arith.addi %mul3A_260, %add3A_269 : i32
        %slice3A = vector.extract_strided_slice %select_n3A_268 {offsets = [0], sizes = [1], strides = [1]} : vector<16xf32> to vector<1xf32>
        %squeeze3A = vector.extract %slice3A[0] : f32 from vector<1xf32>
        %get3A_271 = arith.index_cast %add3A_270 : i32 to index
        %get3A_272 = arith.constant 0 : index
        %get3A_273 = tpu.vector_load %arg22[%get3A_271, %get3A_272] {strides = array<i32>} : memref<768x32xf32, #tpu.memory_space<vmem>>, vector<1x16xf32>,
        %get3A_274 = vector.shape_cast %get3A_273 : vector<1x16xf32> to vector<16xf32>
        %mul3A_275 = vector.broadcast %squeeze3A : f32 to vector<16xf32>
        %mul3A_276 = arith.mulf %get3A_274, %mul3A_275 : vector<16xf32>
        %swap3A = arith.index_cast %add3A_270 : i32 to index
        %swap3A_277 = arith.constant 0 : index
        %swap3A_278 = tpu.vector_load %arg22[%swap3A, %swap3A_277] {strides = array<i32>} : memref<768x32xf32, #tpu.memory_space<vmem>>, vector<1x16xf32>,
        %swap3A_279 = vector.shape_cast %swap3A_278 : vector<1x16xf32> to vector<16xf32>
        %swap3A_280 = vector.shape_cast %mul3A_276 : vector<16xf32> to vector<1x16xf32>
        tpu.vector_store %arg22[%swap3A, %swap3A_277], %swap3A_280 {strides = array<i32>} : memref<768x32xf32, #tpu.memory_space<vmem>>, vector<1x16xf32>,
        %get3A_281 = arith.index_cast %add3A_270 : i32 to index
        %get3A_282 = arith.constant 16 : index
        %get3A_283 = tpu.vector_load %arg22[%get3A_281, %get3A_282] {strides = array<i32>} : memref<768x32xf32, #tpu.memory_space<vmem>>, vector<1x16xf32>,
        %get3A_284 = vector.shape_cast %get3A_283 : vector<1x16xf32> to vector<16xf32>
        %mul3A_285 = vector.broadcast %squeeze3A : f32 to vector<16xf32>
        %mul3A_286 = arith.mulf %get3A_284, %mul3A_285 : vector<16xf32>
        %swap3A_287 = arith.index_cast %add3A_270 : i32 to index
        %swap3A_288 = arith.constant 16 : index
        %swap3A_289 = tpu.vector_load %arg22[%swap3A_287, %swap3A_288] {strides = array<i32>} : memref<768x32xf32, #tpu.memory_space<vmem>>, vector<1x16xf32>,
        %swap3A_290 = vector.shape_cast %swap3A_289 : vector<1x16xf32> to vector<16xf32>
        %swap3A_291 = vector.shape_cast %mul3A_286 : vector<16xf32> to vector<1x16xf32>
        tpu.vector_store %arg22[%swap3A_287, %swap3A_288], %swap3A_291 {strides = array<i32>} : memref<768x32xf32, #tpu.memory_space<vmem>>, vector<1x16xf32>,
        %add3A_292 = arith.constant 1 : i32
        %add3A_293 = arith.addi %mul3A_260, %add3A_292 : i32
        %slice3A_294 = vector.extract_strided_slice %select_n3A_268 {offsets = [1], sizes = [1], strides = [1]} : vector<16xf32> to vector<1xf32>
        %squeeze3A_295 = vector.extract %slice3A_294[0] : f32 from vector<1xf32>
        %get3A_296 = arith.index_cast %add3A_293 : i32 to index
        %get3A_297 = arith.constant 0 : index
        %get3A_298 = tpu.vector_load %arg22[%get3A_296, %get3A_297] {strides = array<i32>} : memref<768x32xf32, #tpu.memory_space<vmem>>, vector<1x16xf32>,
        %get3A_299 = vector.shape_cast %get3A_298 : vector<1x16xf32> to vector<16xf32>
        %mul3A_300 = vector.broadcast %squeeze3A_295 : f32 to vector<16xf32>
        %mul3A_301 = arith.mulf %get3A_299, %mul3A_300 : vector<16xf32>
        %swap3A_302 = arith.index_cast %add3A_293 : i32 to index
        %swap3A_303 = arith.constant 0 : index
        %swap3A_304 = tpu.vector_load %arg22[%swap3A_302, %swap3A_303] {strides = array<i32>} : memref<768x32xf32, #tpu.memory_space<vmem>>, vector<1x16xf32>,
        %swap3A_305 = vector.shape_cast %swap3A_304 : vector<1x16xf32> to vector<16xf32>
        %swap3A_306 = vector.shape_cast %mul3A_301 : vector<16xf32> to vector<1x16xf32>
        tpu.vector_store %arg22[%swap3A_302, %swap3A_303], %swap3A_306 {strides = array<i32>} : memref<768x32xf32, #tpu.memory_space<vmem>>, vector<1x16xf32>,
        %get3A_307 = arith.index_cast %add3A_293 : i32 to index
        %get3A_308 = arith.constant 16 : index
        %get3A_309 = tpu.vector_load %arg22[%get3A_307, %get3A_308] {strides = array<i32>} : memref<768x32xf32, #tpu.memory_space<vmem>>, vector<1x16xf32>,
        %get3A_310 = vector.shape_cast %get3A_309 : vector<1x16xf32> to vector<16xf32>
        %mul3A_311 = vector.broadcast %squeeze3A_295 : f32 to vector<16xf32>
        %mul3A_312 = arith.mulf %get3A_310, %mul3A_311 : vector<16xf32>
        %swap3A_313 = arith.index_cast %add3A_293 : i32 to index
        %swap3A_314 = arith.constant 16 : index
        %swap3A_315 = tpu.vector_load %arg22[%swap3A_313, %swap3A_314] {strides = array<i32>} : memref<768x32xf32, #tpu.memory_space<vmem>>, vector<1x16xf32>,
        %swap3A_316 = vector.shape_cast %swap3A_315 : vector<1x16xf32> to vector<16xf32>
        %swap3A_317 = vector.shape_cast %mul3A_312 : vector<16xf32> to vector<1x16xf32>
        tpu.vector_store %arg22[%swap3A_313, %swap3A_314], %swap3A_317 {strides = array<i32>} : memref<768x32xf32, #tpu.memory_space<vmem>>, vector<1x16xf32>,
        %add3A_318 = arith.constant 2 : i32
        %add3A_319 = arith.addi %mul3A_260, %add3A_318 : i32
        %slice3A_320 = vector.extract_strided_slice %select_n3A_268 {offsets = [2], sizes = [1], strides = [1]} : vector<16xf32> to vector<1xf32>
        %squeeze3A_321 = vector.extract %slice3A_320[0] : f32 from vector<1xf32>
        %get3A_322 = arith.index_cast %add3A_319 : i32 to index
        %get3A_323 = arith.constant 0 : index
        %get3A_324 = tpu.vector_load %arg22[%get3A_322, %get3A_323] {strides = array<i32>} : memref<768x32xf32, #tpu.memory_space<vmem>>, vector<1x16xf32>,
        %get3A_325 = vector.shape_cast %get3A_324 : vector<1x16xf32> to vector<16xf32>
        %mul3A_326 = vector.broadcast %squeeze3A_321 : f32 to vector<16xf32>
        %mul3A_327 = arith.mulf %get3A_325, %mul3A_326 : vector<16xf32>
        %swap3A_328 = arith.index_cast %add3A_319 : i32 to index
        %swap3A_329 = arith.constant 0 : index
        %swap3A_330 = tpu.vector_load %arg22[%swap3A_328, %swap3A_329] {strides = array<i32>} : memref<768x32xf32, #tpu.memory_space<vmem>>, vector<1x16xf32>,
        %swap3A_331 = vector.shape_cast %swap3A_330 : vector<1x16xf32> to vector<16xf32>
        %swap3A_332 = vector.shape_cast %mul3A_327 : vector<16xf32> to vector<1x16xf32>
        tpu.vector_store %arg22[%swap3A_328, %swap3A_329], %swap3A_332 {strides = array<i32>} : memref<768x32xf32, #tpu.memory_space<vmem>>, vector<1x16xf32>,
        %get3A_333 = arith.index_cast %add3A_319 : i32 to index
        %get3A_334 = arith.constant 16 : index
        %get3A_335 = tpu.vector_load %arg22[%get3A_333, %get3A_334] {strides = array<i32>} : memref<768x32xf32, #tpu.memory_space<vmem>>, vector<1x16xf32>,
        %get3A_336 = vector.shape_cast %get3A_335 : vector<1x16xf32> to vector<16xf32>
        %mul3A_337 = vector.broadcast %squeeze3A_321 : f32 to vector<16xf32>
        %mul3A_338 = arith.mulf %get3A_336, %mul3A_337 : vector<16xf32>
        %swap3A_339 = arith.index_cast %add3A_319 : i32 to index
        %swap3A_340 = arith.constant 16 : index
        %swap3A_341 = tpu.vector_load %arg22[%swap3A_339, %swap3A_340] {strides = array<i32>} : memref<768x32xf32, #tpu.memory_space<vmem>>, vector<1x16xf32>,
        %swap3A_342 = vector.shape_cast %swap3A_341 : vector<1x16xf32> to vector<16xf32>
        %swap3A_343 = vector.shape_cast %mul3A_338 : vector<16xf32> to vector<1x16xf32>
        tpu.vector_store %arg22[%swap3A_339, %swap3A_340], %swap3A_343 {strides = array<i32>} : memref<768x32xf32, #tpu.memory_space<vmem>>, vector<1x16xf32>,
        %add3A_344 = arith.constant 3 : i32
        %add3A_345 = arith.addi %mul3A_260, %add3A_344 : i32
        %slice3A_346 = vector.extract_strided_slice %select_n3A_268 {offsets = [3], sizes = [1], strides = [1]} : vector<16xf32> to vector<1xf32>
        %squeeze3A_347 = vector.extract %slice3A_346[0] : f32 from vector<1xf32>
        %get3A_348 = arith.index_cast %add3A_345 : i32 to index
        %get3A_349 = arith.constant 0 : index
        %get3A_350 = tpu.vector_load %arg22[%get3A_348, %get3A_349] {strides = array<i32>} : memref<768x32xf32, #tpu.memory_space<vmem>>, vector<1x16xf32>,
        %get3A_351 = vector.shape_cast %get3A_350 : vector<1x16xf32> to vector<16xf32>
        %mul3A_352 = vector.broadcast %squeeze3A_347 : f32 to vector<16xf32>
        %mul3A_353 = arith.mulf %get3A_351, %mul3A_352 : vector<16xf32>
        %swap3A_354 = arith.index_cast %add3A_345 : i32 to index
        %swap3A_355 = arith.constant 0 : index
        %swap3A_356 = tpu.vector_load %arg22[%swap3A_354, %swap3A_355] {strides = array<i32>} : memref<768x32xf32, #tpu.memory_space<vmem>>, vector<1x16xf32>,
        %swap3A_357 = vector.shape_cast %swap3A_356 : vector<1x16xf32> to vector<16xf32>
        %swap3A_358 = vector.shape_cast %mul3A_353 : vector<16xf32> to vector<1x16xf32>
        tpu.vector_store %arg22[%swap3A_354, %swap3A_355], %swap3A_358 {strides = array<i32>} : memref<768x32xf32, #tpu.memory_space<vmem>>, vector<1x16xf32>,
        %get3A_359 = arith.index_cast %add3A_345 : i32 to index
        %get3A_360 = arith.constant 16 : index
        %get3A_361 = tpu.vector_load %arg22[%get3A_359, %get3A_360] {strides = array<i32>} : memref<768x32xf32, #tpu.memory_space<vmem>>, vector<1x16xf32>,
        %get3A_362 = vector.shape_cast %get3A_361 : vector<1x16xf32> to vector<16xf32>
        %mul3A_363 = vector.broadcast %squeeze3A_347 : f32 to vector<16xf32>
        %mul3A_364 = arith.mulf %get3A_362, %mul3A_363 : vector<16xf32>
        %swap3A_365 = arith.index_cast %add3A_345 : i32 to index
        %swap3A_366 = arith.constant 16 : index
        %swap3A_367 = tpu.vector_load %arg22[%swap3A_365, %swap3A_366] {strides = array<i32>} : memref<768x32xf32, #tpu.memory_space<vmem>>, vector<1x16xf32>,
        %swap3A_368 = vector.shape_cast %swap3A_367 : vector<1x16xf32> to vector<16xf32>
        %swap3A_369 = vector.shape_cast %mul3A_364 : vector<16xf32> to vector<1x16xf32>
        tpu.vector_store %arg22[%swap3A_365, %swap3A_366], %swap3A_369 {strides = array<i32>} : memref<768x32xf32, #tpu.memory_space<vmem>>, vector<1x16xf32>,
        %add3A_370 = arith.constant 4 : i32
        %add3A_371 = arith.addi %mul3A_260, %add3A_370 : i32
        %slice3A_372 = vector.extract_strided_slice %select_n3A_268 {offsets = [4], sizes = [1], strides = [1]} : vector<16xf32> to vector<1xf32>
        %squeeze3A_373 = vector.extract %slice3A_372[0] : f32 from vector<1xf32>
        %get3A_374 = arith.index_cast %add3A_371 : i32 to index
        %get3A_375 = arith.constant 0 : index
        %get3A_376 = tpu.vector_load %arg22[%get3A_374, %get3A_375] {strides = array<i32>} : memref<768x32xf32, #tpu.memory_space<vmem>>, vector<1x16xf32>,
        %get3A_377 = vector.shape_cast %get3A_376 : vector<1x16xf32> to vector<16xf32>
        %mul3A_378 = vector.broadcast %squeeze3A_373 : f32 to vector<16xf32>
        %mul3A_379 = arith.mulf %get3A_377, %mul3A_378 : vector<16xf32>
        %swap3A_380 = arith.index_cast %add3A_371 : i32 to index
        %swap3A_381 = arith.constant 0 : index
        %swap3A_382 = tpu.vector_load %arg22[%swap3A_380, %swap3A_381] {strides = array<i32>} : memref<768x32xf32, #tpu.memory_space<vmem>>, vector<1x16xf32>,
        %swap3A_383 = vector.shape_cast %swap3A_382 : vector<1x16xf32> to vector<16xf32>
        %swap3A_384 = vector.shape_cast %mul3A_379 : vector<16xf32> to vector<1x16xf32>
        tpu.vector_store %arg22[%swap3A_380, %swap3A_381], %swap3A_384 {strides = array<i32>} : memref<768x32xf32, #tpu.memory_space<vmem>>, vector<1x16xf32>,
        %get3A_385 = arith.index_cast %add3A_371 : i32 to index
        %get3A_386 = arith.constant 16 : index
        %get3A_387 = tpu.vector_load %arg22[%get3A_385, %get3A_386] {strides = array<i32>} : memref<768x32xf32, #tpu.memory_space<vmem>>, vector<1x16xf32>,
        %get3A_388 = vector.shape_cast %get3A_387 : vector<1x16xf32> to vector<16xf32>
        %mul3A_389 = vector.broadcast %squeeze3A_373 : f32 to vector<16xf32>
        %mul3A_390 = arith.mulf %get3A_388, %mul3A_389 : vector<16xf32>
        %swap3A_391 = arith.index_cast %add3A_371 : i32 to index
        %swap3A_392 = arith.constant 16 : index
        %swap3A_393 = tpu.vector_load %arg22[%swap3A_391, %swap3A_392] {strides = array<i32>} : memref<768x32xf32, #tpu.memory_space<vmem>>, vector<1x16xf32>,
        %swap3A_394 = vector.shape_cast %swap3A_393 : vector<1x16xf32> to vector<16xf32>
        %swap3A_395 = vector.shape_cast %mul3A_390 : vector<16xf32> to vector<1x16xf32>
        tpu.vector_store %arg22[%swap3A_391, %swap3A_392], %swap3A_395 {strides = array<i32>} : memref<768x32xf32, #tpu.memory_space<vmem>>, vector<1x16xf32>,
        %add3A_396 = arith.constant 5 : i32
        %add3A_397 = arith.addi %mul3A_260, %add3A_396 : i32
        %slice3A_398 = vector.extract_strided_slice %select_n3A_268 {offsets = [5], sizes = [1], strides = [1]} : vector<16xf32> to vector<1xf32>
        %squeeze3A_399 = vector.extract %slice3A_398[0] : f32 from vector<1xf32>
        %get3A_400 = arith.index_cast %add3A_397 : i32 to index
        %get3A_401 = arith.constant 0 : index
        %get3A_402 = tpu.vector_load %arg22[%get3A_400, %get3A_401] {strides = array<i32>} : memref<768x32xf32, #tpu.memory_space<vmem>>, vector<1x16xf32>,
        %get3A_403 = vector.shape_cast %get3A_402 : vector<1x16xf32> to vector<16xf32>
        %mul3A_404 = vector.broadcast %squeeze3A_399 : f32 to vector<16xf32>
        %mul3A_405 = arith.mulf %get3A_403, %mul3A_404 : vector<16xf32>
        %swap3A_406 = arith.index_cast %add3A_397 : i32 to index
        %swap3A_407 = arith.constant 0 : index
        %swap3A_408 = tpu.vector_load %arg22[%swap3A_406, %swap3A_407] {strides = array<i32>} : memref<768x32xf32, #tpu.memory_space<vmem>>, vector<1x16xf32>,
        %swap3A_409 = vector.shape_cast %swap3A_408 : vector<1x16xf32> to vector<16xf32>
        %swap3A_410 = vector.shape_cast %mul3A_405 : vector<16xf32> to vector<1x16xf32>
        tpu.vector_store %arg22[%swap3A_406, %swap3A_407], %swap3A_410 {strides = array<i32>} : memref<768x32xf32, #tpu.memory_space<vmem>>, vector<1x16xf32>,
        %get3A_411 = arith.index_cast %add3A_397 : i32 to index
        %get3A_412 = arith.constant 16 : index
        %get3A_413 = tpu.vector_load %arg22[%get3A_411, %get3A_412] {strides = array<i32>} : memref<768x32xf32, #tpu.memory_space<vmem>>, vector<1x16xf32>,
        %get3A_414 = vector.shape_cast %get3A_413 : vector<1x16xf32> to vector<16xf32>
        %mul3A_415 = vector.broadcast %squeeze3A_399 : f32 to vector<16xf32>
        %mul3A_416 = arith.mulf %get3A_414, %mul3A_415 : vector<16xf32>
        %swap3A_417 = arith.index_cast %add3A_397 : i32 to index
        %swap3A_418 = arith.constant 16 : index
        %swap3A_419 = tpu.vector_load %arg22[%swap3A_417, %swap3A_418] {strides = array<i32>} : memref<768x32xf32, #tpu.memory_space<vmem>>, vector<1x16xf32>,
        %swap3A_420 = vector.shape_cast %swap3A_419 : vector<1x16xf32> to vector<16xf32>
        %swap3A_421 = vector.shape_cast %mul3A_416 : vector<16xf32> to vector<1x16xf32>
        tpu.vector_store %arg22[%swap3A_417, %swap3A_418], %swap3A_421 {strides = array<i32>} : memref<768x32xf32, #tpu.memory_space<vmem>>, vector<1x16xf32>,
        %add3A_422 = arith.constant 6 : i32
        %add3A_423 = arith.addi %mul3A_260, %add3A_422 : i32
        %slice3A_424 = vector.extract_strided_slice %select_n3A_268 {offsets = [6], sizes = [1], strides = [1]} : vector<16xf32> to vector<1xf32>
        %squeeze3A_425 = vector.extract %slice3A_424[0] : f32 from vector<1xf32>
        %get3A_426 = arith.index_cast %add3A_423 : i32 to index
        %get3A_427 = arith.constant 0 : index
        %get3A_428 = tpu.vector_load %arg22[%get3A_426, %get3A_427] {strides = array<i32>} : memref<768x32xf32, #tpu.memory_space<vmem>>, vector<1x16xf32>,
        %get3A_429 = vector.shape_cast %get3A_428 : vector<1x16xf32> to vector<16xf32>
        %mul3A_430 = vector.broadcast %squeeze3A_425 : f32 to vector<16xf32>
        %mul3A_431 = arith.mulf %get3A_429, %mul3A_430 : vector<16xf32>
        %swap3A_432 = arith.index_cast %add3A_423 : i32 to index
        %swap3A_433 = arith.constant 0 : index
        %swap3A_434 = tpu.vector_load %arg22[%swap3A_432, %swap3A_433] {strides = array<i32>} : memref<768x32xf32, #tpu.memory_space<vmem>>, vector<1x16xf32>,
        %swap3A_435 = vector.shape_cast %swap3A_434 : vector<1x16xf32> to vector<16xf32>
        %swap3A_436 = vector.shape_cast %mul3A_431 : vector<16xf32> to vector<1x16xf32>
        tpu.vector_store %arg22[%swap3A_432, %swap3A_433], %swap3A_436 {strides = array<i32>} : memref<768x32xf32, #tpu.memory_space<vmem>>, vector<1x16xf32>,
        %get3A_437 = arith.index_cast %add3A_423 : i32 to index
        %get3A_438 = arith.constant 16 : index
        %get3A_439 = tpu.vector_load %arg22[%get3A_437, %get3A_438] {strides = array<i32>} : memref<768x32xf32, #tpu.memory_space<vmem>>, vector<1x16xf32>,
        %get3A_440 = vector.shape_cast %get3A_439 : vector<1x16xf32> to vector<16xf32>
        %mul3A_441 = vector.broadcast %squeeze3A_425 : f32 to vector<16xf32>
        %mul3A_442 = arith.mulf %get3A_440, %mul3A_441 : vector<16xf32>
        %swap3A_443 = arith.index_cast %add3A_423 : i32 to index
        %swap3A_444 = arith.constant 16 : index
        %swap3A_445 = tpu.vector_load %arg22[%swap3A_443, %swap3A_444] {strides = array<i32>} : memref<768x32xf32, #tpu.memory_space<vmem>>, vector<1x16xf32>,
        %swap3A_446 = vector.shape_cast %swap3A_445 : vector<1x16xf32> to vector<16xf32>
        %swap3A_447 = vector.shape_cast %mul3A_442 : vector<16xf32> to vector<1x16xf32>
        tpu.vector_store %arg22[%swap3A_443, %swap3A_444], %swap3A_447 {strides = array<i32>} : memref<768x32xf32, #tpu.memory_space<vmem>>, vector<1x16xf32>,
        %add3A_448 = arith.constant 7 : i32
        %add3A_449 = arith.addi %mul3A_260, %add3A_448 : i32
        %slice3A_450 = vector.extract_strided_slice %select_n3A_268 {offsets = [7], sizes = [1], strides = [1]} : vector<16xf32> to vector<1xf32>
        %squeeze3A_451 = vector.extract %slice3A_450[0] : f32 from vector<1xf32>
        %get3A_452 = arith.index_cast %add3A_449 : i32 to index
        %get3A_453 = arith.constant 0 : index
        %get3A_454 = tpu.vector_load %arg22[%get3A_452, %get3A_453] {strides = array<i32>} : memref<768x32xf32, #tpu.memory_space<vmem>>, vector<1x16xf32>,
        %get3A_455 = vector.shape_cast %get3A_454 : vector<1x16xf32> to vector<16xf32>
        %mul3A_456 = vector.broadcast %squeeze3A_451 : f32 to vector<16xf32>
        %mul3A_457 = arith.mulf %get3A_455, %mul3A_456 : vector<16xf32>
        %swap3A_458 = arith.index_cast %add3A_449 : i32 to index
        %swap3A_459 = arith.constant 0 : index
        %swap3A_460 = tpu.vector_load %arg22[%swap3A_458, %swap3A_459] {strides = array<i32>} : memref<768x32xf32, #tpu.memory_space<vmem>>, vector<1x16xf32>,
        %swap3A_461 = vector.shape_cast %swap3A_460 : vector<1x16xf32> to vector<16xf32>
        %swap3A_462 = vector.shape_cast %mul3A_457 : vector<16xf32> to vector<1x16xf32>
        tpu.vector_store %arg22[%swap3A_458, %swap3A_459], %swap3A_462 {strides = array<i32>} : memref<768x32xf32, #tpu.memory_space<vmem>>, vector<1x16xf32>,
        %get3A_463 = arith.index_cast %add3A_449 : i32 to index
        %get3A_464 = arith.constant 16 : index
        %get3A_465 = tpu.vector_load %arg22[%get3A_463, %get3A_464] {strides = array<i32>} : memref<768x32xf32, #tpu.memory_space<vmem>>, vector<1x16xf32>,
        %get3A_466 = vector.shape_cast %get3A_465 : vector<1x16xf32> to vector<16xf32>
        %mul3A_467 = vector.broadcast %squeeze3A_451 : f32 to vector<16xf32>
        %mul3A_468 = arith.mulf %get3A_466, %mul3A_467 : vector<16xf32>
        %swap3A_469 = arith.index_cast %add3A_449 : i32 to index
        %swap3A_470 = arith.constant 16 : index
        %swap3A_471 = tpu.vector_load %arg22[%swap3A_469, %swap3A_470] {strides = array<i32>} : memref<768x32xf32, #tpu.memory_space<vmem>>, vector<1x16xf32>,
        %swap3A_472 = vector.shape_cast %swap3A_471 : vector<1x16xf32> to vector<16xf32>
        %swap3A_473 = vector.shape_cast %mul3A_468 : vector<16xf32> to vector<1x16xf32>
        tpu.vector_store %arg22[%swap3A_469, %swap3A_470], %swap3A_473 {strides = array<i32>} : memref<768x32xf32, #tpu.memory_space<vmem>>, vector<1x16xf32>,
        %add3A_474 = arith.constant 8 : i32
        %add3A_475 = arith.addi %mul3A_260, %add3A_474 : i32
        %slice3A_476 = vector.extract_strided_slice %select_n3A_268 {offsets = [8], sizes = [1], strides = [1]} : vector<16xf32> to vector<1xf32>
        %squeeze3A_477 = vector.extract %slice3A_476[0] : f32 from vector<1xf32>
        %get3A_478 = arith.index_cast %add3A_475 : i32 to index
        %get3A_479 = arith.constant 0 : index
        %get3A_480 = tpu.vector_load %arg22[%get3A_478, %get3A_479] {strides = array<i32>} : memref<768x32xf32, #tpu.memory_space<vmem>>, vector<1x16xf32>,
        %get3A_481 = vector.shape_cast %get3A_480 : vector<1x16xf32> to vector<16xf32>
        %mul3A_482 = vector.broadcast %squeeze3A_477 : f32 to vector<16xf32>
        %mul3A_483 = arith.mulf %get3A_481, %mul3A_482 : vector<16xf32>
        %swap3A_484 = arith.index_cast %add3A_475 : i32 to index
        %swap3A_485 = arith.constant 0 : index
        %swap3A_486 = tpu.vector_load %arg22[%swap3A_484, %swap3A_485] {strides = array<i32>} : memref<768x32xf32, #tpu.memory_space<vmem>>, vector<1x16xf32>,
        %swap3A_487 = vector.shape_cast %swap3A_486 : vector<1x16xf32> to vector<16xf32>
        %swap3A_488 = vector.shape_cast %mul3A_483 : vector<16xf32> to vector<1x16xf32>
        tpu.vector_store %arg22[%swap3A_484, %swap3A_485], %swap3A_488 {strides = array<i32>} : memref<768x32xf32, #tpu.memory_space<vmem>>, vector<1x16xf32>,
        %get3A_489 = arith.index_cast %add3A_475 : i32 to index
        %get3A_490 = arith.constant 16 : index
        %get3A_491 = tpu.vector_load %arg22[%get3A_489, %get3A_490] {strides = array<i32>} : memref<768x32xf32, #tpu.memory_space<vmem>>, vector<1x16xf32>,
        %get3A_492 = vector.shape_cast %get3A_491 : vector<1x16xf32> to vector<16xf32>
        %mul3A_493 = vector.broadcast %squeeze3A_477 : f32 to vector<16xf32>
        %mul3A_494 = arith.mulf %get3A_492, %mul3A_493 : vector<16xf32>
        %swap3A_495 = arith.index_cast %add3A_475 : i32 to index
        %swap3A_496 = arith.constant 16 : index
        %swap3A_497 = tpu.vector_load %arg22[%swap3A_495, %swap3A_496] {strides = array<i32>} : memref<768x32xf32, #tpu.memory_space<vmem>>, vector<1x16xf32>,
        %swap3A_498 = vector.shape_cast %swap3A_497 : vector<1x16xf32> to vector<16xf32>
        %swap3A_499 = vector.shape_cast %mul3A_494 : vector<16xf32> to vector<1x16xf32>
        tpu.vector_store %arg22[%swap3A_495, %swap3A_496], %swap3A_499 {strides = array<i32>} : memref<768x32xf32, #tpu.memory_space<vmem>>, vector<1x16xf32>,
        %add3A_500 = arith.constant 9 : i32
        %add3A_501 = arith.addi %mul3A_260, %add3A_500 : i32
        %slice3A_502 = vector.extract_strided_slice %select_n3A_268 {offsets = [9], sizes = [1], strides = [1]} : vector<16xf32> to vector<1xf32>
        %squeeze3A_503 = vector.extract %slice3A_502[0] : f32 from vector<1xf32>
        %get3A_504 = arith.index_cast %add3A_501 : i32 to index
        %get3A_505 = arith.constant 0 : index
        %get3A_506 = tpu.vector_load %arg22[%get3A_504, %get3A_505] {strides = array<i32>} : memref<768x32xf32, #tpu.memory_space<vmem>>, vector<1x16xf32>,
        %get3A_507 = vector.shape_cast %get3A_506 : vector<1x16xf32> to vector<16xf32>
        %mul3A_508 = vector.broadcast %squeeze3A_503 : f32 to vector<16xf32>
        %mul3A_509 = arith.mulf %get3A_507, %mul3A_508 : vector<16xf32>
        %swap3A_510 = arith.index_cast %add3A_501 : i32 to index
        %swap3A_511 = arith.constant 0 : index
        %swap3A_512 = tpu.vector_load %arg22[%swap3A_510, %swap3A_511] {strides = array<i32>} : memref<768x32xf32, #tpu.memory_space<vmem>>, vector<1x16xf32>,
        %swap3A_513 = vector.shape_cast %swap3A_512 : vector<1x16xf32> to vector<16xf32>
        %swap3A_514 = vector.shape_cast %mul3A_509 : vector<16xf32> to vector<1x16xf32>
        tpu.vector_store %arg22[%swap3A_510, %swap3A_511], %swap3A_514 {strides = array<i32>} : memref<768x32xf32, #tpu.memory_space<vmem>>, vector<1x16xf32>,
        %get3A_515 = arith.index_cast %add3A_501 : i32 to index
        %get3A_516 = arith.constant 16 : index
        %get3A_517 = tpu.vector_load %arg22[%get3A_515, %get3A_516] {strides = array<i32>} : memref<768x32xf32, #tpu.memory_space<vmem>>, vector<1x16xf32>,
        %get3A_518 = vector.shape_cast %get3A_517 : vector<1x16xf32> to vector<16xf32>
        %mul3A_519 = vector.broadcast %squeeze3A_503 : f32 to vector<16xf32>
        %mul3A_520 = arith.mulf %get3A_518, %mul3A_519 : vector<16xf32>
        %swap3A_521 = arith.index_cast %add3A_501 : i32 to index
        %swap3A_522 = arith.constant 16 : index
        %swap3A_523 = tpu.vector_load %arg22[%swap3A_521, %swap3A_522] {strides = array<i32>} : memref<768x32xf32, #tpu.memory_space<vmem>>, vector<1x16xf32>,
        %swap3A_524 = vector.shape_cast %swap3A_523 : vector<1x16xf32> to vector<16xf32>
        %swap3A_525 = vector.shape_cast %mul3A_520 : vector<16xf32> to vector<1x16xf32>
        tpu.vector_store %arg22[%swap3A_521, %swap3A_522], %swap3A_525 {strides = array<i32>} : memref<768x32xf32, #tpu.memory_space<vmem>>, vector<1x16xf32>,
        %add3A_526 = arith.constant 10 : i32
        %add3A_527 = arith.addi %mul3A_260, %add3A_526 : i32
        %slice3A_528 = vector.extract_strided_slice %select_n3A_268 {offsets = [10], sizes = [1], strides = [1]} : vector<16xf32> to vector<1xf32>
        %squeeze3A_529 = vector.extract %slice3A_528[0] : f32 from vector<1xf32>
        %get3A_530 = arith.index_cast %add3A_527 : i32 to index
        %get3A_531 = arith.constant 0 : index
        %get3A_532 = tpu.vector_load %arg22[%get3A_530, %get3A_531] {strides = array<i32>} : memref<768x32xf32, #tpu.memory_space<vmem>>, vector<1x16xf32>,
        %get3A_533 = vector.shape_cast %get3A_532 : vector<1x16xf32> to vector<16xf32>
        %mul3A_534 = vector.broadcast %squeeze3A_529 : f32 to vector<16xf32>
        %mul3A_535 = arith.mulf %get3A_533, %mul3A_534 : vector<16xf32>
        %swap3A_536 = arith.index_cast %add3A_527 : i32 to index
        %swap3A_537 = arith.constant 0 : index
        %swap3A_538 = tpu.vector_load %arg22[%swap3A_536, %swap3A_537] {strides = array<i32>} : memref<768x32xf32, #tpu.memory_space<vmem>>, vector<1x16xf32>,
        %swap3A_539 = vector.shape_cast %swap3A_538 : vector<1x16xf32> to vector<16xf32>
        %swap3A_540 = vector.shape_cast %mul3A_535 : vector<16xf32> to vector<1x16xf32>
        tpu.vector_store %arg22[%swap3A_536, %swap3A_537], %swap3A_540 {strides = array<i32>} : memref<768x32xf32, #tpu.memory_space<vmem>>, vector<1x16xf32>,
        %get3A_541 = arith.index_cast %add3A_527 : i32 to index
        %get3A_542 = arith.constant 16 : index
        %get3A_543 = tpu.vector_load %arg22[%get3A_541, %get3A_542] {strides = array<i32>} : memref<768x32xf32, #tpu.memory_space<vmem>>, vector<1x16xf32>,
        %get3A_544 = vector.shape_cast %get3A_543 : vector<1x16xf32> to vector<16xf32>
        %mul3A_545 = vector.broadcast %squeeze3A_529 : f32 to vector<16xf32>
        %mul3A_546 = arith.mulf %get3A_544, %mul3A_545 : vector<16xf32>
        %swap3A_547 = arith.index_cast %add3A_527 : i32 to index
        %swap3A_548 = arith.constant 16 : index
        %swap3A_549 = tpu.vector_load %arg22[%swap3A_547, %swap3A_548] {strides = array<i32>} : memref<768x32xf32, #tpu.memory_space<vmem>>, vector<1x16xf32>,
        %swap3A_550 = vector.shape_cast %swap3A_549 : vector<1x16xf32> to vector<16xf32>
        %swap3A_551 = vector.shape_cast %mul3A_546 : vector<16xf32> to vector<1x16xf32>
        tpu.vector_store %arg22[%swap3A_547, %swap3A_548], %swap3A_551 {strides = array<i32>} : memref<768x32xf32, #tpu.memory_space<vmem>>, vector<1x16xf32>,
        %add3A_552 = arith.constant 11 : i32
        %add3A_553 = arith.addi %mul3A_260, %add3A_552 : i32
        %slice3A_554 = vector.extract_strided_slice %select_n3A_268 {offsets = [11], sizes = [1], strides = [1]} : vector<16xf32> to vector<1xf32>
        %squeeze3A_555 = vector.extract %slice3A_554[0] : f32 from vector<1xf32>
        %get3A_556 = arith.index_cast %add3A_553 : i32 to index
        %get3A_557 = arith.constant 0 : index
        %get3A_558 = tpu.vector_load %arg22[%get3A_556, %get3A_557] {strides = array<i32>} : memref<768x32xf32, #tpu.memory_space<vmem>>, vector<1x16xf32>,
        %get3A_559 = vector.shape_cast %get3A_558 : vector<1x16xf32> to vector<16xf32>
        %mul3A_560 = vector.broadcast %squeeze3A_555 : f32 to vector<16xf32>
        %mul3A_561 = arith.mulf %get3A_559, %mul3A_560 : vector<16xf32>
        %swap3A_562 = arith.index_cast %add3A_553 : i32 to index
        %swap3A_563 = arith.constant 0 : index
        %swap3A_564 = tpu.vector_load %arg22[%swap3A_562, %swap3A_563] {strides = array<i32>} : memref<768x32xf32, #tpu.memory_space<vmem>>, vector<1x16xf32>,
        %swap3A_565 = vector.shape_cast %swap3A_564 : vector<1x16xf32> to vector<16xf32>
        %swap3A_566 = vector.shape_cast %mul3A_561 : vector<16xf32> to vector<1x16xf32>
        tpu.vector_store %arg22[%swap3A_562, %swap3A_563], %swap3A_566 {strides = array<i32>} : memref<768x32xf32, #tpu.memory_space<vmem>>, vector<1x16xf32>,
        %get3A_567 = arith.index_cast %add3A_553 : i32 to index
        %get3A_568 = arith.constant 16 : index
        %get3A_569 = tpu.vector_load %arg22[%get3A_567, %get3A_568] {strides = array<i32>} : memref<768x32xf32, #tpu.memory_space<vmem>>, vector<1x16xf32>,
        %get3A_570 = vector.shape_cast %get3A_569 : vector<1x16xf32> to vector<16xf32>
        %mul3A_571 = vector.broadcast %squeeze3A_555 : f32 to vector<16xf32>
        %mul3A_572 = arith.mulf %get3A_570, %mul3A_571 : vector<16xf32>
        %swap3A_573 = arith.index_cast %add3A_553 : i32 to index
        %swap3A_574 = arith.constant 16 : index
        %swap3A_575 = tpu.vector_load %arg22[%swap3A_573, %swap3A_574] {strides = array<i32>} : memref<768x32xf32, #tpu.memory_space<vmem>>, vector<1x16xf32>,
        %swap3A_576 = vector.shape_cast %swap3A_575 : vector<1x16xf32> to vector<16xf32>
        %swap3A_577 = vector.shape_cast %mul3A_572 : vector<16xf32> to vector<1x16xf32>
        tpu.vector_store %arg22[%swap3A_573, %swap3A_574], %swap3A_577 {strides = array<i32>} : memref<768x32xf32, #tpu.memory_space<vmem>>, vector<1x16xf32>,
        %add3A_578 = arith.constant 12 : i32
        %add3A_579 = arith.addi %mul3A_260, %add3A_578 : i32
        %slice3A_580 = vector.extract_strided_slice %select_n3A_268 {offsets = [12], sizes = [1], strides = [1]} : vector<16xf32> to vector<1xf32>
        %squeeze3A_581 = vector.extract %slice3A_580[0] : f32 from vector<1xf32>
        %get3A_582 = arith.index_cast %add3A_579 : i32 to index
        %get3A_583 = arith.constant 0 : index
        %get3A_584 = tpu.vector_load %arg22[%get3A_582, %get3A_583] {strides = array<i32>} : memref<768x32xf32, #tpu.memory_space<vmem>>, vector<1x16xf32>,
        %get3A_585 = vector.shape_cast %get3A_584 : vector<1x16xf32> to vector<16xf32>
        %mul3A_586 = vector.broadcast %squeeze3A_581 : f32 to vector<16xf32>
        %mul3A_587 = arith.mulf %get3A_585, %mul3A_586 : vector<16xf32>
        %swap3A_588 = arith.index_cast %add3A_579 : i32 to index
        %swap3A_589 = arith.constant 0 : index
        %swap3A_590 = tpu.vector_load %arg22[%swap3A_588, %swap3A_589] {strides = array<i32>} : memref<768x32xf32, #tpu.memory_space<vmem>>, vector<1x16xf32>,
        %swap3A_591 = vector.shape_cast %swap3A_590 : vector<1x16xf32> to vector<16xf32>
        %swap3A_592 = vector.shape_cast %mul3A_587 : vector<16xf32> to vector<1x16xf32>
        tpu.vector_store %arg22[%swap3A_588, %swap3A_589], %swap3A_592 {strides = array<i32>} : memref<768x32xf32, #tpu.memory_space<vmem>>, vector<1x16xf32>,
        %get3A_593 = arith.index_cast %add3A_579 : i32 to index
        %get3A_594 = arith.constant 16 : index
        %get3A_595 = tpu.vector_load %arg22[%get3A_593, %get3A_594] {strides = array<i32>} : memref<768x32xf32, #tpu.memory_space<vmem>>, vector<1x16xf32>,
        %get3A_596 = vector.shape_cast %get3A_595 : vector<1x16xf32> to vector<16xf32>
        %mul3A_597 = vector.broadcast %squeeze3A_581 : f32 to vector<16xf32>
        %mul3A_598 = arith.mulf %get3A_596, %mul3A_597 : vector<16xf32>
        %swap3A_599 = arith.index_cast %add3A_579 : i32 to index
        %swap3A_600 = arith.constant 16 : index
        %swap3A_601 = tpu.vector_load %arg22[%swap3A_599, %swap3A_600] {strides = array<i32>} : memref<768x32xf32, #tpu.memory_space<vmem>>, vector<1x16xf32>,
        %swap3A_602 = vector.shape_cast %swap3A_601 : vector<1x16xf32> to vector<16xf32>
        %swap3A_603 = vector.shape_cast %mul3A_598 : vector<16xf32> to vector<1x16xf32>
        tpu.vector_store %arg22[%swap3A_599, %swap3A_600], %swap3A_603 {strides = array<i32>} : memref<768x32xf32, #tpu.memory_space<vmem>>, vector<1x16xf32>,
        %add3A_604 = arith.constant 13 : i32
        %add3A_605 = arith.addi %mul3A_260, %add3A_604 : i32
        %slice3A_606 = vector.extract_strided_slice %select_n3A_268 {offsets = [13], sizes = [1], strides = [1]} : vector<16xf32> to vector<1xf32>
        %squeeze3A_607 = vector.extract %slice3A_606[0] : f32 from vector<1xf32>
        %get3A_608 = arith.index_cast %add3A_605 : i32 to index
        %get3A_609 = arith.constant 0 : index
        %get3A_610 = tpu.vector_load %arg22[%get3A_608, %get3A_609] {strides = array<i32>} : memref<768x32xf32, #tpu.memory_space<vmem>>, vector<1x16xf32>,
        %get3A_611 = vector.shape_cast %get3A_610 : vector<1x16xf32> to vector<16xf32>
        %mul3A_612 = vector.broadcast %squeeze3A_607 : f32 to vector<16xf32>
        %mul3A_613 = arith.mulf %get3A_611, %mul3A_612 : vector<16xf32>
        %swap3A_614 = arith.index_cast %add3A_605 : i32 to index
        %swap3A_615 = arith.constant 0 : index
        %swap3A_616 = tpu.vector_load %arg22[%swap3A_614, %swap3A_615] {strides = array<i32>} : memref<768x32xf32, #tpu.memory_space<vmem>>, vector<1x16xf32>,
        %swap3A_617 = vector.shape_cast %swap3A_616 : vector<1x16xf32> to vector<16xf32>
        %swap3A_618 = vector.shape_cast %mul3A_613 : vector<16xf32> to vector<1x16xf32>
        tpu.vector_store %arg22[%swap3A_614, %swap3A_615], %swap3A_618 {strides = array<i32>} : memref<768x32xf32, #tpu.memory_space<vmem>>, vector<1x16xf32>,
        %get3A_619 = arith.index_cast %add3A_605 : i32 to index
        %get3A_620 = arith.constant 16 : index
        %get3A_621 = tpu.vector_load %arg22[%get3A_619, %get3A_620] {strides = array<i32>} : memref<768x32xf32, #tpu.memory_space<vmem>>, vector<1x16xf32>,
        %get3A_622 = vector.shape_cast %get3A_621 : vector<1x16xf32> to vector<16xf32>
        %mul3A_623 = vector.broadcast %squeeze3A_607 : f32 to vector<16xf32>
        %mul3A_624 = arith.mulf %get3A_622, %mul3A_623 : vector<16xf32>
        %swap3A_625 = arith.index_cast %add3A_605 : i32 to index
        %swap3A_626 = arith.constant 16 : index
        %swap3A_627 = tpu.vector_load %arg22[%swap3A_625, %swap3A_626] {strides = array<i32>} : memref<768x32xf32, #tpu.memory_space<vmem>>, vector<1x16xf32>,
        %swap3A_628 = vector.shape_cast %swap3A_627 : vector<1x16xf32> to vector<16xf32>
        %swap3A_629 = vector.shape_cast %mul3A_624 : vector<16xf32> to vector<1x16xf32>
        tpu.vector_store %arg22[%swap3A_625, %swap3A_626], %swap3A_629 {strides = array<i32>} : memref<768x32xf32, #tpu.memory_space<vmem>>, vector<1x16xf32>,
        %add3A_630 = arith.constant 14 : i32
        %add3A_631 = arith.addi %mul3A_260, %add3A_630 : i32
        %slice3A_632 = vector.extract_strided_slice %select_n3A_268 {offsets = [14], sizes = [1], strides = [1]} : vector<16xf32> to vector<1xf32>
        %squeeze3A_633 = vector.extract %slice3A_632[0] : f32 from vector<1xf32>
        %get3A_634 = arith.index_cast %add3A_631 : i32 to index
        %get3A_635 = arith.constant 0 : index
        %get3A_636 = tpu.vector_load %arg22[%get3A_634, %get3A_635] {strides = array<i32>} : memref<768x32xf32, #tpu.memory_space<vmem>>, vector<1x16xf32>,
        %get3A_637 = vector.shape_cast %get3A_636 : vector<1x16xf32> to vector<16xf32>
        %mul3A_638 = vector.broadcast %squeeze3A_633 : f32 to vector<16xf32>
        %mul3A_639 = arith.mulf %get3A_637, %mul3A_638 : vector<16xf32>
        %swap3A_640 = arith.index_cast %add3A_631 : i32 to index
        %swap3A_641 = arith.constant 0 : index
        %swap3A_642 = tpu.vector_load %arg22[%swap3A_640, %swap3A_641] {strides = array<i32>} : memref<768x32xf32, #tpu.memory_space<vmem>>, vector<1x16xf32>,
        %swap3A_643 = vector.shape_cast %swap3A_642 : vector<1x16xf32> to vector<16xf32>
        %swap3A_644 = vector.shape_cast %mul3A_639 : vector<16xf32> to vector<1x16xf32>
        tpu.vector_store %arg22[%swap3A_640, %swap3A_641], %swap3A_644 {strides = array<i32>} : memref<768x32xf32, #tpu.memory_space<vmem>>, vector<1x16xf32>,
        %get3A_645 = arith.index_cast %add3A_631 : i32 to index
        %get3A_646 = arith.constant 16 : index
        %get3A_647 = tpu.vector_load %arg22[%get3A_645, %get3A_646] {strides = array<i32>} : memref<768x32xf32, #tpu.memory_space<vmem>>, vector<1x16xf32>,
        %get3A_648 = vector.shape_cast %get3A_647 : vector<1x16xf32> to vector<16xf32>
        %mul3A_649 = vector.broadcast %squeeze3A_633 : f32 to vector<16xf32>
        %mul3A_650 = arith.mulf %get3A_648, %mul3A_649 : vector<16xf32>
        %swap3A_651 = arith.index_cast %add3A_631 : i32 to index
        %swap3A_652 = arith.constant 16 : index
        %swap3A_653 = tpu.vector_load %arg22[%swap3A_651, %swap3A_652] {strides = array<i32>} : memref<768x32xf32, #tpu.memory_space<vmem>>, vector<1x16xf32>,
        %swap3A_654 = vector.shape_cast %swap3A_653 : vector<1x16xf32> to vector<16xf32>
        %swap3A_655 = vector.shape_cast %mul3A_650 : vector<16xf32> to vector<1x16xf32>
        tpu.vector_store %arg22[%swap3A_651, %swap3A_652], %swap3A_655 {strides = array<i32>} : memref<768x32xf32, #tpu.memory_space<vmem>>, vector<1x16xf32>,
        %add3A_656 = arith.constant 15 : i32
        %add3A_657 = arith.addi %mul3A_260, %add3A_656 : i32
        %slice3A_658 = vector.extract_strided_slice %select_n3A_268 {offsets = [15], sizes = [1], strides = [1]} : vector<16xf32> to vector<1xf32>
        %squeeze3A_659 = vector.extract %slice3A_658[0] : f32 from vector<1xf32>
        %get3A_660 = arith.index_cast %add3A_657 : i32 to index
        %get3A_661 = arith.constant 0 : index
        %get3A_662 = tpu.vector_load %arg22[%get3A_660, %get3A_661] {strides = array<i32>} : memref<768x32xf32, #tpu.memory_space<vmem>>, vector<1x16xf32>,
        %get3A_663 = vector.shape_cast %get3A_662 : vector<1x16xf32> to vector<16xf32>
        %mul3A_664 = vector.broadcast %squeeze3A_659 : f32 to vector<16xf32>
        %mul3A_665 = arith.mulf %get3A_663, %mul3A_664 : vector<16xf32>
        %swap3A_666 = arith.index_cast %add3A_657 : i32 to index
        %swap3A_667 = arith.constant 0 : index
        %swap3A_668 = tpu.vector_load %arg22[%swap3A_666, %swap3A_667] {strides = array<i32>} : memref<768x32xf32, #tpu.memory_space<vmem>>, vector<1x16xf32>,
        %swap3A_669 = vector.shape_cast %swap3A_668 : vector<1x16xf32> to vector<16xf32>
        %swap3A_670 = vector.shape_cast %mul3A_665 : vector<16xf32> to vector<1x16xf32>
        tpu.vector_store %arg22[%swap3A_666, %swap3A_667], %swap3A_670 {strides = array<i32>} : memref<768x32xf32, #tpu.memory_space<vmem>>, vector<1x16xf32>,
        %get3A_671 = arith.index_cast %add3A_657 : i32 to index
        %get3A_672 = arith.constant 16 : index
        %get3A_673 = tpu.vector_load %arg22[%get3A_671, %get3A_672] {strides = array<i32>} : memref<768x32xf32, #tpu.memory_space<vmem>>, vector<1x16xf32>,
        %get3A_674 = vector.shape_cast %get3A_673 : vector<1x16xf32> to vector<16xf32>
        %mul3A_675 = vector.broadcast %squeeze3A_659 : f32 to vector<16xf32>
        %mul3A_676 = arith.mulf %get3A_674, %mul3A_675 : vector<16xf32>
        %swap3A_677 = arith.index_cast %add3A_657 : i32 to index
        %swap3A_678 = arith.constant 16 : index
        %swap3A_679 = tpu.vector_load %arg22[%swap3A_677, %swap3A_678] {strides = array<i32>} : memref<768x32xf32, #tpu.memory_space<vmem>>, vector<1x16xf32>,
        %swap3A_680 = vector.shape_cast %swap3A_679 : vector<1x16xf32> to vector<16xf32>
        %swap3A_681 = vector.shape_cast %mul3A_676 : vector<16xf32> to vector<1x16xf32>
        tpu.vector_store %arg22[%swap3A_677, %swap3A_678], %swap3A_681 {strides = array<i32>} : memref<768x32xf32, #tpu.memory_space<vmem>>, vector<1x16xf32>,
        %scan3A_682 = arith.constant 0 : i32
        scf.yield %scan3A_682 : i32
      }
      %scan3A_134 = arith.constant 48 : i32
      %dma_start3A_135 = arith.constant 0 : i32
      %dma_start3A_136 = arith.constant 0 : i32
      %dma_start3A_137 = tpu.memref_slice %arg12[%dma_start3A_135, %dma_start3A_136] : memref<16384x32xf32, #tpu.memory_space<vmem_shared>> -> memref<16384x32xf32, #tpu.memory_space<vmem_shared>>
      tpu.enqueue_indirect_dma source(%arg22 : memref<768x32xf32, #tpu.memory_space<vmem>>) target(%dma_start3A_137 : memref<16384x32xf32, #tpu.memory_space<vmem_shared>>) offsets(%arg16 : memref<768xi32, #tpu.memory_space<vmem>>) semaphore(%arg31 : memref<!tpu.dma_semaphore, #tpu.memory_space<semaphore_mem>>) {add = true}
      %add3A_138 = arith.constant 2 : i32
      %add3A_139 = arith.addi %add3A_111, %add3A_138 : i32
      %lt3A_140 = arith.constant 219 : i32
      %lt3A_141 = arith.cmpi slt, %add3A_139, %lt3A_140 : i32
      %ge3A = arith.constant 1 : i32
      %ge3A_142 = arith.cmpi sge, %add3A_111, %ge3A : i32
      %and3A_143 = arith.andi %lt3A_141, %ge3A_142 : i1
      %convert_element_type3A_144 = arith.extui %and3A_143 : i1 to i32
      %cond3A_145 = arith.constant 0 : i32
      %cond3A_146 = arith.cmpi ne, %convert_element_type3A_144, %cond3A_145 : i32
      scf.if %cond3A_146 {
        %dma_wait3A_257 = arith.constant 0 : i32
        %dma_wait3A_258 = arith.constant 0 : i32
        %dma_wait3A_259 = tpu.memref_slice %arg12[%dma_wait3A_257, %dma_wait3A_258] : memref<16384x32xf32, #tpu.memory_space<vmem_shared>> -> memref<16384x32xf32, #tpu.memory_space<vmem_shared>>
        tpu.wait_indirect_dma semaphore(%arg33 : memref<!tpu.dma_semaphore, #tpu.memory_space<semaphore_mem>>) src(%arg24 : memref<768x32xf32, #tpu.memory_space<vmem>>) dst(%dma_wait3A_259 : memref<16384x32xf32, #tpu.memory_space<vmem_shared>>)
      } else {
      }
      %add3A_147 = arith.constant 2 : i32
      %add3A_148 = arith.addi %add3A_111, %add3A_147 : i32
      %lt3A_149 = arith.constant 219 : i32
      %lt3A_150 = arith.cmpi slt, %add3A_148, %lt3A_149 : i32
      %convert_element_type3A_151 = arith.extui %lt3A_150 : i1 to i32
      %cond3A_152 = arith.constant 0 : i32
      %cond3A_153 = arith.cmpi ne, %convert_element_type3A_151, %cond3A_152 : i32
      scf.if %cond3A_153 {
        %add3A_257 = arith.constant 2 : i32
        %add3A_258 = arith.addi %add3A_111, %add3A_257 : i32
        %eq3A_259 = arith.constant 218 : i32
        %eq3A_260 = arith.cmpi eq, %add3A_258, %eq3A_259 : i32
        %eq3A_261 = arith.constant 15 : i32
        %eq3A_262 = arith.cmpi eq, %arg1, %eq3A_261 : i32
        %and3A_263 = arith.andi %eq3A_260, %eq3A_262 : i1
        %convert_element_type3A_264 = arith.extui %and3A_263 : i1 to i32
        %cond3A_265 = arith.constant 0 : i32
        %cond3A_266 = arith.cmpi ne, %convert_element_type3A_264, %cond3A_265 : i32
        scf.if %cond3A_266 {
          tpu.enqueue_dma source(%arg6 : memref<768xi32, #tpu.memory_space<hbm>>) target(%arg15 : memref<768xi32, #tpu.memory_space<vmem>>) target_semaphore(%arg27 : memref<!tpu.dma_semaphore, #tpu.memory_space<semaphore_mem>>)
          tpu.enqueue_dma source(%arg7 : memref<768xi32, #tpu.memory_space<hbm>>) target(%arg18 : memref<768xi32, #tpu.memory_space<vmem>>) target_semaphore(%arg27 : memref<!tpu.dma_semaphore, #tpu.memory_space<semaphore_mem>>)
          tpu.enqueue_dma source(%arg8 : memref<768xf32, #tpu.memory_space<hbm>>) target(%arg21 : memref<768xf32, #tpu.memory_space<vmem>>) target_semaphore(%arg27 : memref<!tpu.dma_semaphore, #tpu.memory_space<semaphore_mem>>)
        } else {
        }
        %not3A_267 = arith.constant true
        %not3A_268 = arith.xori %and3A_263, %not3A_267 : i1
        %convert_element_type3A_269 = arith.extui %not3A_268 : i1 to i32
        %cond3A_270 = arith.constant 0 : i32
        %cond3A_271 = arith.cmpi ne, %convert_element_type3A_269, %cond3A_270 : i32
        scf.if %cond3A_271 {
          %mul3A_272 = arith.constant 768 : i32
          %mul3A_273 = arith.muli %add3A_258, %mul3A_272 : i32
          %min3A = arith.constant 167008 : i32
          %min3A_274 = arith.minsi %mul3A_273, %min3A : i32
          %add3A_275 = arith.addi %mul3A_2, %min3A_274 : i32
          %dma_start3A_276 = tpu.memref_slice %arg3[%add3A_275] : memref<2684354xi32, #tpu.memory_space<hbm>> -> memref<768xi32, #tpu.memory_space<hbm>>
          %dma_start3A_277 = tpu.memref_slice %arg3[%add3A_275] : memref<2684354xi32, #tpu.memory_space<hbm>> -> memref<768xi32, #tpu.memory_space<hbm>>
          tpu.enqueue_dma source(%dma_start3A_277 : memref<768xi32, #tpu.memory_space<hbm>>) target(%arg15 : memref<768xi32, #tpu.memory_space<vmem>>) target_semaphore(%arg27 : memref<!tpu.dma_semaphore, #tpu.memory_space<semaphore_mem>>)
          %mul3A_278 = arith.constant 768 : i32
          %mul3A_279 = arith.muli %add3A_258, %mul3A_278 : i32
          %min3A_280 = arith.constant 167008 : i32
          %min3A_281 = arith.minsi %mul3A_279, %min3A_280 : i32
          %add3A_282 = arith.addi %mul3A_2, %min3A_281 : i32
          %dma_start3A_283 = tpu.memref_slice %arg4[%add3A_282] : memref<2684354xi32, #tpu.memory_space<hbm>> -> memref<768xi32, #tpu.memory_space<hbm>>
          %dma_start3A_284 = tpu.memref_slice %arg4[%add3A_282] : memref<2684354xi32, #tpu.memory_space<hbm>> -> memref<768xi32, #tpu.memory_space<hbm>>
          tpu.enqueue_dma source(%dma_start3A_284 : memref<768xi32, #tpu.memory_space<hbm>>) target(%arg18 : memref<768xi32, #tpu.memory_space<vmem>>) target_semaphore(%arg27 : memref<!tpu.dma_semaphore, #tpu.memory_space<semaphore_mem>>)
          %mul3A_285 = arith.constant 768 : i32
          %mul3A_286 = arith.muli %add3A_258, %mul3A_285 : i32
          %min3A_287 = arith.constant 167008 : i32
          %min3A_288 = arith.minsi %mul3A_286, %min3A_287 : i32
          %add3A_289 = arith.addi %mul3A_2, %min3A_288 : i32
          %dma_start3A_290 = tpu.memref_slice %arg5[%add3A_289] : memref<2684354xf32, #tpu.memory_space<hbm>> -> memref<768xf32, #tpu.memory_space<hbm>>
          %dma_start3A_291 = tpu.memref_slice %arg5[%add3A_289] : memref<2684354xf32, #tpu.memory_space<hbm>> -> memref<768xf32, #tpu.memory_space<hbm>>
          tpu.enqueue_dma source(%dma_start3A_291 : memref<768xf32, #tpu.memory_space<hbm>>) target(%arg21 : memref<768xf32, #tpu.memory_space<vmem>>) target_semaphore(%arg27 : memref<!tpu.dma_semaphore, #tpu.memory_space<semaphore_mem>>)
        } else {
        }
      } else {
      }
      %mul3A_154 = arith.constant 3 : i32
      %mul3A_155 = arith.muli %mul3A_154, %scan3A_106 : i32
      %add3A_156 = arith.constant 1 : i32
      %add3A_157 = arith.addi %mul3A_155, %add3A_156 : i32
      %add3A_158 = arith.constant 1 : i32
      %add3A_159 = arith.addi %add3A_157, %add3A_158 : i32
      %lt3A_160 = arith.constant 219 : i32
      %lt3A_161 = arith.cmpi slt, %add3A_159, %lt3A_160 : i32
      %convert_element_type3A_162 = arith.extui %lt3A_161 : i1 to i32
      %cond3A_163 = arith.constant 0 : i32
      %cond3A_164 = arith.cmpi ne, %convert_element_type3A_162, %cond3A_163 : i32
      scf.if %cond3A_164 {
        %add3A_257 = arith.constant 1 : i32
        %add3A_258 = arith.addi %add3A_157, %add3A_257 : i32
        tpu.wait_dma2 semaphore(%arg27 : memref<!tpu.dma_semaphore, #tpu.memory_space<semaphore_mem>>) src(%arg6 : memref<768xi32, #tpu.memory_space<hbm>>) dst(%arg15 : memref<768xi32, #tpu.memory_space<vmem>>)
        tpu.wait_dma2 semaphore(%arg27 : memref<!tpu.dma_semaphore, #tpu.memory_space<semaphore_mem>>) src(%arg7 : memref<768xi32, #tpu.memory_space<hbm>>) dst(%arg18 : memref<768xi32, #tpu.memory_space<vmem>>)
        tpu.wait_dma2 semaphore(%arg27 : memref<!tpu.dma_semaphore, #tpu.memory_space<semaphore_mem>>) src(%arg8 : memref<768xf32, #tpu.memory_space<hbm>>) dst(%arg21 : memref<768xf32, #tpu.memory_space<vmem>>)
        %scan3A_259 = arith.constant 0 : i32
        %scan3A_260 = arith.constant 0 : i32
        %scan3A_261 = arith.constant 12 : i32
        %scan3A_262 = arith.addi %scan3A_260, %scan3A_261 : i32
        %scan3A_263 = arith.constant 1 : i32
        %scan3A_264 = scf.for %scan3A_269 = %scan3A_260 to %scan3A_262 step %scan3A_263 iter_args(%scan3A_270 = %scan3A_259) -> (i32)  : i32 {
          %mul3A_271 = arith.constant 64 : i32
          %mul3A_272 = arith.muli %scan3A_269, %mul3A_271 : i32
          %add3A_273 = arith.constant 0 : i32
          %add3A_274 = arith.addi %mul3A_272, %add3A_273 : i32
          %get3A = arith.index_cast %add3A_274 : i32 to index
          %get3A_275 = tpu.vector_load %arg15[%get3A] {strides = array<i32>} : memref<768xi32, #tpu.memory_space<vmem>>, vector<16xi32>,
          %get3A_276 = vector.shape_cast %get3A_275 : vector<16xi32> to vector<16xi32>
          %add3A_277 = vector.broadcast %mul3A_52 : i32 to vector<16xi32>
          %add3A_278 = arith.addi %get3A_276, %add3A_277 : vector<16xi32>
          %swap3A = arith.index_cast %add3A_274 : i32 to index
          %swap3A_279 = tpu.vector_load %arg15[%swap3A] {strides = array<i32>} : memref<768xi32, #tpu.memory_space<vmem>>, vector<16xi32>,
          %swap3A_280 = vector.shape_cast %swap3A_279 : vector<16xi32> to vector<16xi32>
          %swap3A_281 = vector.shape_cast %add3A_278 : vector<16xi32> to vector<16xi32>
          tpu.vector_store %arg15[%swap3A], %swap3A_281 {strides = array<i32>} : memref<768xi32, #tpu.memory_space<vmem>>, vector<16xi32>,
          %add3A_282 = arith.constant 16 : i32
          %add3A_283 = arith.addi %mul3A_272, %add3A_282 : i32
          %get3A_284 = arith.index_cast %add3A_283 : i32 to index
          %get3A_285 = tpu.vector_load %arg15[%get3A_284] {strides = array<i32>} : memref<768xi32, #tpu.memory_space<vmem>>, vector<16xi32>,
          %get3A_286 = vector.shape_cast %get3A_285 : vector<16xi32> to vector<16xi32>
          %add3A_287 = vector.broadcast %mul3A_52 : i32 to vector<16xi32>
          %add3A_288 = arith.addi %get3A_286, %add3A_287 : vector<16xi32>
          %swap3A_289 = arith.index_cast %add3A_283 : i32 to index
          %swap3A_290 = tpu.vector_load %arg15[%swap3A_289] {strides = array<i32>} : memref<768xi32, #tpu.memory_space<vmem>>, vector<16xi32>,
          %swap3A_291 = vector.shape_cast %swap3A_290 : vector<16xi32> to vector<16xi32>
          %swap3A_292 = vector.shape_cast %add3A_288 : vector<16xi32> to vector<16xi32>
          tpu.vector_store %arg15[%swap3A_289], %swap3A_292 {strides = array<i32>} : memref<768xi32, #tpu.memory_space<vmem>>, vector<16xi32>,
          %add3A_293 = arith.constant 32 : i32
          %add3A_294 = arith.addi %mul3A_272, %add3A_293 : i32
          %get3A_295 = arith.index_cast %add3A_294 : i32 to index
          %get3A_296 = tpu.vector_load %arg15[%get3A_295] {strides = array<i32>} : memref<768xi32, #tpu.memory_space<vmem>>, vector<16xi32>,
          %get3A_297 = vector.shape_cast %get3A_296 : vector<16xi32> to vector<16xi32>
          %add3A_298 = vector.broadcast %mul3A_52 : i32 to vector<16xi32>
          %add3A_299 = arith.addi %get3A_297, %add3A_298 : vector<16xi32>
          %swap3A_300 = arith.index_cast %add3A_294 : i32 to index
          %swap3A_301 = tpu.vector_load %arg15[%swap3A_300] {strides = array<i32>} : memref<768xi32, #tpu.memory_space<vmem>>, vector<16xi32>,
          %swap3A_302 = vector.shape_cast %swap3A_301 : vector<16xi32> to vector<16xi32>
          %swap3A_303 = vector.shape_cast %add3A_299 : vector<16xi32> to vector<16xi32>
          tpu.vector_store %arg15[%swap3A_300], %swap3A_303 {strides = array<i32>} : memref<768xi32, #tpu.memory_space<vmem>>, vector<16xi32>,
          %add3A_304 = arith.constant 48 : i32
          %add3A_305 = arith.addi %mul3A_272, %add3A_304 : i32
          %get3A_306 = arith.index_cast %add3A_305 : i32 to index
          %get3A_307 = tpu.vector_load %arg15[%get3A_306] {strides = array<i32>} : memref<768xi32, #tpu.memory_space<vmem>>, vector<16xi32>,
          %get3A_308 = vector.shape_cast %get3A_307 : vector<16xi32> to vector<16xi32>
          %add3A_309 = vector.broadcast %mul3A_52 : i32 to vector<16xi32>
          %add3A_310 = arith.addi %get3A_308, %add3A_309 : vector<16xi32>
          %swap3A_311 = arith.index_cast %add3A_305 : i32 to index
          %swap3A_312 = tpu.vector_load %arg15[%swap3A_311] {strides = array<i32>} : memref<768xi32, #tpu.memory_space<vmem>>, vector<16xi32>,
          %swap3A_313 = vector.shape_cast %swap3A_312 : vector<16xi32> to vector<16xi32>
          %swap3A_314 = vector.shape_cast %add3A_310 : vector<16xi32> to vector<16xi32>
          tpu.vector_store %arg15[%swap3A_311], %swap3A_314 {strides = array<i32>} : memref<768xi32, #tpu.memory_space<vmem>>, vector<16xi32>,
          %scan3A_315 = arith.constant 0 : i32
          scf.yield %scan3A_315 : i32
        }
        %scan3A_265 = arith.constant 12 : i32
        %dma_start3A_266 = arith.constant 0 : i32
        %dma_start3A_267 = arith.constant 0 : i32
        %dma_start3A_268 = tpu.memref_slice %arg11[%dma_start3A_266, %dma_start3A_267] : memref<32768x32xf32, #tpu.memory_space<hbm>> -> memref<32768x32xf32, #tpu.memory_space<hbm>>
        tpu.enqueue_indirect_dma source(%dma_start3A_268 : memref<32768x32xf32, #tpu.memory_space<hbm>>) target(%arg24 : memref<768x32xf32, #tpu.memory_space<vmem>>) offsets(%arg15 : memref<768xi32, #tpu.memory_space<vmem>>) semaphore(%arg30 : memref<!tpu.dma_semaphore, #tpu.memory_space<semaphore_mem>>)
      } else {
      }
      %dma_wait3A_165 = arith.constant 0 : i32
      %dma_wait3A_166 = arith.constant 0 : i32
      %dma_wait3A_167 = tpu.memref_slice %arg11[%dma_wait3A_165, %dma_wait3A_166] : memref<32768x32xf32, #tpu.memory_space<hbm>> -> memref<32768x32xf32, #tpu.memory_space<hbm>>
      tpu.wait_indirect_dma semaphore(%arg29 : memref<!tpu.dma_semaphore, #tpu.memory_space<semaphore_mem>>) src(%dma_wait3A_167 : memref<32768x32xf32, #tpu.memory_space<hbm>>) dst(%arg23 : memref<768x32xf32, #tpu.memory_space<vmem>>)
      %eq3A_168 = arith.constant 218 : i32
      %eq3A_169 = arith.cmpi eq, %add3A_157, %eq3A_168 : i32
      %eq3A_170 = arith.constant 15 : i32
      %eq3A_171 = arith.cmpi eq, %arg1, %eq3A_170 : i32
      %jit3A_172 = arith.constant 478 : i32
      %jit3A_173 = arith.constant 416 : i32
      %select_n3A_174 = arith.select %eq3A_171, %jit3A_172, %jit3A_173 : i32
      %jit3A_175 = arith.constant 0 : i32
      %select_n3A_176 = arith.select %eq3A_169, %select_n3A_174, %jit3A_175 : i32
      %iota3A_177 = tpu.iota {dimensions = array<i32: 0>} : vector<16xi32>
      %scan3A_178 = arith.constant 0 : i32
      %scan3A_179 = arith.constant 0 : i32
      %scan3A_180 = arith.constant 48 : i32
      %scan3A_181 = arith.addi %scan3A_179, %scan3A_180 : i32
      %scan3A_182 = arith.constant 1 : i32
      %scan3A_183 = scf.for %scan3A_257 = %scan3A_179 to %scan3A_181 step %scan3A_182 iter_args(%scan3A_258 = %scan3A_178) -> (i32)  : i32 {
        %mul3A_259 = arith.constant 16 : i32
        %mul3A_260 = arith.muli %scan3A_257, %mul3A_259 : i32
        %get3A = arith.index_cast %mul3A_260 : i32 to index
        %get3A_261 = tpu.vector_load %arg20[%get3A] {strides = array<i32>} : memref<768xf32, #tpu.memory_space<vmem>>, vector<16xf32>,
        %get3A_262 = vector.shape_cast %get3A_261 : vector<16xf32> to vector<16xf32>
        %add3A_263 = vector.broadcast %mul3A_260 : i32 to vector<16xi32>
        %add3A_264 = arith.addi %iota3A_177, %add3A_263 : vector<16xi32>
        %ge3A_265 = vector.broadcast %select_n3A_176 : i32 to vector<16xi32>
        %ge3A_266 = arith.cmpi sge, %add3A_264, %ge3A_265 : vector<16xi32>
        %jit3A_267 = arith.constant 0.000000e+00 : f32
        %broadcast_in_dim3A = vector.broadcast %jit3A_267 : f32 to vector<16xf32>
        %select_n3A_268 = arith.select %ge3A_266, %get3A_262, %broadcast_in_dim3A : vector<16xi1>, vector<16xf32>
        %add3A_269 = arith.constant 0 : i32
        %add3A_270 = arith.addi %mul3A_260, %add3A_269 : i32
        %slice3A = vector.extract_strided_slice %select_n3A_268 {offsets = [0], sizes = [1], strides = [1]} : vector<16xf32> to vector<1xf32>
        %squeeze3A = vector.extract %slice3A[0] : f32 from vector<1xf32>
        %get3A_271 = arith.index_cast %add3A_270 : i32 to index
        %get3A_272 = arith.constant 0 : index
        %get3A_273 = tpu.vector_load %arg23[%get3A_271, %get3A_272] {strides = array<i32>} : memref<768x32xf32, #tpu.memory_space<vmem>>, vector<1x16xf32>,
        %get3A_274 = vector.shape_cast %get3A_273 : vector<1x16xf32> to vector<16xf32>
        %mul3A_275 = vector.broadcast %squeeze3A : f32 to vector<16xf32>
        %mul3A_276 = arith.mulf %get3A_274, %mul3A_275 : vector<16xf32>
        %swap3A = arith.index_cast %add3A_270 : i32 to index
        %swap3A_277 = arith.constant 0 : index
        %swap3A_278 = tpu.vector_load %arg23[%swap3A, %swap3A_277] {strides = array<i32>} : memref<768x32xf32, #tpu.memory_space<vmem>>, vector<1x16xf32>,
        %swap3A_279 = vector.shape_cast %swap3A_278 : vector<1x16xf32> to vector<16xf32>
        %swap3A_280 = vector.shape_cast %mul3A_276 : vector<16xf32> to vector<1x16xf32>
        tpu.vector_store %arg23[%swap3A, %swap3A_277], %swap3A_280 {strides = array<i32>} : memref<768x32xf32, #tpu.memory_space<vmem>>, vector<1x16xf32>,
        %get3A_281 = arith.index_cast %add3A_270 : i32 to index
        %get3A_282 = arith.constant 16 : index
        %get3A_283 = tpu.vector_load %arg23[%get3A_281, %get3A_282] {strides = array<i32>} : memref<768x32xf32, #tpu.memory_space<vmem>>, vector<1x16xf32>,
        %get3A_284 = vector.shape_cast %get3A_283 : vector<1x16xf32> to vector<16xf32>
        %mul3A_285 = vector.broadcast %squeeze3A : f32 to vector<16xf32>
        %mul3A_286 = arith.mulf %get3A_284, %mul3A_285 : vector<16xf32>
        %swap3A_287 = arith.index_cast %add3A_270 : i32 to index
        %swap3A_288 = arith.constant 16 : index
        %swap3A_289 = tpu.vector_load %arg23[%swap3A_287, %swap3A_288] {strides = array<i32>} : memref<768x32xf32, #tpu.memory_space<vmem>>, vector<1x16xf32>,
        %swap3A_290 = vector.shape_cast %swap3A_289 : vector<1x16xf32> to vector<16xf32>
        %swap3A_291 = vector.shape_cast %mul3A_286 : vector<16xf32> to vector<1x16xf32>
        tpu.vector_store %arg23[%swap3A_287, %swap3A_288], %swap3A_291 {strides = array<i32>} : memref<768x32xf32, #tpu.memory_space<vmem>>, vector<1x16xf32>,
        %add3A_292 = arith.constant 1 : i32
        %add3A_293 = arith.addi %mul3A_260, %add3A_292 : i32
        %slice3A_294 = vector.extract_strided_slice %select_n3A_268 {offsets = [1], sizes = [1], strides = [1]} : vector<16xf32> to vector<1xf32>
        %squeeze3A_295 = vector.extract %slice3A_294[0] : f32 from vector<1xf32>
        %get3A_296 = arith.index_cast %add3A_293 : i32 to index
        %get3A_297 = arith.constant 0 : index
        %get3A_298 = tpu.vector_load %arg23[%get3A_296, %get3A_297] {strides = array<i32>} : memref<768x32xf32, #tpu.memory_space<vmem>>, vector<1x16xf32>,
        %get3A_299 = vector.shape_cast %get3A_298 : vector<1x16xf32> to vector<16xf32>
        %mul3A_300 = vector.broadcast %squeeze3A_295 : f32 to vector<16xf32>
        %mul3A_301 = arith.mulf %get3A_299, %mul3A_300 : vector<16xf32>
        %swap3A_302 = arith.index_cast %add3A_293 : i32 to index
        %swap3A_303 = arith.constant 0 : index
        %swap3A_304 = tpu.vector_load %arg23[%swap3A_302, %swap3A_303] {strides = array<i32>} : memref<768x32xf32, #tpu.memory_space<vmem>>, vector<1x16xf32>,
        %swap3A_305 = vector.shape_cast %swap3A_304 : vector<1x16xf32> to vector<16xf32>
        %swap3A_306 = vector.shape_cast %mul3A_301 : vector<16xf32> to vector<1x16xf32>
        tpu.vector_store %arg23[%swap3A_302, %swap3A_303], %swap3A_306 {strides = array<i32>} : memref<768x32xf32, #tpu.memory_space<vmem>>, vector<1x16xf32>,
        %get3A_307 = arith.index_cast %add3A_293 : i32 to index
        %get3A_308 = arith.constant 16 : index
        %get3A_309 = tpu.vector_load %arg23[%get3A_307, %get3A_308] {strides = array<i32>} : memref<768x32xf32, #tpu.memory_space<vmem>>, vector<1x16xf32>,
        %get3A_310 = vector.shape_cast %get3A_309 : vector<1x16xf32> to vector<16xf32>
        %mul3A_311 = vector.broadcast %squeeze3A_295 : f32 to vector<16xf32>
        %mul3A_312 = arith.mulf %get3A_310, %mul3A_311 : vector<16xf32>
        %swap3A_313 = arith.index_cast %add3A_293 : i32 to index
        %swap3A_314 = arith.constant 16 : index
        %swap3A_315 = tpu.vector_load %arg23[%swap3A_313, %swap3A_314] {strides = array<i32>} : memref<768x32xf32, #tpu.memory_space<vmem>>, vector<1x16xf32>,
        %swap3A_316 = vector.shape_cast %swap3A_315 : vector<1x16xf32> to vector<16xf32>
        %swap3A_317 = vector.shape_cast %mul3A_312 : vector<16xf32> to vector<1x16xf32>
        tpu.vector_store %arg23[%swap3A_313, %swap3A_314], %swap3A_317 {strides = array<i32>} : memref<768x32xf32, #tpu.memory_space<vmem>>, vector<1x16xf32>,
        %add3A_318 = arith.constant 2 : i32
        %add3A_319 = arith.addi %mul3A_260, %add3A_318 : i32
        %slice3A_320 = vector.extract_strided_slice %select_n3A_268 {offsets = [2], sizes = [1], strides = [1]} : vector<16xf32> to vector<1xf32>
        %squeeze3A_321 = vector.extract %slice3A_320[0] : f32 from vector<1xf32>
        %get3A_322 = arith.index_cast %add3A_319 : i32 to index
        %get3A_323 = arith.constant 0 : index
        %get3A_324 = tpu.vector_load %arg23[%get3A_322, %get3A_323] {strides = array<i32>} : memref<768x32xf32, #tpu.memory_space<vmem>>, vector<1x16xf32>,
        %get3A_325 = vector.shape_cast %get3A_324 : vector<1x16xf32> to vector<16xf32>
        %mul3A_326 = vector.broadcast %squeeze3A_321 : f32 to vector<16xf32>
        %mul3A_327 = arith.mulf %get3A_325, %mul3A_326 : vector<16xf32>
        %swap3A_328 = arith.index_cast %add3A_319 : i32 to index
        %swap3A_329 = arith.constant 0 : index
        %swap3A_330 = tpu.vector_load %arg23[%swap3A_328, %swap3A_329] {strides = array<i32>} : memref<768x32xf32, #tpu.memory_space<vmem>>, vector<1x16xf32>,
        %swap3A_331 = vector.shape_cast %swap3A_330 : vector<1x16xf32> to vector<16xf32>
        %swap3A_332 = vector.shape_cast %mul3A_327 : vector<16xf32> to vector<1x16xf32>
        tpu.vector_store %arg23[%swap3A_328, %swap3A_329], %swap3A_332 {strides = array<i32>} : memref<768x32xf32, #tpu.memory_space<vmem>>, vector<1x16xf32>,
        %get3A_333 = arith.index_cast %add3A_319 : i32 to index
        %get3A_334 = arith.constant 16 : index
        %get3A_335 = tpu.vector_load %arg23[%get3A_333, %get3A_334] {strides = array<i32>} : memref<768x32xf32, #tpu.memory_space<vmem>>, vector<1x16xf32>,
        %get3A_336 = vector.shape_cast %get3A_335 : vector<1x16xf32> to vector<16xf32>
        %mul3A_337 = vector.broadcast %squeeze3A_321 : f32 to vector<16xf32>
        %mul3A_338 = arith.mulf %get3A_336, %mul3A_337 : vector<16xf32>
        %swap3A_339 = arith.index_cast %add3A_319 : i32 to index
        %swap3A_340 = arith.constant 16 : index
        %swap3A_341 = tpu.vector_load %arg23[%swap3A_339, %swap3A_340] {strides = array<i32>} : memref<768x32xf32, #tpu.memory_space<vmem>>, vector<1x16xf32>,
        %swap3A_342 = vector.shape_cast %swap3A_341 : vector<1x16xf32> to vector<16xf32>
        %swap3A_343 = vector.shape_cast %mul3A_338 : vector<16xf32> to vector<1x16xf32>
        tpu.vector_store %arg23[%swap3A_339, %swap3A_340], %swap3A_343 {strides = array<i32>} : memref<768x32xf32, #tpu.memory_space<vmem>>, vector<1x16xf32>,
        %add3A_344 = arith.constant 3 : i32
        %add3A_345 = arith.addi %mul3A_260, %add3A_344 : i32
        %slice3A_346 = vector.extract_strided_slice %select_n3A_268 {offsets = [3], sizes = [1], strides = [1]} : vector<16xf32> to vector<1xf32>
        %squeeze3A_347 = vector.extract %slice3A_346[0] : f32 from vector<1xf32>
        %get3A_348 = arith.index_cast %add3A_345 : i32 to index
        %get3A_349 = arith.constant 0 : index
        %get3A_350 = tpu.vector_load %arg23[%get3A_348, %get3A_349] {strides = array<i32>} : memref<768x32xf32, #tpu.memory_space<vmem>>, vector<1x16xf32>,
        %get3A_351 = vector.shape_cast %get3A_350 : vector<1x16xf32> to vector<16xf32>
        %mul3A_352 = vector.broadcast %squeeze3A_347 : f32 to vector<16xf32>
        %mul3A_353 = arith.mulf %get3A_351, %mul3A_352 : vector<16xf32>
        %swap3A_354 = arith.index_cast %add3A_345 : i32 to index
        %swap3A_355 = arith.constant 0 : index
        %swap3A_356 = tpu.vector_load %arg23[%swap3A_354, %swap3A_355] {strides = array<i32>} : memref<768x32xf32, #tpu.memory_space<vmem>>, vector<1x16xf32>,
        %swap3A_357 = vector.shape_cast %swap3A_356 : vector<1x16xf32> to vector<16xf32>
        %swap3A_358 = vector.shape_cast %mul3A_353 : vector<16xf32> to vector<1x16xf32>
        tpu.vector_store %arg23[%swap3A_354, %swap3A_355], %swap3A_358 {strides = array<i32>} : memref<768x32xf32, #tpu.memory_space<vmem>>, vector<1x16xf32>,
        %get3A_359 = arith.index_cast %add3A_345 : i32 to index
        %get3A_360 = arith.constant 16 : index
        %get3A_361 = tpu.vector_load %arg23[%get3A_359, %get3A_360] {strides = array<i32>} : memref<768x32xf32, #tpu.memory_space<vmem>>, vector<1x16xf32>,
        %get3A_362 = vector.shape_cast %get3A_361 : vector<1x16xf32> to vector<16xf32>
        %mul3A_363 = vector.broadcast %squeeze3A_347 : f32 to vector<16xf32>
        %mul3A_364 = arith.mulf %get3A_362, %mul3A_363 : vector<16xf32>
        %swap3A_365 = arith.index_cast %add3A_345 : i32 to index
        %swap3A_366 = arith.constant 16 : index
        %swap3A_367 = tpu.vector_load %arg23[%swap3A_365, %swap3A_366] {strides = array<i32>} : memref<768x32xf32, #tpu.memory_space<vmem>>, vector<1x16xf32>,
        %swap3A_368 = vector.shape_cast %swap3A_367 : vector<1x16xf32> to vector<16xf32>
        %swap3A_369 = vector.shape_cast %mul3A_364 : vector<16xf32> to vector<1x16xf32>
        tpu.vector_store %arg23[%swap3A_365, %swap3A_366], %swap3A_369 {strides = array<i32>} : memref<768x32xf32, #tpu.memory_space<vmem>>, vector<1x16xf32>,
        %add3A_370 = arith.constant 4 : i32
        %add3A_371 = arith.addi %mul3A_260, %add3A_370 : i32
        %slice3A_372 = vector.extract_strided_slice %select_n3A_268 {offsets = [4], sizes = [1], strides = [1]} : vector<16xf32> to vector<1xf32>
        %squeeze3A_373 = vector.extract %slice3A_372[0] : f32 from vector<1xf32>
        %get3A_374 = arith.index_cast %add3A_371 : i32 to index
        %get3A_375 = arith.constant 0 : index
        %get3A_376 = tpu.vector_load %arg23[%get3A_374, %get3A_375] {strides = array<i32>} : memref<768x32xf32, #tpu.memory_space<vmem>>, vector<1x16xf32>,
        %get3A_377 = vector.shape_cast %get3A_376 : vector<1x16xf32> to vector<16xf32>
        %mul3A_378 = vector.broadcast %squeeze3A_373 : f32 to vector<16xf32>
        %mul3A_379 = arith.mulf %get3A_377, %mul3A_378 : vector<16xf32>
        %swap3A_380 = arith.index_cast %add3A_371 : i32 to index
        %swap3A_381 = arith.constant 0 : index
        %swap3A_382 = tpu.vector_load %arg23[%swap3A_380, %swap3A_381] {strides = array<i32>} : memref<768x32xf32, #tpu.memory_space<vmem>>, vector<1x16xf32>,
        %swap3A_383 = vector.shape_cast %swap3A_382 : vector<1x16xf32> to vector<16xf32>
        %swap3A_384 = vector.shape_cast %mul3A_379 : vector<16xf32> to vector<1x16xf32>
        tpu.vector_store %arg23[%swap3A_380, %swap3A_381], %swap3A_384 {strides = array<i32>} : memref<768x32xf32, #tpu.memory_space<vmem>>, vector<1x16xf32>,
        %get3A_385 = arith.index_cast %add3A_371 : i32 to index
        %get3A_386 = arith.constant 16 : index
        %get3A_387 = tpu.vector_load %arg23[%get3A_385, %get3A_386] {strides = array<i32>} : memref<768x32xf32, #tpu.memory_space<vmem>>, vector<1x16xf32>,
        %get3A_388 = vector.shape_cast %get3A_387 : vector<1x16xf32> to vector<16xf32>
        %mul3A_389 = vector.broadcast %squeeze3A_373 : f32 to vector<16xf32>
        %mul3A_390 = arith.mulf %get3A_388, %mul3A_389 : vector<16xf32>
        %swap3A_391 = arith.index_cast %add3A_371 : i32 to index
        %swap3A_392 = arith.constant 16 : index
        %swap3A_393 = tpu.vector_load %arg23[%swap3A_391, %swap3A_392] {strides = array<i32>} : memref<768x32xf32, #tpu.memory_space<vmem>>, vector<1x16xf32>,
        %swap3A_394 = vector.shape_cast %swap3A_393 : vector<1x16xf32> to vector<16xf32>
        %swap3A_395 = vector.shape_cast %mul3A_390 : vector<16xf32> to vector<1x16xf32>
        tpu.vector_store %arg23[%swap3A_391, %swap3A_392], %swap3A_395 {strides = array<i32>} : memref<768x32xf32, #tpu.memory_space<vmem>>, vector<1x16xf32>,
        %add3A_396 = arith.constant 5 : i32
        %add3A_397 = arith.addi %mul3A_260, %add3A_396 : i32
        %slice3A_398 = vector.extract_strided_slice %select_n3A_268 {offsets = [5], sizes = [1], strides = [1]} : vector<16xf32> to vector<1xf32>
        %squeeze3A_399 = vector.extract %slice3A_398[0] : f32 from vector<1xf32>
        %get3A_400 = arith.index_cast %add3A_397 : i32 to index
        %get3A_401 = arith.constant 0 : index
        %get3A_402 = tpu.vector_load %arg23[%get3A_400, %get3A_401] {strides = array<i32>} : memref<768x32xf32, #tpu.memory_space<vmem>>, vector<1x16xf32>,
        %get3A_403 = vector.shape_cast %get3A_402 : vector<1x16xf32> to vector<16xf32>
        %mul3A_404 = vector.broadcast %squeeze3A_399 : f32 to vector<16xf32>
        %mul3A_405 = arith.mulf %get3A_403, %mul3A_404 : vector<16xf32>
        %swap3A_406 = arith.index_cast %add3A_397 : i32 to index
        %swap3A_407 = arith.constant 0 : index
        %swap3A_408 = tpu.vector_load %arg23[%swap3A_406, %swap3A_407] {strides = array<i32>} : memref<768x32xf32, #tpu.memory_space<vmem>>, vector<1x16xf32>,
        %swap3A_409 = vector.shape_cast %swap3A_408 : vector<1x16xf32> to vector<16xf32>
        %swap3A_410 = vector.shape_cast %mul3A_405 : vector<16xf32> to vector<1x16xf32>
        tpu.vector_store %arg23[%swap3A_406, %swap3A_407], %swap3A_410 {strides = array<i32>} : memref<768x32xf32, #tpu.memory_space<vmem>>, vector<1x16xf32>,
        %get3A_411 = arith.index_cast %add3A_397 : i32 to index
        %get3A_412 = arith.constant 16 : index
        %get3A_413 = tpu.vector_load %arg23[%get3A_411, %get3A_412] {strides = array<i32>} : memref<768x32xf32, #tpu.memory_space<vmem>>, vector<1x16xf32>,
        %get3A_414 = vector.shape_cast %get3A_413 : vector<1x16xf32> to vector<16xf32>
        %mul3A_415 = vector.broadcast %squeeze3A_399 : f32 to vector<16xf32>
        %mul3A_416 = arith.mulf %get3A_414, %mul3A_415 : vector<16xf32>
        %swap3A_417 = arith.index_cast %add3A_397 : i32 to index
        %swap3A_418 = arith.constant 16 : index
        %swap3A_419 = tpu.vector_load %arg23[%swap3A_417, %swap3A_418] {strides = array<i32>} : memref<768x32xf32, #tpu.memory_space<vmem>>, vector<1x16xf32>,
        %swap3A_420 = vector.shape_cast %swap3A_419 : vector<1x16xf32> to vector<16xf32>
        %swap3A_421 = vector.shape_cast %mul3A_416 : vector<16xf32> to vector<1x16xf32>
        tpu.vector_store %arg23[%swap3A_417, %swap3A_418], %swap3A_421 {strides = array<i32>} : memref<768x32xf32, #tpu.memory_space<vmem>>, vector<1x16xf32>,
        %add3A_422 = arith.constant 6 : i32
        %add3A_423 = arith.addi %mul3A_260, %add3A_422 : i32
        %slice3A_424 = vector.extract_strided_slice %select_n3A_268 {offsets = [6], sizes = [1], strides = [1]} : vector<16xf32> to vector<1xf32>
        %squeeze3A_425 = vector.extract %slice3A_424[0] : f32 from vector<1xf32>
        %get3A_426 = arith.index_cast %add3A_423 : i32 to index
        %get3A_427 = arith.constant 0 : index
        %get3A_428 = tpu.vector_load %arg23[%get3A_426, %get3A_427] {strides = array<i32>} : memref<768x32xf32, #tpu.memory_space<vmem>>, vector<1x16xf32>,
        %get3A_429 = vector.shape_cast %get3A_428 : vector<1x16xf32> to vector<16xf32>
        %mul3A_430 = vector.broadcast %squeeze3A_425 : f32 to vector<16xf32>
        %mul3A_431 = arith.mulf %get3A_429, %mul3A_430 : vector<16xf32>
        %swap3A_432 = arith.index_cast %add3A_423 : i32 to index
        %swap3A_433 = arith.constant 0 : index
        %swap3A_434 = tpu.vector_load %arg23[%swap3A_432, %swap3A_433] {strides = array<i32>} : memref<768x32xf32, #tpu.memory_space<vmem>>, vector<1x16xf32>,
        %swap3A_435 = vector.shape_cast %swap3A_434 : vector<1x16xf32> to vector<16xf32>
        %swap3A_436 = vector.shape_cast %mul3A_431 : vector<16xf32> to vector<1x16xf32>
        tpu.vector_store %arg23[%swap3A_432, %swap3A_433], %swap3A_436 {strides = array<i32>} : memref<768x32xf32, #tpu.memory_space<vmem>>, vector<1x16xf32>,
        %get3A_437 = arith.index_cast %add3A_423 : i32 to index
        %get3A_438 = arith.constant 16 : index
        %get3A_439 = tpu.vector_load %arg23[%get3A_437, %get3A_438] {strides = array<i32>} : memref<768x32xf32, #tpu.memory_space<vmem>>, vector<1x16xf32>,
        %get3A_440 = vector.shape_cast %get3A_439 : vector<1x16xf32> to vector<16xf32>
        %mul3A_441 = vector.broadcast %squeeze3A_425 : f32 to vector<16xf32>
        %mul3A_442 = arith.mulf %get3A_440, %mul3A_441 : vector<16xf32>
        %swap3A_443 = arith.index_cast %add3A_423 : i32 to index
        %swap3A_444 = arith.constant 16 : index
        %swap3A_445 = tpu.vector_load %arg23[%swap3A_443, %swap3A_444] {strides = array<i32>} : memref<768x32xf32, #tpu.memory_space<vmem>>, vector<1x16xf32>,
        %swap3A_446 = vector.shape_cast %swap3A_445 : vector<1x16xf32> to vector<16xf32>
        %swap3A_447 = vector.shape_cast %mul3A_442 : vector<16xf32> to vector<1x16xf32>
        tpu.vector_store %arg23[%swap3A_443, %swap3A_444], %swap3A_447 {strides = array<i32>} : memref<768x32xf32, #tpu.memory_space<vmem>>, vector<1x16xf32>,
        %add3A_448 = arith.constant 7 : i32
        %add3A_449 = arith.addi %mul3A_260, %add3A_448 : i32
        %slice3A_450 = vector.extract_strided_slice %select_n3A_268 {offsets = [7], sizes = [1], strides = [1]} : vector<16xf32> to vector<1xf32>
        %squeeze3A_451 = vector.extract %slice3A_450[0] : f32 from vector<1xf32>
        %get3A_452 = arith.index_cast %add3A_449 : i32 to index
        %get3A_453 = arith.constant 0 : index
        %get3A_454 = tpu.vector_load %arg23[%get3A_452, %get3A_453] {strides = array<i32>} : memref<768x32xf32, #tpu.memory_space<vmem>>, vector<1x16xf32>,
        %get3A_455 = vector.shape_cast %get3A_454 : vector<1x16xf32> to vector<16xf32>
        %mul3A_456 = vector.broadcast %squeeze3A_451 : f32 to vector<16xf32>
        %mul3A_457 = arith.mulf %get3A_455, %mul3A_456 : vector<16xf32>
        %swap3A_458 = arith.index_cast %add3A_449 : i32 to index
        %swap3A_459 = arith.constant 0 : index
        %swap3A_460 = tpu.vector_load %arg23[%swap3A_458, %swap3A_459] {strides = array<i32>} : memref<768x32xf32, #tpu.memory_space<vmem>>, vector<1x16xf32>,
        %swap3A_461 = vector.shape_cast %swap3A_460 : vector<1x16xf32> to vector<16xf32>
        %swap3A_462 = vector.shape_cast %mul3A_457 : vector<16xf32> to vector<1x16xf32>
        tpu.vector_store %arg23[%swap3A_458, %swap3A_459], %swap3A_462 {strides = array<i32>} : memref<768x32xf32, #tpu.memory_space<vmem>>, vector<1x16xf32>,
        %get3A_463 = arith.index_cast %add3A_449 : i32 to index
        %get3A_464 = arith.constant 16 : index
        %get3A_465 = tpu.vector_load %arg23[%get3A_463, %get3A_464] {strides = array<i32>} : memref<768x32xf32, #tpu.memory_space<vmem>>, vector<1x16xf32>,
        %get3A_466 = vector.shape_cast %get3A_465 : vector<1x16xf32> to vector<16xf32>
        %mul3A_467 = vector.broadcast %squeeze3A_451 : f32 to vector<16xf32>
        %mul3A_468 = arith.mulf %get3A_466, %mul3A_467 : vector<16xf32>
        %swap3A_469 = arith.index_cast %add3A_449 : i32 to index
        %swap3A_470 = arith.constant 16 : index
        %swap3A_471 = tpu.vector_load %arg23[%swap3A_469, %swap3A_470] {strides = array<i32>} : memref<768x32xf32, #tpu.memory_space<vmem>>, vector<1x16xf32>,
        %swap3A_472 = vector.shape_cast %swap3A_471 : vector<1x16xf32> to vector<16xf32>
        %swap3A_473 = vector.shape_cast %mul3A_468 : vector<16xf32> to vector<1x16xf32>
        tpu.vector_store %arg23[%swap3A_469, %swap3A_470], %swap3A_473 {strides = array<i32>} : memref<768x32xf32, #tpu.memory_space<vmem>>, vector<1x16xf32>,
        %add3A_474 = arith.constant 8 : i32
        %add3A_475 = arith.addi %mul3A_260, %add3A_474 : i32
        %slice3A_476 = vector.extract_strided_slice %select_n3A_268 {offsets = [8], sizes = [1], strides = [1]} : vector<16xf32> to vector<1xf32>
        %squeeze3A_477 = vector.extract %slice3A_476[0] : f32 from vector<1xf32>
        %get3A_478 = arith.index_cast %add3A_475 : i32 to index
        %get3A_479 = arith.constant 0 : index
        %get3A_480 = tpu.vector_load %arg23[%get3A_478, %get3A_479] {strides = array<i32>} : memref<768x32xf32, #tpu.memory_space<vmem>>, vector<1x16xf32>,
        %get3A_481 = vector.shape_cast %get3A_480 : vector<1x16xf32> to vector<16xf32>
        %mul3A_482 = vector.broadcast %squeeze3A_477 : f32 to vector<16xf32>
        %mul3A_483 = arith.mulf %get3A_481, %mul3A_482 : vector<16xf32>
        %swap3A_484 = arith.index_cast %add3A_475 : i32 to index
        %swap3A_485 = arith.constant 0 : index
        %swap3A_486 = tpu.vector_load %arg23[%swap3A_484, %swap3A_485] {strides = array<i32>} : memref<768x32xf32, #tpu.memory_space<vmem>>, vector<1x16xf32>,
        %swap3A_487 = vector.shape_cast %swap3A_486 : vector<1x16xf32> to vector<16xf32>
        %swap3A_488 = vector.shape_cast %mul3A_483 : vector<16xf32> to vector<1x16xf32>
        tpu.vector_store %arg23[%swap3A_484, %swap3A_485], %swap3A_488 {strides = array<i32>} : memref<768x32xf32, #tpu.memory_space<vmem>>, vector<1x16xf32>,
        %get3A_489 = arith.index_cast %add3A_475 : i32 to index
        %get3A_490 = arith.constant 16 : index
        %get3A_491 = tpu.vector_load %arg23[%get3A_489, %get3A_490] {strides = array<i32>} : memref<768x32xf32, #tpu.memory_space<vmem>>, vector<1x16xf32>,
        %get3A_492 = vector.shape_cast %get3A_491 : vector<1x16xf32> to vector<16xf32>
        %mul3A_493 = vector.broadcast %squeeze3A_477 : f32 to vector<16xf32>
        %mul3A_494 = arith.mulf %get3A_492, %mul3A_493 : vector<16xf32>
        %swap3A_495 = arith.index_cast %add3A_475 : i32 to index
        %swap3A_496 = arith.constant 16 : index
        %swap3A_497 = tpu.vector_load %arg23[%swap3A_495, %swap3A_496] {strides = array<i32>} : memref<768x32xf32, #tpu.memory_space<vmem>>, vector<1x16xf32>,
        %swap3A_498 = vector.shape_cast %swap3A_497 : vector<1x16xf32> to vector<16xf32>
        %swap3A_499 = vector.shape_cast %mul3A_494 : vector<16xf32> to vector<1x16xf32>
        tpu.vector_store %arg23[%swap3A_495, %swap3A_496], %swap3A_499 {strides = array<i32>} : memref<768x32xf32, #tpu.memory_space<vmem>>, vector<1x16xf32>,
        %add3A_500 = arith.constant 9 : i32
        %add3A_501 = arith.addi %mul3A_260, %add3A_500 : i32
        %slice3A_502 = vector.extract_strided_slice %select_n3A_268 {offsets = [9], sizes = [1], strides = [1]} : vector<16xf32> to vector<1xf32>
        %squeeze3A_503 = vector.extract %slice3A_502[0] : f32 from vector<1xf32>
        %get3A_504 = arith.index_cast %add3A_501 : i32 to index
        %get3A_505 = arith.constant 0 : index
        %get3A_506 = tpu.vector_load %arg23[%get3A_504, %get3A_505] {strides = array<i32>} : memref<768x32xf32, #tpu.memory_space<vmem>>, vector<1x16xf32>,
        %get3A_507 = vector.shape_cast %get3A_506 : vector<1x16xf32> to vector<16xf32>
        %mul3A_508 = vector.broadcast %squeeze3A_503 : f32 to vector<16xf32>
        %mul3A_509 = arith.mulf %get3A_507, %mul3A_508 : vector<16xf32>
        %swap3A_510 = arith.index_cast %add3A_501 : i32 to index
        %swap3A_511 = arith.constant 0 : index
        %swap3A_512 = tpu.vector_load %arg23[%swap3A_510, %swap3A_511] {strides = array<i32>} : memref<768x32xf32, #tpu.memory_space<vmem>>, vector<1x16xf32>,
        %swap3A_513 = vector.shape_cast %swap3A_512 : vector<1x16xf32> to vector<16xf32>
        %swap3A_514 = vector.shape_cast %mul3A_509 : vector<16xf32> to vector<1x16xf32>
        tpu.vector_store %arg23[%swap3A_510, %swap3A_511], %swap3A_514 {strides = array<i32>} : memref<768x32xf32, #tpu.memory_space<vmem>>, vector<1x16xf32>,
        %get3A_515 = arith.index_cast %add3A_501 : i32 to index
        %get3A_516 = arith.constant 16 : index
        %get3A_517 = tpu.vector_load %arg23[%get3A_515, %get3A_516] {strides = array<i32>} : memref<768x32xf32, #tpu.memory_space<vmem>>, vector<1x16xf32>,
        %get3A_518 = vector.shape_cast %get3A_517 : vector<1x16xf32> to vector<16xf32>
        %mul3A_519 = vector.broadcast %squeeze3A_503 : f32 to vector<16xf32>
        %mul3A_520 = arith.mulf %get3A_518, %mul3A_519 : vector<16xf32>
        %swap3A_521 = arith.index_cast %add3A_501 : i32 to index
        %swap3A_522 = arith.constant 16 : index
        %swap3A_523 = tpu.vector_load %arg23[%swap3A_521, %swap3A_522] {strides = array<i32>} : memref<768x32xf32, #tpu.memory_space<vmem>>, vector<1x16xf32>,
        %swap3A_524 = vector.shape_cast %swap3A_523 : vector<1x16xf32> to vector<16xf32>
        %swap3A_525 = vector.shape_cast %mul3A_520 : vector<16xf32> to vector<1x16xf32>
        tpu.vector_store %arg23[%swap3A_521, %swap3A_522], %swap3A_525 {strides = array<i32>} : memref<768x32xf32, #tpu.memory_space<vmem>>, vector<1x16xf32>,
        %add3A_526 = arith.constant 10 : i32
        %add3A_527 = arith.addi %mul3A_260, %add3A_526 : i32
        %slice3A_528 = vector.extract_strided_slice %select_n3A_268 {offsets = [10], sizes = [1], strides = [1]} : vector<16xf32> to vector<1xf32>
        %squeeze3A_529 = vector.extract %slice3A_528[0] : f32 from vector<1xf32>
        %get3A_530 = arith.index_cast %add3A_527 : i32 to index
        %get3A_531 = arith.constant 0 : index
        %get3A_532 = tpu.vector_load %arg23[%get3A_530, %get3A_531] {strides = array<i32>} : memref<768x32xf32, #tpu.memory_space<vmem>>, vector<1x16xf32>,
        %get3A_533 = vector.shape_cast %get3A_532 : vector<1x16xf32> to vector<16xf32>
        %mul3A_534 = vector.broadcast %squeeze3A_529 : f32 to vector<16xf32>
        %mul3A_535 = arith.mulf %get3A_533, %mul3A_534 : vector<16xf32>
        %swap3A_536 = arith.index_cast %add3A_527 : i32 to index
        %swap3A_537 = arith.constant 0 : index
        %swap3A_538 = tpu.vector_load %arg23[%swap3A_536, %swap3A_537] {strides = array<i32>} : memref<768x32xf32, #tpu.memory_space<vmem>>, vector<1x16xf32>,
        %swap3A_539 = vector.shape_cast %swap3A_538 : vector<1x16xf32> to vector<16xf32>
        %swap3A_540 = vector.shape_cast %mul3A_535 : vector<16xf32> to vector<1x16xf32>
        tpu.vector_store %arg23[%swap3A_536, %swap3A_537], %swap3A_540 {strides = array<i32>} : memref<768x32xf32, #tpu.memory_space<vmem>>, vector<1x16xf32>,
        %get3A_541 = arith.index_cast %add3A_527 : i32 to index
        %get3A_542 = arith.constant 16 : index
        %get3A_543 = tpu.vector_load %arg23[%get3A_541, %get3A_542] {strides = array<i32>} : memref<768x32xf32, #tpu.memory_space<vmem>>, vector<1x16xf32>,
        %get3A_544 = vector.shape_cast %get3A_543 : vector<1x16xf32> to vector<16xf32>
        %mul3A_545 = vector.broadcast %squeeze3A_529 : f32 to vector<16xf32>
        %mul3A_546 = arith.mulf %get3A_544, %mul3A_545 : vector<16xf32>
        %swap3A_547 = arith.index_cast %add3A_527 : i32 to index
        %swap3A_548 = arith.constant 16 : index
        %swap3A_549 = tpu.vector_load %arg23[%swap3A_547, %swap3A_548] {strides = array<i32>} : memref<768x32xf32, #tpu.memory_space<vmem>>, vector<1x16xf32>,
        %swap3A_550 = vector.shape_cast %swap3A_549 : vector<1x16xf32> to vector<16xf32>
        %swap3A_551 = vector.shape_cast %mul3A_546 : vector<16xf32> to vector<1x16xf32>
        tpu.vector_store %arg23[%swap3A_547, %swap3A_548], %swap3A_551 {strides = array<i32>} : memref<768x32xf32, #tpu.memory_space<vmem>>, vector<1x16xf32>,
        %add3A_552 = arith.constant 11 : i32
        %add3A_553 = arith.addi %mul3A_260, %add3A_552 : i32
        %slice3A_554 = vector.extract_strided_slice %select_n3A_268 {offsets = [11], sizes = [1], strides = [1]} : vector<16xf32> to vector<1xf32>
        %squeeze3A_555 = vector.extract %slice3A_554[0] : f32 from vector<1xf32>
        %get3A_556 = arith.index_cast %add3A_553 : i32 to index
        %get3A_557 = arith.constant 0 : index
        %get3A_558 = tpu.vector_load %arg23[%get3A_556, %get3A_557] {strides = array<i32>} : memref<768x32xf32, #tpu.memory_space<vmem>>, vector<1x16xf32>,
        %get3A_559 = vector.shape_cast %get3A_558 : vector<1x16xf32> to vector<16xf32>
        %mul3A_560 = vector.broadcast %squeeze3A_555 : f32 to vector<16xf32>
        %mul3A_561 = arith.mulf %get3A_559, %mul3A_560 : vector<16xf32>
        %swap3A_562 = arith.index_cast %add3A_553 : i32 to index
        %swap3A_563 = arith.constant 0 : index
        %swap3A_564 = tpu.vector_load %arg23[%swap3A_562, %swap3A_563] {strides = array<i32>} : memref<768x32xf32, #tpu.memory_space<vmem>>, vector<1x16xf32>,
        %swap3A_565 = vector.shape_cast %swap3A_564 : vector<1x16xf32> to vector<16xf32>
        %swap3A_566 = vector.shape_cast %mul3A_561 : vector<16xf32> to vector<1x16xf32>
        tpu.vector_store %arg23[%swap3A_562, %swap3A_563], %swap3A_566 {strides = array<i32>} : memref<768x32xf32, #tpu.memory_space<vmem>>, vector<1x16xf32>,
        %get3A_567 = arith.index_cast %add3A_553 : i32 to index
        %get3A_568 = arith.constant 16 : index
        %get3A_569 = tpu.vector_load %arg23[%get3A_567, %get3A_568] {strides = array<i32>} : memref<768x32xf32, #tpu.memory_space<vmem>>, vector<1x16xf32>,
        %get3A_570 = vector.shape_cast %get3A_569 : vector<1x16xf32> to vector<16xf32>
        %mul3A_571 = vector.broadcast %squeeze3A_555 : f32 to vector<16xf32>
        %mul3A_572 = arith.mulf %get3A_570, %mul3A_571 : vector<16xf32>
        %swap3A_573 = arith.index_cast %add3A_553 : i32 to index
        %swap3A_574 = arith.constant 16 : index
        %swap3A_575 = tpu.vector_load %arg23[%swap3A_573, %swap3A_574] {strides = array<i32>} : memref<768x32xf32, #tpu.memory_space<vmem>>, vector<1x16xf32>,
        %swap3A_576 = vector.shape_cast %swap3A_575 : vector<1x16xf32> to vector<16xf32>
        %swap3A_577 = vector.shape_cast %mul3A_572 : vector<16xf32> to vector<1x16xf32>
        tpu.vector_store %arg23[%swap3A_573, %swap3A_574], %swap3A_577 {strides = array<i32>} : memref<768x32xf32, #tpu.memory_space<vmem>>, vector<1x16xf32>,
        %add3A_578 = arith.constant 12 : i32
        %add3A_579 = arith.addi %mul3A_260, %add3A_578 : i32
        %slice3A_580 = vector.extract_strided_slice %select_n3A_268 {offsets = [12], sizes = [1], strides = [1]} : vector<16xf32> to vector<1xf32>
        %squeeze3A_581 = vector.extract %slice3A_580[0] : f32 from vector<1xf32>
        %get3A_582 = arith.index_cast %add3A_579 : i32 to index
        %get3A_583 = arith.constant 0 : index
        %get3A_584 = tpu.vector_load %arg23[%get3A_582, %get3A_583] {strides = array<i32>} : memref<768x32xf32, #tpu.memory_space<vmem>>, vector<1x16xf32>,
        %get3A_585 = vector.shape_cast %get3A_584 : vector<1x16xf32> to vector<16xf32>
        %mul3A_586 = vector.broadcast %squeeze3A_581 : f32 to vector<16xf32>
        %mul3A_587 = arith.mulf %get3A_585, %mul3A_586 : vector<16xf32>
        %swap3A_588 = arith.index_cast %add3A_579 : i32 to index
        %swap3A_589 = arith.constant 0 : index
        %swap3A_590 = tpu.vector_load %arg23[%swap3A_588, %swap3A_589] {strides = array<i32>} : memref<768x32xf32, #tpu.memory_space<vmem>>, vector<1x16xf32>,
        %swap3A_591 = vector.shape_cast %swap3A_590 : vector<1x16xf32> to vector<16xf32>
        %swap3A_592 = vector.shape_cast %mul3A_587 : vector<16xf32> to vector<1x16xf32>
        tpu.vector_store %arg23[%swap3A_588, %swap3A_589], %swap3A_592 {strides = array<i32>} : memref<768x32xf32, #tpu.memory_space<vmem>>, vector<1x16xf32>,
        %get3A_593 = arith.index_cast %add3A_579 : i32 to index
        %get3A_594 = arith.constant 16 : index
        %get3A_595 = tpu.vector_load %arg23[%get3A_593, %get3A_594] {strides = array<i32>} : memref<768x32xf32, #tpu.memory_space<vmem>>, vector<1x16xf32>,
        %get3A_596 = vector.shape_cast %get3A_595 : vector<1x16xf32> to vector<16xf32>
        %mul3A_597 = vector.broadcast %squeeze3A_581 : f32 to vector<16xf32>
        %mul3A_598 = arith.mulf %get3A_596, %mul3A_597 : vector<16xf32>
        %swap3A_599 = arith.index_cast %add3A_579 : i32 to index
        %swap3A_600 = arith.constant 16 : index
        %swap3A_601 = tpu.vector_load %arg23[%swap3A_599, %swap3A_600] {strides = array<i32>} : memref<768x32xf32, #tpu.memory_space<vmem>>, vector<1x16xf32>,
        %swap3A_602 = vector.shape_cast %swap3A_601 : vector<1x16xf32> to vector<16xf32>
        %swap3A_603 = vector.shape_cast %mul3A_598 : vector<16xf32> to vector<1x16xf32>
        tpu.vector_store %arg23[%swap3A_599, %swap3A_600], %swap3A_603 {strides = array<i32>} : memref<768x32xf32, #tpu.memory_space<vmem>>, vector<1x16xf32>,
        %add3A_604 = arith.constant 13 : i32
        %add3A_605 = arith.addi %mul3A_260, %add3A_604 : i32
        %slice3A_606 = vector.extract_strided_slice %select_n3A_268 {offsets = [13], sizes = [1], strides = [1]} : vector<16xf32> to vector<1xf32>
        %squeeze3A_607 = vector.extract %slice3A_606[0] : f32 from vector<1xf32>
        %get3A_608 = arith.index_cast %add3A_605 : i32 to index
        %get3A_609 = arith.constant 0 : index
        %get3A_610 = tpu.vector_load %arg23[%get3A_608, %get3A_609] {strides = array<i32>} : memref<768x32xf32, #tpu.memory_space<vmem>>, vector<1x16xf32>,
        %get3A_611 = vector.shape_cast %get3A_610 : vector<1x16xf32> to vector<16xf32>
        %mul3A_612 = vector.broadcast %squeeze3A_607 : f32 to vector<16xf32>
        %mul3A_613 = arith.mulf %get3A_611, %mul3A_612 : vector<16xf32>
        %swap3A_614 = arith.index_cast %add3A_605 : i32 to index
        %swap3A_615 = arith.constant 0 : index
        %swap3A_616 = tpu.vector_load %arg23[%swap3A_614, %swap3A_615] {strides = array<i32>} : memref<768x32xf32, #tpu.memory_space<vmem>>, vector<1x16xf32>,
        %swap3A_617 = vector.shape_cast %swap3A_616 : vector<1x16xf32> to vector<16xf32>
        %swap3A_618 = vector.shape_cast %mul3A_613 : vector<16xf32> to vector<1x16xf32>
        tpu.vector_store %arg23[%swap3A_614, %swap3A_615], %swap3A_618 {strides = array<i32>} : memref<768x32xf32, #tpu.memory_space<vmem>>, vector<1x16xf32>,
        %get3A_619 = arith.index_cast %add3A_605 : i32 to index
        %get3A_620 = arith.constant 16 : index
        %get3A_621 = tpu.vector_load %arg23[%get3A_619, %get3A_620] {strides = array<i32>} : memref<768x32xf32, #tpu.memory_space<vmem>>, vector<1x16xf32>,
        %get3A_622 = vector.shape_cast %get3A_621 : vector<1x16xf32> to vector<16xf32>
        %mul3A_623 = vector.broadcast %squeeze3A_607 : f32 to vector<16xf32>
        %mul3A_624 = arith.mulf %get3A_622, %mul3A_623 : vector<16xf32>
        %swap3A_625 = arith.index_cast %add3A_605 : i32 to index
        %swap3A_626 = arith.constant 16 : index
        %swap3A_627 = tpu.vector_load %arg23[%swap3A_625, %swap3A_626] {strides = array<i32>} : memref<768x32xf32, #tpu.memory_space<vmem>>, vector<1x16xf32>,
        %swap3A_628 = vector.shape_cast %swap3A_627 : vector<1x16xf32> to vector<16xf32>
        %swap3A_629 = vector.shape_cast %mul3A_624 : vector<16xf32> to vector<1x16xf32>
        tpu.vector_store %arg23[%swap3A_625, %swap3A_626], %swap3A_629 {strides = array<i32>} : memref<768x32xf32, #tpu.memory_space<vmem>>, vector<1x16xf32>,
        %add3A_630 = arith.constant 14 : i32
        %add3A_631 = arith.addi %mul3A_260, %add3A_630 : i32
        %slice3A_632 = vector.extract_strided_slice %select_n3A_268 {offsets = [14], sizes = [1], strides = [1]} : vector<16xf32> to vector<1xf32>
        %squeeze3A_633 = vector.extract %slice3A_632[0] : f32 from vector<1xf32>
        %get3A_634 = arith.index_cast %add3A_631 : i32 to index
        %get3A_635 = arith.constant 0 : index
        %get3A_636 = tpu.vector_load %arg23[%get3A_634, %get3A_635] {strides = array<i32>} : memref<768x32xf32, #tpu.memory_space<vmem>>, vector<1x16xf32>,
        %get3A_637 = vector.shape_cast %get3A_636 : vector<1x16xf32> to vector<16xf32>
        %mul3A_638 = vector.broadcast %squeeze3A_633 : f32 to vector<16xf32>
        %mul3A_639 = arith.mulf %get3A_637, %mul3A_638 : vector<16xf32>
        %swap3A_640 = arith.index_cast %add3A_631 : i32 to index
        %swap3A_641 = arith.constant 0 : index
        %swap3A_642 = tpu.vector_load %arg23[%swap3A_640, %swap3A_641] {strides = array<i32>} : memref<768x32xf32, #tpu.memory_space<vmem>>, vector<1x16xf32>,
        %swap3A_643 = vector.shape_cast %swap3A_642 : vector<1x16xf32> to vector<16xf32>
        %swap3A_644 = vector.shape_cast %mul3A_639 : vector<16xf32> to vector<1x16xf32>
        tpu.vector_store %arg23[%swap3A_640, %swap3A_641], %swap3A_644 {strides = array<i32>} : memref<768x32xf32, #tpu.memory_space<vmem>>, vector<1x16xf32>,
        %get3A_645 = arith.index_cast %add3A_631 : i32 to index
        %get3A_646 = arith.constant 16 : index
        %get3A_647 = tpu.vector_load %arg23[%get3A_645, %get3A_646] {strides = array<i32>} : memref<768x32xf32, #tpu.memory_space<vmem>>, vector<1x16xf32>,
        %get3A_648 = vector.shape_cast %get3A_647 : vector<1x16xf32> to vector<16xf32>
        %mul3A_649 = vector.broadcast %squeeze3A_633 : f32 to vector<16xf32>
        %mul3A_650 = arith.mulf %get3A_648, %mul3A_649 : vector<16xf32>
        %swap3A_651 = arith.index_cast %add3A_631 : i32 to index
        %swap3A_652 = arith.constant 16 : index
        %swap3A_653 = tpu.vector_load %arg23[%swap3A_651, %swap3A_652] {strides = array<i32>} : memref<768x32xf32, #tpu.memory_space<vmem>>, vector<1x16xf32>,
        %swap3A_654 = vector.shape_cast %swap3A_653 : vector<1x16xf32> to vector<16xf32>
        %swap3A_655 = vector.shape_cast %mul3A_650 : vector<16xf32> to vector<1x16xf32>
        tpu.vector_store %arg23[%swap3A_651, %swap3A_652], %swap3A_655 {strides = array<i32>} : memref<768x32xf32, #tpu.memory_space<vmem>>, vector<1x16xf32>,
        %add3A_656 = arith.constant 15 : i32
        %add3A_657 = arith.addi %mul3A_260, %add3A_656 : i32
        %slice3A_658 = vector.extract_strided_slice %select_n3A_268 {offsets = [15], sizes = [1], strides = [1]} : vector<16xf32> to vector<1xf32>
        %squeeze3A_659 = vector.extract %slice3A_658[0] : f32 from vector<1xf32>
        %get3A_660 = arith.index_cast %add3A_657 : i32 to index
        %get3A_661 = arith.constant 0 : index
        %get3A_662 = tpu.vector_load %arg23[%get3A_660, %get3A_661] {strides = array<i32>} : memref<768x32xf32, #tpu.memory_space<vmem>>, vector<1x16xf32>,
        %get3A_663 = vector.shape_cast %get3A_662 : vector<1x16xf32> to vector<16xf32>
        %mul3A_664 = vector.broadcast %squeeze3A_659 : f32 to vector<16xf32>
        %mul3A_665 = arith.mulf %get3A_663, %mul3A_664 : vector<16xf32>
        %swap3A_666 = arith.index_cast %add3A_657 : i32 to index
        %swap3A_667 = arith.constant 0 : index
        %swap3A_668 = tpu.vector_load %arg23[%swap3A_666, %swap3A_667] {strides = array<i32>} : memref<768x32xf32, #tpu.memory_space<vmem>>, vector<1x16xf32>,
        %swap3A_669 = vector.shape_cast %swap3A_668 : vector<1x16xf32> to vector<16xf32>
        %swap3A_670 = vector.shape_cast %mul3A_665 : vector<16xf32> to vector<1x16xf32>
        tpu.vector_store %arg23[%swap3A_666, %swap3A_667], %swap3A_670 {strides = array<i32>} : memref<768x32xf32, #tpu.memory_space<vmem>>, vector<1x16xf32>,
        %get3A_671 = arith.index_cast %add3A_657 : i32 to index
        %get3A_672 = arith.constant 16 : index
        %get3A_673 = tpu.vector_load %arg23[%get3A_671, %get3A_672] {strides = array<i32>} : memref<768x32xf32, #tpu.memory_space<vmem>>, vector<1x16xf32>,
        %get3A_674 = vector.shape_cast %get3A_673 : vector<1x16xf32> to vector<16xf32>
        %mul3A_675 = vector.broadcast %squeeze3A_659 : f32 to vector<16xf32>
        %mul3A_676 = arith.mulf %get3A_674, %mul3A_675 : vector<16xf32>
        %swap3A_677 = arith.index_cast %add3A_657 : i32 to index
        %swap3A_678 = arith.constant 16 : index
        %swap3A_679 = tpu.vector_load %arg23[%swap3A_677, %swap3A_678] {strides = array<i32>} : memref<768x32xf32, #tpu.memory_space<vmem>>, vector<1x16xf32>,
        %swap3A_680 = vector.shape_cast %swap3A_679 : vector<1x16xf32> to vector<16xf32>
        %swap3A_681 = vector.shape_cast %mul3A_676 : vector<16xf32> to vector<1x16xf32>
        tpu.vector_store %arg23[%swap3A_677, %swap3A_678], %swap3A_681 {strides = array<i32>} : memref<768x32xf32, #tpu.memory_space<vmem>>, vector<1x16xf32>,
        %scan3A_682 = arith.constant 0 : i32
        scf.yield %scan3A_682 : i32
      }
      %scan3A_184 = arith.constant 48 : i32
      %dma_start3A_185 = arith.constant 0 : i32
      %dma_start3A_186 = arith.constant 0 : i32
      %dma_start3A_187 = tpu.memref_slice %arg12[%dma_start3A_185, %dma_start3A_186] : memref<16384x32xf32, #tpu.memory_space<vmem_shared>> -> memref<16384x32xf32, #tpu.memory_space<vmem_shared>>
      tpu.enqueue_indirect_dma source(%arg23 : memref<768x32xf32, #tpu.memory_space<vmem>>) target(%dma_start3A_187 : memref<16384x32xf32, #tpu.memory_space<vmem_shared>>) offsets(%arg17 : memref<768xi32, #tpu.memory_space<vmem>>) semaphore(%arg32 : memref<!tpu.dma_semaphore, #tpu.memory_space<semaphore_mem>>) {add = true}
      %add3A_188 = arith.constant 2 : i32
      %add3A_189 = arith.addi %add3A_157, %add3A_188 : i32
      %lt3A_190 = arith.constant 219 : i32
      %lt3A_191 = arith.cmpi slt, %add3A_189, %lt3A_190 : i32
      %ge3A_192 = arith.constant 1 : i32
      %ge3A_193 = arith.cmpi sge, %add3A_157, %ge3A_192 : i32
      %and3A_194 = arith.andi %lt3A_191, %ge3A_193 : i1
      %convert_element_type3A_195 = arith.extui %and3A_194 : i1 to i32
      %cond3A_196 = arith.constant 0 : i32
      %cond3A_197 = arith.cmpi ne, %convert_element_type3A_195, %cond3A_196 : i32
      scf.if %cond3A_197 {
        %dma_wait3A_257 = arith.constant 0 : i32
        %dma_wait3A_258 = arith.constant 0 : i32
        %dma_wait3A_259 = tpu.memref_slice %arg12[%dma_wait3A_257, %dma_wait3A_258] : memref<16384x32xf32, #tpu.memory_space<vmem_shared>> -> memref<16384x32xf32, #tpu.memory_space<vmem_shared>>
        tpu.wait_indirect_dma semaphore(%arg31 : memref<!tpu.dma_semaphore, #tpu.memory_space<semaphore_mem>>) src(%arg22 : memref<768x32xf32, #tpu.memory_space<vmem>>) dst(%dma_wait3A_259 : memref<16384x32xf32, #tpu.memory_space<vmem_shared>>)
      } else {
      }
      %add3A_198 = arith.constant 2 : i32
      %add3A_199 = arith.addi %add3A_157, %add3A_198 : i32
      %lt3A_200 = arith.constant 219 : i32
      %lt3A_201 = arith.cmpi slt, %add3A_199, %lt3A_200 : i32
      %convert_element_type3A_202 = arith.extui %lt3A_201 : i1 to i32
      %cond3A_203 = arith.constant 0 : i32
      %cond3A_204 = arith.cmpi ne, %convert_element_type3A_202, %cond3A_203 : i32
      scf.if %cond3A_204 {
        %add3A_257 = arith.constant 2 : i32
        %add3A_258 = arith.addi %add3A_157, %add3A_257 : i32
        %eq3A_259 = arith.constant 218 : i32
        %eq3A_260 = arith.cmpi eq, %add3A_258, %eq3A_259 : i32
        %eq3A_261 = arith.constant 15 : i32
        %eq3A_262 = arith.cmpi eq, %arg1, %eq3A_261 : i32
        %and3A_263 = arith.andi %eq3A_260, %eq3A_262 : i1
        %convert_element_type3A_264 = arith.extui %and3A_263 : i1 to i32
        %cond3A_265 = arith.constant 0 : i32
        %cond3A_266 = arith.cmpi ne, %convert_element_type3A_264, %cond3A_265 : i32
        scf.if %cond3A_266 {
          tpu.enqueue_dma source(%arg6 : memref<768xi32, #tpu.memory_space<hbm>>) target(%arg13 : memref<768xi32, #tpu.memory_space<vmem>>) target_semaphore(%arg25 : memref<!tpu.dma_semaphore, #tpu.memory_space<semaphore_mem>>)
          tpu.enqueue_dma source(%arg7 : memref<768xi32, #tpu.memory_space<hbm>>) target(%arg16 : memref<768xi32, #tpu.memory_space<vmem>>) target_semaphore(%arg25 : memref<!tpu.dma_semaphore, #tpu.memory_space<semaphore_mem>>)
          tpu.enqueue_dma source(%arg8 : memref<768xf32, #tpu.memory_space<hbm>>) target(%arg19 : memref<768xf32, #tpu.memory_space<vmem>>) target_semaphore(%arg25 : memref<!tpu.dma_semaphore, #tpu.memory_space<semaphore_mem>>)
        } else {
        }
        %not3A_267 = arith.constant true
        %not3A_268 = arith.xori %and3A_263, %not3A_267 : i1
        %convert_element_type3A_269 = arith.extui %not3A_268 : i1 to i32
        %cond3A_270 = arith.constant 0 : i32
        %cond3A_271 = arith.cmpi ne, %convert_element_type3A_269, %cond3A_270 : i32
        scf.if %cond3A_271 {
          %mul3A_272 = arith.constant 768 : i32
          %mul3A_273 = arith.muli %add3A_258, %mul3A_272 : i32
          %min3A = arith.constant 167008 : i32
          %min3A_274 = arith.minsi %mul3A_273, %min3A : i32
          %add3A_275 = arith.addi %mul3A_2, %min3A_274 : i32
          %dma_start3A_276 = tpu.memref_slice %arg3[%add3A_275] : memref<2684354xi32, #tpu.memory_space<hbm>> -> memref<768xi32, #tpu.memory_space<hbm>>
          %dma_start3A_277 = tpu.memref_slice %arg3[%add3A_275] : memref<2684354xi32, #tpu.memory_space<hbm>> -> memref<768xi32, #tpu.memory_space<hbm>>
          tpu.enqueue_dma source(%dma_start3A_277 : memref<768xi32, #tpu.memory_space<hbm>>) target(%arg13 : memref<768xi32, #tpu.memory_space<vmem>>) target_semaphore(%arg25 : memref<!tpu.dma_semaphore, #tpu.memory_space<semaphore_mem>>)
          %mul3A_278 = arith.constant 768 : i32
          %mul3A_279 = arith.muli %add3A_258, %mul3A_278 : i32
          %min3A_280 = arith.constant 167008 : i32
          %min3A_281 = arith.minsi %mul3A_279, %min3A_280 : i32
          %add3A_282 = arith.addi %mul3A_2, %min3A_281 : i32
          %dma_start3A_283 = tpu.memref_slice %arg4[%add3A_282] : memref<2684354xi32, #tpu.memory_space<hbm>> -> memref<768xi32, #tpu.memory_space<hbm>>
          %dma_start3A_284 = tpu.memref_slice %arg4[%add3A_282] : memref<2684354xi32, #tpu.memory_space<hbm>> -> memref<768xi32, #tpu.memory_space<hbm>>
          tpu.enqueue_dma source(%dma_start3A_284 : memref<768xi32, #tpu.memory_space<hbm>>) target(%arg16 : memref<768xi32, #tpu.memory_space<vmem>>) target_semaphore(%arg25 : memref<!tpu.dma_semaphore, #tpu.memory_space<semaphore_mem>>)
          %mul3A_285 = arith.constant 768 : i32
          %mul3A_286 = arith.muli %add3A_258, %mul3A_285 : i32
          %min3A_287 = arith.constant 167008 : i32
          %min3A_288 = arith.minsi %mul3A_286, %min3A_287 : i32
          %add3A_289 = arith.addi %mul3A_2, %min3A_288 : i32
          %dma_start3A_290 = tpu.memref_slice %arg5[%add3A_289] : memref<2684354xf32, #tpu.memory_space<hbm>> -> memref<768xf32, #tpu.memory_space<hbm>>
          %dma_start3A_291 = tpu.memref_slice %arg5[%add3A_289] : memref<2684354xf32, #tpu.memory_space<hbm>> -> memref<768xf32, #tpu.memory_space<hbm>>
          tpu.enqueue_dma source(%dma_start3A_291 : memref<768xf32, #tpu.memory_space<hbm>>) target(%arg19 : memref<768xf32, #tpu.memory_space<vmem>>) target_semaphore(%arg25 : memref<!tpu.dma_semaphore, #tpu.memory_space<semaphore_mem>>)
        } else {
        }
      } else {
      }
      %mul3A_205 = arith.constant 3 : i32
      %mul3A_206 = arith.muli %mul3A_205, %scan3A_106 : i32
      %add3A_207 = arith.constant 2 : i32
      %add3A_208 = arith.addi %mul3A_206, %add3A_207 : i32
      %add3A_209 = arith.constant 1 : i32
      %add3A_210 = arith.addi %add3A_208, %add3A_209 : i32
      %lt3A_211 = arith.constant 219 : i32
      %lt3A_212 = arith.cmpi slt, %add3A_210, %lt3A_211 : i32
      %convert_element_type3A_213 = arith.extui %lt3A_212 : i1 to i32
      %cond3A_214 = arith.constant 0 : i32
      %cond3A_215 = arith.cmpi ne, %convert_element_type3A_213, %cond3A_214 : i32
      scf.if %cond3A_215 {
        %add3A_257 = arith.constant 1 : i32
        %add3A_258 = arith.addi %add3A_208, %add3A_257 : i32
        tpu.wait_dma2 semaphore(%arg25 : memref<!tpu.dma_semaphore, #tpu.memory_space<semaphore_mem>>) src(%arg6 : memref<768xi32, #tpu.memory_space<hbm>>) dst(%arg13 : memref<768xi32, #tpu.memory_space<vmem>>)
        tpu.wait_dma2 semaphore(%arg25 : memref<!tpu.dma_semaphore, #tpu.memory_space<semaphore_mem>>) src(%arg7 : memref<768xi32, #tpu.memory_space<hbm>>) dst(%arg16 : memref<768xi32, #tpu.memory_space<vmem>>)
        tpu.wait_dma2 semaphore(%arg25 : memref<!tpu.dma_semaphore, #tpu.memory_space<semaphore_mem>>) src(%arg8 : memref<768xf32, #tpu.memory_space<hbm>>) dst(%arg19 : memref<768xf32, #tpu.memory_space<vmem>>)
        %scan3A_259 = arith.constant 0 : i32
        %scan3A_260 = arith.constant 0 : i32
        %scan3A_261 = arith.constant 12 : i32
        %scan3A_262 = arith.addi %scan3A_260, %scan3A_261 : i32
        %scan3A_263 = arith.constant 1 : i32
        %scan3A_264 = scf.for %scan3A_269 = %scan3A_260 to %scan3A_262 step %scan3A_263 iter_args(%scan3A_270 = %scan3A_259) -> (i32)  : i32 {
          %mul3A_271 = arith.constant 64 : i32
          %mul3A_272 = arith.muli %scan3A_269, %mul3A_271 : i32
          %add3A_273 = arith.constant 0 : i32
          %add3A_274 = arith.addi %mul3A_272, %add3A_273 : i32
          %get3A = arith.index_cast %add3A_274 : i32 to index
          %get3A_275 = tpu.vector_load %arg13[%get3A] {strides = array<i32>} : memref<768xi32, #tpu.memory_space<vmem>>, vector<16xi32>,
          %get3A_276 = vector.shape_cast %get3A_275 : vector<16xi32> to vector<16xi32>
          %add3A_277 = vector.broadcast %mul3A_52 : i32 to vector<16xi32>
          %add3A_278 = arith.addi %get3A_276, %add3A_277 : vector<16xi32>
          %swap3A = arith.index_cast %add3A_274 : i32 to index
          %swap3A_279 = tpu.vector_load %arg13[%swap3A] {strides = array<i32>} : memref<768xi32, #tpu.memory_space<vmem>>, vector<16xi32>,
          %swap3A_280 = vector.shape_cast %swap3A_279 : vector<16xi32> to vector<16xi32>
          %swap3A_281 = vector.shape_cast %add3A_278 : vector<16xi32> to vector<16xi32>
          tpu.vector_store %arg13[%swap3A], %swap3A_281 {strides = array<i32>} : memref<768xi32, #tpu.memory_space<vmem>>, vector<16xi32>,
          %add3A_282 = arith.constant 16 : i32
          %add3A_283 = arith.addi %mul3A_272, %add3A_282 : i32
          %get3A_284 = arith.index_cast %add3A_283 : i32 to index
          %get3A_285 = tpu.vector_load %arg13[%get3A_284] {strides = array<i32>} : memref<768xi32, #tpu.memory_space<vmem>>, vector<16xi32>,
          %get3A_286 = vector.shape_cast %get3A_285 : vector<16xi32> to vector<16xi32>
          %add3A_287 = vector.broadcast %mul3A_52 : i32 to vector<16xi32>
          %add3A_288 = arith.addi %get3A_286, %add3A_287 : vector<16xi32>
          %swap3A_289 = arith.index_cast %add3A_283 : i32 to index
          %swap3A_290 = tpu.vector_load %arg13[%swap3A_289] {strides = array<i32>} : memref<768xi32, #tpu.memory_space<vmem>>, vector<16xi32>,
          %swap3A_291 = vector.shape_cast %swap3A_290 : vector<16xi32> to vector<16xi32>
          %swap3A_292 = vector.shape_cast %add3A_288 : vector<16xi32> to vector<16xi32>
          tpu.vector_store %arg13[%swap3A_289], %swap3A_292 {strides = array<i32>} : memref<768xi32, #tpu.memory_space<vmem>>, vector<16xi32>,
          %add3A_293 = arith.constant 32 : i32
          %add3A_294 = arith.addi %mul3A_272, %add3A_293 : i32
          %get3A_295 = arith.index_cast %add3A_294 : i32 to index
          %get3A_296 = tpu.vector_load %arg13[%get3A_295] {strides = array<i32>} : memref<768xi32, #tpu.memory_space<vmem>>, vector<16xi32>,
          %get3A_297 = vector.shape_cast %get3A_296 : vector<16xi32> to vector<16xi32>
          %add3A_298 = vector.broadcast %mul3A_52 : i32 to vector<16xi32>
          %add3A_299 = arith.addi %get3A_297, %add3A_298 : vector<16xi32>
          %swap3A_300 = arith.index_cast %add3A_294 : i32 to index
          %swap3A_301 = tpu.vector_load %arg13[%swap3A_300] {strides = array<i32>} : memref<768xi32, #tpu.memory_space<vmem>>, vector<16xi32>,
          %swap3A_302 = vector.shape_cast %swap3A_301 : vector<16xi32> to vector<16xi32>
          %swap3A_303 = vector.shape_cast %add3A_299 : vector<16xi32> to vector<16xi32>
          tpu.vector_store %arg13[%swap3A_300], %swap3A_303 {strides = array<i32>} : memref<768xi32, #tpu.memory_space<vmem>>, vector<16xi32>,
          %add3A_304 = arith.constant 48 : i32
          %add3A_305 = arith.addi %mul3A_272, %add3A_304 : i32
          %get3A_306 = arith.index_cast %add3A_305 : i32 to index
          %get3A_307 = tpu.vector_load %arg13[%get3A_306] {strides = array<i32>} : memref<768xi32, #tpu.memory_space<vmem>>, vector<16xi32>,
          %get3A_308 = vector.shape_cast %get3A_307 : vector<16xi32> to vector<16xi32>
          %add3A_309 = vector.broadcast %mul3A_52 : i32 to vector<16xi32>
          %add3A_310 = arith.addi %get3A_308, %add3A_309 : vector<16xi32>
          %swap3A_311 = arith.index_cast %add3A_305 : i32 to index
          %swap3A_312 = tpu.vector_load %arg13[%swap3A_311] {strides = array<i32>} : memref<768xi32, #tpu.memory_space<vmem>>, vector<16xi32>,
          %swap3A_313 = vector.shape_cast %swap3A_312 : vector<16xi32> to vector<16xi32>
          %swap3A_314 = vector.shape_cast %add3A_310 : vector<16xi32> to vector<16xi32>
          tpu.vector_store %arg13[%swap3A_311], %swap3A_314 {strides = array<i32>} : memref<768xi32, #tpu.memory_space<vmem>>, vector<16xi32>,
          %scan3A_315 = arith.constant 0 : i32
          scf.yield %scan3A_315 : i32
        }
        %scan3A_265 = arith.constant 12 : i32
        %dma_start3A_266 = arith.constant 0 : i32
        %dma_start3A_267 = arith.constant 0 : i32
        %dma_start3A_268 = tpu.memref_slice %arg11[%dma_start3A_266, %dma_start3A_267] : memref<32768x32xf32, #tpu.memory_space<hbm>> -> memref<32768x32xf32, #tpu.memory_space<hbm>>
        tpu.enqueue_indirect_dma source(%dma_start3A_268 : memref<32768x32xf32, #tpu.memory_space<hbm>>) target(%arg22 : memref<768x32xf32, #tpu.memory_space<vmem>>) offsets(%arg13 : memref<768xi32, #tpu.memory_space<vmem>>) semaphore(%arg28 : memref<!tpu.dma_semaphore, #tpu.memory_space<semaphore_mem>>)
      } else {
      }
      %dma_wait3A_216 = arith.constant 0 : i32
      %dma_wait3A_217 = arith.constant 0 : i32
      %dma_wait3A_218 = tpu.memref_slice %arg11[%dma_wait3A_216, %dma_wait3A_217] : memref<32768x32xf32, #tpu.memory_space<hbm>> -> memref<32768x32xf32, #tpu.memory_space<hbm>>
      tpu.wait_indirect_dma semaphore(%arg30 : memref<!tpu.dma_semaphore, #tpu.memory_space<semaphore_mem>>) src(%dma_wait3A_218 : memref<32768x32xf32, #tpu.memory_space<hbm>>) dst(%arg24 : memref<768x32xf32, #tpu.memory_space<vmem>>)
      %eq3A_219 = arith.constant 218 : i32
      %eq3A_220 = arith.cmpi eq, %add3A_208, %eq3A_219 : i32
      %eq3A_221 = arith.constant 15 : i32
      %eq3A_222 = arith.cmpi eq, %arg1, %eq3A_221 : i32
      %jit3A_223 = arith.constant 478 : i32
      %jit3A_224 = arith.constant 416 : i32
      %select_n3A_225 = arith.select %eq3A_222, %jit3A_223, %jit3A_224 : i32
      %jit3A_226 = arith.constant 0 : i32
      %select_n3A_227 = arith.select %eq3A_220, %select_n3A_225, %jit3A_226 : i32
      %iota3A_228 = tpu.iota {dimensions = array<i32: 0>} : vector<16xi32>
      %scan3A_229 = arith.constant 0 : i32
      %scan3A_230 = arith.constant 0 : i32
      %scan3A_231 = arith.constant 48 : i32
      %scan3A_232 = arith.addi %scan3A_230, %scan3A_231 : i32
      %scan3A_233 = arith.constant 1 : i32
      %scan3A_234 = scf.for %scan3A_257 = %scan3A_230 to %scan3A_232 step %scan3A_233 iter_args(%scan3A_258 = %scan3A_229) -> (i32)  : i32 {
        %mul3A_259 = arith.constant 16 : i32
        %mul3A_260 = arith.muli %scan3A_257, %mul3A_259 : i32
        %get3A = arith.index_cast %mul3A_260 : i32 to index
        %get3A_261 = tpu.vector_load %arg21[%get3A] {strides = array<i32>} : memref<768xf32, #tpu.memory_space<vmem>>, vector<16xf32>,
        %get3A_262 = vector.shape_cast %get3A_261 : vector<16xf32> to vector<16xf32>
        %add3A_263 = vector.broadcast %mul3A_260 : i32 to vector<16xi32>
        %add3A_264 = arith.addi %iota3A_228, %add3A_263 : vector<16xi32>
        %ge3A_265 = vector.broadcast %select_n3A_227 : i32 to vector<16xi32>
        %ge3A_266 = arith.cmpi sge, %add3A_264, %ge3A_265 : vector<16xi32>
        %jit3A_267 = arith.constant 0.000000e+00 : f32
        %broadcast_in_dim3A = vector.broadcast %jit3A_267 : f32 to vector<16xf32>
        %select_n3A_268 = arith.select %ge3A_266, %get3A_262, %broadcast_in_dim3A : vector<16xi1>, vector<16xf32>
        %add3A_269 = arith.constant 0 : i32
        %add3A_270 = arith.addi %mul3A_260, %add3A_269 : i32
        %slice3A = vector.extract_strided_slice %select_n3A_268 {offsets = [0], sizes = [1], strides = [1]} : vector<16xf32> to vector<1xf32>
        %squeeze3A = vector.extract %slice3A[0] : f32 from vector<1xf32>
        %get3A_271 = arith.index_cast %add3A_270 : i32 to index
        %get3A_272 = arith.constant 0 : index
        %get3A_273 = tpu.vector_load %arg24[%get3A_271, %get3A_272] {strides = array<i32>} : memref<768x32xf32, #tpu.memory_space<vmem>>, vector<1x16xf32>,
        %get3A_274 = vector.shape_cast %get3A_273 : vector<1x16xf32> to vector<16xf32>
        %mul3A_275 = vector.broadcast %squeeze3A : f32 to vector<16xf32>
        %mul3A_276 = arith.mulf %get3A_274, %mul3A_275 : vector<16xf32>
        %swap3A = arith.index_cast %add3A_270 : i32 to index
        %swap3A_277 = arith.constant 0 : index
        %swap3A_278 = tpu.vector_load %arg24[%swap3A, %swap3A_277] {strides = array<i32>} : memref<768x32xf32, #tpu.memory_space<vmem>>, vector<1x16xf32>,
        %swap3A_279 = vector.shape_cast %swap3A_278 : vector<1x16xf32> to vector<16xf32>
        %swap3A_280 = vector.shape_cast %mul3A_276 : vector<16xf32> to vector<1x16xf32>
        tpu.vector_store %arg24[%swap3A, %swap3A_277], %swap3A_280 {strides = array<i32>} : memref<768x32xf32, #tpu.memory_space<vmem>>, vector<1x16xf32>,
        %get3A_281 = arith.index_cast %add3A_270 : i32 to index
        %get3A_282 = arith.constant 16 : index
        %get3A_283 = tpu.vector_load %arg24[%get3A_281, %get3A_282] {strides = array<i32>} : memref<768x32xf32, #tpu.memory_space<vmem>>, vector<1x16xf32>,
        %get3A_284 = vector.shape_cast %get3A_283 : vector<1x16xf32> to vector<16xf32>
        %mul3A_285 = vector.broadcast %squeeze3A : f32 to vector<16xf32>
        %mul3A_286 = arith.mulf %get3A_284, %mul3A_285 : vector<16xf32>
        %swap3A_287 = arith.index_cast %add3A_270 : i32 to index
        %swap3A_288 = arith.constant 16 : index
        %swap3A_289 = tpu.vector_load %arg24[%swap3A_287, %swap3A_288] {strides = array<i32>} : memref<768x32xf32, #tpu.memory_space<vmem>>, vector<1x16xf32>,
        %swap3A_290 = vector.shape_cast %swap3A_289 : vector<1x16xf32> to vector<16xf32>
        %swap3A_291 = vector.shape_cast %mul3A_286 : vector<16xf32> to vector<1x16xf32>
        tpu.vector_store %arg24[%swap3A_287, %swap3A_288], %swap3A_291 {strides = array<i32>} : memref<768x32xf32, #tpu.memory_space<vmem>>, vector<1x16xf32>,
        %add3A_292 = arith.constant 1 : i32
        %add3A_293 = arith.addi %mul3A_260, %add3A_292 : i32
        %slice3A_294 = vector.extract_strided_slice %select_n3A_268 {offsets = [1], sizes = [1], strides = [1]} : vector<16xf32> to vector<1xf32>
        %squeeze3A_295 = vector.extract %slice3A_294[0] : f32 from vector<1xf32>
        %get3A_296 = arith.index_cast %add3A_293 : i32 to index
        %get3A_297 = arith.constant 0 : index
        %get3A_298 = tpu.vector_load %arg24[%get3A_296, %get3A_297] {strides = array<i32>} : memref<768x32xf32, #tpu.memory_space<vmem>>, vector<1x16xf32>,
        %get3A_299 = vector.shape_cast %get3A_298 : vector<1x16xf32> to vector<16xf32>
        %mul3A_300 = vector.broadcast %squeeze3A_295 : f32 to vector<16xf32>
        %mul3A_301 = arith.mulf %get3A_299, %mul3A_300 : vector<16xf32>
        %swap3A_302 = arith.index_cast %add3A_293 : i32 to index
        %swap3A_303 = arith.constant 0 : index
        %swap3A_304 = tpu.vector_load %arg24[%swap3A_302, %swap3A_303] {strides = array<i32>} : memref<768x32xf32, #tpu.memory_space<vmem>>, vector<1x16xf32>,
        %swap3A_305 = vector.shape_cast %swap3A_304 : vector<1x16xf32> to vector<16xf32>
        %swap3A_306 = vector.shape_cast %mul3A_301 : vector<16xf32> to vector<1x16xf32>
        tpu.vector_store %arg24[%swap3A_302, %swap3A_303], %swap3A_306 {strides = array<i32>} : memref<768x32xf32, #tpu.memory_space<vmem>>, vector<1x16xf32>,
        %get3A_307 = arith.index_cast %add3A_293 : i32 to index
        %get3A_308 = arith.constant 16 : index
        %get3A_309 = tpu.vector_load %arg24[%get3A_307, %get3A_308] {strides = array<i32>} : memref<768x32xf32, #tpu.memory_space<vmem>>, vector<1x16xf32>,
        %get3A_310 = vector.shape_cast %get3A_309 : vector<1x16xf32> to vector<16xf32>
        %mul3A_311 = vector.broadcast %squeeze3A_295 : f32 to vector<16xf32>
        %mul3A_312 = arith.mulf %get3A_310, %mul3A_311 : vector<16xf32>
        %swap3A_313 = arith.index_cast %add3A_293 : i32 to index
        %swap3A_314 = arith.constant 16 : index
        %swap3A_315 = tpu.vector_load %arg24[%swap3A_313, %swap3A_314] {strides = array<i32>} : memref<768x32xf32, #tpu.memory_space<vmem>>, vector<1x16xf32>,
        %swap3A_316 = vector.shape_cast %swap3A_315 : vector<1x16xf32> to vector<16xf32>
        %swap3A_317 = vector.shape_cast %mul3A_312 : vector<16xf32> to vector<1x16xf32>
        tpu.vector_store %arg24[%swap3A_313, %swap3A_314], %swap3A_317 {strides = array<i32>} : memref<768x32xf32, #tpu.memory_space<vmem>>, vector<1x16xf32>,
        %add3A_318 = arith.constant 2 : i32
        %add3A_319 = arith.addi %mul3A_260, %add3A_318 : i32
        %slice3A_320 = vector.extract_strided_slice %select_n3A_268 {offsets = [2], sizes = [1], strides = [1]} : vector<16xf32> to vector<1xf32>
        %squeeze3A_321 = vector.extract %slice3A_320[0] : f32 from vector<1xf32>
        %get3A_322 = arith.index_cast %add3A_319 : i32 to index
        %get3A_323 = arith.constant 0 : index
        %get3A_324 = tpu.vector_load %arg24[%get3A_322, %get3A_323] {strides = array<i32>} : memref<768x32xf32, #tpu.memory_space<vmem>>, vector<1x16xf32>,
        %get3A_325 = vector.shape_cast %get3A_324 : vector<1x16xf32> to vector<16xf32>
        %mul3A_326 = vector.broadcast %squeeze3A_321 : f32 to vector<16xf32>
        %mul3A_327 = arith.mulf %get3A_325, %mul3A_326 : vector<16xf32>
        %swap3A_328 = arith.index_cast %add3A_319 : i32 to index
        %swap3A_329 = arith.constant 0 : index
        %swap3A_330 = tpu.vector_load %arg24[%swap3A_328, %swap3A_329] {strides = array<i32>} : memref<768x32xf32, #tpu.memory_space<vmem>>, vector<1x16xf32>,
        %swap3A_331 = vector.shape_cast %swap3A_330 : vector<1x16xf32> to vector<16xf32>
        %swap3A_332 = vector.shape_cast %mul3A_327 : vector<16xf32> to vector<1x16xf32>
        tpu.vector_store %arg24[%swap3A_328, %swap3A_329], %swap3A_332 {strides = array<i32>} : memref<768x32xf32, #tpu.memory_space<vmem>>, vector<1x16xf32>,
        %get3A_333 = arith.index_cast %add3A_319 : i32 to index
        %get3A_334 = arith.constant 16 : index
        %get3A_335 = tpu.vector_load %arg24[%get3A_333, %get3A_334] {strides = array<i32>} : memref<768x32xf32, #tpu.memory_space<vmem>>, vector<1x16xf32>,
        %get3A_336 = vector.shape_cast %get3A_335 : vector<1x16xf32> to vector<16xf32>
        %mul3A_337 = vector.broadcast %squeeze3A_321 : f32 to vector<16xf32>
        %mul3A_338 = arith.mulf %get3A_336, %mul3A_337 : vector<16xf32>
        %swap3A_339 = arith.index_cast %add3A_319 : i32 to index
        %swap3A_340 = arith.constant 16 : index
        %swap3A_341 = tpu.vector_load %arg24[%swap3A_339, %swap3A_340] {strides = array<i32>} : memref<768x32xf32, #tpu.memory_space<vmem>>, vector<1x16xf32>,
        %swap3A_342 = vector.shape_cast %swap3A_341 : vector<1x16xf32> to vector<16xf32>
        %swap3A_343 = vector.shape_cast %mul3A_338 : vector<16xf32> to vector<1x16xf32>
        tpu.vector_store %arg24[%swap3A_339, %swap3A_340], %swap3A_343 {strides = array<i32>} : memref<768x32xf32, #tpu.memory_space<vmem>>, vector<1x16xf32>,
        %add3A_344 = arith.constant 3 : i32
        %add3A_345 = arith.addi %mul3A_260, %add3A_344 : i32
        %slice3A_346 = vector.extract_strided_slice %select_n3A_268 {offsets = [3], sizes = [1], strides = [1]} : vector<16xf32> to vector<1xf32>
        %squeeze3A_347 = vector.extract %slice3A_346[0] : f32 from vector<1xf32>
        %get3A_348 = arith.index_cast %add3A_345 : i32 to index
        %get3A_349 = arith.constant 0 : index
        %get3A_350 = tpu.vector_load %arg24[%get3A_348, %get3A_349] {strides = array<i32>} : memref<768x32xf32, #tpu.memory_space<vmem>>, vector<1x16xf32>,
        %get3A_351 = vector.shape_cast %get3A_350 : vector<1x16xf32> to vector<16xf32>
        %mul3A_352 = vector.broadcast %squeeze3A_347 : f32 to vector<16xf32>
        %mul3A_353 = arith.mulf %get3A_351, %mul3A_352 : vector<16xf32>
        %swap3A_354 = arith.index_cast %add3A_345 : i32 to index
        %swap3A_355 = arith.constant 0 : index
        %swap3A_356 = tpu.vector_load %arg24[%swap3A_354, %swap3A_355] {strides = array<i32>} : memref<768x32xf32, #tpu.memory_space<vmem>>, vector<1x16xf32>,
        %swap3A_357 = vector.shape_cast %swap3A_356 : vector<1x16xf32> to vector<16xf32>
        %swap3A_358 = vector.shape_cast %mul3A_353 : vector<16xf32> to vector<1x16xf32>
        tpu.vector_store %arg24[%swap3A_354, %swap3A_355], %swap3A_358 {strides = array<i32>} : memref<768x32xf32, #tpu.memory_space<vmem>>, vector<1x16xf32>,
        %get3A_359 = arith.index_cast %add3A_345 : i32 to index
        %get3A_360 = arith.constant 16 : index
        %get3A_361 = tpu.vector_load %arg24[%get3A_359, %get3A_360] {strides = array<i32>} : memref<768x32xf32, #tpu.memory_space<vmem>>, vector<1x16xf32>,
        %get3A_362 = vector.shape_cast %get3A_361 : vector<1x16xf32> to vector<16xf32>
        %mul3A_363 = vector.broadcast %squeeze3A_347 : f32 to vector<16xf32>
        %mul3A_364 = arith.mulf %get3A_362, %mul3A_363 : vector<16xf32>
        %swap3A_365 = arith.index_cast %add3A_345 : i32 to index
        %swap3A_366 = arith.constant 16 : index
        %swap3A_367 = tpu.vector_load %arg24[%swap3A_365, %swap3A_366] {strides = array<i32>} : memref<768x32xf32, #tpu.memory_space<vmem>>, vector<1x16xf32>,
        %swap3A_368 = vector.shape_cast %swap3A_367 : vector<1x16xf32> to vector<16xf32>
        %swap3A_369 = vector.shape_cast %mul3A_364 : vector<16xf32> to vector<1x16xf32>
        tpu.vector_store %arg24[%swap3A_365, %swap3A_366], %swap3A_369 {strides = array<i32>} : memref<768x32xf32, #tpu.memory_space<vmem>>, vector<1x16xf32>,
        %add3A_370 = arith.constant 4 : i32
        %add3A_371 = arith.addi %mul3A_260, %add3A_370 : i32
        %slice3A_372 = vector.extract_strided_slice %select_n3A_268 {offsets = [4], sizes = [1], strides = [1]} : vector<16xf32> to vector<1xf32>
        %squeeze3A_373 = vector.extract %slice3A_372[0] : f32 from vector<1xf32>
        %get3A_374 = arith.index_cast %add3A_371 : i32 to index
        %get3A_375 = arith.constant 0 : index
        %get3A_376 = tpu.vector_load %arg24[%get3A_374, %get3A_375] {strides = array<i32>} : memref<768x32xf32, #tpu.memory_space<vmem>>, vector<1x16xf32>,
        %get3A_377 = vector.shape_cast %get3A_376 : vector<1x16xf32> to vector<16xf32>
        %mul3A_378 = vector.broadcast %squeeze3A_373 : f32 to vector<16xf32>
        %mul3A_379 = arith.mulf %get3A_377, %mul3A_378 : vector<16xf32>
        %swap3A_380 = arith.index_cast %add3A_371 : i32 to index
        %swap3A_381 = arith.constant 0 : index
        %swap3A_382 = tpu.vector_load %arg24[%swap3A_380, %swap3A_381] {strides = array<i32>} : memref<768x32xf32, #tpu.memory_space<vmem>>, vector<1x16xf32>,
        %swap3A_383 = vector.shape_cast %swap3A_382 : vector<1x16xf32> to vector<16xf32>
        %swap3A_384 = vector.shape_cast %mul3A_379 : vector<16xf32> to vector<1x16xf32>
        tpu.vector_store %arg24[%swap3A_380, %swap3A_381], %swap3A_384 {strides = array<i32>} : memref<768x32xf32, #tpu.memory_space<vmem>>, vector<1x16xf32>,
        %get3A_385 = arith.index_cast %add3A_371 : i32 to index
        %get3A_386 = arith.constant 16 : index
        %get3A_387 = tpu.vector_load %arg24[%get3A_385, %get3A_386] {strides = array<i32>} : memref<768x32xf32, #tpu.memory_space<vmem>>, vector<1x16xf32>,
        %get3A_388 = vector.shape_cast %get3A_387 : vector<1x16xf32> to vector<16xf32>
        %mul3A_389 = vector.broadcast %squeeze3A_373 : f32 to vector<16xf32>
        %mul3A_390 = arith.mulf %get3A_388, %mul3A_389 : vector<16xf32>
        %swap3A_391 = arith.index_cast %add3A_371 : i32 to index
        %swap3A_392 = arith.constant 16 : index
        %swap3A_393 = tpu.vector_load %arg24[%swap3A_391, %swap3A_392] {strides = array<i32>} : memref<768x32xf32, #tpu.memory_space<vmem>>, vector<1x16xf32>,
        %swap3A_394 = vector.shape_cast %swap3A_393 : vector<1x16xf32> to vector<16xf32>
        %swap3A_395 = vector.shape_cast %mul3A_390 : vector<16xf32> to vector<1x16xf32>
        tpu.vector_store %arg24[%swap3A_391, %swap3A_392], %swap3A_395 {strides = array<i32>} : memref<768x32xf32, #tpu.memory_space<vmem>>, vector<1x16xf32>,
        %add3A_396 = arith.constant 5 : i32
        %add3A_397 = arith.addi %mul3A_260, %add3A_396 : i32
        %slice3A_398 = vector.extract_strided_slice %select_n3A_268 {offsets = [5], sizes = [1], strides = [1]} : vector<16xf32> to vector<1xf32>
        %squeeze3A_399 = vector.extract %slice3A_398[0] : f32 from vector<1xf32>
        %get3A_400 = arith.index_cast %add3A_397 : i32 to index
        %get3A_401 = arith.constant 0 : index
        %get3A_402 = tpu.vector_load %arg24[%get3A_400, %get3A_401] {strides = array<i32>} : memref<768x32xf32, #tpu.memory_space<vmem>>, vector<1x16xf32>,
        %get3A_403 = vector.shape_cast %get3A_402 : vector<1x16xf32> to vector<16xf32>
        %mul3A_404 = vector.broadcast %squeeze3A_399 : f32 to vector<16xf32>
        %mul3A_405 = arith.mulf %get3A_403, %mul3A_404 : vector<16xf32>
        %swap3A_406 = arith.index_cast %add3A_397 : i32 to index
        %swap3A_407 = arith.constant 0 : index
        %swap3A_408 = tpu.vector_load %arg24[%swap3A_406, %swap3A_407] {strides = array<i32>} : memref<768x32xf32, #tpu.memory_space<vmem>>, vector<1x16xf32>,
        %swap3A_409 = vector.shape_cast %swap3A_408 : vector<1x16xf32> to vector<16xf32>
        %swap3A_410 = vector.shape_cast %mul3A_405 : vector<16xf32> to vector<1x16xf32>
        tpu.vector_store %arg24[%swap3A_406, %swap3A_407], %swap3A_410 {strides = array<i32>} : memref<768x32xf32, #tpu.memory_space<vmem>>, vector<1x16xf32>,
        %get3A_411 = arith.index_cast %add3A_397 : i32 to index
        %get3A_412 = arith.constant 16 : index
        %get3A_413 = tpu.vector_load %arg24[%get3A_411, %get3A_412] {strides = array<i32>} : memref<768x32xf32, #tpu.memory_space<vmem>>, vector<1x16xf32>,
        %get3A_414 = vector.shape_cast %get3A_413 : vector<1x16xf32> to vector<16xf32>
        %mul3A_415 = vector.broadcast %squeeze3A_399 : f32 to vector<16xf32>
        %mul3A_416 = arith.mulf %get3A_414, %mul3A_415 : vector<16xf32>
        %swap3A_417 = arith.index_cast %add3A_397 : i32 to index
        %swap3A_418 = arith.constant 16 : index
        %swap3A_419 = tpu.vector_load %arg24[%swap3A_417, %swap3A_418] {strides = array<i32>} : memref<768x32xf32, #tpu.memory_space<vmem>>, vector<1x16xf32>,
        %swap3A_420 = vector.shape_cast %swap3A_419 : vector<1x16xf32> to vector<16xf32>
        %swap3A_421 = vector.shape_cast %mul3A_416 : vector<16xf32> to vector<1x16xf32>
        tpu.vector_store %arg24[%swap3A_417, %swap3A_418], %swap3A_421 {strides = array<i32>} : memref<768x32xf32, #tpu.memory_space<vmem>>, vector<1x16xf32>,
        %add3A_422 = arith.constant 6 : i32
        %add3A_423 = arith.addi %mul3A_260, %add3A_422 : i32
        %slice3A_424 = vector.extract_strided_slice %select_n3A_268 {offsets = [6], sizes = [1], strides = [1]} : vector<16xf32> to vector<1xf32>
        %squeeze3A_425 = vector.extract %slice3A_424[0] : f32 from vector<1xf32>
        %get3A_426 = arith.index_cast %add3A_423 : i32 to index
        %get3A_427 = arith.constant 0 : index
        %get3A_428 = tpu.vector_load %arg24[%get3A_426, %get3A_427] {strides = array<i32>} : memref<768x32xf32, #tpu.memory_space<vmem>>, vector<1x16xf32>,
        %get3A_429 = vector.shape_cast %get3A_428 : vector<1x16xf32> to vector<16xf32>
        %mul3A_430 = vector.broadcast %squeeze3A_425 : f32 to vector<16xf32>
        %mul3A_431 = arith.mulf %get3A_429, %mul3A_430 : vector<16xf32>
        %swap3A_432 = arith.index_cast %add3A_423 : i32 to index
        %swap3A_433 = arith.constant 0 : index
        %swap3A_434 = tpu.vector_load %arg24[%swap3A_432, %swap3A_433] {strides = array<i32>} : memref<768x32xf32, #tpu.memory_space<vmem>>, vector<1x16xf32>,
        %swap3A_435 = vector.shape_cast %swap3A_434 : vector<1x16xf32> to vector<16xf32>
        %swap3A_436 = vector.shape_cast %mul3A_431 : vector<16xf32> to vector<1x16xf32>
        tpu.vector_store %arg24[%swap3A_432, %swap3A_433], %swap3A_436 {strides = array<i32>} : memref<768x32xf32, #tpu.memory_space<vmem>>, vector<1x16xf32>,
        %get3A_437 = arith.index_cast %add3A_423 : i32 to index
        %get3A_438 = arith.constant 16 : index
        %get3A_439 = tpu.vector_load %arg24[%get3A_437, %get3A_438] {strides = array<i32>} : memref<768x32xf32, #tpu.memory_space<vmem>>, vector<1x16xf32>,
        %get3A_440 = vector.shape_cast %get3A_439 : vector<1x16xf32> to vector<16xf32>
        %mul3A_441 = vector.broadcast %squeeze3A_425 : f32 to vector<16xf32>
        %mul3A_442 = arith.mulf %get3A_440, %mul3A_441 : vector<16xf32>
        %swap3A_443 = arith.index_cast %add3A_423 : i32 to index
        %swap3A_444 = arith.constant 16 : index
        %swap3A_445 = tpu.vector_load %arg24[%swap3A_443, %swap3A_444] {strides = array<i32>} : memref<768x32xf32, #tpu.memory_space<vmem>>, vector<1x16xf32>,
        %swap3A_446 = vector.shape_cast %swap3A_445 : vector<1x16xf32> to vector<16xf32>
        %swap3A_447 = vector.shape_cast %mul3A_442 : vector<16xf32> to vector<1x16xf32>
        tpu.vector_store %arg24[%swap3A_443, %swap3A_444], %swap3A_447 {strides = array<i32>} : memref<768x32xf32, #tpu.memory_space<vmem>>, vector<1x16xf32>,
        %add3A_448 = arith.constant 7 : i32
        %add3A_449 = arith.addi %mul3A_260, %add3A_448 : i32
        %slice3A_450 = vector.extract_strided_slice %select_n3A_268 {offsets = [7], sizes = [1], strides = [1]} : vector<16xf32> to vector<1xf32>
        %squeeze3A_451 = vector.extract %slice3A_450[0] : f32 from vector<1xf32>
        %get3A_452 = arith.index_cast %add3A_449 : i32 to index
        %get3A_453 = arith.constant 0 : index
        %get3A_454 = tpu.vector_load %arg24[%get3A_452, %get3A_453] {strides = array<i32>} : memref<768x32xf32, #tpu.memory_space<vmem>>, vector<1x16xf32>,
        %get3A_455 = vector.shape_cast %get3A_454 : vector<1x16xf32> to vector<16xf32>
        %mul3A_456 = vector.broadcast %squeeze3A_451 : f32 to vector<16xf32>
        %mul3A_457 = arith.mulf %get3A_455, %mul3A_456 : vector<16xf32>
        %swap3A_458 = arith.index_cast %add3A_449 : i32 to index
        %swap3A_459 = arith.constant 0 : index
        %swap3A_460 = tpu.vector_load %arg24[%swap3A_458, %swap3A_459] {strides = array<i32>} : memref<768x32xf32, #tpu.memory_space<vmem>>, vector<1x16xf32>,
        %swap3A_461 = vector.shape_cast %swap3A_460 : vector<1x16xf32> to vector<16xf32>
        %swap3A_462 = vector.shape_cast %mul3A_457 : vector<16xf32> to vector<1x16xf32>
        tpu.vector_store %arg24[%swap3A_458, %swap3A_459], %swap3A_462 {strides = array<i32>} : memref<768x32xf32, #tpu.memory_space<vmem>>, vector<1x16xf32>,
        %get3A_463 = arith.index_cast %add3A_449 : i32 to index
        %get3A_464 = arith.constant 16 : index
        %get3A_465 = tpu.vector_load %arg24[%get3A_463, %get3A_464] {strides = array<i32>} : memref<768x32xf32, #tpu.memory_space<vmem>>, vector<1x16xf32>,
        %get3A_466 = vector.shape_cast %get3A_465 : vector<1x16xf32> to vector<16xf32>
        %mul3A_467 = vector.broadcast %squeeze3A_451 : f32 to vector<16xf32>
        %mul3A_468 = arith.mulf %get3A_466, %mul3A_467 : vector<16xf32>
        %swap3A_469 = arith.index_cast %add3A_449 : i32 to index
        %swap3A_470 = arith.constant 16 : index
        %swap3A_471 = tpu.vector_load %arg24[%swap3A_469, %swap3A_470] {strides = array<i32>} : memref<768x32xf32, #tpu.memory_space<vmem>>, vector<1x16xf32>,
        %swap3A_472 = vector.shape_cast %swap3A_471 : vector<1x16xf32> to vector<16xf32>
        %swap3A_473 = vector.shape_cast %mul3A_468 : vector<16xf32> to vector<1x16xf32>
        tpu.vector_store %arg24[%swap3A_469, %swap3A_470], %swap3A_473 {strides = array<i32>} : memref<768x32xf32, #tpu.memory_space<vmem>>, vector<1x16xf32>,
        %add3A_474 = arith.constant 8 : i32
        %add3A_475 = arith.addi %mul3A_260, %add3A_474 : i32
        %slice3A_476 = vector.extract_strided_slice %select_n3A_268 {offsets = [8], sizes = [1], strides = [1]} : vector<16xf32> to vector<1xf32>
        %squeeze3A_477 = vector.extract %slice3A_476[0] : f32 from vector<1xf32>
        %get3A_478 = arith.index_cast %add3A_475 : i32 to index
        %get3A_479 = arith.constant 0 : index
        %get3A_480 = tpu.vector_load %arg24[%get3A_478, %get3A_479] {strides = array<i32>} : memref<768x32xf32, #tpu.memory_space<vmem>>, vector<1x16xf32>,
        %get3A_481 = vector.shape_cast %get3A_480 : vector<1x16xf32> to vector<16xf32>
        %mul3A_482 = vector.broadcast %squeeze3A_477 : f32 to vector<16xf32>
        %mul3A_483 = arith.mulf %get3A_481, %mul3A_482 : vector<16xf32>
        %swap3A_484 = arith.index_cast %add3A_475 : i32 to index
        %swap3A_485 = arith.constant 0 : index
        %swap3A_486 = tpu.vector_load %arg24[%swap3A_484, %swap3A_485] {strides = array<i32>} : memref<768x32xf32, #tpu.memory_space<vmem>>, vector<1x16xf32>,
        %swap3A_487 = vector.shape_cast %swap3A_486 : vector<1x16xf32> to vector<16xf32>
        %swap3A_488 = vector.shape_cast %mul3A_483 : vector<16xf32> to vector<1x16xf32>
        tpu.vector_store %arg24[%swap3A_484, %swap3A_485], %swap3A_488 {strides = array<i32>} : memref<768x32xf32, #tpu.memory_space<vmem>>, vector<1x16xf32>,
        %get3A_489 = arith.index_cast %add3A_475 : i32 to index
        %get3A_490 = arith.constant 16 : index
        %get3A_491 = tpu.vector_load %arg24[%get3A_489, %get3A_490] {strides = array<i32>} : memref<768x32xf32, #tpu.memory_space<vmem>>, vector<1x16xf32>,
        %get3A_492 = vector.shape_cast %get3A_491 : vector<1x16xf32> to vector<16xf32>
        %mul3A_493 = vector.broadcast %squeeze3A_477 : f32 to vector<16xf32>
        %mul3A_494 = arith.mulf %get3A_492, %mul3A_493 : vector<16xf32>
        %swap3A_495 = arith.index_cast %add3A_475 : i32 to index
        %swap3A_496 = arith.constant 16 : index
        %swap3A_497 = tpu.vector_load %arg24[%swap3A_495, %swap3A_496] {strides = array<i32>} : memref<768x32xf32, #tpu.memory_space<vmem>>, vector<1x16xf32>,
        %swap3A_498 = vector.shape_cast %swap3A_497 : vector<1x16xf32> to vector<16xf32>
        %swap3A_499 = vector.shape_cast %mul3A_494 : vector<16xf32> to vector<1x16xf32>
        tpu.vector_store %arg24[%swap3A_495, %swap3A_496], %swap3A_499 {strides = array<i32>} : memref<768x32xf32, #tpu.memory_space<vmem>>, vector<1x16xf32>,
        %add3A_500 = arith.constant 9 : i32
        %add3A_501 = arith.addi %mul3A_260, %add3A_500 : i32
        %slice3A_502 = vector.extract_strided_slice %select_n3A_268 {offsets = [9], sizes = [1], strides = [1]} : vector<16xf32> to vector<1xf32>
        %squeeze3A_503 = vector.extract %slice3A_502[0] : f32 from vector<1xf32>
        %get3A_504 = arith.index_cast %add3A_501 : i32 to index
        %get3A_505 = arith.constant 0 : index
        %get3A_506 = tpu.vector_load %arg24[%get3A_504, %get3A_505] {strides = array<i32>} : memref<768x32xf32, #tpu.memory_space<vmem>>, vector<1x16xf32>,
        %get3A_507 = vector.shape_cast %get3A_506 : vector<1x16xf32> to vector<16xf32>
        %mul3A_508 = vector.broadcast %squeeze3A_503 : f32 to vector<16xf32>
        %mul3A_509 = arith.mulf %get3A_507, %mul3A_508 : vector<16xf32>
        %swap3A_510 = arith.index_cast %add3A_501 : i32 to index
        %swap3A_511 = arith.constant 0 : index
        %swap3A_512 = tpu.vector_load %arg24[%swap3A_510, %swap3A_511] {strides = array<i32>} : memref<768x32xf32, #tpu.memory_space<vmem>>, vector<1x16xf32>,
        %swap3A_513 = vector.shape_cast %swap3A_512 : vector<1x16xf32> to vector<16xf32>
        %swap3A_514 = vector.shape_cast %mul3A_509 : vector<16xf32> to vector<1x16xf32>
        tpu.vector_store %arg24[%swap3A_510, %swap3A_511], %swap3A_514 {strides = array<i32>} : memref<768x32xf32, #tpu.memory_space<vmem>>, vector<1x16xf32>,
        %get3A_515 = arith.index_cast %add3A_501 : i32 to index
        %get3A_516 = arith.constant 16 : index
        %get3A_517 = tpu.vector_load %arg24[%get3A_515, %get3A_516] {strides = array<i32>} : memref<768x32xf32, #tpu.memory_space<vmem>>, vector<1x16xf32>,
        %get3A_518 = vector.shape_cast %get3A_517 : vector<1x16xf32> to vector<16xf32>
        %mul3A_519 = vector.broadcast %squeeze3A_503 : f32 to vector<16xf32>
        %mul3A_520 = arith.mulf %get3A_518, %mul3A_519 : vector<16xf32>
        %swap3A_521 = arith.index_cast %add3A_501 : i32 to index
        %swap3A_522 = arith.constant 16 : index
        %swap3A_523 = tpu.vector_load %arg24[%swap3A_521, %swap3A_522] {strides = array<i32>} : memref<768x32xf32, #tpu.memory_space<vmem>>, vector<1x16xf32>,
        %swap3A_524 = vector.shape_cast %swap3A_523 : vector<1x16xf32> to vector<16xf32>
        %swap3A_525 = vector.shape_cast %mul3A_520 : vector<16xf32> to vector<1x16xf32>
        tpu.vector_store %arg24[%swap3A_521, %swap3A_522], %swap3A_525 {strides = array<i32>} : memref<768x32xf32, #tpu.memory_space<vmem>>, vector<1x16xf32>,
        %add3A_526 = arith.constant 10 : i32
        %add3A_527 = arith.addi %mul3A_260, %add3A_526 : i32
        %slice3A_528 = vector.extract_strided_slice %select_n3A_268 {offsets = [10], sizes = [1], strides = [1]} : vector<16xf32> to vector<1xf32>
        %squeeze3A_529 = vector.extract %slice3A_528[0] : f32 from vector<1xf32>
        %get3A_530 = arith.index_cast %add3A_527 : i32 to index
        %get3A_531 = arith.constant 0 : index
        %get3A_532 = tpu.vector_load %arg24[%get3A_530, %get3A_531] {strides = array<i32>} : memref<768x32xf32, #tpu.memory_space<vmem>>, vector<1x16xf32>,
        %get3A_533 = vector.shape_cast %get3A_532 : vector<1x16xf32> to vector<16xf32>
        %mul3A_534 = vector.broadcast %squeeze3A_529 : f32 to vector<16xf32>
        %mul3A_535 = arith.mulf %get3A_533, %mul3A_534 : vector<16xf32>
        %swap3A_536 = arith.index_cast %add3A_527 : i32 to index
        %swap3A_537 = arith.constant 0 : index
        %swap3A_538 = tpu.vector_load %arg24[%swap3A_536, %swap3A_537] {strides = array<i32>} : memref<768x32xf32, #tpu.memory_space<vmem>>, vector<1x16xf32>,
        %swap3A_539 = vector.shape_cast %swap3A_538 : vector<1x16xf32> to vector<16xf32>
        %swap3A_540 = vector.shape_cast %mul3A_535 : vector<16xf32> to vector<1x16xf32>
        tpu.vector_store %arg24[%swap3A_536, %swap3A_537], %swap3A_540 {strides = array<i32>} : memref<768x32xf32, #tpu.memory_space<vmem>>, vector<1x16xf32>,
        %get3A_541 = arith.index_cast %add3A_527 : i32 to index
        %get3A_542 = arith.constant 16 : index
        %get3A_543 = tpu.vector_load %arg24[%get3A_541, %get3A_542] {strides = array<i32>} : memref<768x32xf32, #tpu.memory_space<vmem>>, vector<1x16xf32>,
        %get3A_544 = vector.shape_cast %get3A_543 : vector<1x16xf32> to vector<16xf32>
        %mul3A_545 = vector.broadcast %squeeze3A_529 : f32 to vector<16xf32>
        %mul3A_546 = arith.mulf %get3A_544, %mul3A_545 : vector<16xf32>
        %swap3A_547 = arith.index_cast %add3A_527 : i32 to index
        %swap3A_548 = arith.constant 16 : index
        %swap3A_549 = tpu.vector_load %arg24[%swap3A_547, %swap3A_548] {strides = array<i32>} : memref<768x32xf32, #tpu.memory_space<vmem>>, vector<1x16xf32>,
        %swap3A_550 = vector.shape_cast %swap3A_549 : vector<1x16xf32> to vector<16xf32>
        %swap3A_551 = vector.shape_cast %mul3A_546 : vector<16xf32> to vector<1x16xf32>
        tpu.vector_store %arg24[%swap3A_547, %swap3A_548], %swap3A_551 {strides = array<i32>} : memref<768x32xf32, #tpu.memory_space<vmem>>, vector<1x16xf32>,
        %add3A_552 = arith.constant 11 : i32
        %add3A_553 = arith.addi %mul3A_260, %add3A_552 : i32
        %slice3A_554 = vector.extract_strided_slice %select_n3A_268 {offsets = [11], sizes = [1], strides = [1]} : vector<16xf32> to vector<1xf32>
        %squeeze3A_555 = vector.extract %slice3A_554[0] : f32 from vector<1xf32>
        %get3A_556 = arith.index_cast %add3A_553 : i32 to index
        %get3A_557 = arith.constant 0 : index
        %get3A_558 = tpu.vector_load %arg24[%get3A_556, %get3A_557] {strides = array<i32>} : memref<768x32xf32, #tpu.memory_space<vmem>>, vector<1x16xf32>,
        %get3A_559 = vector.shape_cast %get3A_558 : vector<1x16xf32> to vector<16xf32>
        %mul3A_560 = vector.broadcast %squeeze3A_555 : f32 to vector<16xf32>
        %mul3A_561 = arith.mulf %get3A_559, %mul3A_560 : vector<16xf32>
        %swap3A_562 = arith.index_cast %add3A_553 : i32 to index
        %swap3A_563 = arith.constant 0 : index
        %swap3A_564 = tpu.vector_load %arg24[%swap3A_562, %swap3A_563] {strides = array<i32>} : memref<768x32xf32, #tpu.memory_space<vmem>>, vector<1x16xf32>,
        %swap3A_565 = vector.shape_cast %swap3A_564 : vector<1x16xf32> to vector<16xf32>
        %swap3A_566 = vector.shape_cast %mul3A_561 : vector<16xf32> to vector<1x16xf32>
        tpu.vector_store %arg24[%swap3A_562, %swap3A_563], %swap3A_566 {strides = array<i32>} : memref<768x32xf32, #tpu.memory_space<vmem>>, vector<1x16xf32>,
        %get3A_567 = arith.index_cast %add3A_553 : i32 to index
        %get3A_568 = arith.constant 16 : index
        %get3A_569 = tpu.vector_load %arg24[%get3A_567, %get3A_568] {strides = array<i32>} : memref<768x32xf32, #tpu.memory_space<vmem>>, vector<1x16xf32>,
        %get3A_570 = vector.shape_cast %get3A_569 : vector<1x16xf32> to vector<16xf32>
        %mul3A_571 = vector.broadcast %squeeze3A_555 : f32 to vector<16xf32>
        %mul3A_572 = arith.mulf %get3A_570, %mul3A_571 : vector<16xf32>
        %swap3A_573 = arith.index_cast %add3A_553 : i32 to index
        %swap3A_574 = arith.constant 16 : index
        %swap3A_575 = tpu.vector_load %arg24[%swap3A_573, %swap3A_574] {strides = array<i32>} : memref<768x32xf32, #tpu.memory_space<vmem>>, vector<1x16xf32>,
        %swap3A_576 = vector.shape_cast %swap3A_575 : vector<1x16xf32> to vector<16xf32>
        %swap3A_577 = vector.shape_cast %mul3A_572 : vector<16xf32> to vector<1x16xf32>
        tpu.vector_store %arg24[%swap3A_573, %swap3A_574], %swap3A_577 {strides = array<i32>} : memref<768x32xf32, #tpu.memory_space<vmem>>, vector<1x16xf32>,
        %add3A_578 = arith.constant 12 : i32
        %add3A_579 = arith.addi %mul3A_260, %add3A_578 : i32
        %slice3A_580 = vector.extract_strided_slice %select_n3A_268 {offsets = [12], sizes = [1], strides = [1]} : vector<16xf32> to vector<1xf32>
        %squeeze3A_581 = vector.extract %slice3A_580[0] : f32 from vector<1xf32>
        %get3A_582 = arith.index_cast %add3A_579 : i32 to index
        %get3A_583 = arith.constant 0 : index
        %get3A_584 = tpu.vector_load %arg24[%get3A_582, %get3A_583] {strides = array<i32>} : memref<768x32xf32, #tpu.memory_space<vmem>>, vector<1x16xf32>,
        %get3A_585 = vector.shape_cast %get3A_584 : vector<1x16xf32> to vector<16xf32>
        %mul3A_586 = vector.broadcast %squeeze3A_581 : f32 to vector<16xf32>
        %mul3A_587 = arith.mulf %get3A_585, %mul3A_586 : vector<16xf32>
        %swap3A_588 = arith.index_cast %add3A_579 : i32 to index
        %swap3A_589 = arith.constant 0 : index
        %swap3A_590 = tpu.vector_load %arg24[%swap3A_588, %swap3A_589] {strides = array<i32>} : memref<768x32xf32, #tpu.memory_space<vmem>>, vector<1x16xf32>,
        %swap3A_591 = vector.shape_cast %swap3A_590 : vector<1x16xf32> to vector<16xf32>
        %swap3A_592 = vector.shape_cast %mul3A_587 : vector<16xf32> to vector<1x16xf32>
        tpu.vector_store %arg24[%swap3A_588, %swap3A_589], %swap3A_592 {strides = array<i32>} : memref<768x32xf32, #tpu.memory_space<vmem>>, vector<1x16xf32>,
        %get3A_593 = arith.index_cast %add3A_579 : i32 to index
        %get3A_594 = arith.constant 16 : index
        %get3A_595 = tpu.vector_load %arg24[%get3A_593, %get3A_594] {strides = array<i32>} : memref<768x32xf32, #tpu.memory_space<vmem>>, vector<1x16xf32>,
        %get3A_596 = vector.shape_cast %get3A_595 : vector<1x16xf32> to vector<16xf32>
        %mul3A_597 = vector.broadcast %squeeze3A_581 : f32 to vector<16xf32>
        %mul3A_598 = arith.mulf %get3A_596, %mul3A_597 : vector<16xf32>
        %swap3A_599 = arith.index_cast %add3A_579 : i32 to index
        %swap3A_600 = arith.constant 16 : index
        %swap3A_601 = tpu.vector_load %arg24[%swap3A_599, %swap3A_600] {strides = array<i32>} : memref<768x32xf32, #tpu.memory_space<vmem>>, vector<1x16xf32>,
        %swap3A_602 = vector.shape_cast %swap3A_601 : vector<1x16xf32> to vector<16xf32>
        %swap3A_603 = vector.shape_cast %mul3A_598 : vector<16xf32> to vector<1x16xf32>
        tpu.vector_store %arg24[%swap3A_599, %swap3A_600], %swap3A_603 {strides = array<i32>} : memref<768x32xf32, #tpu.memory_space<vmem>>, vector<1x16xf32>,
        %add3A_604 = arith.constant 13 : i32
        %add3A_605 = arith.addi %mul3A_260, %add3A_604 : i32
        %slice3A_606 = vector.extract_strided_slice %select_n3A_268 {offsets = [13], sizes = [1], strides = [1]} : vector<16xf32> to vector<1xf32>
        %squeeze3A_607 = vector.extract %slice3A_606[0] : f32 from vector<1xf32>
        %get3A_608 = arith.index_cast %add3A_605 : i32 to index
        %get3A_609 = arith.constant 0 : index
        %get3A_610 = tpu.vector_load %arg24[%get3A_608, %get3A_609] {strides = array<i32>} : memref<768x32xf32, #tpu.memory_space<vmem>>, vector<1x16xf32>,
        %get3A_611 = vector.shape_cast %get3A_610 : vector<1x16xf32> to vector<16xf32>
        %mul3A_612 = vector.broadcast %squeeze3A_607 : f32 to vector<16xf32>
        %mul3A_613 = arith.mulf %get3A_611, %mul3A_612 : vector<16xf32>
        %swap3A_614 = arith.index_cast %add3A_605 : i32 to index
        %swap3A_615 = arith.constant 0 : index
        %swap3A_616 = tpu.vector_load %arg24[%swap3A_614, %swap3A_615] {strides = array<i32>} : memref<768x32xf32, #tpu.memory_space<vmem>>, vector<1x16xf32>,
        %swap3A_617 = vector.shape_cast %swap3A_616 : vector<1x16xf32> to vector<16xf32>
        %swap3A_618 = vector.shape_cast %mul3A_613 : vector<16xf32> to vector<1x16xf32>
        tpu.vector_store %arg24[%swap3A_614, %swap3A_615], %swap3A_618 {strides = array<i32>} : memref<768x32xf32, #tpu.memory_space<vmem>>, vector<1x16xf32>,
        %get3A_619 = arith.index_cast %add3A_605 : i32 to index
        %get3A_620 = arith.constant 16 : index
        %get3A_621 = tpu.vector_load %arg24[%get3A_619, %get3A_620] {strides = array<i32>} : memref<768x32xf32, #tpu.memory_space<vmem>>, vector<1x16xf32>,
        %get3A_622 = vector.shape_cast %get3A_621 : vector<1x16xf32> to vector<16xf32>
        %mul3A_623 = vector.broadcast %squeeze3A_607 : f32 to vector<16xf32>
        %mul3A_624 = arith.mulf %get3A_622, %mul3A_623 : vector<16xf32>
        %swap3A_625 = arith.index_cast %add3A_605 : i32 to index
        %swap3A_626 = arith.constant 16 : index
        %swap3A_627 = tpu.vector_load %arg24[%swap3A_625, %swap3A_626] {strides = array<i32>} : memref<768x32xf32, #tpu.memory_space<vmem>>, vector<1x16xf32>,
        %swap3A_628 = vector.shape_cast %swap3A_627 : vector<1x16xf32> to vector<16xf32>
        %swap3A_629 = vector.shape_cast %mul3A_624 : vector<16xf32> to vector<1x16xf32>
        tpu.vector_store %arg24[%swap3A_625, %swap3A_626], %swap3A_629 {strides = array<i32>} : memref<768x32xf32, #tpu.memory_space<vmem>>, vector<1x16xf32>,
        %add3A_630 = arith.constant 14 : i32
        %add3A_631 = arith.addi %mul3A_260, %add3A_630 : i32
        %slice3A_632 = vector.extract_strided_slice %select_n3A_268 {offsets = [14], sizes = [1], strides = [1]} : vector<16xf32> to vector<1xf32>
        %squeeze3A_633 = vector.extract %slice3A_632[0] : f32 from vector<1xf32>
        %get3A_634 = arith.index_cast %add3A_631 : i32 to index
        %get3A_635 = arith.constant 0 : index
        %get3A_636 = tpu.vector_load %arg24[%get3A_634, %get3A_635] {strides = array<i32>} : memref<768x32xf32, #tpu.memory_space<vmem>>, vector<1x16xf32>,
        %get3A_637 = vector.shape_cast %get3A_636 : vector<1x16xf32> to vector<16xf32>
        %mul3A_638 = vector.broadcast %squeeze3A_633 : f32 to vector<16xf32>
        %mul3A_639 = arith.mulf %get3A_637, %mul3A_638 : vector<16xf32>
        %swap3A_640 = arith.index_cast %add3A_631 : i32 to index
        %swap3A_641 = arith.constant 0 : index
        %swap3A_642 = tpu.vector_load %arg24[%swap3A_640, %swap3A_641] {strides = array<i32>} : memref<768x32xf32, #tpu.memory_space<vmem>>, vector<1x16xf32>,
        %swap3A_643 = vector.shape_cast %swap3A_642 : vector<1x16xf32> to vector<16xf32>
        %swap3A_644 = vector.shape_cast %mul3A_639 : vector<16xf32> to vector<1x16xf32>
        tpu.vector_store %arg24[%swap3A_640, %swap3A_641], %swap3A_644 {strides = array<i32>} : memref<768x32xf32, #tpu.memory_space<vmem>>, vector<1x16xf32>,
        %get3A_645 = arith.index_cast %add3A_631 : i32 to index
        %get3A_646 = arith.constant 16 : index
        %get3A_647 = tpu.vector_load %arg24[%get3A_645, %get3A_646] {strides = array<i32>} : memref<768x32xf32, #tpu.memory_space<vmem>>, vector<1x16xf32>,
        %get3A_648 = vector.shape_cast %get3A_647 : vector<1x16xf32> to vector<16xf32>
        %mul3A_649 = vector.broadcast %squeeze3A_633 : f32 to vector<16xf32>
        %mul3A_650 = arith.mulf %get3A_648, %mul3A_649 : vector<16xf32>
        %swap3A_651 = arith.index_cast %add3A_631 : i32 to index
        %swap3A_652 = arith.constant 16 : index
        %swap3A_653 = tpu.vector_load %arg24[%swap3A_651, %swap3A_652] {strides = array<i32>} : memref<768x32xf32, #tpu.memory_space<vmem>>, vector<1x16xf32>,
        %swap3A_654 = vector.shape_cast %swap3A_653 : vector<1x16xf32> to vector<16xf32>
        %swap3A_655 = vector.shape_cast %mul3A_650 : vector<16xf32> to vector<1x16xf32>
        tpu.vector_store %arg24[%swap3A_651, %swap3A_652], %swap3A_655 {strides = array<i32>} : memref<768x32xf32, #tpu.memory_space<vmem>>, vector<1x16xf32>,
        %add3A_656 = arith.constant 15 : i32
        %add3A_657 = arith.addi %mul3A_260, %add3A_656 : i32
        %slice3A_658 = vector.extract_strided_slice %select_n3A_268 {offsets = [15], sizes = [1], strides = [1]} : vector<16xf32> to vector<1xf32>
        %squeeze3A_659 = vector.extract %slice3A_658[0] : f32 from vector<1xf32>
        %get3A_660 = arith.index_cast %add3A_657 : i32 to index
        %get3A_661 = arith.constant 0 : index
        %get3A_662 = tpu.vector_load %arg24[%get3A_660, %get3A_661] {strides = array<i32>} : memref<768x32xf32, #tpu.memory_space<vmem>>, vector<1x16xf32>,
        %get3A_663 = vector.shape_cast %get3A_662 : vector<1x16xf32> to vector<16xf32>
        %mul3A_664 = vector.broadcast %squeeze3A_659 : f32 to vector<16xf32>
        %mul3A_665 = arith.mulf %get3A_663, %mul3A_664 : vector<16xf32>
        %swap3A_666 = arith.index_cast %add3A_657 : i32 to index
        %swap3A_667 = arith.constant 0 : index
        %swap3A_668 = tpu.vector_load %arg24[%swap3A_666, %swap3A_667] {strides = array<i32>} : memref<768x32xf32, #tpu.memory_space<vmem>>, vector<1x16xf32>,
        %swap3A_669 = vector.shape_cast %swap3A_668 : vector<1x16xf32> to vector<16xf32>
        %swap3A_670 = vector.shape_cast %mul3A_665 : vector<16xf32> to vector<1x16xf32>
        tpu.vector_store %arg24[%swap3A_666, %swap3A_667], %swap3A_670 {strides = array<i32>} : memref<768x32xf32, #tpu.memory_space<vmem>>, vector<1x16xf32>,
        %get3A_671 = arith.index_cast %add3A_657 : i32 to index
        %get3A_672 = arith.constant 16 : index
        %get3A_673 = tpu.vector_load %arg24[%get3A_671, %get3A_672] {strides = array<i32>} : memref<768x32xf32, #tpu.memory_space<vmem>>, vector<1x16xf32>,
        %get3A_674 = vector.shape_cast %get3A_673 : vector<1x16xf32> to vector<16xf32>
        %mul3A_675 = vector.broadcast %squeeze3A_659 : f32 to vector<16xf32>
        %mul3A_676 = arith.mulf %get3A_674, %mul3A_675 : vector<16xf32>
        %swap3A_677 = arith.index_cast %add3A_657 : i32 to index
        %swap3A_678 = arith.constant 16 : index
        %swap3A_679 = tpu.vector_load %arg24[%swap3A_677, %swap3A_678] {strides = array<i32>} : memref<768x32xf32, #tpu.memory_space<vmem>>, vector<1x16xf32>,
        %swap3A_680 = vector.shape_cast %swap3A_679 : vector<1x16xf32> to vector<16xf32>
        %swap3A_681 = vector.shape_cast %mul3A_676 : vector<16xf32> to vector<1x16xf32>
        tpu.vector_store %arg24[%swap3A_677, %swap3A_678], %swap3A_681 {strides = array<i32>} : memref<768x32xf32, #tpu.memory_space<vmem>>, vector<1x16xf32>,
        %scan3A_682 = arith.constant 0 : i32
        scf.yield %scan3A_682 : i32
      }
      %scan3A_235 = arith.constant 48 : i32
      %dma_start3A_236 = arith.constant 0 : i32
      %dma_start3A_237 = arith.constant 0 : i32
      %dma_start3A_238 = tpu.memref_slice %arg12[%dma_start3A_236, %dma_start3A_237] : memref<16384x32xf32, #tpu.memory_space<vmem_shared>> -> memref<16384x32xf32, #tpu.memory_space<vmem_shared>>
      tpu.enqueue_indirect_dma source(%arg24 : memref<768x32xf32, #tpu.memory_space<vmem>>) target(%dma_start3A_238 : memref<16384x32xf32, #tpu.memory_space<vmem_shared>>) offsets(%arg18 : memref<768xi32, #tpu.memory_space<vmem>>) semaphore(%arg33 : memref<!tpu.dma_semaphore, #tpu.memory_space<semaphore_mem>>) {add = true}
      %add3A_239 = arith.constant 2 : i32
      %add3A_240 = arith.addi %add3A_208, %add3A_239 : i32
      %lt3A_241 = arith.constant 219 : i32
      %lt3A_242 = arith.cmpi slt, %add3A_240, %lt3A_241 : i32
      %ge3A_243 = arith.constant 1 : i32
      %ge3A_244 = arith.cmpi sge, %add3A_208, %ge3A_243 : i32
      %and3A_245 = arith.andi %lt3A_242, %ge3A_244 : i1
      %convert_element_type3A_246 = arith.extui %and3A_245 : i1 to i32
      %cond3A_247 = arith.constant 0 : i32
      %cond3A_248 = arith.cmpi ne, %convert_element_type3A_246, %cond3A_247 : i32
      scf.if %cond3A_248 {
        %dma_wait3A_257 = arith.constant 0 : i32
        %dma_wait3A_258 = arith.constant 0 : i32
        %dma_wait3A_259 = tpu.memref_slice %arg12[%dma_wait3A_257, %dma_wait3A_258] : memref<16384x32xf32, #tpu.memory_space<vmem_shared>> -> memref<16384x32xf32, #tpu.memory_space<vmem_shared>>
        tpu.wait_indirect_dma semaphore(%arg32 : memref<!tpu.dma_semaphore, #tpu.memory_space<semaphore_mem>>) src(%arg23 : memref<768x32xf32, #tpu.memory_space<vmem>>) dst(%dma_wait3A_259 : memref<16384x32xf32, #tpu.memory_space<vmem_shared>>)
      } else {
      }
      %add3A_249 = arith.constant 2 : i32
      %add3A_250 = arith.addi %add3A_208, %add3A_249 : i32
      %lt3A_251 = arith.constant 219 : i32
      %lt3A_252 = arith.cmpi slt, %add3A_250, %lt3A_251 : i32
      %convert_element_type3A_253 = arith.extui %lt3A_252 : i1 to i32
      %cond3A_254 = arith.constant 0 : i32
      %cond3A_255 = arith.cmpi ne, %convert_element_type3A_253, %cond3A_254 : i32
      scf.if %cond3A_255 {
        %add3A_257 = arith.constant 2 : i32
        %add3A_258 = arith.addi %add3A_208, %add3A_257 : i32
        %eq3A_259 = arith.constant 218 : i32
        %eq3A_260 = arith.cmpi eq, %add3A_258, %eq3A_259 : i32
        %eq3A_261 = arith.constant 15 : i32
        %eq3A_262 = arith.cmpi eq, %arg1, %eq3A_261 : i32
        %and3A_263 = arith.andi %eq3A_260, %eq3A_262 : i1
        %convert_element_type3A_264 = arith.extui %and3A_263 : i1 to i32
        %cond3A_265 = arith.constant 0 : i32
        %cond3A_266 = arith.cmpi ne, %convert_element_type3A_264, %cond3A_265 : i32
        scf.if %cond3A_266 {
          tpu.enqueue_dma source(%arg6 : memref<768xi32, #tpu.memory_space<hbm>>) target(%arg14 : memref<768xi32, #tpu.memory_space<vmem>>) target_semaphore(%arg26 : memref<!tpu.dma_semaphore, #tpu.memory_space<semaphore_mem>>)
          tpu.enqueue_dma source(%arg7 : memref<768xi32, #tpu.memory_space<hbm>>) target(%arg17 : memref<768xi32, #tpu.memory_space<vmem>>) target_semaphore(%arg26 : memref<!tpu.dma_semaphore, #tpu.memory_space<semaphore_mem>>)
          tpu.enqueue_dma source(%arg8 : memref<768xf32, #tpu.memory_space<hbm>>) target(%arg20 : memref<768xf32, #tpu.memory_space<vmem>>) target_semaphore(%arg26 : memref<!tpu.dma_semaphore, #tpu.memory_space<semaphore_mem>>)
        } else {
        }
        %not3A_267 = arith.constant true
        %not3A_268 = arith.xori %and3A_263, %not3A_267 : i1
        %convert_element_type3A_269 = arith.extui %not3A_268 : i1 to i32
        %cond3A_270 = arith.constant 0 : i32
        %cond3A_271 = arith.cmpi ne, %convert_element_type3A_269, %cond3A_270 : i32
        scf.if %cond3A_271 {
          %mul3A_272 = arith.constant 768 : i32
          %mul3A_273 = arith.muli %add3A_258, %mul3A_272 : i32
          %min3A = arith.constant 167008 : i32
          %min3A_274 = arith.minsi %mul3A_273, %min3A : i32
          %add3A_275 = arith.addi %mul3A_2, %min3A_274 : i32
          %dma_start3A_276 = tpu.memref_slice %arg3[%add3A_275] : memref<2684354xi32, #tpu.memory_space<hbm>> -> memref<768xi32, #tpu.memory_space<hbm>>
          %dma_start3A_277 = tpu.memref_slice %arg3[%add3A_275] : memref<2684354xi32, #tpu.memory_space<hbm>> -> memref<768xi32, #tpu.memory_space<hbm>>
          tpu.enqueue_dma source(%dma_start3A_277 : memref<768xi32, #tpu.memory_space<hbm>>) target(%arg14 : memref<768xi32, #tpu.memory_space<vmem>>) target_semaphore(%arg26 : memref<!tpu.dma_semaphore, #tpu.memory_space<semaphore_mem>>)
          %mul3A_278 = arith.constant 768 : i32
          %mul3A_279 = arith.muli %add3A_258, %mul3A_278 : i32
          %min3A_280 = arith.constant 167008 : i32
          %min3A_281 = arith.minsi %mul3A_279, %min3A_280 : i32
          %add3A_282 = arith.addi %mul3A_2, %min3A_281 : i32
          %dma_start3A_283 = tpu.memref_slice %arg4[%add3A_282] : memref<2684354xi32, #tpu.memory_space<hbm>> -> memref<768xi32, #tpu.memory_space<hbm>>
          %dma_start3A_284 = tpu.memref_slice %arg4[%add3A_282] : memref<2684354xi32, #tpu.memory_space<hbm>> -> memref<768xi32, #tpu.memory_space<hbm>>
          tpu.enqueue_dma source(%dma_start3A_284 : memref<768xi32, #tpu.memory_space<hbm>>) target(%arg17 : memref<768xi32, #tpu.memory_space<vmem>>) target_semaphore(%arg26 : memref<!tpu.dma_semaphore, #tpu.memory_space<semaphore_mem>>)
          %mul3A_285 = arith.constant 768 : i32
          %mul3A_286 = arith.muli %add3A_258, %mul3A_285 : i32
          %min3A_287 = arith.constant 167008 : i32
          %min3A_288 = arith.minsi %mul3A_286, %min3A_287 : i32
          %add3A_289 = arith.addi %mul3A_2, %min3A_288 : i32
          %dma_start3A_290 = tpu.memref_slice %arg5[%add3A_289] : memref<2684354xf32, #tpu.memory_space<hbm>> -> memref<768xf32, #tpu.memory_space<hbm>>
          %dma_start3A_291 = tpu.memref_slice %arg5[%add3A_289] : memref<2684354xf32, #tpu.memory_space<hbm>> -> memref<768xf32, #tpu.memory_space<hbm>>
          tpu.enqueue_dma source(%dma_start3A_291 : memref<768xf32, #tpu.memory_space<hbm>>) target(%arg20 : memref<768xf32, #tpu.memory_space<vmem>>) target_semaphore(%arg26 : memref<!tpu.dma_semaphore, #tpu.memory_space<semaphore_mem>>)
        } else {
        }
      } else {
      }
      %scan3A_256 = arith.constant 0 : i32
      scf.yield %scan3A_256 : i32
    }
    %scan3A_93 = arith.constant 73 : i32
    %dma_wait3A_94 = arith.constant 0 : i32
    %dma_wait3A_95 = arith.constant 0 : i32
    %dma_wait3A_96 = tpu.memref_slice %arg12[%dma_wait3A_94, %dma_wait3A_95] : memref<16384x32xf32, #tpu.memory_space<vmem_shared>> -> memref<16384x32xf32, #tpu.memory_space<vmem_shared>>
    tpu.wait_indirect_dma semaphore(%arg31 : memref<!tpu.dma_semaphore, #tpu.memory_space<semaphore_mem>>) src(%arg22 : memref<768x32xf32, #tpu.memory_space<vmem>>) dst(%dma_wait3A_96 : memref<16384x32xf32, #tpu.memory_space<vmem_shared>>)
    %dma_wait3A_97 = arith.constant 0 : i32
    %dma_wait3A_98 = arith.constant 0 : i32
    %dma_wait3A_99 = tpu.memref_slice %arg12[%dma_wait3A_97, %dma_wait3A_98] : memref<16384x32xf32, #tpu.memory_space<vmem_shared>> -> memref<16384x32xf32, #tpu.memory_space<vmem_shared>>
    tpu.wait_indirect_dma semaphore(%arg32 : memref<!tpu.dma_semaphore, #tpu.memory_space<semaphore_mem>>) src(%arg23 : memref<768x32xf32, #tpu.memory_space<vmem>>) dst(%dma_wait3A_99 : memref<16384x32xf32, #tpu.memory_space<vmem_shared>>)
    %dma_wait3A_100 = arith.constant 0 : i32
    %dma_wait3A_101 = arith.constant 0 : i32
    %dma_wait3A_102 = tpu.memref_slice %arg12[%dma_wait3A_100, %dma_wait3A_101] : memref<16384x32xf32, #tpu.memory_space<vmem_shared>> -> memref<16384x32xf32, #tpu.memory_space<vmem_shared>>
    tpu.wait_indirect_dma semaphore(%arg33 : memref<!tpu.dma_semaphore, #tpu.memory_space<semaphore_mem>>) src(%arg24 : memref<768x32xf32, #tpu.memory_space<vmem>>) dst(%dma_wait3A_102 : memref<16384x32xf32, #tpu.memory_space<vmem_shared>>)
    %barrier3A_103 = arith.constant 0 : index
    tpu.barrier barrier_id(%barrier3A_103)
    %mul3A_104 = arith.constant 32 : i32
    %mul3A_105 = arith.muli %arg0, %mul3A_104 : i32
    "tpu.region"() ({
      %run_scoped3A = tpu.sem_alloc : memref<!tpu.dma_semaphore, #tpu.memory_space<semaphore_mem>>
      %dma_start3A_106 = tpu.memref_slice %arg10[%mul3A_0, %mul3A_105] : memref<16384x64xf32, #tpu.memory_space<hbm>> -> memref<1024x32xf32, #tpu.memory_space<hbm>>
      %dma_start3A_107 = arith.constant 0 : i32
      %dma_start3A_108 = tpu.memref_slice %arg12[%mul3A_0, %dma_start3A_107] : memref<16384x32xf32, #tpu.memory_space<vmem_shared>> -> memref<1024x32xf32, #tpu.memory_space<vmem_shared>>
      tpu.enqueue_dma source(%dma_start3A_108 : memref<1024x32xf32, #tpu.memory_space<vmem_shared>>) target(%dma_start3A_106 : memref<1024x32xf32, #tpu.memory_space<hbm>>) target_semaphore(%run_scoped3A : memref<!tpu.dma_semaphore, #tpu.memory_space<semaphore_mem>>)
      %dma_wait3A_109 = tpu.memref_slice %arg10[%mul3A_0, %mul3A_105] : memref<16384x64xf32, #tpu.memory_space<hbm>> -> memref<1024x32xf32, #tpu.memory_space<hbm>>
      %dma_wait3A_110 = arith.constant 0 : i32
      %dma_wait3A_111 = tpu.memref_slice %arg12[%mul3A_0, %dma_wait3A_110] : memref<16384x32xf32, #tpu.memory_space<vmem_shared>> -> memref<1024x32xf32, #tpu.memory_space<vmem_shared>>
      tpu.wait_dma2 semaphore(%run_scoped3A : memref<!tpu.dma_semaphore, #tpu.memory_space<semaphore_mem>>) src(%dma_wait3A_111 : memref<1024x32xf32, #tpu.memory_space<vmem_shared>>) dst(%dma_wait3A_109 : memref<1024x32xf32, #tpu.memory_space<hbm>>)
      tpu.yield
    }) : () -> ()
    return
  }
}

</mosaic_0001>

<sc_bundles>
// kernel: kernel.3.cloned.1.call-start
scs
__scs_entry_jumppad:
0x0: {  	(pc) =	sbr.rel $0x88, $3  }
0x1: {  	(tag) =	ssettag $0x0;
	lr =	simm.s32 $0x1  }
0x2: {  	[smem:$0x3F9E] =	sst lr;
	_ =	strace $0xD0000000  }
0x3: {  	_ = 	snop  }
0x4: {  	_ = 	snop  }
0x5: {  	_ = 	snop  }
0x6: {  	_ = 	snop  }
0x7: {  	_ = 	snop  }
__scs_overlays_trampoline_lowered:
0x8: {  	[smem:$0x3FAD] =	sst s0  }
0x9: {  	[smem:$0x3FAE] =	sst s1  }
0xa: {  	[smem:$0x3FAF] =	sst s2  }
0xb: {  	[smem:$0x3FB0] =	sst s3  }
0xc: {  	[smem:$0x3FB1] =	sst s4  }
0xd: {  	[smem:$0x3FB2] =	sst s5  }
0xe: {  	[smem:$0x3FB3] =	sst s6  }
0xf: {  	[smem:$0x3FB4] =	sst s7  }
0x10: {  	[smem:$0x3FB5] =	sst s8  }
0x11: {  	[smem:$0x3FB6] =	sst s9;
	s0 =	simm.s32 @!p0 $0x0  }
0x12: {  	s1 =	sld [smem:$0x3F9C];
	s0 =	simm.s32 @p0 $0x1  }
0x13: {  	[smem:$0x3FB7] =	sst s0;
	s0 =	simm.s32 @!p1 $0x0  }
0x14: {  	s2 =	sld [smem:$0x3F9B];
	s0 =	simm.s32 @p1 $0x1  }
0x15: {  	[smem:$0x3FB8] =	sst s0;
	s0 =	simm.s32 @!p2 $0x0  }
0x16: {  	s3 =	sld [smem:$0x3FDB];
	s0 =	simm.s32 @p2 $0x1  }
0x17: {  	s4 =	simm.s32 $0x1BF5;
	[smem:$0x3FBA] =	sst s0  }
0x18: {  	s0 =	sld [smem:$0x3F9D];
	_ =	swait.ge [sflag:s4], $0x0  }
0x19: {  	s7 =	sld [smem:$0x3F9E]  }
0x1a: {  	s8 =	sadd.s32 $0xFFFFE003, lr  }
0x1b: {  	s9 =	sadd.s32 $0xFFFFFEF7, lr;
	s5 =	simm.s32 $0xFFFFFFFF;
	p2 =	slt.u32 s8, $0xFFFFF086  }
0x1c: {  	p1 =	slt.u32 s9, $0xF7A;
	s5 =	simm.s32 @!p2 $0x0  }
0x1d: {  	s5 =	simm.s32 @p1 $0x1;
	p0 =	seq.s32 s7, s2  }
0x1e: {  	s7 =	smul.u32 @!p0 $0xF7A, s2;
	p2 =	seq.s32 @!p0 s5, $0x0  }
0x1f: {  	s9 =	smul.u32 $0xF7A, s1;
	s8 =	simm.s32 @!p0 $0x1BF5;
	p2 =	por !p2, p0  }
0x20: {  	[sflag:s8] =	ssyncset.s32 @!p0 $0xFFFFF086;
	s6 =	sadd.s32 @!p0 s3, s7;
	s7 =	simm.s32 @!p0 $0x108  }
0x21: {  	s3 =	sadd.s32 s3, s9;
	s6 =	sadd.s32 @!p0 $0x88, s6;
	s7 =	simm.s32 @p2 $0x1082  }
0x22: {  	[simem:s7], [sflag:s8] =	dma.local @!p0 [hbm:s6], $0xF7A  }
0x23: {  	s9 =	sor.u32 $0xD0000000, s2;
	s6 =	simm.s32 $0x108;
	_ =	swait.ge @!p0 [sflag:s8], $0x0  }
0x24: {  	s3 =	sadd.s32 $0x88, s3;
	s6 =	simm.s32 @!p1 $0x1082;
	[sflag:s4] =	ssyncset.s32 $0xFFFFF086  }
0x25: {  	[simem:s6], [sflag:s4] =	dma.local [hbm:s3], $0xF7A  }
0x26: {  	[smem:$0x3F9E] =	sst s1;
	(tag) =	ssettag s2;
	_ =	strace s9  }
0x27: {  	s1 =	sld [smem:$0x3FAE]  }
0x28: {  	s2 =	sld [smem:$0x3FAF]  }
0x29: {  	s4 =	sld [smem:$0x3FB1]  }
0x2a: {  	p0 =	seq.s32 s5, $0x0;
	s5 =	sld [smem:$0x3FB2]  }
0x2b: {  	s6 =	sld [smem:$0x3FB3]  }
0x2c: {  	s7 =	sld [smem:$0x3FB4]  }
0x2d: {  	s3 =	simm.s32 $0x108;
	s8 =	sld [smem:$0x3FB5]  }
0x2e: {  	s3 =	simm.s32 @!p0 $0x1082;
	s9 =	sld [smem:$0x3FB6]  }
0x2f: {  	lr =	sadd.s32 s0, s3;
	s0 =	sld [smem:$0x3FAD]  }
0x30: {  	s3 =	sld [smem:$0x3FB0]  }
0x31: {  	[smem:$0x3FB9] =	sst s10  }
0x32: {  	s10 =	sld [smem:$0x3FB7];
	_ =	sdelay $0x3  }
0x33: {  	p0 =	seq.s32 s10, $0x1;
	s10 =	sld [smem:$0x3FB9];
	_ =	sdelay $0x3  }
0x34: {  	[smem:$0x3FB9] =	sst s10  }
0x35: {  	s10 =	sld [smem:$0x3FB8];
	_ =	sdelay $0x3  }
0x36: {  	p1 =	seq.s32 s10, $0x1;
	s10 =	sld [smem:$0x3FB9];
	_ =	sdelay $0x3  }
0x37: {  	[smem:$0x3FB9] =	sst s10  }
0x38: {  	s10 =	sld [smem:$0x3FBA]  }
0x39: {  	_ = 	snop;
	(pc) =	sbr.ind lr, $3  }
0x3a: {  	_ = 	snop  }
0x3b: {  	_ = 	snop  }
0x3c: {  	p2 =	seq.s32 s10, $0x1;
	s10 =	sld [smem:$0x3FB9]  }
0x3d: {  	_ =	shalt  }
0x3e: {  	_ =	shalt  }
0x3f: {  	_ =	shalt  }
0x40: {  	_ =	shalt  }
0x41: {  	_ =	shalt  }
0x42: {  	_ =	shalt  }
0x43: {  	_ =	shalt  }
0x44: {  	_ =	shalt  }
0x45: {  	_ =	shalt  }
0x46: {  	_ =	shalt  }
0x47: {  	_ =	shalt  }
0x48: {  	_ =	shalt  }
0x49: {  	_ =	shalt  }
0x4a: {  	_ =	shalt  }
0x4b: {  	_ =	shalt  }
0x4c: {  	_ =	shalt  }
0x4d: {  	_ =	shalt  }
0x4e: {  	_ =	shalt  }
0x4f: {  	_ =	shalt  }
0x50: {  	_ =	shalt  }
0x51: {  	_ =	shalt  }
0x52: {  	_ =	shalt  }
0x53: {  	_ =	shalt  }
0x54: {  	_ =	shalt  }
0x55: {  	_ =	shalt  }
0x56: {  	_ =	shalt  }
0x57: {  	_ =	shalt  }
0x58: {  	_ =	shalt  }
0x59: {  	_ =	shalt  }
0x5a: {  	_ =	shalt  }
0x5b: {  	_ =	shalt  }
0x5c: {  	_ =	shalt  }
0x5d: {  	_ =	shalt  }
0x5e: {  	_ =	shalt  }
0x5f: {  	_ =	shalt  }
0x60: {  	_ =	shalt  }
0x61: {  	_ =	shalt  }
0x62: {  	_ =	shalt  }
0x63: {  	_ =	shalt  }
0x64: {  	_ =	shalt  }
0x65: {  	_ =	shalt  }
0x66: {  	_ =	shalt  }
0x67: {  	_ =	shalt  }
0x68: {  	_ =	shalt  }
0x69: {  	_ =	shalt  }
0x6a: {  	_ =	shalt  }
0x6b: {  	_ =	shalt  }
0x6c: {  	_ =	shalt  }
0x6d: {  	_ =	shalt  }
0x6e: {  	_ =	shalt  }
0x6f: {  	_ =	shalt  }
0x70: {  	_ =	shalt  }
0x71: {  	_ =	shalt  }
0x72: {  	_ =	shalt  }
0x73: {  	_ =	shalt  }
0x74: {  	_ =	shalt  }
0x75: {  	_ =	shalt  }
0x76: {  	_ =	shalt  }
0x77: {  	_ =	shalt  }
0x78: {  	_ =	shalt  }
0x79: {  	_ =	shalt  }
0x7a: {  	_ =	shalt  }
0x7b: {  	_ =	shalt  }
0x7c: {  	_ =	shalt  }
0x7d: {  	_ =	shalt  }
0x7e: {  	_ =	shalt  }
0x7f: {  	_ =	shalt  }
0x80: {  	_ =	shalt  }
0x81: {  	_ =	shalt  }
0x82: {  	_ =	shalt  }
0x83: {  	_ =	shalt  }
0x84: {  	_ =	shalt  }
0x85: {  	_ =	shalt  }
0x86: {  	_ =	shalt  }
0x87: {  	_ =	shalt  }
.Lfunc_end0:
.L_simem_size_0:
called_computation_lowered:
.L_overlay_start_0:
0x88: {  	s2 =	sld [smem:$0x3FD9]  }
0x89: {  	s3 =	sld [smem:$0x3FFE];
	_ =	sdelay $0x1  }
0x8a: {  	s1 =	srdreg.scid  }
0x8b: {  	s0 =	sand.u32 $0x1, s1  }
0x8c: {  	s17 =	sshll.u32 s0, $0xA;
	s2 =	sadd.s32 s3, s2  }
0x8d: {  	s2 =	sadd.s32 s2, s17  }
0x8e: {  	[smem:$0x3FC5] =	sst s2  }
0x8f: {  	_ = 	snop  }
0x90: {  	s2 =	sld [smem:$0x3FC7]  }
0x91: {  	s18 =	sld [smem:$0x3FD0];
	(tm) =	ssettm $0x1  }
0x92: {  	s4 =	sld [smem:$0x3FFB];
	_ =	sdelay $0x3  }
0x93: {  	_ =	strace s4  }
0x94: {  	s4 =	sld [smem:$0x3FFC];
	_ =	sdelay $0x3  }
0x95: {  	_ =	strace s4  }
0x96: {  	s4 =	sld [smem:$0x3FFD];
	_ =	sdelay $0x3  }
0x97: {  	_ =	strace s4  }
0x98: {  	_ =	strace $0x8FFFFFFF  }
0x99: {  	s19 =	sld [smem:$0x3FDB];
	_ =	sdelay $0x1  }
0x9a: {  	s5 =	simm.s32 $_scs_section_size  }
0x9b: {  	s6 =	simm.s32 $_size__tile_overlayer_lowered;
	s7 =	simm.s32 $_tile_overlayer_lowered  }
0x9c: {  	s22 =	simm.s32 $0x1BFF;
	s21 =	sshll.u32 s7, $0x1;
	s4 =	sadd.s32 s5, s19  }
0x9d: {  	s8 =	simm.s32 $0x0;
	s20 =	sshll.u32 s6, $0x1;
	s6 =	sadd.s32 s21, s4  }
0x9e: {  	[timem:s8], [sflag:s22] =	dma.local [hbm:s6], s20  }
0x9f: {  	_ =	swait.ge [sflag:s22], s20  }
0xa0: {  	s5 =	ssub.s32 $0x0, s20;
	[sflag:s22] =	ssyncset.done $0x0  }
0xa1: {  	[sflag:s22] =	ssyncadd.s32 s5;
	_ =	sdelay $0x1  }
0xa2: {  	s23 =	simm.s32 $0x1B8B  }
0xa3: {  	_ =	swait.ge [sflag:s23], $0x1  }
0xa4: {  	[sflag:s23] =	ssyncset.done $0x0  }
0xa5: {  	s25 =	simm.s32 $0x1B8E;
	s24 =	sld [smem:$0x3FFE];
	[sflag:s23] =	ssyncadd.s32 $0xFFFFFFFF  }
0xa6: {  	s26 =	simm.s32 $execute0_lowered;
	[smem:$0x3FD2] =	sst s25  }
0xa7: {  	s6 =	sshll.u32 s26, $0x1;
	_ =	strace $0x80000046;
	[dreg:$0x1] =	wrdreg $0xFFFFFFFF  }
0xa8: {  	s28 =	simm.s32 $_size_execute0_lowered;
	s4 =	sadd.s32 s4, s6;
	[dreg:$0x0] =	wrdreg $0x0  }
0xa9: {  	s6 =	sshll.u32 s28, $0x1;
	[dreg:$0x2] =	wrdreg s4  }
0xaa: {  	[dreg:$0x3] =	wrdreg s6  }
0xab: {  	[dreg:$0x4] =	wrdreg $0xC0  }
0xac: {  	_ =	task [dreg:s8], $0x5FFFF  }
0xad: {  	[dreg:$0x1] =	wrdreg $0xFFFFFFFF  }
0xae: {  	[dreg:$0x0] =	wrdreg $0x60  }
0xaf: {  	[dreg:$0x2] =	wrdreg s18  }
0xb0: {  	[dreg:$0x3] =	wrdreg s24  }
0xb1: {  	[dreg:$0x4] =	wrdreg s2  }
0xb2: {  	[dreg:$0x5] =	wrdreg $0x0  }
0xb3: {  	[dreg:$0x6] =	wrdreg $0x9  }
0xb4: {  	_ =	task.clear_ibuf [dreg:s8], $0x7FFFF;
	_ =	strace $0x90000046  }
0xb5: {  	s29 =	simm.s32 $0x9;
	_ =	strace $0x80000048  }
0xb6: {  	_ =	swait.ge [sflag:s29], $0x1  }
0xb7: {  	[sflag:s29] =	ssyncadd.s32 $0xFFFFFFFF  }
0xb8: {  	_ =	strace $0x90000048  }
0xb9: {  	_ =	sfence  }
0xba: {  	s30 =	sld [smem:$0x0];
	_ =	sdelay $0x2  }
0xbb: {  	s31 =	sshll.u32 s1, $0xD;
	s1 =	sshrl.u32 s1, $0x2  }
0xbc: {  	s3 =	sand.u32 $0x4000, s31;
	s1 =	sadd.s32 s1, s30  }
0xbd: {  	s0 =	sor.u32 s3, s0;
	s1 =	sshll.u32 s1, $0x11  }
0xbe: {  	s0 =	sor.u32 s1, s0  }
0xbf: {  	s0 =	sadd.s32 $0x8F2B, s0  }
0xc0: {  	[sflag:s0] =	ssyncadd.remote.s32 $0x1  }
0xc1: {  	_ =	sfence.sel $0xFFFF  }
0xc2: {  	[dreg:$0x0] =	wrdreg $0xFFFFFFFF;
	(pc) =	sbr.abs _section_cstart, $3  }
0xc3: {  	[dreg:$0x1] =	wrdreg $0xFFFFFFFF  }
0xc4: {  	_ =	task.clear_ibuf [dreg:s8], $0x2FFFF;
	_ =	strace $0x9FFFFFFF  }
0xc5: {  	(tm) =	ssettm $0x7FFFFFFF  }
tec
execute0_lowered:
.L_overlay_start_1:
0x0: {  	(tag) =	ssettag $0x1  }
0x1: {  	s0 =	rddreg [dreg:$0x1]  }
0x2: {  	s15 =	rddreg [dreg:$0x2]  }
0x3: {  	s3 =	rddreg [dreg:$0x3];
	s4 =	simm.s32 $0x0;
	s1 =	srdreg.scid  }
0x4: {  	s16 =	stileid.u32;
	s31 =	simm.s32 $0x8300;
	s20 =	simm.s32 $0x300  }
0x5: {  	s18 =	simm.s32 $0x8F00;
	[smem:$0x7FF] =	sst s4;
	s5 =	sadd.s32 $0x52800, s0  }
0x6: {  	s6 =	sadd.s32 $0x800, s0;
	s7 =	sadd.s32 $0xA4A00, s0;
	s8 =	sadd.s32 $0xA4800, s0  }
0x7: {  	s10 =	sadd.s32 $0x600, s0;
	s2 =	sadd.s32 $0xA4C00, s0;
	s1 =	sand.u32 $0x1, s1  }
0x8: {  	s12 =	smul.u32 $0x28F60, s16;
	s13 =	sadd.s32 $0xA5C00, s0;
	s26 =	sshll.u32 s16, $0xF  }
0x9: {  	s28 =	sshll.u32 s16, $0x6;
	s25 =	sshll.u32 s16, $0xC;
	p0 =	seq.s32 s16, $0xF  }
0xa: {  	_ =	strace $0x80000047;
	[dreg:$0x5] =	wrdreg s2;
	s21 =	sshll.u32 s1, $0x2  }
0xb: {  	s9 =	ssub.s32 $0x2, s1;
	s19 =	sor.u32 $0x1C0A, s28;
	s30 =	sshll.u32 s1, $0xE  }
0xc: {  	s1 =	sshll.u32 s1, $0x10;
	s2 =	sadd.s32 s21, s0;
	s11 =	sshrl.u32 s9, $0x1  }
0xd: {  	s29 =	sshrl.u32 s12, $0x3;
	s1 =	sadd.s32 s13, s1;
	s21 =	simm.s32 $0x1DE  }
0xe: {  	v0 =	vmov s30;
	s30 =	simm.s32 $0x0;
	[dreg:$0x7] =	wrdreg s19;
	s22 =	ssub.s32 s9, s11  }
0xf: {  	s9 =	sadd.s32 s26, s3;
	s14 =	sadd.s32 s5, s29;
	[dreg:$0x11] =	wrdreg s30  }
0x10: {  	s23 =	sadd.s32 s6, s29;
	s24 =	sadd.s32 s15, s29;
	[dreg:$0x6] =	wrdreg s9  }
0x11: {  	s11 =	sadd.s32 $0x60, s29;
	s1 =	sadd.s32 s25, s1;
	[dreg:$0x8] =	wrdreg s14  }
0x12: {  	s26 =	sshll.u32 s16, $0xD;
	s21 =	simm.s32 @!p0 $0x1A0;
	[dreg:$0x9] =	wrdreg s23  }
0x13: {  	p0 =	sne.s32 s16, $0xF;
	s25 =	simm.s32 $0x2;
	[dreg:$0xa] =	wrdreg s24  }
0x14: {  	s16 =	simm.s32 $0x4;
	s17 =	sadd.s32 s5, s11;
	[dreg:$0xc] =	wrdreg s1  }
0x15: {  	s1 =	sadd.s32 s26, s2;
	s28 =	sadd.s32 s6, s11;
	s29 =	sadd.s32 s15, s11  }
0x16: {  	s0 =	smax.u32 s22, $0x1;
	s14 =	simm.s32 $0x1;
	s11 =	simm.s32 $0xFB00  }
.Ltmp0:
0x17: {  	s22 =	simm.s32 $0x3;
	[dreg:$0xb] =	wrdreg s17;
	(pc) =	sbr.rel .LBB2_1-.Ltmp0, $4  }
0x18: {  	s23 =	simm.s32 $0x15B00;
	s15 =	simm.s32 $0x5;
	[dreg:$0xd] =	wrdreg s28  }
0x19: {  	s26 =	simm.s32 $0x6;
	s9 =	simm.s32 $0xA;
	[dreg:$0xe] =	wrdreg s29  }
0x1a: {  	s2 =	simm.s32 $0x8;
	s1 =	sadd.s32 $0xC5C00, s1;
	[dreg:$0x10] =	wrdreg s0  }
0x1b: {  	v1 =	vlaneseq.u32;
	s0 =	simm.s32 $0x8C00;
	s17 =	simm.s32 $0x8600;
	[dreg:$0xf] =	wrdreg s1  }
.LBB2_39:
0x1c: {  	s1 =	simm.s32 $0x7  }
0x1d: {  	_ =	swait.ge [sflag:s1], $0x6000  }
0x1e: {  	[sflag:s1] =	ssyncset.done $0x0  }
0x1f: {  	[sflag:s1] =	ssyncadd.s32 $0xFFFFA000  }
0x20: {  	_ =	swait.ge [sflag:s2], $0x6000  }
0x21: {  	[sflag:s2] =	ssyncset.done $0x0  }
0x22: {  	s28 =	simm.s32 $0x9;
	[sflag:s2] =	ssyncadd.s32 $0xFFFFA000  }
0x23: {  	_ =	swait.ge [sflag:s28], $0x6000  }
0x24: {  	[sflag:s28] =	ssyncset.done $0x0  }
0x25: {  	[sflag:s28] =	ssyncadd.s32 $0xFFFFA000  }
0x26: {  	[bflag:$0x0] =	sbarrier.arrive $0xFFFF  }
0x27: {  	s19 =	rddreg [dreg:$0x7]  }
0x28: {  	s29 =	rddreg [dreg:$0xf]  }
0x29: {  	s9 =	rddreg [dreg:$0x12]  }
0x2a: {  	[hbm:s29@s2], [sflag:s19] =	dma.strided [spmem:s9@s16], $0x1000, s14, $0x4   }
0x2b: {  	s9 =	simm.s32 $0xA  }
0x2c: {  	_ =	swait.ge [sflag:s9], $0x1000  }
0x2d: {  	s24 =	rddreg [dreg:$0x11]  }
0x2e: {  	s30 =	rddreg [dreg:$0x10];
	s24 =	sadd.s32 $0x1, s24  }
0x2f: {  	p1 =	sne.s32 s24, s30  }
.Ltmp1:
0x30: {  	_ = 	snop;
	(pc) =	sbr.rel @!p1 .LBB2_40-.Ltmp1, $3  }
0x31: {  	_ =	sdelay $0x1  }
0x32: {  	[sflag:s9] =	ssyncset.done $0x0  }
0x33: {  	[sflag:s9] =	ssyncadd.s32 $0xFFFFF000;
	[dreg:$0x11] =	wrdreg s24  }
.LBB2_1:
0x34: {  	s1 =	rddreg [dreg:$0x6]  }
0x35: {  	s30 =	rddreg [dreg:$0x5];
	s24 =	sshrl.u32 s1, $0x3  }
0x36: {  	[dreg:$0x12] =	wrdreg s24  }
0x37: {  	[spmem:s24], [sflag:s19] =	dma.local [hbm:s30], $0x1000  }
0x38: {  	_ =	swait.ge [sflag:s9], $0x1000  }
0x39: {  	[sflag:s9] =	ssyncset.done $0x0  }
0x3a: {  	[sflag:s9] =	ssyncadd.s32 $0xFFFFF000  }
0x3b: {  	[bflag:$0x0] =	sbarrier.arrive $0xFFFF  }
0x3c: {  	s28 =	simm.s32 $0x8000;
	s24 =	rddreg [dreg:$0x8]  }
0x3d: {  	[tilespmem:s28], [sflag:$0x1] =	stream.linear.gather [hbm4b:s24+s4], $0x300, $0x38;
	[tilespmem:$0x1BB00] =	vst v63  }
0x3e: {  	s30 =	simm.s32 $0x8900;
	s29 =	rddreg [dreg:$0x9]  }
0x3f: {  	[tilespmem:s30], [sflag:$0x1] =	stream.linear.gather [hbm4b:s29+s4], $0x300, $0x38;
	[tilespmem:$0x1BB00] =	vst v63  }
0x40: {  	s19 =	simm.s32 $0x9200;
	s9 =	rddreg [dreg:$0xa]  }
0x41: {  	[tilespmem:s19], [sflag:$0x1] =	stream.linear.gather [hbm4b:s9+s4], $0x300, $0x38;
	[tilespmem:$0x1BB00] =	vst v63  }
0x42: {  	s24 =	rddreg [dreg:$0xb]  }
0x43: {  	[tilespmem:s31], [sflag:$0x2] =	stream.linear.gather [hbm4b:s24+s4], $0x300, $0x38;
	[tilespmem:$0x1BB00] =	vst v63  }
0x44: {  	s28 =	rddreg [dreg:$0xd]  }
0x45: {  	[tilespmem:s0], [sflag:$0x2] =	stream.linear.gather [hbm4b:s28+s4], $0x300, $0x38;
	[tilespmem:$0x1BB00] =	vst v63  }
0x46: {  	s29 =	rddreg [dreg:$0xe];
	s30 =	simm.s32 $0x9500  }
0x47: {  	[tilespmem:s30], [sflag:$0x2] =	stream.linear.gather [hbm4b:s29+s4], $0x300, $0x38;
	[tilespmem:$0x1BB00] =	vst v63  }
0x48: {  	_ =	swait.ge [sflag:s14], $0x300  }
0x49: {  	[sflag:s14] =	ssyncset.done $0x0  }
0x4a: {  	[sflag:s14] =	ssyncadd.s32 $0xFFFFFD00  }
0x4b: {  	_ =	swait.ge [sflag:s14], $0x300  }
0x4c: {  	[sflag:s14] =	ssyncset.done $0x0  }
0x4d: {  	[sflag:s14] =	ssyncadd.s32 $0xFFFFFD00  }
0x4e: {  	_ =	swait.ge [sflag:s14], $0x300  }
0x4f: {  	[sflag:s14] =	ssyncset.done $0x0  }
0x50: {  	s1 =	simm.s32 $0x0;
	[sflag:s14] =	ssyncadd.s32 $0xFFFFFD00  }
0x51: {  	v4 =	vld [tilespmem:s1+$0x8000]  }
0x52: {  	v3 =	vld [tilespmem:s1+$0x8010]  }
0x53: {  	s9 =	simm.s32 $0x100;
	v2 =	vld [tilespmem:s1+$0x8020]  }
.LBB2_2:
0x54: {  	p1 =	sne.s32 s9, $0xB00;
	v5 =	vld [tilespmem:s1+$0x8030];
	_ =	sdelay $0x1  }
.Ltmp2:
0x55: {  	v4 =	vadd.s32 v0, v4;
	(pc) =	sbr.rel @p1 .LBB2_2-.Ltmp2, $4  }
0x56: {  	s19 =	sshra.s32 s9, $0x2;
	[tilespmem:s1+$0x8000] =	vst v4;
	v3 =	vadd.s32 v0, v3  }
0x57: {  	v4 =	vld [tilespmem:s19+$0x8000];
	[tilespmem:s1+$0x8010] =	vst v3;
	v2 =	vadd.s32 v0, v2  }
0x58: {  	v3 =	vld [tilespmem:s19+$0x8010];
	[tilespmem:s1+$0x8020] =	vst v2;
	v5 =	vadd.s32 v0, v5  }
0x59: {  	s9 =	sadd.s32 $0x100, s9;
	v2 =	vld [tilespmem:s19+$0x8020];
	[tilespmem:s1+$0x8030] =	vst v5;
	s1 =	smov.u32 s19  }
0x5a: {  	v5 =	vld [tilespmem:s1+$0x8030];
	_ =	sdelay $0x1  }
0x5b: {  	v4 =	vadd.s32 v0, v4  }
0x5c: {  	[tilespmem:s1+$0x8000] =	vst v4;
	v3 =	vadd.s32 v0, v3  }
0x5d: {  	[tilespmem:s1+$0x8010] =	vst v3;
	v2 =	vadd.s32 v0, v2  }
0x5e: {  	[tilespmem:s1+$0x8020] =	vst v2;
	v2 =	vadd.s32 v0, v5  }
0x5f: {  	s30 =	rddreg [dreg:$0x0];
	s9 =	simm.s32 $0x8000;
	s19 =	simm.s32 $0x9B00;
	[tilespmem:s1+$0x8030] =	vst v2  }
0x60: {  	[tilespmem:s19], [sflag:$0x4] =	stream.indirect.gather [hbm4b:s30+s20], $0x20, s9, s20, $0xb8;
	[tilespmem:$0x1BB00] =	vst v63  }
0x61: {  	s9 =	simm.s32 $0x0  }
.LBB2_4:
0x62: {  	_ =	swait.ge [sflag:s25], $0x300  }
0x63: {  	[sflag:s25] =	ssyncset.done $0x0  }
0x64: {  	[sflag:s25] =	ssyncadd.s32 $0xFFFFFD00  }
0x65: {  	_ =	swait.ge [sflag:s25], $0x300  }
0x66: {  	[sflag:s25] =	ssyncset.done $0x0  }
0x67: {  	[sflag:s25] =	ssyncadd.s32 $0xFFFFFD00  }
0x68: {  	_ =	swait.ge [sflag:s25], $0x300  }
0x69: {  	[sflag:s25] =	ssyncset.done $0x0  }
0x6a: {  	s1 =	simm.s32 $0x0;
	[sflag:s25] =	ssyncadd.s32 $0xFFFFFD00  }
0x6b: {  	v4 =	vld [tilespmem:s1+$0x8300]  }
0x6c: {  	v3 =	vld [tilespmem:s1+$0x8310]  }
0x6d: {  	s19 =	simm.s32 $0x100;
	v2 =	vld [tilespmem:s1+$0x8320]  }
.LBB2_5:
0x6e: {  	p1 =	sne.s32 s19, $0xB00;
	v5 =	vld [tilespmem:s1+$0x8330];
	_ =	sdelay $0x1  }
.Ltmp3:
0x6f: {  	v4 =	vadd.s32 v0, v4;
	(pc) =	sbr.rel @p1 .LBB2_5-.Ltmp3, $4  }
0x70: {  	s24 =	sshra.s32 s19, $0x2;
	[tilespmem:s1+$0x8300] =	vst v4;
	v3 =	vadd.s32 v0, v3  }
0x71: {  	v4 =	vld [tilespmem:s24+$0x8300];
	[tilespmem:s1+$0x8310] =	vst v3;
	v2 =	vadd.s32 v0, v2  }
0x72: {  	v3 =	vld [tilespmem:s24+$0x8310];
	[tilespmem:s1+$0x8320] =	vst v2;
	v5 =	vadd.s32 v0, v5  }
0x73: {  	s19 =	sadd.s32 $0x100, s19;
	v2 =	vld [tilespmem:s24+$0x8320];
	[tilespmem:s1+$0x8330] =	vst v5;
	s1 =	smov.u32 s24  }
0x74: {  	v5 =	vld [tilespmem:s1+$0x8330];
	_ =	sdelay $0x1  }
0x75: {  	v4 =	vadd.s32 v0, v4  }
0x76: {  	[tilespmem:s1+$0x8300] =	vst v4;
	v3 =	vadd.s32 v0, v3  }
0x77: {  	[tilespmem:s1+$0x8310] =	vst v3;
	v2 =	vadd.s32 v0, v2  }
0x78: {  	[tilespmem:s1+$0x8320] =	vst v2;
	v2 =	vadd.s32 v0, v5  }
0x79: {  	s30 =	rddreg [dreg:$0x0];
	[tilespmem:s1+$0x8330] =	vst v2  }
0x7a: {  	[tilespmem:s11], [sflag:$0x5] =	stream.indirect.gather [hbm4b:s30+s20], $0x20, s31, s20, $0xb8;
	[tilespmem:$0x1BB00] =	vst v63  }
0x7b: {  	_ =	swait.ge [sflag:s16], $0x6000  }
0x7c: {  	[sflag:s16] =	ssyncset.done $0x0  }
0x7d: {  	s1 =	simm.s32 $0x9C00;
	[sflag:s16] =	ssyncadd.s32 $0xFFFFA000  }
0x7e: {  	v7 =	vld [tilespmem:s1+$0xFFFFFFA0]  }
0x7f: {  	v5 =	vld [tilespmem:s1+$0xFFFFFFF0]  }
0x80: {  	v2 =	vld [tilespmem:s1+$0xFFFFFF60]  }
0x81: {  	v8 =	vld [tilespmem:s1+$0xFFFFFFD0]  }
0x82: {  	v9 =	vld [tilespmem:s1+$0x80]  }
0x83: {  	v12 =	vld [tilespmem:s1+$0xFFFFFF10]  }
0x84: {  	v16 =	vld [tilespmem:s1+$0xE0]  }
0x85: {  	v11 =	vld [tilespmem:s1+$0xFFFFFF40]  }
0x86: {  	s19 =	simm.s32 $0x0;
	v3 =	vld [tilespmem:s1+$0xFFFFFF90]  }
0x87: {  	v4 =	vld [tilespmem:s19+$0x9200]  }
0x88: {  	v10 =	vld [tilespmem:s1+$0xFFFFFFC0]  }
0x89: {  	v13 =	vld [tilespmem:s1+$0xFFFFFF00]  }
0x8a: {  	v14 =	vld [tilespmem:s1+$0xD0]  }
0x8b: {  	v23 =	vld [tilespmem:s1+$0xC0]  }
0x8c: {  	v21 =	vld [tilespmem:s1+$0x90];
	v19 =	vbroadcast v4, $0x0;
	v6 =	vbroadcast v4, $0xF  }
0x8d: {  	v22 =	vld [tilespmem:s1+$0xFFFFFF50];
	v20 =	vbroadcast v4, $0x2;
	v18 =	vbroadcast v4, $0xE  }
0x8e: {  	v17 =	vld [tilespmem:s1+$0xB0];
	v15 =	vbroadcast v4, $0xC;
	v25 =	vmul.f32 v19, v13  }
0x8f: {  	s24 =	simm.s32 $0x9C00;
	s19 =	simm.s32 $0x40;
	v13 =	vbroadcast v4, $0xD;
	v24 =	vmul.f32 v11, v20;
	v11 =	vld [tilespmem:s1+$0x60]  }
.LBB2_7:
0x90: {  	p1 =	sne.s32 s19, $0xBC0  }
0x91: {  	[tilespmem:s1+$0xFFFFFF00] =	vst v25;
	v25 =	vld [tilespmem:s1+$0xFFFFFFB0];
	v23 =	vmul.f32 v23, v18;
	v16 =	vmul.f32 v16, v6;
	s24 =	sadd.s32 $0x200, s24;
	s28 =	smov.u32 s19;
	s19 =	sadd.s32 $0x40, s19  }
0x92: {  	[tilespmem:s1+$0xFFFFFF40] =	vst v24;
	v24 =	vbroadcast v4, $0xA;
	v21 =	vmul.f32 v21, v15;
	v26 =	vld [tilespmem:s1+$0xA0]  }
0x93: {  	v12 =	vmul.f32 v12, v19;
	v19 =	vmul.f32 v22, v20;
	v20 =	vld [tilespmem:s1+$0x70];
	[tilespmem:s1+$0xE0] =	vst v16  }
0x94: {  	v16 =	vbroadcast v4, $0x5;
	v22 =	vld [tilespmem:s1+$0xFFFFFFE0];
	v17 =	vmul.f32 v17, v13;
	[tilespmem:s1+$0xC0] =	vst v23  }
0x95: {  	v14 =	vmul.f32 v14, v18;
	[tilespmem:s1+$0xFFFFFF10] =	vst v12;
	v12 =	vbroadcast v4, $0x6;
	v23 =	vld [tilespmem:s1+$0x40]  }
0x96: {  	v27 =	vbroadcast v4, $0xB;
	v7 =	vmul.f32 v7, v16;
	v18 =	vld [tilespmem:s1+$0xFFFFFF20];
	[tilespmem:s1+$0x90] =	vst v21  }
0x97: {  	v21 =	vbroadcast v4, $0x9;
	[tilespmem:s1+$0xFFFFFF50] =	vst v19;
	v19 =	vld [tilespmem:s1+$0x20];
	v13 =	vmul.f32 v26, v13  }
0x98: {  	v16 =	vmul.f32 v25, v16;
	v25 =	vld [tilespmem:s1+$0x50];
	v20 =	vmul.f32 v20, v27;
	[tilespmem:s1+$0xD0] =	vst v14  }
0x99: {  	v9 =	vmul.f32 v9, v15;
	v14 =	vbroadcast v4, $0x7;
	v26 =	vld [tilespmem:s1+$0x30];
	[tilespmem:s1+$0xA0] =	vst v13  }
0x9a: {  	v10 =	vmul.f32 v10, v12;
	v13 =	vbroadcast v4, $0x3;
	v15 =	vld [tilespmem:s1+$0x0];
	[tilespmem:s1+$0x70] =	vst v20  }
0x9b: {  	v11 =	vmul.f32 v11, v27;
	v8 =	vmul.f32 v8, v12;
	v12 =	vld [tilespmem:s1+$0x10];
	[tilespmem:s1+$0x80] =	vst v9  }
0x9c: {  	v20 =	vbroadcast v4, $0x8;
	v23 =	vmul.f32 v23, v24;
	v9 =	vld [tilespmem:s1+$0xFFFFFF30];
	[tilespmem:s1+$0xB0] =	vst v17  }
0x9d: {  	v17 =	vbroadcast v4, $0x1;
	v27 =	vld [tilespmem:s1+$0xFFFFFF70];
	[tilespmem:s1+$0xFFFFFFD0] =	vst v8;
	v24 =	vmul.f32 v25, v24  }
0x9e: {  	v5 =	vmul.f32 v5, v14;
	v8 =	vmul.f32 v22, v14;
	[tilespmem:s1+$0xFFFFFFC0] =	vst v10;
	v10 =	vld [tilespmem:s1+$0xF0]  }
0x9f: {  	v22 =	vmul.f32 v26, v21;
	v14 =	vld [tilespmem:s1+$0xFFFFFF80];
	[tilespmem:s1+$0xFFFFFFA0] =	vst v7;
	v15 =	vmul.f32 v15, v20  }
0xa0: {  	v7 =	vld [tilespmem:s24+$0xFFFFFFA0];
	[tilespmem:s1+$0xFFFFFFF0] =	vst v5;
	v20 =	vmul.f32 v12, v20;
	v12 =	vmul.f32 v19, v21  }
0xa1: {  	v5 =	vmul.f32 v18, v17;
	v17 =	vmul.f32 v9, v17;
	[tilespmem:s1+$0x60] =	vst v11  }
0xa2: {  	v2 =	vmul.f32 v2, v13;
	v9 =	vmul.f32 v27, v13;
	[tilespmem:s1+$0xFFFFFFB0] =	vst v16  }
0xa3: {  	v4 =	vbroadcast v4, $0x4;
	[tilespmem:s1+$0xFFFFFF20] =	vst v5;
	v5 =	vmul.f32 v10, v6  }
0xa4: {  	[tilespmem:s1+$0xFFFFFF60] =	vst v2  }
0xa5: {  	v6 =	vmul.f32 v14, v4;
	v2 =	vmul.f32 v3, v4;
	[tilespmem:s1+$0x40] =	vst v23  }
0xa6: {  	[tilespmem:s1+$0xFFFFFFE0] =	vst v8  }
0xa7: {  	[tilespmem:s1+$0xF0] =	vst v5  }
0xa8: {  	[tilespmem:s1+$0xFFFFFF90] =	vst v2  }
0xa9: {  	v5 =	vld [tilespmem:s24+$0xFFFFFFF0];
	[tilespmem:s1+$0xFFFFFF70] =	vst v9  }
0xaa: {  	v2 =	vld [tilespmem:s24+$0xFFFFFF60];
	[tilespmem:s1+$0x20] =	vst v12  }
0xab: {  	v8 =	vld [tilespmem:s24+$0xFFFFFFD0];
	[tilespmem:s1+$0x30] =	vst v22  }
0xac: {  	v9 =	vld [tilespmem:s24+$0x80];
	[tilespmem:s1+$0xFFFFFF80] =	vst v6  }
0xad: {  	v12 =	vld [tilespmem:s24+$0xFFFFFF10];
	[tilespmem:s1+$0x50] =	vst v24  }
0xae: {  	v16 =	vld [tilespmem:s24+$0xE0];
	[tilespmem:s1+$0x0] =	vst v15  }
0xaf: {  	v11 =	vld [tilespmem:s24+$0xFFFFFF40];
	[tilespmem:s1+$0xFFFFFF30] =	vst v17  }
0xb0: {  	s28 =	sshra.s32 s28, $0x2;
	v3 =	vld [tilespmem:s24+$0xFFFFFF90];
	[tilespmem:s1+$0x10] =	vst v20;
	s1 =	smov.u32 s24  }
0xb1: {  	v4 =	vld [tilespmem:s28+$0x9200]  }
0xb2: {  	v10 =	vld [tilespmem:s24+$0xFFFFFFC0]  }
0xb3: {  	v13 =	vld [tilespmem:s24+$0xFFFFFF00]  }
0xb4: {  	v14 =	vld [tilespmem:s24+$0xD0]  }
.Ltmp4:
0xb5: {  	v23 =	vld [tilespmem:s24+$0xC0];
	(pc) =	sbr.rel @p1 .LBB2_7-.Ltmp4, $4  }
0xb6: {  	v19 =	vbroadcast v4, $0x0;
	v21 =	vld [tilespmem:s24+$0x90];
	v6 =	vbroadcast v4, $0xF  }
0xb7: {  	v20 =	vbroadcast v4, $0x2;
	v18 =	vbroadcast v4, $0xE;
	v22 =	vld [tilespmem:s24+$0xFFFFFF50]  }
0xb8: {  	v25 =	vmul.f32 v19, v13;
	v13 =	vbroadcast v4, $0xD;
	v17 =	vld [tilespmem:s24+$0xB0]  }
0xb9: {  	v15 =	vbroadcast v4, $0xC;
	v24 =	vmul.f32 v11, v20;
	v11 =	vld [tilespmem:s24+$0x60]  }
0xba: {  	[tilespmem:s1+$0xFFFFFF00] =	vst v25;
	v16 =	vmul.f32 v16, v6  }
0xbb: {  	v23 =	vmul.f32 v23, v18;
	[tilespmem:s1+$0xFFFFFF40] =	vst v24  }
0xbc: {  	v12 =	vmul.f32 v12, v19;
	[tilespmem:s1+$0xE0] =	vst v16  }
0xbd: {  	v42 =	vmul.f32 v14, v18;
	[tilespmem:s1+$0xC0] =	vst v23  }
0xbe: {  	v40 =	vmul.f32 v21, v15;
	[tilespmem:s1+$0xFFFFFF10] =	vst v12  }
0xbf: {  	v48 =	vbroadcast v4, $0x6;
	v9 =	vmul.f32 v9, v15;
	[tilespmem:s1+$0xD0] =	vst v42  }
0xc0: {  	v20 =	vmul.f32 v22, v20;
	[tilespmem:s1+$0x90] =	vst v40  }
0xc1: {  	v52 =	vbroadcast v4, $0x5;
	v8 =	vmul.f32 v8, v48;
	[tilespmem:s1+$0x80] =	vst v9  }
0xc2: {  	v54 =	vbroadcast v4, $0x7;
	v10 =	vmul.f32 v10, v48;
	[tilespmem:s1+$0xFFFFFF50] =	vst v20  }
0xc3: {  	v60 =	vbroadcast v4, $0x3;
	v7 =	vmul.f32 v7, v52;
	[tilespmem:s1+$0xFFFFFFD0] =	vst v8  }
0xc4: {  	v38 =	vld [tilespmem:s1+$0xA0];
	v63 =	vbroadcast v4, $0x4;
	v5 =	vmul.f32 v5, v54;
	[tilespmem:s1+$0xFFFFFFC0] =	vst v10  }
0xc5: {  	v39 =	vld [tilespmem:s1+$0x70];
	v2 =	vmul.f32 v2, v60;
	[tilespmem:s1+$0xFFFFFFA0] =	vst v7  }
0xc6: {  	v41 =	vld [tilespmem:s1+$0xFFFFFFB0];
	v44 =	vbroadcast v4, $0xB;
	v3 =	vmul.f32 v3, v63;
	[tilespmem:s1+$0xFFFFFFF0] =	vst v5  }
0xc7: {  	v43 =	vld [tilespmem:s1+$0xFFFFFF20];
	v50 =	vmul.f32 v17, v13;
	[tilespmem:s1+$0xFFFFFF60] =	vst v2  }
0xc8: {  	v45 =	vld [tilespmem:s1+$0xFFFFFFE0];
	v11 =	vmul.f32 v11, v44;
	[tilespmem:s1+$0xFFFFFF90] =	vst v3  }
0xc9: {  	v61 =	vld [tilespmem:s1+$0xF0];
	v46 =	vmul.f32 v38, v13;
	[tilespmem:s1+$0xB0] =	vst v50  }
0xca: {  	v47 =	vld [tilespmem:s1+$0x40];
	v59 =	vbroadcast v4, $0x1;
	v19 =	vmul.f32 v39, v44;
	[tilespmem:s1+$0x60] =	vst v11  }
0xcb: {  	v51 =	vld [tilespmem:s1+$0x20];
	v7 =	vmul.f32 v41, v52;
	[tilespmem:s1+$0xA0] =	vst v46  }
0xcc: {  	v53 =	vld [tilespmem:s1+$0x30];
	v14 =	vmul.f32 v43, v59;
	[tilespmem:s1+$0x70] =	vst v19  }
0xcd: {  	v57 =	vld [tilespmem:s1+$0xFFFFFF80];
	v5 =	vbroadcast v4, $0xA;
	v9 =	vmul.f32 v45, v54;
	[tilespmem:s1+$0xFFFFFFB0] =	vst v7  }
0xce: {  	v56 =	vld [tilespmem:s1+$0xFFFFFF70];
	v2 =	vmul.f32 v61, v6;
	v6 =	vbroadcast v4, $0x9;
	[tilespmem:s1+$0xFFFFFF20] =	vst v14  }
0xcf: {  	v49 =	vld [tilespmem:s1+$0x50];
	v7 =	vmul.f32 v47, v5;
	[tilespmem:s1+$0xFFFFFFE0] =	vst v9  }
0xd0: {  	v55 =	vld [tilespmem:s1+$0x0];
	[tilespmem:s1+$0xF0] =	vst v2;
	v2 =	vmul.f32 v51, v6  }
0xd1: {  	v62 =	vld [tilespmem:s1+$0xFFFFFF30];
	v3 =	vmul.f32 v53, v6;
	[tilespmem:s1+$0x40] =	vst v7  }
0xd2: {  	v58 =	vld [tilespmem:s1+$0x10];
	v6 =	vmul.f32 v57, v63;
	[tilespmem:s1+$0x20] =	vst v2  }
0xd3: {  	v4 =	vbroadcast v4, $0x8;
	v7 =	vmul.f32 v56, v60;
	[tilespmem:s1+$0x30] =	vst v3  }
0xd4: {  	v2 =	vmul.f32 v49, v5;
	[tilespmem:s1+$0xFFFFFF80] =	vst v6  }
0xd5: {  	v3 =	vmul.f32 v55, v4;
	[tilespmem:s1+$0xFFFFFF70] =	vst v7  }
0xd6: {  	v5 =	vmul.f32 v62, v59;
	[tilespmem:s1+$0x50] =	vst v2  }
0xd7: {  	s19 =	smul.u32 $0x3, s9;
	v2 =	vmul.f32 v58, v4;
	[tilespmem:s1+$0x0] =	vst v3  }
0xd8: {  	s29 =	simm.s32 $0x8900;
	p1 =	seq.s32 s9, $0x0;
	[tilespmem:s1+$0xFFFFFF30] =	vst v5  }
0xd9: {  	s24 =	simm.s32 $0x9B00;
	s28 =	sadd.s32 $0x2, s19;
	[tilespmem:s1+$0x10] =	vst v2;
	s1 =	simm.s32 @!p1 $0x9  }
0xda: {  	[spmem:s3] =	stream.indirect.scatter.add.f32 [tilespmem:s24], [sflag:$0x7], $0x20, s29, s20, $0xb8;
	[tilespmem:$0x1BB00] =	vst v63  }
0xdb: {  	p2 =	sne.s32 @!p0 s28, $0xDA;
	_ =	swait.ge @!p1 [sflag:s1], $0x6000  }
0xdc: {  	p2 =	por p0, p2;
	[sflag:s1] =	ssyncset.done @!p1 $0x0  }
0xdd: {  	[sflag:s1] =	ssyncadd.s32 @!p1 $0xFFFFA000;
	s1 =	smov.u32 @!p2 s10  }
0xde: {  	[tilespmem:s17], [sflag:$0x3] =	stream.linear.gather @!p2 [hbm4b:s7+s4], $0x300, $0x38;
	[tilespmem:$0x1BB00] =	vst v63  }
0xdf: {  	s1 =	smul.u32 @p2 $0x300, s28  }
0xe0: {  	[tilespmem:s18], [sflag:$0x3] =	stream.linear.gather @!p2 [hbm4b:s8+s4], $0x300, $0x38;
	[tilespmem:$0x1BB00] =	vst v63  }
0xe1: {  	s1 =	smin.u32 @p2 s1, $0x28C60  }
0xe2: {  	s1 =	sadd.s32 @p2 s12, s1  }
0xe3: {  	s1 =	sshrl.u32 @p2 s1, $0x3  }
0xe4: {  	s24 =	sadd.s32 @p2 s5, s1  }
0xe5: {  	[tilespmem:s17], [sflag:$0x3] =	stream.linear.gather @p2 [hbm4b:s24+s4], $0x300, $0x38;
	[tilespmem:$0x1BB00] =	vst v63  }
0xe6: {  	s24 =	sadd.s32 @p2 s6, s1  }
0xe7: {  	[tilespmem:s18], [sflag:$0x3] =	stream.linear.gather @p2 [hbm4b:s24+s4], $0x300, $0x38;
	[tilespmem:$0x1BB00] =	vst v63  }
0xe8: {  	s24 =	rddreg @p2 [dreg:$0x2]  }
0xe9: {  	s30 =	simm.s32 $0x0;
	s29 =	simm.s32 $0x9800;
	s1 =	sadd.s32 @p2 s24, s1  }
0xea: {  	[tilespmem:s29], [sflag:$0x3] =	stream.linear.gather [hbm4b:s1+s30], $0x300, $0x38;
	[tilespmem:$0x1BB00] =	vst v63  }
0xeb: {  	_ =	swait.ge [sflag:s22], $0x300  }
0xec: {  	[sflag:s22] =	ssyncset.done $0x0  }
0xed: {  	[sflag:s22] =	ssyncadd.s32 $0xFFFFFD00  }
0xee: {  	_ =	swait.ge [sflag:s22], $0x300  }
0xef: {  	[sflag:s22] =	ssyncset.done $0x0  }
0xf0: {  	[sflag:s22] =	ssyncadd.s32 $0xFFFFFD00  }
0xf1: {  	_ =	swait.ge [sflag:s22], $0x300  }
0xf2: {  	[sflag:s22] =	ssyncset.done $0x0  }
0xf3: {  	s1 =	simm.s32 $0x0;
	[sflag:s22] =	ssyncadd.s32 $0xFFFFFD00  }
0xf4: {  	v4 =	vld [tilespmem:s1+$0x8600]  }
0xf5: {  	v3 =	vld [tilespmem:s1+$0x8610]  }
0xf6: {  	s24 =	simm.s32 $0x100;
	v2 =	vld [tilespmem:s1+$0x8620]  }
.LBB2_9:
0xf7: {  	p1 =	sne.s32 s24, $0xB00;
	v5 =	vld [tilespmem:s1+$0x8630];
	_ =	sdelay $0x1  }
.Ltmp5:
0xf8: {  	v4 =	vadd.s32 v0, v4;
	(pc) =	sbr.rel @p1 .LBB2_9-.Ltmp5, $4  }
0xf9: {  	s29 =	sshra.s32 s24, $0x2;
	[tilespmem:s1+$0x8600] =	vst v4;
	v3 =	vadd.s32 v0, v3  }
0xfa: {  	v4 =	vld [tilespmem:s29+$0x8600];
	[tilespmem:s1+$0x8610] =	vst v3;
	v2 =	vadd.s32 v0, v2  }
0xfb: {  	v3 =	vld [tilespmem:s29+$0x8610];
	[tilespmem:s1+$0x8620] =	vst v2;
	v5 =	vadd.s32 v0, v5  }
0xfc: {  	s24 =	sadd.s32 $0x100, s24;
	v2 =	vld [tilespmem:s29+$0x8620];
	[tilespmem:s1+$0x8630] =	vst v5;
	s1 =	smov.u32 s29  }
0xfd: {  	v5 =	vld [tilespmem:s1+$0x8630];
	_ =	sdelay $0x1  }
0xfe: {  	v4 =	vadd.s32 v0, v4  }
0xff: {  	[tilespmem:s1+$0x8600] =	vst v4;
	v3 =	vadd.s32 v0, v3  }
0x100: {  	[tilespmem:s1+$0x8610] =	vst v3;
	v2 =	vadd.s32 v0, v2  }
0x101: {  	[tilespmem:s1+$0x8620] =	vst v2;
	v2 =	vadd.s32 v0, v5  }
0x102: {  	s30 =	rddreg [dreg:$0x0];
	[tilespmem:s1+$0x8630] =	vst v2  }
0x103: {  	[tilespmem:s23], [sflag:$0x6] =	stream.indirect.gather [hbm4b:s30+s20], $0x20, s17, s20, $0xb8;
	[tilespmem:$0x1BB00] =	vst v63  }
0x104: {  	_ =	swait.ge [sflag:s15], $0x6000  }
0x105: {  	[sflag:s15] =	ssyncset.done $0x0  }
0x106: {  	s1 =	simm.s32 $0xFC00;
	[sflag:s15] =	ssyncadd.s32 $0xFFFFA000  }
0x107: {  	v7 =	vld [tilespmem:s1+$0xFFFFFFA0]  }
0x108: {  	v5 =	vld [tilespmem:s1+$0xFFFFFFF0]  }
0x109: {  	v2 =	vld [tilespmem:s1+$0xFFFFFF60]  }
0x10a: {  	v8 =	vld [tilespmem:s1+$0xFFFFFFD0]  }
0x10b: {  	v9 =	vld [tilespmem:s1+$0x80]  }
0x10c: {  	v12 =	vld [tilespmem:s1+$0xFFFFFF10]  }
0x10d: {  	v16 =	vld [tilespmem:s1+$0xE0]  }
0x10e: {  	v11 =	vld [tilespmem:s1+$0xFFFFFF40]  }
0x10f: {  	s24 =	simm.s32 $0x0;
	v3 =	vld [tilespmem:s1+$0xFFFFFF90]  }
0x110: {  	v4 =	vld [tilespmem:s24+$0x9500]  }
0x111: {  	v10 =	vld [tilespmem:s1+$0xFFFFFFC0]  }
0x112: {  	v13 =	vld [tilespmem:s1+$0xFFFFFF00]  }
0x113: {  	v14 =	vld [tilespmem:s1+$0xD0]  }
0x114: {  	v23 =	vld [tilespmem:s1+$0xC0]  }
0x115: {  	v21 =	vld [tilespmem:s1+$0x90];
	v19 =	vbroadcast v4, $0x0;
	v6 =	vbroadcast v4, $0xF  }
0x116: {  	v22 =	vld [tilespmem:s1+$0xFFFFFF50];
	v20 =	vbroadcast v4, $0x2;
	v18 =	vbroadcast v4, $0xE  }
0x117: {  	v17 =	vld [tilespmem:s1+$0xB0];
	v15 =	vbroadcast v4, $0xC;
	v25 =	vmul.f32 v19, v13  }
0x118: {  	s29 =	simm.s32 $0x40;
	s24 =	simm.s32 $0xFC00;
	v13 =	vbroadcast v4, $0xD;
	v24 =	vmul.f32 v11, v20;
	v11 =	vld [tilespmem:s1+$0x60]  }
.LBB2_11:
0x119: {  	p1 =	sne.s32 s29, $0xBC0  }
0x11a: {  	[tilespmem:s1+$0xFFFFFF00] =	vst v25;
	v25 =	vld [tilespmem:s1+$0xFFFFFFB0];
	v23 =	vmul.f32 v23, v18;
	v16 =	vmul.f32 v16, v6;
	s24 =	sadd.s32 $0x200, s24;
	s30 =	smov.u32 s29;
	s29 =	sadd.s32 $0x40, s29  }
0x11b: {  	[tilespmem:s1+$0xFFFFFF40] =	vst v24;
	v24 =	vbroadcast v4, $0xA;
	v21 =	vmul.f32 v21, v15;
	v26 =	vld [tilespmem:s1+$0xA0]  }
0x11c: {  	v12 =	vmul.f32 v12, v19;
	v19 =	vmul.f32 v22, v20;
	v20 =	vld [tilespmem:s1+$0x70];
	[tilespmem:s1+$0xE0] =	vst v16  }
0x11d: {  	v16 =	vbroadcast v4, $0x5;
	v22 =	vld [tilespmem:s1+$0xFFFFFFE0];
	v17 =	vmul.f32 v17, v13;
	[tilespmem:s1+$0xC0] =	vst v23  }
0x11e: {  	v14 =	vmul.f32 v14, v18;
	[tilespmem:s1+$0xFFFFFF10] =	vst v12;
	v12 =	vbroadcast v4, $0x6;
	v23 =	vld [tilespmem:s1+$0x40]  }
0x11f: {  	v27 =	vbroadcast v4, $0xB;
	v7 =	vmul.f32 v7, v16;
	v18 =	vld [tilespmem:s1+$0xFFFFFF20];
	[tilespmem:s1+$0x90] =	vst v21  }
0x120: {  	v21 =	vbroadcast v4, $0x9;
	[tilespmem:s1+$0xFFFFFF50] =	vst v19;
	v19 =	vld [tilespmem:s1+$0x20];
	v13 =	vmul.f32 v26, v13  }
0x121: {  	v16 =	vmul.f32 v25, v16;
	v25 =	vld [tilespmem:s1+$0x50];
	v20 =	vmul.f32 v20, v27;
	[tilespmem:s1+$0xD0] =	vst v14  }
0x122: {  	v9 =	vmul.f32 v9, v15;
	v14 =	vbroadcast v4, $0x7;
	v26 =	vld [tilespmem:s1+$0x30];
	[tilespmem:s1+$0xA0] =	vst v13  }
0x123: {  	v10 =	vmul.f32 v10, v12;
	v13 =	vbroadcast v4, $0x3;
	v15 =	vld [tilespmem:s1+$0x0];
	[tilespmem:s1+$0x70] =	vst v20  }
0x124: {  	v11 =	vmul.f32 v11, v27;
	v8 =	vmul.f32 v8, v12;
	v12 =	vld [tilespmem:s1+$0x10];
	[tilespmem:s1+$0x80] =	vst v9  }
0x125: {  	v20 =	vbroadcast v4, $0x8;
	v23 =	vmul.f32 v23, v24;
	v9 =	vld [tilespmem:s1+$0xFFFFFF30];
	[tilespmem:s1+$0xB0] =	vst v17  }
0x126: {  	v17 =	vbroadcast v4, $0x1;
	v27 =	vld [tilespmem:s1+$0xFFFFFF70];
	[tilespmem:s1+$0xFFFFFFD0] =	vst v8;
	v24 =	vmul.f32 v25, v24  }
0x127: {  	v5 =	vmul.f32 v5, v14;
	v8 =	vmul.f32 v22, v14;
	[tilespmem:s1+$0xFFFFFFC0] =	vst v10;
	v10 =	vld [tilespmem:s1+$0xF0]  }
0x128: {  	v22 =	vmul.f32 v26, v21;
	v14 =	vld [tilespmem:s1+$0xFFFFFF80];
	[tilespmem:s1+$0xFFFFFFA0] =	vst v7;
	v15 =	vmul.f32 v15, v20  }
0x129: {  	v7 =	vld [tilespmem:s24+$0xFFFFFFA0];
	[tilespmem:s1+$0xFFFFFFF0] =	vst v5;
	v20 =	vmul.f32 v12, v20;
	v12 =	vmul.f32 v19, v21  }
0x12a: {  	v5 =	vmul.f32 v18, v17;
	v17 =	vmul.f32 v9, v17;
	[tilespmem:s1+$0x60] =	vst v11  }
0x12b: {  	v2 =	vmul.f32 v2, v13;
	v9 =	vmul.f32 v27, v13;
	[tilespmem:s1+$0xFFFFFFB0] =	vst v16  }
0x12c: {  	v4 =	vbroadcast v4, $0x4;
	[tilespmem:s1+$0xFFFFFF20] =	vst v5;
	v5 =	vmul.f32 v10, v6  }
0x12d: {  	[tilespmem:s1+$0xFFFFFF60] =	vst v2  }
0x12e: {  	v6 =	vmul.f32 v14, v4;
	v2 =	vmul.f32 v3, v4;
	[tilespmem:s1+$0x40] =	vst v23  }
0x12f: {  	[tilespmem:s1+$0xFFFFFFE0] =	vst v8  }
0x130: {  	[tilespmem:s1+$0xF0] =	vst v5  }
0x131: {  	[tilespmem:s1+$0xFFFFFF90] =	vst v2  }
0x132: {  	v5 =	vld [tilespmem:s24+$0xFFFFFFF0];
	[tilespmem:s1+$0xFFFFFF70] =	vst v9  }
0x133: {  	v2 =	vld [tilespmem:s24+$0xFFFFFF60];
	[tilespmem:s1+$0x20] =	vst v12  }
0x134: {  	v8 =	vld [tilespmem:s24+$0xFFFFFFD0];
	[tilespmem:s1+$0x30] =	vst v22  }
0x135: {  	v9 =	vld [tilespmem:s24+$0x80];
	[tilespmem:s1+$0xFFFFFF80] =	vst v6  }
0x136: {  	v12 =	vld [tilespmem:s24+$0xFFFFFF10];
	[tilespmem:s1+$0x50] =	vst v24  }
0x137: {  	v16 =	vld [tilespmem:s24+$0xE0];
	[tilespmem:s1+$0x0] =	vst v15  }
0x138: {  	v11 =	vld [tilespmem:s24+$0xFFFFFF40];
	[tilespmem:s1+$0xFFFFFF30] =	vst v17  }
0x139: {  	s30 =	sshra.s32 s30, $0x2;
	v3 =	vld [tilespmem:s24+$0xFFFFFF90];
	[tilespmem:s1+$0x10] =	vst v20;
	s1 =	smov.u32 s24  }
0x13a: {  	v4 =	vld [tilespmem:s30+$0x9500]  }
0x13b: {  	v10 =	vld [tilespmem:s24+$0xFFFFFFC0]  }
0x13c: {  	v13 =	vld [tilespmem:s24+$0xFFFFFF00]  }
0x13d: {  	v14 =	vld [tilespmem:s24+$0xD0]  }
.Ltmp6:
0x13e: {  	v23 =	vld [tilespmem:s24+$0xC0];
	(pc) =	sbr.rel @p1 .LBB2_11-.Ltmp6, $4  }
0x13f: {  	v19 =	vbroadcast v4, $0x0;
	v21 =	vld [tilespmem:s24+$0x90];
	v6 =	vbroadcast v4, $0xF  }
0x140: {  	v20 =	vbroadcast v4, $0x2;
	v18 =	vbroadcast v4, $0xE;
	v22 =	vld [tilespmem:s24+$0xFFFFFF50]  }
0x141: {  	v25 =	vmul.f32 v19, v13;
	v13 =	vbroadcast v4, $0xD;
	v17 =	vld [tilespmem:s24+$0xB0]  }
0x142: {  	v15 =	vbroadcast v4, $0xC;
	v24 =	vmul.f32 v11, v20;
	v11 =	vld [tilespmem:s24+$0x60]  }
0x143: {  	[tilespmem:s1+$0xFFFFFF00] =	vst v25;
	v16 =	vmul.f32 v16, v6  }
0x144: {  	v23 =	vmul.f32 v23, v18;
	[tilespmem:s1+$0xFFFFFF40] =	vst v24  }
0x145: {  	v12 =	vmul.f32 v12, v19;
	[tilespmem:s1+$0xE0] =	vst v16  }
0x146: {  	v34 =	vmul.f32 v14, v18;
	[tilespmem:s1+$0xC0] =	vst v23  }
0x147: {  	v32 =	vmul.f32 v21, v15;
	[tilespmem:s1+$0xFFFFFF10] =	vst v12  }
0x148: {  	v40 =	vbroadcast v4, $0x6;
	v9 =	vmul.f32 v9, v15;
	[tilespmem:s1+$0xD0] =	vst v34  }
0x149: {  	v20 =	vmul.f32 v22, v20;
	[tilespmem:s1+$0x90] =	vst v32  }
0x14a: {  	v44 =	vbroadcast v4, $0x5;
	v8 =	vmul.f32 v8, v40;
	[tilespmem:s1+$0x80] =	vst v9  }
0x14b: {  	v46 =	vbroadcast v4, $0x7;
	v10 =	vmul.f32 v10, v40;
	[tilespmem:s1+$0xFFFFFF50] =	vst v20  }
0x14c: {  	v53 =	vbroadcast v4, $0x3;
	v7 =	vmul.f32 v7, v44;
	[tilespmem:s1+$0xFFFFFFD0] =	vst v8  }
0x14d: {  	v30 =	vld [tilespmem:s1+$0xA0];
	v58 =	vbroadcast v4, $0x4;
	v5 =	vmul.f32 v5, v46;
	[tilespmem:s1+$0xFFFFFFC0] =	vst v10  }
0x14e: {  	v31 =	vld [tilespmem:s1+$0x70];
	v2 =	vmul.f32 v2, v53;
	[tilespmem:s1+$0xFFFFFFA0] =	vst v7  }
0x14f: {  	v33 =	vld [tilespmem:s1+$0xFFFFFFB0];
	v36 =	vbroadcast v4, $0xB;
	v3 =	vmul.f32 v3, v58;
	[tilespmem:s1+$0xFFFFFFF0] =	vst v5  }
0x150: {  	v35 =	vld [tilespmem:s1+$0xFFFFFF20];
	v42 =	vmul.f32 v17, v13;
	[tilespmem:s1+$0xFFFFFF60] =	vst v2  }
0x151: {  	v39 =	vld [tilespmem:s1+$0x40];
	v11 =	vmul.f32 v11, v36;
	[tilespmem:s1+$0xFFFFFF90] =	vst v3  }
0x152: {  	v37 =	vld [tilespmem:s1+$0xFFFFFFE0];
	v38 =	vmul.f32 v30, v13;
	[tilespmem:s1+$0xB0] =	vst v42  }
0x153: {  	v51 =	vbroadcast v4, $0x1;
	v54 =	vld [tilespmem:s1+$0xF0];
	v19 =	vmul.f32 v31, v36;
	[tilespmem:s1+$0x60] =	vst v11  }
0x154: {  	v48 =	vld [tilespmem:s1+$0xFFFFFF70];
	v55 =	vbroadcast v4, $0xA;
	v52 =	vmul.f32 v33, v44;
	[tilespmem:s1+$0xA0] =	vst v38  }
0x155: {  	v45 =	vld [tilespmem:s1+$0x30];
	v14 =	vmul.f32 v35, v51;
	[tilespmem:s1+$0x70] =	vst v19  }
0x156: {  	v49 =	vld [tilespmem:s1+$0xFFFFFF80];
	v57 =	vmul.f32 v39, v55;
	[tilespmem:s1+$0xFFFFFFB0] =	vst v52  }
0x157: {  	v43 =	vld [tilespmem:s1+$0x20];
	v9 =	vmul.f32 v37, v46;
	[tilespmem:s1+$0xFFFFFF20] =	vst v14  }
0x158: {  	v56 =	vld [tilespmem:s1+$0xFFFFFF30];
	v59 =	vbroadcast v4, $0x9;
	v2 =	vmul.f32 v54, v6;
	[tilespmem:s1+$0x40] =	vst v57  }
0x159: {  	v41 =	vld [tilespmem:s1+$0x50];
	v60 =	vmul.f32 v48, v53;
	[tilespmem:s1+$0xFFFFFFE0] =	vst v9  }
0x15a: {  	v47 =	vld [tilespmem:s1+$0x0];
	v3 =	vmul.f32 v45, v59;
	[tilespmem:s1+$0xF0] =	vst v2  }
0x15b: {  	v50 =	vld [tilespmem:s1+$0x10];
	v62 =	vmul.f32 v49, v58;
	[tilespmem:s1+$0xFFFFFF70] =	vst v60  }
0x15c: {  	v2 =	vmul.f32 v43, v59;
	[tilespmem:s1+$0x30] =	vst v3  }
0x15d: {  	v61 =	vbroadcast v4, $0x8;
	v63 =	vmul.f32 v56, v51;
	[tilespmem:s1+$0xFFFFFF80] =	vst v62  }
0x15e: {  	p1 =	seq.s32 s9, $0x48;
	[tilespmem:s1+$0x20] =	vst v2;
	v2 =	vmul.f32 v41, v55  }
.Ltmp7:
0x15f: {  	v3 =	vmul.f32 v47, v61;
	[tilespmem:s1+$0xFFFFFF30] =	vst v63;
	(pc) =	sbr.rel @p1 .LBB2_16-.Ltmp7, $4  }
0x160: {  	[tilespmem:s1+$0x50] =	vst v2;
	v2 =	vmul.f32 v50, v61  }
0x161: {  	[tilespmem:s1+$0x0] =	vst v3  }
0x162: {  	[tilespmem:s1+$0x10] =	vst v2  }
0x163: {  	[spmem:s3] =	stream.indirect.scatter.add.f32 [tilespmem:s11], [sflag:$0x8], $0x20, s0, s20, $0xb8;
	[tilespmem:$0x1BB00] =	vst v63  }
0x164: {  	s1 =	sadd.s32 $0x3, s19;
	s24 =	simm.s32 $0x7  }
0x165: {  	_ =	swait.ge [sflag:s24], $0x6000;
	p2 =	sne.s32 @!p0 s1, $0xDA  }
0x166: {  	[sflag:s24] =	ssyncset.done $0x0;
	p2 =	por p0, p2  }
0x167: {  	[sflag:s24] =	ssyncadd.s32 $0xFFFFA000;
	s1 =	simm.s32 @!p2 $0x8000  }
0x168: {  	[tilespmem:s1], [sflag:$0x1] =	stream.linear.gather @!p2 [hbm4b:s7+s4], $0x300, $0x38;
	[tilespmem:$0x1BB00] =	vst v63  }
0x169: {  	s1 =	simm.s32 @!p2 $0x8900  }
0x16a: {  	[tilespmem:s1], [sflag:$0x1] =	stream.linear.gather @!p2 [hbm4b:s8+s4], $0x300, $0x38;
	[tilespmem:$0x1BB00] =	vst v63  }
0x16b: {  	s1 =	smov.u32 @!p2 s10  }
0x16c: {  	s1 =	smul.u32 @p2 $0x300, s1;
	_ =	sdelay $0x1  }
0x16d: {  	s1 =	smin.u32 @p2 s1, $0x28C60  }
0x16e: {  	s1 =	sadd.s32 @p2 s12, s1  }
0x16f: {  	s1 =	sshrl.u32 @p2 s1, $0x3  }
0x170: {  	s29 =	simm.s32 @p2 $0x8000;
	s24 =	sadd.s32 @p2 s5, s1  }
0x171: {  	[tilespmem:s29], [sflag:$0x1] =	stream.linear.gather @p2 [hbm4b:s24+s4], $0x300, $0x38;
	[tilespmem:$0x1BB00] =	vst v63  }
0x172: {  	s24 =	sadd.s32 @p2 s6, s1;
	s29 =	simm.s32 @p2 $0x8900  }
0x173: {  	[tilespmem:s29], [sflag:$0x1] =	stream.linear.gather @p2 [hbm4b:s24+s4], $0x300, $0x38;
	[tilespmem:$0x1BB00] =	vst v63  }
0x174: {  	s24 =	rddreg @p2 [dreg:$0x2]  }
0x175: {  	s30 =	simm.s32 $0x9200;
	s1 =	sadd.s32 @p2 s24, s1;
	s24 =	simm.s32 $0x0  }
0x176: {  	[tilespmem:s30], [sflag:$0x1] =	stream.linear.gather [hbm4b:s1+s24], $0x300, $0x38;
	[tilespmem:$0x1BB00] =	vst v63  }
0x177: {  	_ =	swait.ge [sflag:s14], $0x300  }
0x178: {  	[sflag:s14] =	ssyncset.done $0x0  }
0x179: {  	[sflag:s14] =	ssyncadd.s32 $0xFFFFFD00  }
0x17a: {  	_ =	swait.ge [sflag:s14], $0x300  }
0x17b: {  	[sflag:s14] =	ssyncset.done $0x0  }
0x17c: {  	[sflag:s14] =	ssyncadd.s32 $0xFFFFFD00  }
0x17d: {  	_ =	swait.ge [sflag:s14], $0x300  }
0x17e: {  	[sflag:s14] =	ssyncset.done $0x0  }
0x17f: {  	s1 =	simm.s32 $0x0;
	[sflag:s14] =	ssyncadd.s32 $0xFFFFFD00  }
0x180: {  	v4 =	vld [tilespmem:s1+$0x8000]  }
0x181: {  	v3 =	vld [tilespmem:s1+$0x8010]  }
0x182: {  	s24 =	simm.s32 $0x100;
	v2 =	vld [tilespmem:s1+$0x8020]  }
.LBB2_14:
0x183: {  	p2 =	sne.s32 s24, $0xB00;
	v5 =	vld [tilespmem:s1+$0x8030];
	_ =	sdelay $0x1  }
.Ltmp8:
0x184: {  	v4 =	vadd.s32 v0, v4;
	(pc) =	sbr.rel @p2 .LBB2_14-.Ltmp8, $4  }
0x185: {  	s29 =	sshra.s32 s24, $0x2;
	[tilespmem:s1+$0x8000] =	vst v4;
	v3 =	vadd.s32 v0, v3  }
0x186: {  	v4 =	vld [tilespmem:s29+$0x8000];
	[tilespmem:s1+$0x8010] =	vst v3;
	v2 =	vadd.s32 v0, v2  }
0x187: {  	v3 =	vld [tilespmem:s29+$0x8010];
	[tilespmem:s1+$0x8020] =	vst v2;
	v5 =	vadd.s32 v0, v5  }
0x188: {  	s24 =	sadd.s32 $0x100, s24;
	v2 =	vld [tilespmem:s29+$0x8020];
	[tilespmem:s1+$0x8030] =	vst v5;
	s1 =	smov.u32 s29  }
0x189: {  	v5 =	vld [tilespmem:s1+$0x8030];
	_ =	sdelay $0x1  }
0x18a: {  	v4 =	vadd.s32 v0, v4  }
0x18b: {  	[tilespmem:s1+$0x8000] =	vst v4;
	v3 =	vadd.s32 v0, v3  }
0x18c: {  	[tilespmem:s1+$0x8010] =	vst v3;
	v2 =	vadd.s32 v0, v2  }
0x18d: {  	[tilespmem:s1+$0x8020] =	vst v2;
	v2 =	vadd.s32 v0, v5  }
0x18e: {  	s30 =	rddreg [dreg:$0x0];
	s24 =	simm.s32 $0x8000;
	s29 =	simm.s32 $0x9B00;
	[tilespmem:s1+$0x8030] =	vst v2  }
0x18f: {  	[tilespmem:s29], [sflag:$0x4] =	stream.indirect.gather [hbm4b:s30+s20], $0x20, s24, s20, $0xb8;
	[tilespmem:$0x1BB00] =	vst v63  }
.LBB2_16:
0x190: {  	_ =	swait.ge [sflag:s26], $0x6000  }
0x191: {  	[sflag:s26] =	ssyncset.done $0x0  }
0x192: {  	s1 =	simm.s32 $0x15C00;
	[sflag:s26] =	ssyncadd.s32 $0xFFFFA000  }
0x193: {  	v7 =	vld [tilespmem:s1+$0xF0]  }
0x194: {  	v8 =	vld [tilespmem:s1+$0xFFFFFFF0]  }
0x195: {  	v2 =	vld [tilespmem:s1+$0x0]  }
0x196: {  	v3 =	vld [tilespmem:s1+$0xFFFFFF30]  }
0x197: {  	v4 =	vld [tilespmem:s1+$0xFFFFFFE0]  }
0x198: {  	v5 =	vld [tilespmem:s1+$0xFFFFFF80]  }
0x199: {  	v6 =	vld [tilespmem:s1+$0xFFFFFFA0]  }
0x19a: {  	s29 =	simm.s32 $0x9800;
	v9 =	vld [tilespmem:s1+$0xFFFFFFC0]  }
0x19b: {  	v11 =	vld [tilespmem:s29+$0x0]  }
0x19c: {  	p2 =	seq.s32 s28, $0xDA;
	s24 =	smov.u32 s21;
	v17 =	vld [tilespmem:s1+$0x90]  }
0x19d: {  	s28 =	simm.s32 $0x0;
	s24 =	simm.s32 @!p2 $0x0;
	v20 =	vld [tilespmem:s1+$0xE0]  }
0x19e: {  	v12 =	vor.u32 s28, v1;
	v10 =	vmov s24;
	v13 =	vld [tilespmem:s1+$0xFFFFFF00]  }
0x19f: {  	vm0 =	vlt.u32 v12, v10;
	v26 =	vld [tilespmem:s1+$0xFFFFFF40]  }
0x1a0: {  	v24 =	vld [tilespmem:s1+$0xC0];
	v12 =	vsel vm0, $0x0, v11  }
0x1a1: {  	v19 =	vld [tilespmem:s1+$0xFFFFFF10];
	v18 =	vbroadcast v12, $0x0;
	v15 =	vbroadcast v12, $0xF  }
0x1a2: {  	v22 =	vld [tilespmem:s1+$0xFFFFFF50];
	v21 =	vbroadcast v12, $0x2;
	v14 =	vbroadcast v12, $0xE  }
0x1a3: {  	v23 =	vld [tilespmem:s1+$0xB0];
	v16 =	vbroadcast v12, $0xD;
	v25 =	vmul.f32 v18, v13  }
0x1a4: {  	s28 =	simm.s32 $0x10;
	s24 =	simm.s32 $0x15C00;
	v11 =	vbroadcast v12, $0xC;
	v26 =	vmul.f32 v26, v21;
	v13 =	vld [tilespmem:s1+$0x40]  }
.LBB2_17:
0x1a5: {  	p2 =	sne.s32 s28, $0x2F0;
	[tilespmem:s1+$0xFFFFFF00] =	vst v25;
	v25 =	vld [tilespmem:s1+$0xFFFFFF60];
	v24 =	vmul.f32 v24, v14;
	v20 =	vmul.f32 v20, v15;
	s29 =	sadd.s32 $0x10, s29;
	s24 =	sadd.s32 $0x200, s24  }
0x1a6: {  	s30 =	smov.u32 s28;
	s28 =	sadd.s32 $0x10, s28;
	[tilespmem:s1+$0xFFFFFF40] =	vst v26;
	v26 =	vbroadcast v12, $0xA;
	v17 =	vmul.f32 v17, v11;
	v27 =	vld [tilespmem:s1+$0xA0]  }
0x1a7: {  	v18 =	vmul.f32 v19, v18;
	v19 =	vmul.f32 v22, v21;
	v21 =	vld [tilespmem:s1+$0x70];
	[tilespmem:s1+$0xE0] =	vst v20  }
0x1a8: {  	v22 =	vbroadcast v12, $0x7;
	v20 =	vld [tilespmem:s1+$0xFFFFFF70];
	[tilespmem:s1+$0x90] =	vst v17;
	v17 =	vmul.f32 v23, v16  }
0x1a9: {  	v28 =	vbroadcast v12, $0xB;
	v23 =	vbroadcast v12, $0x1;
	[tilespmem:s1+$0xC0] =	vst v24;
	v24 =	vld [tilespmem:s1+$0xD0]  }
0x1aa: {  	v29 =	vbroadcast v12, $0x3;
	v7 =	vmul.f32 v7, v15;
	v30 =	vld [tilespmem:s1+$0x20];
	[tilespmem:s1+$0xB0] =	vst v17  }
0x1ab: {  	v15 =	vbroadcast v12, $0x9;
	[tilespmem:s1+$0xFFFFFF50] =	vst v19;
	v17 =	vld [tilespmem:s1+$0x60];
	v16 =	vmul.f32 v27, v16  }
0x1ac: {  	[tilespmem:s1+$0xFFFFFF10] =	vst v18;
	v18 =	vbroadcast v12, $0x6;
	v19 =	vld [tilespmem:s1+$0x30];
	v21 =	vmul.f32 v21, v28  }
0x1ad: {  	v27 =	vbroadcast v12, $0x8;
	v20 =	vmul.f32 v20, v29;
	v31 =	vld [tilespmem:s1+$0x80];
	[tilespmem:s1+$0xA0] =	vst v16  }
0x1ae: {  	v16 =	vbroadcast v12, $0x4;
	v32 =	vld [tilespmem:s1+$0x50];
	[tilespmem:s1+$0x70] =	vst v21;
	v14 =	vmul.f32 v24, v14  }
0x1af: {  	v12 =	vbroadcast v12, $0x5;
	v21 =	vmul.f32 v25, v29;
	[tilespmem:s1+$0xFFFFFF70] =	vst v20;
	v20 =	vld [tilespmem:s1+$0xFFFFFFD0]  }
0x1b0: {  	v25 =	vmul.f32 v30, v15;
	v24 =	vld [tilespmem:s1+$0xFFFFFFB0];
	v17 =	vmul.f32 v17, v28;
	[tilespmem:s1+$0xD0] =	vst v14  }
0x1b1: {  	v8 =	vmul.f32 v8, v22;
	[tilespmem:s1+$0xFFFFFF60] =	vst v21;
	v14 =	vld [tilespmem:s1+$0xFFFFFF90];
	v15 =	vmul.f32 v19, v15  }
0x1b2: {  	v13 =	vmul.f32 v13, v26;
	v19 =	vld [tilespmem:s1+$0xFFFFFF20];
	v11 =	vmul.f32 v31, v11;
	[tilespmem:s1+$0xF0] =	vst v7  }
0x1b3: {  	v9 =	vmul.f32 v9, v18;
	v7 =	vld [tilespmem:s24+$0xF0];
	[tilespmem:s1+$0xFFFFFFF0] =	vst v8;
	v21 =	vmul.f32 v32, v26  }
0x1b4: {  	v6 =	vmul.f32 v6, v12;
	v18 =	vmul.f32 v20, v18;
	v8 =	vld [tilespmem:s1+$0x10];
	[tilespmem:s1+$0x40] =	vst v13  }
0x1b5: {  	v5 =	vmul.f32 v5, v16;
	v12 =	vmul.f32 v24, v12;
	[tilespmem:s1+$0xFFFFFFC0] =	vst v9  }
0x1b6: {  	v4 =	vmul.f32 v4, v22;
	v9 =	vmul.f32 v14, v16;
	[tilespmem:s1+$0xFFFFFFA0] =	vst v6  }
0x1b7: {  	v3 =	vmul.f32 v3, v23;
	v6 =	vmul.f32 v19, v23;
	[tilespmem:s1+$0xFFFFFF80] =	vst v5  }
0x1b8: {  	v2 =	vmul.f32 v2, v27;
	[tilespmem:s1+$0xFFFFFFE0] =	vst v4  }
0x1b9: {  	[tilespmem:s1+$0xFFFFFF30] =	vst v3;
	v3 =	vmul.f32 v8, v27  }
0x1ba: {  	[tilespmem:s1+$0x0] =	vst v2  }
0x1bb: {  	[tilespmem:s1+$0x20] =	vst v25  }
0x1bc: {  	[tilespmem:s1+$0x10] =	vst v3  }
0x1bd: {  	[tilespmem:s1+$0xFFFFFF20] =	vst v6  }
0x1be: {  	v8 =	vld [tilespmem:s24+$0xFFFFFFF0];
	[tilespmem:s1+$0xFFFFFF90] =	vst v9  }
0x1bf: {  	v2 =	vld [tilespmem:s24+$0x0];
	[tilespmem:s1+$0xFFFFFFB0] =	vst v12  }
0x1c0: {  	v3 =	vld [tilespmem:s24+$0xFFFFFF30];
	[tilespmem:s1+$0xFFFFFFD0] =	vst v18  }
0x1c1: {  	v4 =	vld [tilespmem:s24+$0xFFFFFFE0];
	[tilespmem:s1+$0x50] =	vst v21  }
0x1c2: {  	v5 =	vld [tilespmem:s24+$0xFFFFFF80];
	[tilespmem:s1+$0x30] =	vst v15  }
0x1c3: {  	v6 =	vld [tilespmem:s24+$0xFFFFFFA0];
	[tilespmem:s1+$0x80] =	vst v11  }
0x1c4: {  	v9 =	vld [tilespmem:s24+$0xFFFFFFC0];
	[tilespmem:s1+$0x60] =	vst v17;
	s1 =	smov.u32 s24  }
0x1c5: {  	v11 =	vld [tilespmem:s29+$0x0]  }
0x1c6: {  	v17 =	vld [tilespmem:s24+$0x90]  }
0x1c7: {  	v20 =	vld [tilespmem:s24+$0xE0]  }
0x1c8: {  	v12 =	vor.u32 s30, v1;
	v13 =	vld [tilespmem:s24+$0xFFFFFF00]  }
0x1c9: {  	vm0 =	vlt.u32 v12, v10;
	v26 =	vld [tilespmem:s24+$0xFFFFFF40]  }
.Ltmp9:
0x1ca: {  	v12 =	vsel vm0, $0x0, v11;
	v24 =	vld [tilespmem:s24+$0xC0];
	(pc) =	sbr.rel @p2 .LBB2_17-.Ltmp9, $4  }
0x1cb: {  	v18 =	vbroadcast v12, $0x0;
	v19 =	vld [tilespmem:s24+$0xFFFFFF10];
	v15 =	vbroadcast v12, $0xF  }
0x1cc: {  	v21 =	vbroadcast v12, $0x2;
	v14 =	vbroadcast v12, $0xE;
	v22 =	vld [tilespmem:s24+$0xFFFFFF50]  }
0x1cd: {  	v16 =	vbroadcast v12, $0xD;
	v25 =	vmul.f32 v18, v13;
	v23 =	vld [tilespmem:s24+$0xB0]  }
0x1ce: {  	v11 =	vbroadcast v12, $0xC;
	v26 =	vmul.f32 v26, v21;
	v13 =	vld [tilespmem:s24+$0x40]  }
0x1cf: {  	v20 =	vmul.f32 v20, v15;
	[tilespmem:s1+$0xFFFFFF00] =	vst v25  }
0x1d0: {  	v24 =	vmul.f32 v24, v14;
	[tilespmem:s1+$0xFFFFFF40] =	vst v26  }
0x1d1: {  	v7 =	vmul.f32 v7, v15;
	[tilespmem:s1+$0xE0] =	vst v20  }
0x1d2: {  	v17 =	vmul.f32 v17, v11;
	[tilespmem:s1+$0xC0] =	vst v24  }
0x1d3: {  	v43 =	vbroadcast v12, $0x7;
	v18 =	vmul.f32 v19, v18;
	[tilespmem:s1+$0xF0] =	vst v7  }
0x1d4: {  	v48 =	vbroadcast v12, $0x6;
	v21 =	vmul.f32 v22, v21;
	[tilespmem:s1+$0x90] =	vst v17  }
0x1d5: {  	v50 =	vbroadcast v12, $0x5;
	v8 =	vmul.f32 v8, v43;
	[tilespmem:s1+$0xFFFFFF10] =	vst v18  }
0x1d6: {  	v52 =	vbroadcast v12, $0x4;
	v53 =	vmul.f32 v9, v48;
	[tilespmem:s1+$0xFFFFFF50] =	vst v21  }
0x1d7: {  	v6 =	vmul.f32 v6, v50;
	[tilespmem:s1+$0xFFFFFFF0] =	vst v8  }
0x1d8: {  	v56 =	vbroadcast v12, $0x1;
	v5 =	vmul.f32 v5, v52;
	[tilespmem:s1+$0xFFFFFFC0] =	vst v53  }
0x1d9: {  	v32 =	vld [tilespmem:s1+$0xA0];
	v57 =	vbroadcast v12, $0x8;
	v4 =	vmul.f32 v4, v43;
	[tilespmem:s1+$0xFFFFFFA0] =	vst v6  }
0x1da: {  	v27 =	vld [tilespmem:s1+$0x70];
	v3 =	vmul.f32 v3, v56;
	[tilespmem:s1+$0xFFFFFF80] =	vst v5  }
0x1db: {  	v33 =	vld [tilespmem:s1+$0xFFFFFF70];
	v46 =	vbroadcast v12, $0xA;
	v2 =	vmul.f32 v2, v57;
	[tilespmem:s1+$0xFFFFFFE0] =	vst v4  }
0x1dc: {  	v35 =	vld [tilespmem:s1+$0xD0];
	v34 =	vmul.f32 v23, v16;
	[tilespmem:s1+$0xFFFFFF30] =	vst v3  }
0x1dd: {  	v10 =	vld [tilespmem:s1+$0xFFFFFF60];
	v36 =	vbroadcast v12, $0xB;
	v13 =	vmul.f32 v13, v46;
	[tilespmem:s1+$0x0] =	vst v2  }
0x1de: {  	v37 =	vbroadcast v12, $0x3;
	v45 =	vld [tilespmem:s1+$0x20];
	[tilespmem:s1+$0xB0] =	vst v34;
	v39 =	vmul.f32 v32, v16  }
0x1df: {  	v54 =	vld [tilespmem:s1+$0x10];
	v40 =	vmul.f32 v27, v36;
	[tilespmem:s1+$0x40] =	vst v13  }
0x1e0: {  	v58 =	vld [tilespmem:s1+$0xFFFFFF20];
	v17 =	vmul.f32 v33, v37;
	[tilespmem:s1+$0xA0] =	vst v39  }
0x1e1: {  	v55 =	vld [tilespmem:s1+$0xFFFFFF90];
	v59 =	vbroadcast v12, $0x9;
	v44 =	vmul.f32 v35, v14;
	[tilespmem:s1+$0x70] =	vst v40  }
0x1e2: {  	v42 =	vld [tilespmem:s1+$0x50];
	v10 =	vmul.f32 v10, v37;
	[tilespmem:s1+$0xFFFFFF70] =	vst v17  }
0x1e3: {  	v38 =	vld [tilespmem:s1+$0x60];
	v60 =	vmul.f32 v45, v59;
	[tilespmem:s1+$0xD0] =	vst v44  }
0x1e4: {  	v51 =	vld [tilespmem:s1+$0xFFFFFFB0];
	v3 =	vmul.f32 v54, v57;
	[tilespmem:s1+$0xFFFFFF60] =	vst v10  }
0x1e5: {  	v49 =	vld [tilespmem:s1+$0xFFFFFFD0];
	v2 =	vmul.f32 v58, v56;
	[tilespmem:s1+$0x20] =	vst v60  }
0x1e6: {  	v47 =	vld [tilespmem:s1+$0x30];
	v61 =	vmul.f32 v55, v52;
	[tilespmem:s1+$0x10] =	vst v3  }
0x1e7: {  	v41 =	vld [tilespmem:s1+$0x80];
	v62 =	vmul.f32 v42, v46;
	[tilespmem:s1+$0xFFFFFF20] =	vst v2  }
0x1e8: {  	v63 =	vmul.f32 v38, v36;
	[tilespmem:s1+$0xFFFFFF90] =	vst v61  }
0x1e9: {  	v3 =	vmul.f32 v51, v50;
	[tilespmem:s1+$0x50] =	vst v62  }
0x1ea: {  	v2 =	vmul.f32 v49, v48;
	[tilespmem:s1+$0x60] =	vst v63  }
.Ltmp10:
0x1eb: {  	[tilespmem:s1+$0xFFFFFFB0] =	vst v3;
	v3 =	vmul.f32 v47, v59;
	(pc) =	sbr.rel @p1 .LBB2_20-.Ltmp10, $4  }
0x1ec: {  	[tilespmem:s1+$0xFFFFFFD0] =	vst v2;
	v2 =	vmul.f32 v41, v11  }
0x1ed: {  	[tilespmem:s1+$0x30] =	vst v3  }
0x1ee: {  	[tilespmem:s1+$0x80] =	vst v2  }
0x1ef: {  	[spmem:s3] =	stream.indirect.scatter.add.f32 [tilespmem:s23], [sflag:$0x9], $0x20, s18, s20, $0xb8;
	[tilespmem:$0x1BB00] =	vst v63  }
0x1f0: {  	s1 =	sadd.s32 $0x4, s19;
	_ =	swait.ge [sflag:s2], $0x6000  }
0x1f1: {  	p1 =	sne.s32 @!p0 s1, $0xDA;
	[sflag:s2] =	ssyncset.done $0x0  }
0x1f2: {  	p1 =	por p0, p1;
	[sflag:s2] =	ssyncadd.s32 $0xFFFFA000  }
0x1f3: {  	[tilespmem:s31], [sflag:$0x2] =	stream.linear.gather @!p1 [hbm4b:s7+s4], $0x300, $0x38;
	[tilespmem:$0x1BB00] =	vst v63  }
0x1f4: {  	s1 =	smov.u32 @!p1 s10  }
0x1f5: {  	s1 =	smul.u32 @p1 $0x300, s1  }
0x1f6: {  	[tilespmem:s0], [sflag:$0x2] =	stream.linear.gather @!p1 [hbm4b:s8+s4], $0x300, $0x38;
	[tilespmem:$0x1BB00] =	vst v63  }
0x1f7: {  	s1 =	smin.u32 @p1 s1, $0x28C60  }
0x1f8: {  	s1 =	sadd.s32 @p1 s12, s1  }
0x1f9: {  	s1 =	sshrl.u32 @p1 s1, $0x3  }
0x1fa: {  	s19 =	sadd.s32 @p1 s5, s1  }
0x1fb: {  	[tilespmem:s31], [sflag:$0x2] =	stream.linear.gather @p1 [hbm4b:s19+s4], $0x300, $0x38;
	[tilespmem:$0x1BB00] =	vst v63  }
.Ltmp11:
0x1fc: {  	s19 =	sadd.s32 @p1 s6, s1;
	(pc) =	sbr.rel .LBB2_4-.Ltmp11, $4  }
0x1fd: {  	[tilespmem:s0], [sflag:$0x2] =	stream.linear.gather @p1 [hbm4b:s19+s4], $0x300, $0x38;
	[tilespmem:$0x1BB00] =	vst v63  }
0x1fe: {  	s19 =	rddreg @p1 [dreg:$0x2]  }
0x1ff: {  	s30 =	simm.s32 $0x9500;
	s9 =	sadd.s32 $0x1, s9;
	s1 =	sadd.s32 @p1 s19, s1  }
0x200: {  	[tilespmem:s30], [sflag:$0x2] =	stream.linear.gather [hbm4b:s1+s4], $0x300, $0x38;
	[tilespmem:$0x1BB00] =	vst v63  }
.LBB2_20:
0x201: {  	s1 =	simm.s32 $0x7  }
0x202: {  	_ =	swait.ge [sflag:s1], $0x6000  }
0x203: {  	[sflag:s1] =	ssyncset.done $0x0  }
0x204: {  	[sflag:s1] =	ssyncadd.s32 $0xFFFFA000  }
0x205: {  	_ =	swait.ge [sflag:s2], $0x6000  }
0x206: {  	[sflag:s2] =	ssyncset.done $0x0  }
0x207: {  	s9 =	simm.s32 $0x9;
	[sflag:s2] =	ssyncadd.s32 $0xFFFFA000  }
0x208: {  	_ =	swait.ge [sflag:s9], $0x6000  }
0x209: {  	[sflag:s9] =	ssyncset.done $0x0  }
0x20a: {  	[sflag:s9] =	ssyncadd.s32 $0xFFFFA000  }
0x20b: {  	[bflag:$0x0] =	sbarrier.arrive $0xFFFF  }
0x20c: {  	s9 =	rddreg [dreg:$0x7]  }
0x20d: {  	s19 =	rddreg [dreg:$0xc]  }
0x20e: {  	s24 =	rddreg [dreg:$0x12]  }
0x20f: {  	[hbm:s19], [sflag:s9] =	dma.local [spmem:s24], $0x1000  }
0x210: {  	s19 =	simm.s32 $0xA  }
0x211: {  	_ =	swait.ge [sflag:s19], $0x1000  }
0x212: {  	[sflag:s19] =	ssyncset.done $0x0  }
0x213: {  	s28 =	rddreg [dreg:$0x5];
	[sflag:s19] =	ssyncadd.s32 $0xFFFFF000  }
0x214: {  	[spmem:s24], [sflag:s9] =	dma.local [hbm:s28], $0x1000  }
0x215: {  	_ =	swait.ge [sflag:s19], $0x1000  }
0x216: {  	[sflag:s19] =	ssyncset.done $0x0  }
0x217: {  	[sflag:s19] =	ssyncadd.s32 $0xFFFFF000  }
0x218: {  	[bflag:$0x0] =	sbarrier.arrive $0xFFFF  }
0x219: {  	s30 =	simm.s32 $0x8000;
	s1 =	simm.s32 $0x0;
	s29 =	rddreg [dreg:$0x8]  }
0x21a: {  	[tilespmem:s30], [sflag:$0x1] =	stream.linear.gather [hbm4b:s29+s1], $0x300, $0x38;
	[tilespmem:$0x1BB00] =	vst v63  }
0x21b: {  	s28 =	simm.s32 $0x8900;
	s24 =	rddreg [dreg:$0x9]  }
0x21c: {  	[tilespmem:s28], [sflag:$0x1] =	stream.linear.gather [hbm4b:s24+s1], $0x300, $0x38;
	[tilespmem:$0x1BB00] =	vst v63  }
0x21d: {  	s29 =	rddreg [dreg:$0xa];
	s30 =	simm.s32 $0x9200  }
0x21e: {  	[tilespmem:s30], [sflag:$0x1] =	stream.linear.gather [hbm4b:s29+s1], $0x300, $0x38;
	[tilespmem:$0x1BB00] =	vst v63  }
0x21f: {  	s24 =	rddreg [dreg:$0xb]  }
0x220: {  	[tilespmem:s31], [sflag:$0x2] =	stream.linear.gather [hbm4b:s24+s1], $0x300, $0x38;
	[tilespmem:$0x1BB00] =	vst v63  }
0x221: {  	s28 =	rddreg [dreg:$0xd]  }
0x222: {  	[tilespmem:s0], [sflag:$0x2] =	stream.linear.gather [hbm4b:s28+s1], $0x300, $0x38;
	[tilespmem:$0x1BB00] =	vst v63  }
0x223: {  	s29 =	rddreg [dreg:$0xe];
	s30 =	simm.s32 $0x9500  }
0x224: {  	[tilespmem:s30], [sflag:$0x2] =	stream.linear.gather [hbm4b:s29+s1], $0x300, $0x38;
	[tilespmem:$0x1BB00] =	vst v63  }
0x225: {  	_ =	swait.ge [sflag:s14], $0x300  }
0x226: {  	[sflag:s14] =	ssyncset.done $0x0  }
0x227: {  	[sflag:s14] =	ssyncadd.s32 $0xFFFFFD00  }
0x228: {  	_ =	swait.ge [sflag:s14], $0x300  }
0x229: {  	[sflag:s14] =	ssyncset.done $0x0  }
0x22a: {  	[sflag:s14] =	ssyncadd.s32 $0xFFFFFD00  }
0x22b: {  	_ =	swait.ge [sflag:s14], $0x300  }
0x22c: {  	[sflag:s14] =	ssyncset.done $0x0  }
0x22d: {  	s1 =	simm.s32 $0x0;
	[sflag:s14] =	ssyncadd.s32 $0xFFFFFD00  }
0x22e: {  	v4 =	vld [tilespmem:s1+$0x8000]  }
0x22f: {  	v3 =	vld [tilespmem:s1+$0x8010]  }
0x230: {  	s9 =	simm.s32 $0x100;
	v2 =	vld [tilespmem:s1+$0x8020]  }
.LBB2_21:
0x231: {  	p1 =	sne.s32 s9, $0xB00;
	v5 =	vld [tilespmem:s1+$0x8030];
	_ =	sdelay $0x1  }
.Ltmp12:
0x232: {  	v4 =	vadd.s32 v0, v4;
	(pc) =	sbr.rel @p1 .LBB2_21-.Ltmp12, $4  }
0x233: {  	s19 =	sshra.s32 s9, $0x2;
	[tilespmem:s1+$0x8000] =	vst v4;
	v3 =	vadd.s32 v0, v3  }
0x234: {  	v4 =	vld [tilespmem:s19+$0x8000];
	[tilespmem:s1+$0x8010] =	vst v3;
	v2 =	vadd.s32 v0, v2  }
0x235: {  	v3 =	vld [tilespmem:s19+$0x8010];
	[tilespmem:s1+$0x8020] =	vst v2;
	v5 =	vadd.s32 v0, v5  }
0x236: {  	s9 =	sadd.s32 $0x100, s9;
	v2 =	vld [tilespmem:s19+$0x8020];
	[tilespmem:s1+$0x8030] =	vst v5;
	s1 =	smov.u32 s19  }
0x237: {  	v5 =	vld [tilespmem:s1+$0x8030];
	_ =	sdelay $0x1  }
0x238: {  	v4 =	vadd.s32 v0, v4  }
0x239: {  	[tilespmem:s1+$0x8000] =	vst v4;
	v3 =	vadd.s32 v0, v3  }
0x23a: {  	[tilespmem:s1+$0x8010] =	vst v3;
	v2 =	vadd.s32 v0, v2  }
0x23b: {  	[tilespmem:s1+$0x8020] =	vst v2;
	v2 =	vadd.s32 v0, v5  }
0x23c: {  	s30 =	simm.s32 $0x8000;
	s9 =	simm.s32 $0x9B00;
	[tilespmem:s1+$0x8030] =	vst v2  }
0x23d: {  	[tilespmem:s9], [sflag:$0x4] =	stream.indirect.gather [hbm4b:s13+s20], $0x20, s30, s20, $0xb8;
	[tilespmem:$0x1BB00] =	vst v63  }
0x23e: {  	s9 =	simm.s32 $0x0  }
.LBB2_23:
0x23f: {  	_ =	swait.ge [sflag:s25], $0x300  }
0x240: {  	[sflag:s25] =	ssyncset.done $0x0  }
0x241: {  	[sflag:s25] =	ssyncadd.s32 $0xFFFFFD00  }
0x242: {  	_ =	swait.ge [sflag:s25], $0x300  }
0x243: {  	[sflag:s25] =	ssyncset.done $0x0  }
0x244: {  	[sflag:s25] =	ssyncadd.s32 $0xFFFFFD00  }
0x245: {  	_ =	swait.ge [sflag:s25], $0x300  }
0x246: {  	[sflag:s25] =	ssyncset.done $0x0  }
0x247: {  	s1 =	simm.s32 $0x0;
	[sflag:s25] =	ssyncadd.s32 $0xFFFFFD00  }
0x248: {  	v4 =	vld [tilespmem:s1+$0x8300]  }
0x249: {  	v3 =	vld [tilespmem:s1+$0x8310]  }
0x24a: {  	s19 =	simm.s32 $0x100;
	v2 =	vld [tilespmem:s1+$0x8320]  }
.LBB2_24:
0x24b: {  	p1 =	sne.s32 s19, $0xB00;
	v5 =	vld [tilespmem:s1+$0x8330];
	_ =	sdelay $0x1  }
.Ltmp13:
0x24c: {  	v4 =	vadd.s32 v0, v4;
	(pc) =	sbr.rel @p1 .LBB2_24-.Ltmp13, $4  }
0x24d: {  	s24 =	sshra.s32 s19, $0x2;
	[tilespmem:s1+$0x8300] =	vst v4;
	v3 =	vadd.s32 v0, v3  }
0x24e: {  	v4 =	vld [tilespmem:s24+$0x8300];
	[tilespmem:s1+$0x8310] =	vst v3;
	v2 =	vadd.s32 v0, v2  }
0x24f: {  	v3 =	vld [tilespmem:s24+$0x8310];
	[tilespmem:s1+$0x8320] =	vst v2;
	v5 =	vadd.s32 v0, v5  }
0x250: {  	s19 =	sadd.s32 $0x100, s19;
	v2 =	vld [tilespmem:s24+$0x8320];
	[tilespmem:s1+$0x8330] =	vst v5;
	s1 =	smov.u32 s24  }
0x251: {  	v5 =	vld [tilespmem:s1+$0x8330];
	_ =	sdelay $0x1  }
0x252: {  	v4 =	vadd.s32 v0, v4  }
0x253: {  	[tilespmem:s1+$0x8300] =	vst v4;
	v3 =	vadd.s32 v0, v3  }
0x254: {  	[tilespmem:s1+$0x8310] =	vst v3;
	v2 =	vadd.s32 v0, v2  }
0x255: {  	[tilespmem:s1+$0x8320] =	vst v2;
	v2 =	vadd.s32 v0, v5  }
0x256: {  	[tilespmem:s1+$0x8330] =	vst v2  }
0x257: {  	[tilespmem:s11], [sflag:$0x5] =	stream.indirect.gather [hbm4b:s13+s20], $0x20, s31, s20, $0xb8;
	[tilespmem:$0x1BB00] =	vst v63  }
0x258: {  	_ =	swait.ge [sflag:s16], $0x6000  }
0x259: {  	[sflag:s16] =	ssyncset.done $0x0  }
0x25a: {  	s1 =	simm.s32 $0x9C00;
	[sflag:s16] =	ssyncadd.s32 $0xFFFFA000  }
0x25b: {  	v7 =	vld [tilespmem:s1+$0xFFFFFFA0]  }
0x25c: {  	v5 =	vld [tilespmem:s1+$0xFFFFFFF0]  }
0x25d: {  	v2 =	vld [tilespmem:s1+$0xFFFFFF60]  }
0x25e: {  	v8 =	vld [tilespmem:s1+$0xFFFFFFD0]  }
0x25f: {  	v9 =	vld [tilespmem:s1+$0x80]  }
0x260: {  	v12 =	vld [tilespmem:s1+$0xFFFFFF10]  }
0x261: {  	v16 =	vld [tilespmem:s1+$0xE0]  }
0x262: {  	v11 =	vld [tilespmem:s1+$0xFFFFFF40]  }
0x263: {  	s19 =	simm.s32 $0x0;
	v3 =	vld [tilespmem:s1+$0xFFFFFF90]  }
0x264: {  	v4 =	vld [tilespmem:s19+$0x9200]  }
0x265: {  	v10 =	vld [tilespmem:s1+$0xFFFFFFC0]  }
0x266: {  	v13 =	vld [tilespmem:s1+$0xFFFFFF00]  }
0x267: {  	v14 =	vld [tilespmem:s1+$0xD0]  }
0x268: {  	v23 =	vld [tilespmem:s1+$0xC0]  }
0x269: {  	v21 =	vld [tilespmem:s1+$0x90];
	v19 =	vbroadcast v4, $0x0;
	v6 =	vbroadcast v4, $0xF  }
0x26a: {  	v22 =	vld [tilespmem:s1+$0xFFFFFF50];
	v20 =	vbroadcast v4, $0x2;
	v18 =	vbroadcast v4, $0xE  }
0x26b: {  	v17 =	vld [tilespmem:s1+$0xB0];
	v15 =	vbroadcast v4, $0xC;
	v25 =	vmul.f32 v19, v13  }
0x26c: {  	s24 =	simm.s32 $0x9C00;
	s19 =	simm.s32 $0x40;
	v13 =	vbroadcast v4, $0xD;
	v24 =	vmul.f32 v11, v20;
	v11 =	vld [tilespmem:s1+$0x60]  }
.LBB2_26:
0x26d: {  	p1 =	sne.s32 s19, $0xBC0  }
0x26e: {  	[tilespmem:s1+$0xFFFFFF00] =	vst v25;
	v25 =	vld [tilespmem:s1+$0xFFFFFFB0];
	v23 =	vmul.f32 v23, v18;
	v16 =	vmul.f32 v16, v6;
	s24 =	sadd.s32 $0x200, s24;
	s28 =	smov.u32 s19;
	s19 =	sadd.s32 $0x40, s19  }
0x26f: {  	[tilespmem:s1+$0xFFFFFF40] =	vst v24;
	v24 =	vbroadcast v4, $0xA;
	v21 =	vmul.f32 v21, v15;
	v26 =	vld [tilespmem:s1+$0xA0]  }
0x270: {  	v12 =	vmul.f32 v12, v19;
	v19 =	vmul.f32 v22, v20;
	v20 =	vld [tilespmem:s1+$0x70];
	[tilespmem:s1+$0xE0] =	vst v16  }
0x271: {  	v16 =	vbroadcast v4, $0x5;
	v22 =	vld [tilespmem:s1+$0xFFFFFFE0];
	v17 =	vmul.f32 v17, v13;
	[tilespmem:s1+$0xC0] =	vst v23  }
0x272: {  	v14 =	vmul.f32 v14, v18;
	[tilespmem:s1+$0xFFFFFF10] =	vst v12;
	v12 =	vbroadcast v4, $0x6;
	v23 =	vld [tilespmem:s1+$0x40]  }
0x273: {  	v27 =	vbroadcast v4, $0xB;
	v7 =	vmul.f32 v7, v16;
	v18 =	vld [tilespmem:s1+$0xFFFFFF20];
	[tilespmem:s1+$0x90] =	vst v21  }
0x274: {  	v21 =	vbroadcast v4, $0x9;
	[tilespmem:s1+$0xFFFFFF50] =	vst v19;
	v19 =	vld [tilespmem:s1+$0x20];
	v13 =	vmul.f32 v26, v13  }
0x275: {  	v16 =	vmul.f32 v25, v16;
	v25 =	vld [tilespmem:s1+$0x50];
	v20 =	vmul.f32 v20, v27;
	[tilespmem:s1+$0xD0] =	vst v14  }
0x276: {  	v9 =	vmul.f32 v9, v15;
	v14 =	vbroadcast v4, $0x7;
	v26 =	vld [tilespmem:s1+$0x30];
	[tilespmem:s1+$0xA0] =	vst v13  }
0x277: {  	v10 =	vmul.f32 v10, v12;
	v13 =	vbroadcast v4, $0x3;
	v15 =	vld [tilespmem:s1+$0x0];
	[tilespmem:s1+$0x70] =	vst v20  }
0x278: {  	v11 =	vmul.f32 v11, v27;
	v8 =	vmul.f32 v8, v12;
	v12 =	vld [tilespmem:s1+$0x10];
	[tilespmem:s1+$0x80] =	vst v9  }
0x279: {  	v20 =	vbroadcast v4, $0x8;
	v23 =	vmul.f32 v23, v24;
	v9 =	vld [tilespmem:s1+$0xFFFFFF30];
	[tilespmem:s1+$0xB0] =	vst v17  }
0x27a: {  	v17 =	vbroadcast v4, $0x1;
	v27 =	vld [tilespmem:s1+$0xFFFFFF70];
	[tilespmem:s1+$0xFFFFFFD0] =	vst v8;
	v24 =	vmul.f32 v25, v24  }
0x27b: {  	v5 =	vmul.f32 v5, v14;
	v8 =	vmul.f32 v22, v14;
	[tilespmem:s1+$0xFFFFFFC0] =	vst v10;
	v10 =	vld [tilespmem:s1+$0xF0]  }
0x27c: {  	v22 =	vmul.f32 v26, v21;
	v14 =	vld [tilespmem:s1+$0xFFFFFF80];
	[tilespmem:s1+$0xFFFFFFA0] =	vst v7;
	v15 =	vmul.f32 v15, v20  }
0x27d: {  	v7 =	vld [tilespmem:s24+$0xFFFFFFA0];
	[tilespmem:s1+$0xFFFFFFF0] =	vst v5;
	v20 =	vmul.f32 v12, v20;
	v12 =	vmul.f32 v19, v21  }
0x27e: {  	v5 =	vmul.f32 v18, v17;
	v17 =	vmul.f32 v9, v17;
	[tilespmem:s1+$0x60] =	vst v11  }
0x27f: {  	v2 =	vmul.f32 v2, v13;
	v9 =	vmul.f32 v27, v13;
	[tilespmem:s1+$0xFFFFFFB0] =	vst v16  }
0x280: {  	v4 =	vbroadcast v4, $0x4;
	[tilespmem:s1+$0xFFFFFF20] =	vst v5;
	v5 =	vmul.f32 v10, v6  }
0x281: {  	[tilespmem:s1+$0xFFFFFF60] =	vst v2  }
0x282: {  	v6 =	vmul.f32 v14, v4;
	v2 =	vmul.f32 v3, v4;
	[tilespmem:s1+$0x40] =	vst v23  }
0x283: {  	[tilespmem:s1+$0xFFFFFFE0] =	vst v8  }
0x284: {  	[tilespmem:s1+$0xF0] =	vst v5  }
0x285: {  	[tilespmem:s1+$0xFFFFFF90] =	vst v2  }
0x286: {  	v5 =	vld [tilespmem:s24+$0xFFFFFFF0];
	[tilespmem:s1+$0xFFFFFF70] =	vst v9  }
0x287: {  	v2 =	vld [tilespmem:s24+$0xFFFFFF60];
	[tilespmem:s1+$0x20] =	vst v12  }
0x288: {  	v8 =	vld [tilespmem:s24+$0xFFFFFFD0];
	[tilespmem:s1+$0x30] =	vst v22  }
0x289: {  	v9 =	vld [tilespmem:s24+$0x80];
	[tilespmem:s1+$0xFFFFFF80] =	vst v6  }
0x28a: {  	v12 =	vld [tilespmem:s24+$0xFFFFFF10];
	[tilespmem:s1+$0x50] =	vst v24  }
0x28b: {  	v16 =	vld [tilespmem:s24+$0xE0];
	[tilespmem:s1+$0x0] =	vst v15  }
0x28c: {  	v11 =	vld [tilespmem:s24+$0xFFFFFF40];
	[tilespmem:s1+$0xFFFFFF30] =	vst v17  }
0x28d: {  	s28 =	sshra.s32 s28, $0x2;
	v3 =	vld [tilespmem:s24+$0xFFFFFF90];
	[tilespmem:s1+$0x10] =	vst v20;
	s1 =	smov.u32 s24  }
0x28e: {  	v4 =	vld [tilespmem:s28+$0x9200]  }
0x28f: {  	v10 =	vld [tilespmem:s24+$0xFFFFFFC0]  }
0x290: {  	v13 =	vld [tilespmem:s24+$0xFFFFFF00]  }
0x291: {  	v14 =	vld [tilespmem:s24+$0xD0]  }
.Ltmp14:
0x292: {  	v23 =	vld [tilespmem:s24+$0xC0];
	(pc) =	sbr.rel @p1 .LBB2_26-.Ltmp14, $4  }
0x293: {  	v19 =	vbroadcast v4, $0x0;
	v21 =	vld [tilespmem:s24+$0x90];
	v6 =	vbroadcast v4, $0xF  }
0x294: {  	v20 =	vbroadcast v4, $0x2;
	v18 =	vbroadcast v4, $0xE;
	v22 =	vld [tilespmem:s24+$0xFFFFFF50]  }
0x295: {  	v25 =	vmul.f32 v19, v13;
	v13 =	vbroadcast v4, $0xD;
	v17 =	vld [tilespmem:s24+$0xB0]  }
0x296: {  	v15 =	vbroadcast v4, $0xC;
	v24 =	vmul.f32 v11, v20;
	v11 =	vld [tilespmem:s24+$0x60]  }
0x297: {  	[tilespmem:s1+$0xFFFFFF00] =	vst v25;
	v16 =	vmul.f32 v16, v6  }
0x298: {  	v23 =	vmul.f32 v23, v18;
	[tilespmem:s1+$0xFFFFFF40] =	vst v24  }
0x299: {  	v12 =	vmul.f32 v12, v19;
	[tilespmem:s1+$0xE0] =	vst v16  }
0x29a: {  	v42 =	vmul.f32 v14, v18;
	[tilespmem:s1+$0xC0] =	vst v23  }
0x29b: {  	v40 =	vmul.f32 v21, v15;
	[tilespmem:s1+$0xFFFFFF10] =	vst v12  }
0x29c: {  	v48 =	vbroadcast v4, $0x6;
	v9 =	vmul.f32 v9, v15;
	[tilespmem:s1+$0xD0] =	vst v42  }
0x29d: {  	v20 =	vmul.f32 v22, v20;
	[tilespmem:s1+$0x90] =	vst v40  }
0x29e: {  	v52 =	vbroadcast v4, $0x5;
	v8 =	vmul.f32 v8, v48;
	[tilespmem:s1+$0x80] =	vst v9  }
0x29f: {  	v54 =	vbroadcast v4, $0x7;
	v10 =	vmul.f32 v10, v48;
	[tilespmem:s1+$0xFFFFFF50] =	vst v20  }
0x2a0: {  	v60 =	vbroadcast v4, $0x3;
	v7 =	vmul.f32 v7, v52;
	[tilespmem:s1+$0xFFFFFFD0] =	vst v8  }
0x2a1: {  	v38 =	vld [tilespmem:s1+$0xA0];
	v63 =	vbroadcast v4, $0x4;
	v5 =	vmul.f32 v5, v54;
	[tilespmem:s1+$0xFFFFFFC0] =	vst v10  }
0x2a2: {  	v39 =	vld [tilespmem:s1+$0x70];
	v2 =	vmul.f32 v2, v60;
	[tilespmem:s1+$0xFFFFFFA0] =	vst v7  }
0x2a3: {  	v41 =	vld [tilespmem:s1+$0xFFFFFFB0];
	v44 =	vbroadcast v4, $0xB;
	v3 =	vmul.f32 v3, v63;
	[tilespmem:s1+$0xFFFFFFF0] =	vst v5  }
0x2a4: {  	v43 =	vld [tilespmem:s1+$0xFFFFFF20];
	v50 =	vmul.f32 v17, v13;
	[tilespmem:s1+$0xFFFFFF60] =	vst v2  }
0x2a5: {  	v45 =	vld [tilespmem:s1+$0xFFFFFFE0];
	v11 =	vmul.f32 v11, v44;
	[tilespmem:s1+$0xFFFFFF90] =	vst v3  }
0x2a6: {  	v61 =	vld [tilespmem:s1+$0xF0];
	v46 =	vmul.f32 v38, v13;
	[tilespmem:s1+$0xB0] =	vst v50  }
0x2a7: {  	v47 =	vld [tilespmem:s1+$0x40];
	v59 =	vbroadcast v4, $0x1;
	v19 =	vmul.f32 v39, v44;
	[tilespmem:s1+$0x60] =	vst v11  }
0x2a8: {  	v51 =	vld [tilespmem:s1+$0x20];
	v7 =	vmul.f32 v41, v52;
	[tilespmem:s1+$0xA0] =	vst v46  }
0x2a9: {  	v53 =	vld [tilespmem:s1+$0x30];
	v14 =	vmul.f32 v43, v59;
	[tilespmem:s1+$0x70] =	vst v19  }
0x2aa: {  	v57 =	vld [tilespmem:s1+$0xFFFFFF80];
	v5 =	vbroadcast v4, $0xA;
	v9 =	vmul.f32 v45, v54;
	[tilespmem:s1+$0xFFFFFFB0] =	vst v7  }
0x2ab: {  	v56 =	vld [tilespmem:s1+$0xFFFFFF70];
	v2 =	vmul.f32 v61, v6;
	v6 =	vbroadcast v4, $0x9;
	[tilespmem:s1+$0xFFFFFF20] =	vst v14  }
0x2ac: {  	v49 =	vld [tilespmem:s1+$0x50];
	v7 =	vmul.f32 v47, v5;
	[tilespmem:s1+$0xFFFFFFE0] =	vst v9  }
0x2ad: {  	v55 =	vld [tilespmem:s1+$0x0];
	[tilespmem:s1+$0xF0] =	vst v2;
	v2 =	vmul.f32 v51, v6  }
0x2ae: {  	v62 =	vld [tilespmem:s1+$0xFFFFFF30];
	v3 =	vmul.f32 v53, v6;
	[tilespmem:s1+$0x40] =	vst v7  }
0x2af: {  	v58 =	vld [tilespmem:s1+$0x10];
	v6 =	vmul.f32 v57, v63;
	[tilespmem:s1+$0x20] =	vst v2  }
0x2b0: {  	v4 =	vbroadcast v4, $0x8;
	v7 =	vmul.f32 v56, v60;
	[tilespmem:s1+$0x30] =	vst v3  }
0x2b1: {  	v2 =	vmul.f32 v49, v5;
	[tilespmem:s1+$0xFFFFFF80] =	vst v6  }
0x2b2: {  	v3 =	vmul.f32 v55, v4;
	[tilespmem:s1+$0xFFFFFF70] =	vst v7  }
0x2b3: {  	v5 =	vmul.f32 v62, v59;
	[tilespmem:s1+$0x50] =	vst v2  }
0x2b4: {  	s19 =	smul.u32 $0x3, s9;
	v2 =	vmul.f32 v58, v4;
	[tilespmem:s1+$0x0] =	vst v3  }
0x2b5: {  	s29 =	simm.s32 $0x8900;
	p1 =	seq.s32 s9, $0x0;
	[tilespmem:s1+$0xFFFFFF30] =	vst v5  }
0x2b6: {  	s24 =	simm.s32 $0x9B00;
	s28 =	sadd.s32 $0x2, s19;
	[tilespmem:s1+$0x10] =	vst v2;
	s1 =	simm.s32 @!p1 $0x9  }
0x2b7: {  	[spmem:s3] =	stream.indirect.scatter.add.f32 [tilespmem:s24], [sflag:$0x7], $0x20, s29, s20, $0xb8;
	[tilespmem:$0x1BB00] =	vst v63  }
0x2b8: {  	p2 =	sne.s32 @!p0 s28, $0xDA;
	_ =	swait.ge @!p1 [sflag:s1], $0x6000  }
0x2b9: {  	p2 =	por p0, p2;
	[sflag:s1] =	ssyncset.done @!p1 $0x0  }
0x2ba: {  	[sflag:s1] =	ssyncadd.s32 @!p1 $0xFFFFA000;
	s1 =	smov.u32 @!p2 s10  }
0x2bb: {  	[tilespmem:s17], [sflag:$0x3] =	stream.linear.gather @!p2 [hbm4b:s7+s4], $0x300, $0x38;
	[tilespmem:$0x1BB00] =	vst v63  }
0x2bc: {  	s1 =	smul.u32 @p2 $0x300, s28  }
0x2bd: {  	[tilespmem:s18], [sflag:$0x3] =	stream.linear.gather @!p2 [hbm4b:s8+s4], $0x300, $0x38;
	[tilespmem:$0x1BB00] =	vst v63  }
0x2be: {  	s1 =	smin.u32 @p2 s1, $0x28C60  }
0x2bf: {  	s1 =	sadd.s32 @p2 s12, s1  }
0x2c0: {  	s1 =	sshrl.u32 @p2 s1, $0x3  }
0x2c1: {  	s24 =	sadd.s32 @p2 s5, s1  }
0x2c2: {  	[tilespmem:s17], [sflag:$0x3] =	stream.linear.gather @p2 [hbm4b:s24+s4], $0x300, $0x38;
	[tilespmem:$0x1BB00] =	vst v63  }
0x2c3: {  	s24 =	sadd.s32 @p2 s6, s1  }
0x2c4: {  	[tilespmem:s18], [sflag:$0x3] =	stream.linear.gather @p2 [hbm4b:s24+s4], $0x300, $0x38;
	[tilespmem:$0x1BB00] =	vst v63  }
0x2c5: {  	s24 =	rddreg @p2 [dreg:$0x2]  }
0x2c6: {  	s30 =	simm.s32 $0x0;
	s29 =	simm.s32 $0x9800;
	s1 =	sadd.s32 @p2 s24, s1  }
0x2c7: {  	[tilespmem:s29], [sflag:$0x3] =	stream.linear.gather [hbm4b:s1+s30], $0x300, $0x38;
	[tilespmem:$0x1BB00] =	vst v63  }
0x2c8: {  	_ =	swait.ge [sflag:s22], $0x300  }
0x2c9: {  	[sflag:s22] =	ssyncset.done $0x0  }
0x2ca: {  	[sflag:s22] =	ssyncadd.s32 $0xFFFFFD00  }
0x2cb: {  	_ =	swait.ge [sflag:s22], $0x300  }
0x2cc: {  	[sflag:s22] =	ssyncset.done $0x0  }
0x2cd: {  	[sflag:s22] =	ssyncadd.s32 $0xFFFFFD00  }
0x2ce: {  	_ =	swait.ge [sflag:s22], $0x300  }
0x2cf: {  	[sflag:s22] =	ssyncset.done $0x0  }
0x2d0: {  	s1 =	simm.s32 $0x0;
	[sflag:s22] =	ssyncadd.s32 $0xFFFFFD00  }
0x2d1: {  	v4 =	vld [tilespmem:s1+$0x8600]  }
0x2d2: {  	v3 =	vld [tilespmem:s1+$0x8610]  }
0x2d3: {  	s24 =	simm.s32 $0x100;
	v2 =	vld [tilespmem:s1+$0x8620]  }
.LBB2_28:
0x2d4: {  	p1 =	sne.s32 s24, $0xB00;
	v5 =	vld [tilespmem:s1+$0x8630];
	_ =	sdelay $0x1  }
.Ltmp15:
0x2d5: {  	v4 =	vadd.s32 v0, v4;
	(pc) =	sbr.rel @p1 .LBB2_28-.Ltmp15, $4  }
0x2d6: {  	s29 =	sshra.s32 s24, $0x2;
	[tilespmem:s1+$0x8600] =	vst v4;
	v3 =	vadd.s32 v0, v3  }
0x2d7: {  	v4 =	vld [tilespmem:s29+$0x8600];
	[tilespmem:s1+$0x8610] =	vst v3;
	v2 =	vadd.s32 v0, v2  }
0x2d8: {  	v3 =	vld [tilespmem:s29+$0x8610];
	[tilespmem:s1+$0x8620] =	vst v2;
	v5 =	vadd.s32 v0, v5  }
0x2d9: {  	s24 =	sadd.s32 $0x100, s24;
	v2 =	vld [tilespmem:s29+$0x8620];
	[tilespmem:s1+$0x8630] =	vst v5;
	s1 =	smov.u32 s29  }
0x2da: {  	v5 =	vld [tilespmem:s1+$0x8630];
	_ =	sdelay $0x1  }
0x2db: {  	v4 =	vadd.s32 v0, v4  }
0x2dc: {  	[tilespmem:s1+$0x8600] =	vst v4;
	v3 =	vadd.s32 v0, v3  }
0x2dd: {  	[tilespmem:s1+$0x8610] =	vst v3;
	v2 =	vadd.s32 v0, v2  }
0x2de: {  	[tilespmem:s1+$0x8620] =	vst v2;
	v2 =	vadd.s32 v0, v5  }
0x2df: {  	[tilespmem:s1+$0x8630] =	vst v2  }
0x2e0: {  	[tilespmem:s23], [sflag:$0x6] =	stream.indirect.gather [hbm4b:s13+s20], $0x20, s17, s20, $0xb8;
	[tilespmem:$0x1BB00] =	vst v63  }
0x2e1: {  	_ =	swait.ge [sflag:s15], $0x6000  }
0x2e2: {  	[sflag:s15] =	ssyncset.done $0x0  }
0x2e3: {  	s1 =	simm.s32 $0xFC00;
	[sflag:s15] =	ssyncadd.s32 $0xFFFFA000  }
0x2e4: {  	v7 =	vld [tilespmem:s1+$0xFFFFFFA0]  }
0x2e5: {  	v5 =	vld [tilespmem:s1+$0xFFFFFFF0]  }
0x2e6: {  	v2 =	vld [tilespmem:s1+$0xFFFFFF60]  }
0x2e7: {  	v8 =	vld [tilespmem:s1+$0xFFFFFFD0]  }
0x2e8: {  	v9 =	vld [tilespmem:s1+$0x80]  }
0x2e9: {  	v12 =	vld [tilespmem:s1+$0xFFFFFF10]  }
0x2ea: {  	v16 =	vld [tilespmem:s1+$0xE0]  }
0x2eb: {  	v11 =	vld [tilespmem:s1+$0xFFFFFF40]  }
0x2ec: {  	s24 =	simm.s32 $0x0;
	v3 =	vld [tilespmem:s1+$0xFFFFFF90]  }
0x2ed: {  	v4 =	vld [tilespmem:s24+$0x9500]  }
0x2ee: {  	v10 =	vld [tilespmem:s1+$0xFFFFFFC0]  }
0x2ef: {  	v13 =	vld [tilespmem:s1+$0xFFFFFF00]  }
0x2f0: {  	v14 =	vld [tilespmem:s1+$0xD0]  }
0x2f1: {  	v23 =	vld [tilespmem:s1+$0xC0]  }
0x2f2: {  	v21 =	vld [tilespmem:s1+$0x90];
	v19 =	vbroadcast v4, $0x0;
	v6 =	vbroadcast v4, $0xF  }
0x2f3: {  	v22 =	vld [tilespmem:s1+$0xFFFFFF50];
	v20 =	vbroadcast v4, $0x2;
	v18 =	vbroadcast v4, $0xE  }
0x2f4: {  	v17 =	vld [tilespmem:s1+$0xB0];
	v15 =	vbroadcast v4, $0xC;
	v25 =	vmul.f32 v19, v13  }
0x2f5: {  	s29 =	simm.s32 $0xFC00;
	s24 =	simm.s32 $0x40;
	v13 =	vbroadcast v4, $0xD;
	v24 =	vmul.f32 v11, v20;
	v11 =	vld [tilespmem:s1+$0x60]  }
.LBB2_30:
0x2f6: {  	p1 =	sne.s32 s24, $0xBC0  }
0x2f7: {  	[tilespmem:s1+$0xFFFFFF00] =	vst v25;
	v25 =	vld [tilespmem:s1+$0xFFFFFFB0];
	v23 =	vmul.f32 v23, v18;
	v16 =	vmul.f32 v16, v6;
	s29 =	sadd.s32 $0x200, s29;
	s30 =	smov.u32 s24;
	s24 =	sadd.s32 $0x40, s24  }
0x2f8: {  	[tilespmem:s1+$0xFFFFFF40] =	vst v24;
	v24 =	vbroadcast v4, $0xA;
	v21 =	vmul.f32 v21, v15;
	v26 =	vld [tilespmem:s1+$0xA0]  }
0x2f9: {  	v12 =	vmul.f32 v12, v19;
	v19 =	vmul.f32 v22, v20;
	v20 =	vld [tilespmem:s1+$0x70];
	[tilespmem:s1+$0xE0] =	vst v16  }
0x2fa: {  	v16 =	vbroadcast v4, $0x5;
	v22 =	vld [tilespmem:s1+$0xFFFFFFE0];
	v17 =	vmul.f32 v17, v13;
	[tilespmem:s1+$0xC0] =	vst v23  }
0x2fb: {  	v14 =	vmul.f32 v14, v18;
	[tilespmem:s1+$0xFFFFFF10] =	vst v12;
	v12 =	vbroadcast v4, $0x6;
	v23 =	vld [tilespmem:s1+$0x40]  }
0x2fc: {  	v27 =	vbroadcast v4, $0xB;
	v7 =	vmul.f32 v7, v16;
	v18 =	vld [tilespmem:s1+$0xFFFFFF20];
	[tilespmem:s1+$0x90] =	vst v21  }
0x2fd: {  	v21 =	vbroadcast v4, $0x9;
	[tilespmem:s1+$0xFFFFFF50] =	vst v19;
	v19 =	vld [tilespmem:s1+$0x20];
	v13 =	vmul.f32 v26, v13  }
0x2fe: {  	v16 =	vmul.f32 v25, v16;
	v25 =	vld [tilespmem:s1+$0x50];
	v20 =	vmul.f32 v20, v27;
	[tilespmem:s1+$0xD0] =	vst v14  }
0x2ff: {  	v9 =	vmul.f32 v9, v15;
	v14 =	vbroadcast v4, $0x7;
	v26 =	vld [tilespmem:s1+$0x30];
	[tilespmem:s1+$0xA0] =	vst v13  }
0x300: {  	v10 =	vmul.f32 v10, v12;
	v13 =	vbroadcast v4, $0x3;
	v15 =	vld [tilespmem:s1+$0x0];
	[tilespmem:s1+$0x70] =	vst v20  }
0x301: {  	v11 =	vmul.f32 v11, v27;
	v8 =	vmul.f32 v8, v12;
	v12 =	vld [tilespmem:s1+$0x10];
	[tilespmem:s1+$0x80] =	vst v9  }
0x302: {  	v20 =	vbroadcast v4, $0x8;
	v23 =	vmul.f32 v23, v24;
	v9 =	vld [tilespmem:s1+$0xFFFFFF30];
	[tilespmem:s1+$0xB0] =	vst v17  }
0x303: {  	v17 =	vbroadcast v4, $0x1;
	v27 =	vld [tilespmem:s1+$0xFFFFFF70];
	[tilespmem:s1+$0xFFFFFFD0] =	vst v8;
	v24 =	vmul.f32 v25, v24  }
0x304: {  	v5 =	vmul.f32 v5, v14;
	v8 =	vmul.f32 v22, v14;
	[tilespmem:s1+$0xFFFFFFC0] =	vst v10;
	v10 =	vld [tilespmem:s1+$0xF0]  }
0x305: {  	v22 =	vmul.f32 v26, v21;
	v14 =	vld [tilespmem:s1+$0xFFFFFF80];
	[tilespmem:s1+$0xFFFFFFA0] =	vst v7;
	v15 =	vmul.f32 v15, v20  }
0x306: {  	v7 =	vld [tilespmem:s29+$0xFFFFFFA0];
	[tilespmem:s1+$0xFFFFFFF0] =	vst v5;
	v20 =	vmul.f32 v12, v20;
	v12 =	vmul.f32 v19, v21  }
0x307: {  	v5 =	vmul.f32 v18, v17;
	v17 =	vmul.f32 v9, v17;
	[tilespmem:s1+$0x60] =	vst v11  }
0x308: {  	v2 =	vmul.f32 v2, v13;
	v9 =	vmul.f32 v27, v13;
	[tilespmem:s1+$0xFFFFFFB0] =	vst v16  }
0x309: {  	v4 =	vbroadcast v4, $0x4;
	[tilespmem:s1+$0xFFFFFF20] =	vst v5;
	v5 =	vmul.f32 v10, v6  }
0x30a: {  	[tilespmem:s1+$0xFFFFFF60] =	vst v2  }
0x30b: {  	v6 =	vmul.f32 v14, v4;
	v2 =	vmul.f32 v3, v4;
	[tilespmem:s1+$0x40] =	vst v23  }
0x30c: {  	[tilespmem:s1+$0xFFFFFFE0] =	vst v8  }
0x30d: {  	[tilespmem:s1+$0xF0] =	vst v5  }
0x30e: {  	[tilespmem:s1+$0xFFFFFF90] =	vst v2  }
0x30f: {  	v5 =	vld [tilespmem:s29+$0xFFFFFFF0];
	[tilespmem:s1+$0xFFFFFF70] =	vst v9  }
0x310: {  	v2 =	vld [tilespmem:s29+$0xFFFFFF60];
	[tilespmem:s1+$0x20] =	vst v12  }
0x311: {  	v8 =	vld [tilespmem:s29+$0xFFFFFFD0];
	[tilespmem:s1+$0x30] =	vst v22  }
0x312: {  	v9 =	vld [tilespmem:s29+$0x80];
	[tilespmem:s1+$0xFFFFFF80] =	vst v6  }
0x313: {  	v12 =	vld [tilespmem:s29+$0xFFFFFF10];
	[tilespmem:s1+$0x50] =	vst v24  }
0x314: {  	v16 =	vld [tilespmem:s29+$0xE0];
	[tilespmem:s1+$0x0] =	vst v15  }
0x315: {  	v11 =	vld [tilespmem:s29+$0xFFFFFF40];
	[tilespmem:s1+$0xFFFFFF30] =	vst v17  }
0x316: {  	s30 =	sshra.s32 s30, $0x2;
	v3 =	vld [tilespmem:s29+$0xFFFFFF90];
	[tilespmem:s1+$0x10] =	vst v20;
	s1 =	smov.u32 s29  }
0x317: {  	v4 =	vld [tilespmem:s30+$0x9500]  }
0x318: {  	v10 =	vld [tilespmem:s29+$0xFFFFFFC0]  }
0x319: {  	v13 =	vld [tilespmem:s29+$0xFFFFFF00]  }
0x31a: {  	v14 =	vld [tilespmem:s29+$0xD0]  }
.Ltmp16:
0x31b: {  	v23 =	vld [tilespmem:s29+$0xC0];
	(pc) =	sbr.rel @p1 .LBB2_30-.Ltmp16, $4  }
0x31c: {  	v19 =	vbroadcast v4, $0x0;
	v21 =	vld [tilespmem:s29+$0x90];
	v6 =	vbroadcast v4, $0xF  }
0x31d: {  	v20 =	vbroadcast v4, $0x2;
	v18 =	vbroadcast v4, $0xE;
	v22 =	vld [tilespmem:s29+$0xFFFFFF50]  }
0x31e: {  	v25 =	vmul.f32 v19, v13;
	v13 =	vbroadcast v4, $0xD;
	v17 =	vld [tilespmem:s29+$0xB0]  }
0x31f: {  	v15 =	vbroadcast v4, $0xC;
	v24 =	vmul.f32 v11, v20;
	v11 =	vld [tilespmem:s29+$0x60]  }
0x320: {  	[tilespmem:s1+$0xFFFFFF00] =	vst v25;
	v16 =	vmul.f32 v16, v6  }
0x321: {  	v23 =	vmul.f32 v23, v18;
	[tilespmem:s1+$0xFFFFFF40] =	vst v24  }
0x322: {  	v12 =	vmul.f32 v12, v19;
	[tilespmem:s1+$0xE0] =	vst v16  }
0x323: {  	v34 =	vmul.f32 v14, v18;
	[tilespmem:s1+$0xC0] =	vst v23  }
0x324: {  	v32 =	vmul.f32 v21, v15;
	[tilespmem:s1+$0xFFFFFF10] =	vst v12  }
0x325: {  	v40 =	vbroadcast v4, $0x6;
	v9 =	vmul.f32 v9, v15;
	[tilespmem:s1+$0xD0] =	vst v34  }
0x326: {  	v20 =	vmul.f32 v22, v20;
	[tilespmem:s1+$0x90] =	vst v32  }
0x327: {  	v44 =	vbroadcast v4, $0x5;
	v8 =	vmul.f32 v8, v40;
	[tilespmem:s1+$0x80] =	vst v9  }
0x328: {  	v46 =	vbroadcast v4, $0x7;
	v10 =	vmul.f32 v10, v40;
	[tilespmem:s1+$0xFFFFFF50] =	vst v20  }
0x329: {  	v53 =	vbroadcast v4, $0x3;
	v7 =	vmul.f32 v7, v44;
	[tilespmem:s1+$0xFFFFFFD0] =	vst v8  }
0x32a: {  	v30 =	vld [tilespmem:s1+$0xA0];
	v58 =	vbroadcast v4, $0x4;
	v5 =	vmul.f32 v5, v46;
	[tilespmem:s1+$0xFFFFFFC0] =	vst v10  }
0x32b: {  	v31 =	vld [tilespmem:s1+$0x70];
	v2 =	vmul.f32 v2, v53;
	[tilespmem:s1+$0xFFFFFFA0] =	vst v7  }
0x32c: {  	v33 =	vld [tilespmem:s1+$0xFFFFFFB0];
	v36 =	vbroadcast v4, $0xB;
	v3 =	vmul.f32 v3, v58;
	[tilespmem:s1+$0xFFFFFFF0] =	vst v5  }
0x32d: {  	v35 =	vld [tilespmem:s1+$0xFFFFFF20];
	v42 =	vmul.f32 v17, v13;
	[tilespmem:s1+$0xFFFFFF60] =	vst v2  }
0x32e: {  	v39 =	vld [tilespmem:s1+$0x40];
	v11 =	vmul.f32 v11, v36;
	[tilespmem:s1+$0xFFFFFF90] =	vst v3  }
0x32f: {  	v37 =	vld [tilespmem:s1+$0xFFFFFFE0];
	v38 =	vmul.f32 v30, v13;
	[tilespmem:s1+$0xB0] =	vst v42  }
0x330: {  	v51 =	vbroadcast v4, $0x1;
	v54 =	vld [tilespmem:s1+$0xF0];
	v19 =	vmul.f32 v31, v36;
	[tilespmem:s1+$0x60] =	vst v11  }
0x331: {  	v48 =	vld [tilespmem:s1+$0xFFFFFF70];
	v55 =	vbroadcast v4, $0xA;
	v52 =	vmul.f32 v33, v44;
	[tilespmem:s1+$0xA0] =	vst v38  }
0x332: {  	v45 =	vld [tilespmem:s1+$0x30];
	v14 =	vmul.f32 v35, v51;
	[tilespmem:s1+$0x70] =	vst v19  }
0x333: {  	v49 =	vld [tilespmem:s1+$0xFFFFFF80];
	v57 =	vmul.f32 v39, v55;
	[tilespmem:s1+$0xFFFFFFB0] =	vst v52  }
0x334: {  	v43 =	vld [tilespmem:s1+$0x20];
	v9 =	vmul.f32 v37, v46;
	[tilespmem:s1+$0xFFFFFF20] =	vst v14  }
0x335: {  	v56 =	vld [tilespmem:s1+$0xFFFFFF30];
	v59 =	vbroadcast v4, $0x9;
	v2 =	vmul.f32 v54, v6;
	[tilespmem:s1+$0x40] =	vst v57  }
0x336: {  	v41 =	vld [tilespmem:s1+$0x50];
	v60 =	vmul.f32 v48, v53;
	[tilespmem:s1+$0xFFFFFFE0] =	vst v9  }
0x337: {  	v47 =	vld [tilespmem:s1+$0x0];
	v3 =	vmul.f32 v45, v59;
	[tilespmem:s1+$0xF0] =	vst v2  }
0x338: {  	v50 =	vld [tilespmem:s1+$0x10];
	v62 =	vmul.f32 v49, v58;
	[tilespmem:s1+$0xFFFFFF70] =	vst v60  }
0x339: {  	v2 =	vmul.f32 v43, v59;
	[tilespmem:s1+$0x30] =	vst v3  }
0x33a: {  	v61 =	vbroadcast v4, $0x8;
	v63 =	vmul.f32 v56, v51;
	[tilespmem:s1+$0xFFFFFF80] =	vst v62  }
0x33b: {  	p1 =	seq.s32 s9, $0x48;
	[tilespmem:s1+$0x20] =	vst v2;
	v2 =	vmul.f32 v41, v55  }
.Ltmp17:
0x33c: {  	v3 =	vmul.f32 v47, v61;
	[tilespmem:s1+$0xFFFFFF30] =	vst v63;
	(pc) =	sbr.rel @p1 .LBB2_35-.Ltmp17, $4  }
0x33d: {  	[tilespmem:s1+$0x50] =	vst v2;
	v2 =	vmul.f32 v50, v61  }
0x33e: {  	[tilespmem:s1+$0x0] =	vst v3  }
0x33f: {  	[tilespmem:s1+$0x10] =	vst v2  }
0x340: {  	[spmem:s3] =	stream.indirect.scatter.add.f32 [tilespmem:s11], [sflag:$0x8], $0x20, s0, s20, $0xb8;
	[tilespmem:$0x1BB00] =	vst v63  }
0x341: {  	s1 =	sadd.s32 $0x3, s19;
	s24 =	simm.s32 $0x7  }
0x342: {  	_ =	swait.ge [sflag:s24], $0x6000;
	p2 =	sne.s32 @!p0 s1, $0xDA  }
0x343: {  	[sflag:s24] =	ssyncset.done $0x0;
	p2 =	por p0, p2  }
0x344: {  	[sflag:s24] =	ssyncadd.s32 $0xFFFFA000;
	s1 =	simm.s32 @!p2 $0x8000  }
0x345: {  	[tilespmem:s1], [sflag:$0x1] =	stream.linear.gather @!p2 [hbm4b:s7+s4], $0x300, $0x38;
	[tilespmem:$0x1BB00] =	vst v63  }
0x346: {  	s1 =	simm.s32 @!p2 $0x8900  }
0x347: {  	[tilespmem:s1], [sflag:$0x1] =	stream.linear.gather @!p2 [hbm4b:s8+s4], $0x300, $0x38;
	[tilespmem:$0x1BB00] =	vst v63  }
0x348: {  	s1 =	smov.u32 @!p2 s10  }
0x349: {  	s1 =	smul.u32 @p2 $0x300, s1;
	_ =	sdelay $0x1  }
0x34a: {  	s1 =	smin.u32 @p2 s1, $0x28C60  }
0x34b: {  	s1 =	sadd.s32 @p2 s12, s1  }
0x34c: {  	s1 =	sshrl.u32 @p2 s1, $0x3  }
0x34d: {  	s29 =	simm.s32 @p2 $0x8000;
	s24 =	sadd.s32 @p2 s5, s1  }
0x34e: {  	[tilespmem:s29], [sflag:$0x1] =	stream.linear.gather @p2 [hbm4b:s24+s4], $0x300, $0x38;
	[tilespmem:$0x1BB00] =	vst v63  }
0x34f: {  	s24 =	sadd.s32 @p2 s6, s1;
	s29 =	simm.s32 @p2 $0x8900  }
0x350: {  	[tilespmem:s29], [sflag:$0x1] =	stream.linear.gather @p2 [hbm4b:s24+s4], $0x300, $0x38;
	[tilespmem:$0x1BB00] =	vst v63  }
0x351: {  	s24 =	rddreg @p2 [dreg:$0x2]  }
0x352: {  	s30 =	simm.s32 $0x9200;
	s1 =	sadd.s32 @p2 s24, s1;
	s24 =	simm.s32 $0x0  }
0x353: {  	[tilespmem:s30], [sflag:$0x1] =	stream.linear.gather [hbm4b:s1+s24], $0x300, $0x38;
	[tilespmem:$0x1BB00] =	vst v63  }
0x354: {  	_ =	swait.ge [sflag:s14], $0x300  }
0x355: {  	[sflag:s14] =	ssyncset.done $0x0  }
0x356: {  	[sflag:s14] =	ssyncadd.s32 $0xFFFFFD00  }
0x357: {  	_ =	swait.ge [sflag:s14], $0x300  }
0x358: {  	[sflag:s14] =	ssyncset.done $0x0  }
0x359: {  	[sflag:s14] =	ssyncadd.s32 $0xFFFFFD00  }
0x35a: {  	_ =	swait.ge [sflag:s14], $0x300  }
0x35b: {  	[sflag:s14] =	ssyncset.done $0x0  }
0x35c: {  	s1 =	simm.s32 $0x0;
	[sflag:s14] =	ssyncadd.s32 $0xFFFFFD00  }
0x35d: {  	v4 =	vld [tilespmem:s1+$0x8000]  }
0x35e: {  	v3 =	vld [tilespmem:s1+$0x8010]  }
0x35f: {  	s24 =	simm.s32 $0x100;
	v2 =	vld [tilespmem:s1+$0x8020]  }
.LBB2_33:
0x360: {  	p2 =	sne.s32 s24, $0xB00;
	v5 =	vld [tilespmem:s1+$0x8030];
	_ =	sdelay $0x1  }
.Ltmp18:
0x361: {  	v4 =	vadd.s32 v0, v4;
	(pc) =	sbr.rel @p2 .LBB2_33-.Ltmp18, $4  }
0x362: {  	s29 =	sshra.s32 s24, $0x2;
	[tilespmem:s1+$0x8000] =	vst v4;
	v3 =	vadd.s32 v0, v3  }
0x363: {  	v4 =	vld [tilespmem:s29+$0x8000];
	[tilespmem:s1+$0x8010] =	vst v3;
	v2 =	vadd.s32 v0, v2  }
0x364: {  	v3 =	vld [tilespmem:s29+$0x8010];
	[tilespmem:s1+$0x8020] =	vst v2;
	v5 =	vadd.s32 v0, v5  }
0x365: {  	s24 =	sadd.s32 $0x100, s24;
	v2 =	vld [tilespmem:s29+$0x8020];
	[tilespmem:s1+$0x8030] =	vst v5;
	s1 =	smov.u32 s29  }
0x366: {  	v5 =	vld [tilespmem:s1+$0x8030];
	_ =	sdelay $0x1  }
0x367: {  	v4 =	vadd.s32 v0, v4  }
0x368: {  	[tilespmem:s1+$0x8000] =	vst v4;
	v3 =	vadd.s32 v0, v3  }
0x369: {  	[tilespmem:s1+$0x8010] =	vst v3;
	v2 =	vadd.s32 v0, v2  }
0x36a: {  	[tilespmem:s1+$0x8020] =	vst v2;
	v2 =	vadd.s32 v0, v5  }
0x36b: {  	s30 =	simm.s32 $0x8000;
	s24 =	simm.s32 $0x9B00;
	[tilespmem:s1+$0x8030] =	vst v2  }
0x36c: {  	[tilespmem:s24], [sflag:$0x4] =	stream.indirect.gather [hbm4b:s13+s20], $0x20, s30, s20, $0xb8;
	[tilespmem:$0x1BB00] =	vst v63  }
.LBB2_35:
0x36d: {  	_ =	swait.ge [sflag:s26], $0x6000  }
0x36e: {  	[sflag:s26] =	ssyncset.done $0x0  }
0x36f: {  	s1 =	simm.s32 $0x15C00;
	[sflag:s26] =	ssyncadd.s32 $0xFFFFA000  }
0x370: {  	v7 =	vld [tilespmem:s1+$0xF0]  }
0x371: {  	v8 =	vld [tilespmem:s1+$0xFFFFFFF0]  }
0x372: {  	v2 =	vld [tilespmem:s1+$0x0]  }
0x373: {  	v3 =	vld [tilespmem:s1+$0xFFFFFF30]  }
0x374: {  	v4 =	vld [tilespmem:s1+$0xFFFFFFE0]  }
0x375: {  	v5 =	vld [tilespmem:s1+$0xFFFFFF80]  }
0x376: {  	v6 =	vld [tilespmem:s1+$0xFFFFFFA0]  }
0x377: {  	s29 =	simm.s32 $0x9800;
	v9 =	vld [tilespmem:s1+$0xFFFFFFC0]  }
0x378: {  	v11 =	vld [tilespmem:s29+$0x0]  }
0x379: {  	p2 =	seq.s32 s28, $0xDA;
	s24 =	smov.u32 s21;
	v17 =	vld [tilespmem:s1+$0x90]  }
0x37a: {  	s28 =	simm.s32 $0x0;
	s24 =	simm.s32 @!p2 $0x0;
	v20 =	vld [tilespmem:s1+$0xE0]  }
0x37b: {  	v12 =	vor.u32 s28, v1;
	v10 =	vmov s24;
	v13 =	vld [tilespmem:s1+$0xFFFFFF00]  }
0x37c: {  	vm0 =	vlt.u32 v12, v10;
	v26 =	vld [tilespmem:s1+$0xFFFFFF40]  }
0x37d: {  	v24 =	vld [tilespmem:s1+$0xC0];
	v12 =	vsel vm0, $0x0, v11  }
0x37e: {  	v19 =	vld [tilespmem:s1+$0xFFFFFF10];
	v18 =	vbroadcast v12, $0x0;
	v15 =	vbroadcast v12, $0xF  }
0x37f: {  	v22 =	vld [tilespmem:s1+$0xFFFFFF50];
	v21 =	vbroadcast v12, $0x2;
	v14 =	vbroadcast v12, $0xE  }
0x380: {  	v23 =	vld [tilespmem:s1+$0xB0];
	v16 =	vbroadcast v12, $0xD;
	v25 =	vmul.f32 v18, v13  }
0x381: {  	s28 =	simm.s32 $0x10;
	s24 =	simm.s32 $0x15C00;
	v11 =	vbroadcast v12, $0xC;
	v26 =	vmul.f32 v26, v21;
	v13 =	vld [tilespmem:s1+$0x40]  }
.LBB2_36:
0x382: {  	p2 =	sne.s32 s28, $0x2F0;
	[tilespmem:s1+$0xFFFFFF00] =	vst v25;
	v25 =	vld [tilespmem:s1+$0xFFFFFF60];
	v24 =	vmul.f32 v24, v14;
	v20 =	vmul.f32 v20, v15;
	s29 =	sadd.s32 $0x10, s29;
	s24 =	sadd.s32 $0x200, s24  }
0x383: {  	s30 =	smov.u32 s28;
	s28 =	sadd.s32 $0x10, s28;
	[tilespmem:s1+$0xFFFFFF40] =	vst v26;
	v26 =	vbroadcast v12, $0xA;
	v17 =	vmul.f32 v17, v11;
	v27 =	vld [tilespmem:s1+$0xA0]  }
0x384: {  	v18 =	vmul.f32 v19, v18;
	v19 =	vmul.f32 v22, v21;
	v21 =	vld [tilespmem:s1+$0x70];
	[tilespmem:s1+$0xE0] =	vst v20  }
0x385: {  	v22 =	vbroadcast v12, $0x7;
	v20 =	vld [tilespmem:s1+$0xFFFFFF70];
	[tilespmem:s1+$0x90] =	vst v17;
	v17 =	vmul.f32 v23, v16  }
0x386: {  	v28 =	vbroadcast v12, $0xB;
	v23 =	vbroadcast v12, $0x1;
	[tilespmem:s1+$0xC0] =	vst v24;
	v24 =	vld [tilespmem:s1+$0xD0]  }
0x387: {  	v29 =	vbroadcast v12, $0x3;
	v7 =	vmul.f32 v7, v15;
	v30 =	vld [tilespmem:s1+$0x20];
	[tilespmem:s1+$0xB0] =	vst v17  }
0x388: {  	v15 =	vbroadcast v12, $0x9;
	[tilespmem:s1+$0xFFFFFF50] =	vst v19;
	v17 =	vld [tilespmem:s1+$0x60];
	v16 =	vmul.f32 v27, v16  }
0x389: {  	[tilespmem:s1+$0xFFFFFF10] =	vst v18;
	v18 =	vbroadcast v12, $0x6;
	v19 =	vld [tilespmem:s1+$0x30];
	v21 =	vmul.f32 v21, v28  }
0x38a: {  	v27 =	vbroadcast v12, $0x8;
	v20 =	vmul.f32 v20, v29;
	v31 =	vld [tilespmem:s1+$0x80];
	[tilespmem:s1+$0xA0] =	vst v16  }
0x38b: {  	v16 =	vbroadcast v12, $0x4;
	v32 =	vld [tilespmem:s1+$0x50];
	[tilespmem:s1+$0x70] =	vst v21;
	v14 =	vmul.f32 v24, v14  }
0x38c: {  	v12 =	vbroadcast v12, $0x5;
	v21 =	vmul.f32 v25, v29;
	[tilespmem:s1+$0xFFFFFF70] =	vst v20;
	v20 =	vld [tilespmem:s1+$0xFFFFFFD0]  }
0x38d: {  	v25 =	vmul.f32 v30, v15;
	v24 =	vld [tilespmem:s1+$0xFFFFFFB0];
	v17 =	vmul.f32 v17, v28;
	[tilespmem:s1+$0xD0] =	vst v14  }
0x38e: {  	v8 =	vmul.f32 v8, v22;
	[tilespmem:s1+$0xFFFFFF60] =	vst v21;
	v14 =	vld [tilespmem:s1+$0xFFFFFF90];
	v15 =	vmul.f32 v19, v15  }
0x38f: {  	v13 =	vmul.f32 v13, v26;
	v19 =	vld [tilespmem:s1+$0xFFFFFF20];
	v11 =	vmul.f32 v31, v11;
	[tilespmem:s1+$0xF0] =	vst v7  }
0x390: {  	v9 =	vmul.f32 v9, v18;
	v7 =	vld [tilespmem:s24+$0xF0];
	[tilespmem:s1+$0xFFFFFFF0] =	vst v8;
	v21 =	vmul.f32 v32, v26  }
0x391: {  	v6 =	vmul.f32 v6, v12;
	v18 =	vmul.f32 v20, v18;
	v8 =	vld [tilespmem:s1+$0x10];
	[tilespmem:s1+$0x40] =	vst v13  }
0x392: {  	v5 =	vmul.f32 v5, v16;
	v12 =	vmul.f32 v24, v12;
	[tilespmem:s1+$0xFFFFFFC0] =	vst v9  }
0x393: {  	v4 =	vmul.f32 v4, v22;
	v9 =	vmul.f32 v14, v16;
	[tilespmem:s1+$0xFFFFFFA0] =	vst v6  }
0x394: {  	v3 =	vmul.f32 v3, v23;
	v6 =	vmul.f32 v19, v23;
	[tilespmem:s1+$0xFFFFFF80] =	vst v5  }
0x395: {  	v2 =	vmul.f32 v2, v27;
	[tilespmem:s1+$0xFFFFFFE0] =	vst v4  }
0x396: {  	[tilespmem:s1+$0xFFFFFF30] =	vst v3;
	v3 =	vmul.f32 v8, v27  }
0x397: {  	[tilespmem:s1+$0x0] =	vst v2  }
0x398: {  	[tilespmem:s1+$0x20] =	vst v25  }
0x399: {  	[tilespmem:s1+$0x10] =	vst v3  }
0x39a: {  	[tilespmem:s1+$0xFFFFFF20] =	vst v6  }
0x39b: {  	v8 =	vld [tilespmem:s24+$0xFFFFFFF0];
	[tilespmem:s1+$0xFFFFFF90] =	vst v9  }
0x39c: {  	v2 =	vld [tilespmem:s24+$0x0];
	[tilespmem:s1+$0xFFFFFFB0] =	vst v12  }
0x39d: {  	v3 =	vld [tilespmem:s24+$0xFFFFFF30];
	[tilespmem:s1+$0xFFFFFFD0] =	vst v18  }
0x39e: {  	v4 =	vld [tilespmem:s24+$0xFFFFFFE0];
	[tilespmem:s1+$0x50] =	vst v21  }
0x39f: {  	v5 =	vld [tilespmem:s24+$0xFFFFFF80];
	[tilespmem:s1+$0x30] =	vst v15  }
0x3a0: {  	v6 =	vld [tilespmem:s24+$0xFFFFFFA0];
	[tilespmem:s1+$0x80] =	vst v11  }
0x3a1: {  	v9 =	vld [tilespmem:s24+$0xFFFFFFC0];
	[tilespmem:s1+$0x60] =	vst v17;
	s1 =	smov.u32 s24  }
0x3a2: {  	v11 =	vld [tilespmem:s29+$0x0]  }
0x3a3: {  	v17 =	vld [tilespmem:s24+$0x90]  }
0x3a4: {  	v20 =	vld [tilespmem:s24+$0xE0]  }
0x3a5: {  	v12 =	vor.u32 s30, v1;
	v13 =	vld [tilespmem:s24+$0xFFFFFF00]  }
0x3a6: {  	vm0 =	vlt.u32 v12, v10;
	v26 =	vld [tilespmem:s24+$0xFFFFFF40]  }
.Ltmp19:
0x3a7: {  	v12 =	vsel vm0, $0x0, v11;
	v24 =	vld [tilespmem:s24+$0xC0];
	(pc) =	sbr.rel @p2 .LBB2_36-.Ltmp19, $4  }
0x3a8: {  	v18 =	vbroadcast v12, $0x0;
	v19 =	vld [tilespmem:s24+$0xFFFFFF10];
	v15 =	vbroadcast v12, $0xF  }
0x3a9: {  	v21 =	vbroadcast v12, $0x2;
	v14 =	vbroadcast v12, $0xE;
	v22 =	vld [tilespmem:s24+$0xFFFFFF50]  }
0x3aa: {  	v16 =	vbroadcast v12, $0xD;
	v25 =	vmul.f32 v18, v13;
	v23 =	vld [tilespmem:s24+$0xB0]  }
0x3ab: {  	v11 =	vbroadcast v12, $0xC;
	v26 =	vmul.f32 v26, v21;
	v13 =	vld [tilespmem:s24+$0x40]  }
0x3ac: {  	v20 =	vmul.f32 v20, v15;
	[tilespmem:s1+$0xFFFFFF00] =	vst v25  }
0x3ad: {  	v24 =	vmul.f32 v24, v14;
	[tilespmem:s1+$0xFFFFFF40] =	vst v26  }
0x3ae: {  	v7 =	vmul.f32 v7, v15;
	[tilespmem:s1+$0xE0] =	vst v20  }
0x3af: {  	v17 =	vmul.f32 v17, v11;
	[tilespmem:s1+$0xC0] =	vst v24  }
0x3b0: {  	v43 =	vbroadcast v12, $0x7;
	v18 =	vmul.f32 v19, v18;
	[tilespmem:s1+$0xF0] =	vst v7  }
0x3b1: {  	v48 =	vbroadcast v12, $0x6;
	v21 =	vmul.f32 v22, v21;
	[tilespmem:s1+$0x90] =	vst v17  }
0x3b2: {  	v50 =	vbroadcast v12, $0x5;
	v8 =	vmul.f32 v8, v43;
	[tilespmem:s1+$0xFFFFFF10] =	vst v18  }
0x3b3: {  	v52 =	vbroadcast v12, $0x4;
	v53 =	vmul.f32 v9, v48;
	[tilespmem:s1+$0xFFFFFF50] =	vst v21  }
0x3b4: {  	v6 =	vmul.f32 v6, v50;
	[tilespmem:s1+$0xFFFFFFF0] =	vst v8  }
0x3b5: {  	v56 =	vbroadcast v12, $0x1;
	v5 =	vmul.f32 v5, v52;
	[tilespmem:s1+$0xFFFFFFC0] =	vst v53  }
0x3b6: {  	v32 =	vld [tilespmem:s1+$0xA0];
	v57 =	vbroadcast v12, $0x8;
	v4 =	vmul.f32 v4, v43;
	[tilespmem:s1+$0xFFFFFFA0] =	vst v6  }
0x3b7: {  	v27 =	vld [tilespmem:s1+$0x70];
	v3 =	vmul.f32 v3, v56;
	[tilespmem:s1+$0xFFFFFF80] =	vst v5  }
0x3b8: {  	v33 =	vld [tilespmem:s1+$0xFFFFFF70];
	v46 =	vbroadcast v12, $0xA;
	v2 =	vmul.f32 v2, v57;
	[tilespmem:s1+$0xFFFFFFE0] =	vst v4  }
0x3b9: {  	v35 =	vld [tilespmem:s1+$0xD0];
	v34 =	vmul.f32 v23, v16;
	[tilespmem:s1+$0xFFFFFF30] =	vst v3  }
0x3ba: {  	v10 =	vld [tilespmem:s1+$0xFFFFFF60];
	v36 =	vbroadcast v12, $0xB;
	v13 =	vmul.f32 v13, v46;
	[tilespmem:s1+$0x0] =	vst v2  }
0x3bb: {  	v37 =	vbroadcast v12, $0x3;
	v45 =	vld [tilespmem:s1+$0x20];
	[tilespmem:s1+$0xB0] =	vst v34;
	v39 =	vmul.f32 v32, v16  }
0x3bc: {  	v54 =	vld [tilespmem:s1+$0x10];
	v40 =	vmul.f32 v27, v36;
	[tilespmem:s1+$0x40] =	vst v13  }
0x3bd: {  	v58 =	vld [tilespmem:s1+$0xFFFFFF20];
	v17 =	vmul.f32 v33, v37;
	[tilespmem:s1+$0xA0] =	vst v39  }
0x3be: {  	v55 =	vld [tilespmem:s1+$0xFFFFFF90];
	v59 =	vbroadcast v12, $0x9;
	v44 =	vmul.f32 v35, v14;
	[tilespmem:s1+$0x70] =	vst v40  }
0x3bf: {  	v42 =	vld [tilespmem:s1+$0x50];
	v10 =	vmul.f32 v10, v37;
	[tilespmem:s1+$0xFFFFFF70] =	vst v17  }
0x3c0: {  	v38 =	vld [tilespmem:s1+$0x60];
	v60 =	vmul.f32 v45, v59;
	[tilespmem:s1+$0xD0] =	vst v44  }
0x3c1: {  	v51 =	vld [tilespmem:s1+$0xFFFFFFB0];
	v3 =	vmul.f32 v54, v57;
	[tilespmem:s1+$0xFFFFFF60] =	vst v10  }
0x3c2: {  	v49 =	vld [tilespmem:s1+$0xFFFFFFD0];
	v2 =	vmul.f32 v58, v56;
	[tilespmem:s1+$0x20] =	vst v60  }
0x3c3: {  	v47 =	vld [tilespmem:s1+$0x30];
	v61 =	vmul.f32 v55, v52;
	[tilespmem:s1+$0x10] =	vst v3  }
0x3c4: {  	v41 =	vld [tilespmem:s1+$0x80];
	v62 =	vmul.f32 v42, v46;
	[tilespmem:s1+$0xFFFFFF20] =	vst v2  }
0x3c5: {  	v63 =	vmul.f32 v38, v36;
	[tilespmem:s1+$0xFFFFFF90] =	vst v61  }
0x3c6: {  	v3 =	vmul.f32 v51, v50;
	[tilespmem:s1+$0x50] =	vst v62  }
0x3c7: {  	v2 =	vmul.f32 v49, v48;
	[tilespmem:s1+$0x60] =	vst v63  }
.Ltmp20:
0x3c8: {  	[tilespmem:s1+$0xFFFFFFB0] =	vst v3;
	v3 =	vmul.f32 v47, v59;
	(pc) =	sbr.rel @p1 .LBB2_39-.Ltmp20, $4  }
0x3c9: {  	[tilespmem:s1+$0xFFFFFFD0] =	vst v2;
	v2 =	vmul.f32 v41, v11  }
0x3ca: {  	[tilespmem:s1+$0x30] =	vst v3  }
0x3cb: {  	[tilespmem:s1+$0x80] =	vst v2  }
0x3cc: {  	[spmem:s3] =	stream.indirect.scatter.add.f32 [tilespmem:s23], [sflag:$0x9], $0x20, s18, s20, $0xb8;
	[tilespmem:$0x1BB00] =	vst v63  }
0x3cd: {  	s1 =	sadd.s32 $0x4, s19;
	_ =	swait.ge [sflag:s2], $0x6000  }
0x3ce: {  	p1 =	sne.s32 @!p0 s1, $0xDA;
	[sflag:s2] =	ssyncset.done $0x0  }
0x3cf: {  	p1 =	por p0, p1;
	[sflag:s2] =	ssyncadd.s32 $0xFFFFA000  }
0x3d0: {  	[tilespmem:s31], [sflag:$0x2] =	stream.linear.gather @!p1 [hbm4b:s7+s4], $0x300, $0x38;
	[tilespmem:$0x1BB00] =	vst v63  }
0x3d1: {  	s1 =	smov.u32 @!p1 s10  }
0x3d2: {  	s1 =	smul.u32 @p1 $0x300, s1  }
0x3d3: {  	[tilespmem:s0], [sflag:$0x2] =	stream.linear.gather @!p1 [hbm4b:s8+s4], $0x300, $0x38;
	[tilespmem:$0x1BB00] =	vst v63  }
0x3d4: {  	s1 =	smin.u32 @p1 s1, $0x28C60  }
0x3d5: {  	s1 =	sadd.s32 @p1 s12, s1  }
0x3d6: {  	s1 =	sshrl.u32 @p1 s1, $0x3  }
0x3d7: {  	s19 =	sadd.s32 @p1 s5, s1  }
0x3d8: {  	[tilespmem:s31], [sflag:$0x2] =	stream.linear.gather @p1 [hbm4b:s19+s4], $0x300, $0x38;
	[tilespmem:$0x1BB00] =	vst v63  }
.Ltmp21:
0x3d9: {  	s19 =	sadd.s32 @p1 s6, s1;
	(pc) =	sbr.rel .LBB2_23-.Ltmp21, $4  }
0x3da: {  	[tilespmem:s0], [sflag:$0x2] =	stream.linear.gather @p1 [hbm4b:s19+s4], $0x300, $0x38;
	[tilespmem:$0x1BB00] =	vst v63  }
0x3db: {  	s19 =	rddreg @p1 [dreg:$0x2]  }
0x3dc: {  	s30 =	simm.s32 $0x9500;
	s9 =	sadd.s32 $0x1, s9;
	s1 =	sadd.s32 @p1 s19, s1  }
0x3dd: {  	[tilespmem:s30], [sflag:$0x2] =	stream.linear.gather [hbm4b:s1+s4], $0x300, $0x38;
	[tilespmem:$0x1BB00] =	vst v63  }
.LBB2_40:
0x3de: {  	_ =	sfence.sel $0x180000  }
0x3df: {  	[bflag:$0x0] =	sbarrier.arrive $0xFFFF  }
0x3e0: {  	_ =	strace $0x90000047  }
0x3e1: {  	s0 =	stileid.u32;
	[bflag:$0x2] =	sbarrier.arrive $0xFFFF  }
0x3e2: {  	p0 =	sne.s32 s0, $0x0;
	s0 =	rddreg [dreg:$0x4]  }
0x3e3: {  	s0 =	sadd.s32 @!p0 $0x100000, s0  }
0x3e4: {  	[sflag:s0] =	ssyncadd.tile.s32 @!p0 $0x1;
	_ =	shalt  }
.Lfunc_end2:
_tile_overlayer_lowered:
.L_overlay_start_2:
0x3e5: {  	(tag) =	ssettag $0x2  }
0x3e6: {  	s0 =	rddreg [dreg:$0x0];
	s2 =	stileid.u32  }
0x3e7: {  	s1 =	rddreg [dreg:$0x1];
	p0 =	sne.s32 s2, $0x0  }
0x3e8: {  	s3 =	rddreg [dreg:$0x2];
	[bflag:$0x3] =	sbarrier.arrive $0xFFFF;
	s2 =	simm.s32 @!p0 $0x1C0A  }
0x3e9: {  	[timem:s3], [sflag:s2] =	dma.local @!p0 [hbm:s0], s1  }
0x3ea: {  	s0 =	simm.s32 @!p0 $0xA  }
0x3eb: {  	_ =	swait.ge @!p0 [sflag:s0], s1  }
0x3ec: {  	s1 =	ssub.s32 @!p0 $0x0, s1;
	[sflag:s0] =	ssyncset.done @!p0 $0x0  }
0x3ed: {  	[sflag:s0] =	ssyncadd.s32 @!p0 s1  }
0x3ee: {  	[bflag:$0x3] =	sbarrier.arrive $0xFFFF  }
0x3ef: {  	_ =	shalt  }

</sc_bundles>
